<compile_context>
chip_gen: v7x
topology: tpu7x:2x2x1
jax: 0.10.2.dev20260603
libtpu: 0.0.44.dev20260713+nightly
codegen_flags: <defaults>
</compile_context>

<pallas_src>
import jax
import jax.numpy as jnp
from jax import lax
from jax.experimental import pallas as pl
from jax.experimental.pallas import tpu as pltpu, tpu_sc as plsc

N = 4096
B = 4
TOTAL = N * (N - 1) // 2
NT = TOTAL // 128
NW = 32
SPAN_T = 2048
CHUNK_T = 64
CHUNK = CHUNK_T * 128
TAIL_T = 48
NCHUNK = SPAN_T // CHUNK_T
NFULL = NT // CHUNK_T
K_BAL = 1200


def _row_of_py(p):
    lo, hi = 0, N - 1
    for _ in range(12):
        mid = (lo + hi) >> 1
        if (mid * ((2 * N - 1) - mid)) >> 1 <= p:
            lo = mid
        else:
            hi = mid
    return lo


def _balanced_bounds():
    cost = [c * CHUNK + K_BAL * _row_of_py(c * CHUNK) for c in range(NFULL + 1)]
    total = cost[NFULL]
    bounds = [0]
    for w in range(1, NW):
        target = total * w / NW
        c = next(i for i in range(NFULL + 1) if cost[i] >= target)
        c = max(c, bounds[-1] + 2)
        c = min(c, NFULL - 2 * (NW - w))
        bounds.append(c)
    bounds.append(NFULL)
    return bounds


BOUNDS = _balanced_bounds()


def _off(i):
    return (i * ((2 * N - 1) - i)) >> 1


def _row_of(p):
    lo = jnp.int32(0)
    hi = jnp.int32(N - 1)
    for _ in range(12):
        mid = (lo + hi) >> 1
        le = _off(mid) <= p
        lo = jnp.where(le, mid, lo)
        hi = jnp.where(le, hi, mid)
    return lo


def _body(in_hbm, out_hbm, in_v, buf_v, dma_sem):
    wid = lax.axis_index("c") * 16 + lax.axis_index("s")
    pltpu.sync_copy(in_hbm, in_v.at[pl.ds(0, B * N)])
    lane = lax.iota(jnp.int32, 16)

    def scatter_part(slot, b, dpos0, ln, src0, ai):
        dposv = dpos0 + lane
        mask = lane < ln
        sv = jnp.full((16,), slot, jnp.int32)
        tv = dposv >> 7
        cv = dposv & 127
        bv = jnp.full((16,), b, jnp.int32)
        val = in_v[pl.ds(src0, 16)] - ai
        plsc.store_scatter(buf_v, [sv, tv, bv, cv], val, mask=mask)

    def fill(slot, p0, ntiles):
        p1 = p0 + ntiles * 128
        i0 = _row_of(p0)

        def row_cond(st):
            _i, off_i = st
            return off_i < p1

        def row_body(st):
            i, off_i = st
            off_next = off_i + (N - 1 - i)
            seg_start = jnp.maximum(off_i, p0)
            seg_end = jnp.minimum(off_next, p1)
            d0 = seg_start - p0
            dend = seg_end - p0
            ja = i + 1 + (seg_start - off_i)
            dh = jnp.minimum((d0 + 15) & ~15, dend)
            df = dh + ((dend - dh) & ~15)
            dt0 = jnp.minimum((dh + 127) & ~127, df)
            dt1 = dt0 + ((df - dt0) & ~127)
            npre = (dt0 - dh) >> 4
            ntile = (dt1 - dt0) >> 7
            npost = (df - dt1) >> 4
            ais = [in_v[pl.ds(b * N + i, 16)][0] for b in range(B)]
            srcs = [b * N + ja - d0 for b in range(B)]

            for b in range(B):
                scatter_part(slot, b, d0, dh - d0, srcs[b] + d0, ais[b])

            @plsc.parallel_loop(0, npre)
            def pre_body(k):
                d = dh + k * 16
                t = d >> 7
                c = d & 127
                for b in range(B):
                    buf_v[slot, t, b, pl.ds(c, 16)] = (
                        in_v[pl.ds(srcs[b] + d, 16)] - ais[b])

            t_base = dt0 >> 7

            @plsc.parallel_loop(0, ntile, unroll=2)
            def tile_body(k):
                t = t_base + k
                d = dt0 + k * 128
                for b in range(B):
                    sb = srcs[b] + d
                    for u in range(8):
                        buf_v[slot, t, b, pl.ds(u * 16, 16)] = (
                            in_v[pl.ds(sb + u * 16, 16)] - ais[b])

            @plsc.parallel_loop(0, npost)
            def post_body(k):
                d = dt1 + k * 16
                t = d >> 7
                c = d & 127
                for b in range(B):
                    buf_v[slot, t, b, pl.ds(c, 16)] = (
                        in_v[pl.ds(srcs[b] + d, 16)] - ais[b])

            for b in range(B):
                scatter_part(slot, b, df, dend - df, srcs[b] + df, ais[b])
            return i + 1, off_next

        lax.while_loop(row_cond, row_body, (i0, _off(i0)))

    def wait_drain(ntiles):
        pltpu.make_async_copy(
            buf_v.at[0, pl.ds(0, ntiles)],
            out_hbm.at[pl.ds(0, ntiles)],
            dma_sem,
        ).wait()

    c_begin = jnp.int32(BOUNDS[0])
    nchunk = jnp.int32(BOUNDS[1] - BOUNDS[0])
    for w in range(1, NW):
        c_begin = jnp.where(wid == w, BOUNDS[w], c_begin)
        nchunk = jnp.where(wid == w, BOUNDS[w + 1] - BOUNDS[w], nchunk)

    def chunk_body(m, _):
        t0 = (c_begin + m) * CHUNK_T
        p0 = t0 * 128
        slot = m & 1

        @pl.when(m >= 2)
        def _w():
            wait_drain(CHUNK_T)

        fill(slot, p0, CHUNK_T)
        pltpu.async_copy(
            buf_v.at[slot], out_hbm.at[pl.ds(t0, CHUNK_T)], dma_sem)
        return 0

    lax.fori_loop(0, nchunk, chunk_body, 0)

    @pl.when(wid == NW - 1)
    def _tail():
        wait_drain(CHUNK_T)
        slot = nchunk & 1
        t0 = NFULL * CHUNK_T
        fill(slot, t0 * 128, TAIL_T)
        pltpu.async_copy(
            buf_v.at[slot, pl.ds(0, TAIL_T)],
            out_hbm.at[pl.ds(t0, TAIL_T)],
            dma_sem,
        )

    wait_drain(CHUNK_T)

    @pl.when(wid < NW - 1)
    def _dfull():
        wait_drain(CHUNK_T)

    @pl.when(wid == NW - 1)
    def _dtail():
        wait_drain(TAIL_T)


@jax.jit
def kernel(inputs):
    mesh = plsc.VectorSubcoreMesh(core_axis_name="c", subcore_axis_name="s")
    f = pl.kernel(
        _body,
        out_type=jax.ShapeDtypeStruct((NT, B, 128), jnp.float32),
        mesh=mesh,
        compiler_params=pltpu.CompilerParams(needs_layout_passes=False),
        scratch_types=[
            pltpu.VMEM((B * N + 16,), jnp.float32),
            pltpu.VMEM((2, CHUNK_T, B, 128), jnp.float32),
            pltpu.SemaphoreType.DMA,
        ],
    )
    out3 = f(inputs.reshape(B * N))
    return out3.transpose(1, 0, 2).reshape(B, TOTAL)

# --- scband reference (transcript-rebuilt; emitter-appended) ---
"""Pipeline reference for scband-relative-position-2714419331682 (READ-ONLY COPY).

The authoritative reference and input builder live on the scoring server;
editing this copy changes nothing except your own understanding.
"""

import jax, jax.numpy as jnp
import numpy as np


def setup_inputs(seed: int = 0) -> dict:
    key = jax.random.key(seed)
    inputs = jax.random.normal(key, (4, 4096), dtype=jnp.float32)
    return {"inputs": inputs}


def reference(inputs):
    # Faithful translation of RelativePosition.call:
    # for each batch row a, tf.meshgrid(a, a) gives X[i,j]=a[j], Y[i,j]=a[i];
    # X - Y = a[j] - a[i]; boolean_mask with (col > row) keeps strict upper
    # triangle in row-major order, which matches jnp.triu_indices(n, k=1).
    n = inputs.shape[1]
    i_idx, j_idx = jnp.triu_indices(n, k=1)
    out = jnp.take(inputs, j_idx, axis=1) - jnp.take(inputs, i_idx, axis=1)
    return out

if __name__ == "__main__":
    import jax
    _d = setup_inputs()
    print(jax.jit(kernel)(*tuple(_d.values())))

</pallas_src>

<mosaic_0001>
#map = affine_map<(d0, d1) -> (0)>
#map1 = affine_map<(d0, d1) -> (0, 0, 0)>
module attributes {stable_mosaic.version = 14 : i64} {
  func.func @_body(%arg0: i32, %arg1: i32, %arg2: memref<16384xf32, #tpu.memory_space<hbm>>, %arg3: memref<65520x4x128xf32, #tpu.memory_space<hbm>>, %arg4: memref<16400xf32, #tpu.memory_space<vmem>>, %arg5: memref<2x64x4x128xf32, #tpu.memory_space<vmem>>, %arg6: memref<!tpu.dma_semaphore, #tpu.memory_space<semaphore_mem>>) attributes {dimension_semantics = [#tpu.dimension_semantics<core_parallel>, #tpu.dimension_semantics<subcore_parallel>], iteration_bounds = array<i64: 2, 16>, scalar_prefetch = 0 : i64, scratch_operands = 3 : i64, tpu.core_type = #tpu.core_type<sc_vector_subcore>, window_params = [{transform_indices = #map}, {transform_indices = #map1}]} {
    %mul3A = arith.constant 16 : i32
    %mul3A_0 = arith.muli %arg0, %mul3A : i32
    %add3A = arith.addi %mul3A_0, %arg1 : i32
    "tpu.region"() ({
      %run_scoped3A = tpu.sem_alloc : memref<!tpu.dma_semaphore, #tpu.memory_space<semaphore_mem>>
      %dma_start3A = arith.constant 0 : i32
      %dma_start3A_289 = tpu.memref_slice %arg4[%dma_start3A] : memref<16400xf32, #tpu.memory_space<vmem>> -> memref<16384xf32, #tpu.memory_space<vmem>>
      %dma_start3A_290 = arith.constant 0 : i32
      %dma_start3A_291 = tpu.memref_slice %arg4[%dma_start3A_290] : memref<16400xf32, #tpu.memory_space<vmem>> -> memref<16384xf32, #tpu.memory_space<vmem>>
      tpu.enqueue_dma source(%arg2 : memref<16384xf32, #tpu.memory_space<hbm>>) target(%dma_start3A_291 : memref<16384xf32, #tpu.memory_space<vmem>>) target_semaphore(%run_scoped3A : memref<!tpu.dma_semaphore, #tpu.memory_space<semaphore_mem>>)
      %dma_wait3A_292 = arith.constant 0 : i32
      %dma_wait3A_293 = tpu.memref_slice %arg4[%dma_wait3A_292] : memref<16400xf32, #tpu.memory_space<vmem>> -> memref<16384xf32, #tpu.memory_space<vmem>>
      %dma_wait3A_294 = arith.constant 0 : i32
      %dma_wait3A_295 = tpu.memref_slice %arg4[%dma_wait3A_294] : memref<16400xf32, #tpu.memory_space<vmem>> -> memref<16384xf32, #tpu.memory_space<vmem>>
      tpu.wait_dma2 semaphore(%run_scoped3A : memref<!tpu.dma_semaphore, #tpu.memory_space<semaphore_mem>>) src(%arg2 : memref<16384xf32, #tpu.memory_space<hbm>>) dst(%dma_wait3A_295 : memref<16384xf32, #tpu.memory_space<vmem>>)
      tpu.yield
    }) : () -> ()
    %iota3A = tpu.iota {dimensions = array<i32: 0>} : vector<16xi32>
    %eq3A = arith.constant 1 : i32
    %eq3A_1 = arith.cmpi eq, %add3A, %eq3A : i32
    %jit3A = arith.constant 39 : i32
    %jit3A_2 = arith.constant 0 : i32
    %select_n3A = arith.select %eq3A_1, %jit3A, %jit3A_2 : i32
    %eq3A_3 = arith.constant 1 : i32
    %eq3A_4 = arith.cmpi eq, %add3A, %eq3A_3 : i32
    %jit3A_5 = arith.constant 39 : i32
    %jit3A_6 = arith.constant 39 : i32
    %select_n3A_7 = arith.select %eq3A_4, %jit3A_5, %jit3A_6 : i32
    %eq3A_8 = arith.constant 2 : i32
    %eq3A_9 = arith.cmpi eq, %add3A, %eq3A_8 : i32
    %jit3A_10 = arith.constant 78 : i32
    %select_n3A_11 = arith.select %eq3A_9, %jit3A_10, %select_n3A : i32
    %eq3A_12 = arith.constant 2 : i32
    %eq3A_13 = arith.cmpi eq, %add3A, %eq3A_12 : i32
    %jit3A_14 = arith.constant 38 : i32
    %select_n3A_15 = arith.select %eq3A_13, %jit3A_14, %select_n3A_7 : i32
    %eq3A_16 = arith.constant 3 : i32
    %eq3A_17 = arith.cmpi eq, %add3A, %eq3A_16 : i32
    %jit3A_18 = arith.constant 116 : i32
    %select_n3A_19 = arith.select %eq3A_17, %jit3A_18, %select_n3A_11 : i32
    %eq3A_20 = arith.constant 3 : i32
    %eq3A_21 = arith.cmpi eq, %add3A, %eq3A_20 : i32
    %jit3A_22 = arith.constant 38 : i32
    %select_n3A_23 = arith.select %eq3A_21, %jit3A_22, %select_n3A_15 : i32
    %eq3A_24 = arith.constant 4 : i32
    %eq3A_25 = arith.cmpi eq, %add3A, %eq3A_24 : i32
    %jit3A_26 = arith.constant 154 : i32
    %select_n3A_27 = arith.select %eq3A_25, %jit3A_26, %select_n3A_19 : i32
    %eq3A_28 = arith.constant 4 : i32
    %eq3A_29 = arith.cmpi eq, %add3A, %eq3A_28 : i32
    %jit3A_30 = arith.constant 38 : i32
    %select_n3A_31 = arith.select %eq3A_29, %jit3A_30, %select_n3A_23 : i32
    %eq3A_32 = arith.constant 5 : i32
    %eq3A_33 = arith.cmpi eq, %add3A, %eq3A_32 : i32
    %jit3A_34 = arith.constant 192 : i32
    %select_n3A_35 = arith.select %eq3A_33, %jit3A_34, %select_n3A_27 : i32
    %eq3A_36 = arith.constant 5 : i32
    %eq3A_37 = arith.cmpi eq, %add3A, %eq3A_36 : i32
    %jit3A_38 = arith.constant 38 : i32
    %select_n3A_39 = arith.select %eq3A_37, %jit3A_38, %select_n3A_31 : i32
    %eq3A_40 = arith.constant 6 : i32
    %eq3A_41 = arith.cmpi eq, %add3A, %eq3A_40 : i32
    %jit3A_42 = arith.constant 230 : i32
    %select_n3A_43 = arith.select %eq3A_41, %jit3A_42, %select_n3A_35 : i32
    %eq3A_44 = arith.constant 6 : i32
    %eq3A_45 = arith.cmpi eq, %add3A, %eq3A_44 : i32
    %jit3A_46 = arith.constant 38 : i32
    %select_n3A_47 = arith.select %eq3A_45, %jit3A_46, %select_n3A_39 : i32
    %eq3A_48 = arith.constant 7 : i32
    %eq3A_49 = arith.cmpi eq, %add3A, %eq3A_48 : i32
    %jit3A_50 = arith.constant 268 : i32
    %select_n3A_51 = arith.select %eq3A_49, %jit3A_50, %select_n3A_43 : i32
    %eq3A_52 = arith.constant 7 : i32
    %eq3A_53 = arith.cmpi eq, %add3A, %eq3A_52 : i32
    %jit3A_54 = arith.constant 37 : i32
    %select_n3A_55 = arith.select %eq3A_53, %jit3A_54, %select_n3A_47 : i32
    %eq3A_56 = arith.constant 8 : i32
    %eq3A_57 = arith.cmpi eq, %add3A, %eq3A_56 : i32
    %jit3A_58 = arith.constant 305 : i32
    %select_n3A_59 = arith.select %eq3A_57, %jit3A_58, %select_n3A_51 : i32
    %eq3A_60 = arith.constant 8 : i32
    %eq3A_61 = arith.cmpi eq, %add3A, %eq3A_60 : i32
    %jit3A_62 = arith.constant 37 : i32
    %select_n3A_63 = arith.select %eq3A_61, %jit3A_62, %select_n3A_55 : i32
    %eq3A_64 = arith.constant 9 : i32
    %eq3A_65 = arith.cmpi eq, %add3A, %eq3A_64 : i32
    %jit3A_66 = arith.constant 342 : i32
    %select_n3A_67 = arith.select %eq3A_65, %jit3A_66, %select_n3A_59 : i32
    %eq3A_68 = arith.constant 9 : i32
    %eq3A_69 = arith.cmpi eq, %add3A, %eq3A_68 : i32
    %jit3A_70 = arith.constant 37 : i32
    %select_n3A_71 = arith.select %eq3A_69, %jit3A_70, %select_n3A_63 : i32
    %eq3A_72 = arith.constant 10 : i32
    %eq3A_73 = arith.cmpi eq, %add3A, %eq3A_72 : i32
    %jit3A_74 = arith.constant 379 : i32
    %select_n3A_75 = arith.select %eq3A_73, %jit3A_74, %select_n3A_67 : i32
    %eq3A_76 = arith.constant 10 : i32
    %eq3A_77 = arith.cmpi eq, %add3A, %eq3A_76 : i32
    %jit3A_78 = arith.constant 37 : i32
    %select_n3A_79 = arith.select %eq3A_77, %jit3A_78, %select_n3A_71 : i32
    %eq3A_80 = arith.constant 11 : i32
    %eq3A_81 = arith.cmpi eq, %add3A, %eq3A_80 : i32
    %jit3A_82 = arith.constant 416 : i32
    %select_n3A_83 = arith.select %eq3A_81, %jit3A_82, %select_n3A_75 : i32
    %eq3A_84 = arith.constant 11 : i32
    %eq3A_85 = arith.cmpi eq, %add3A, %eq3A_84 : i32
    %jit3A_86 = arith.constant 36 : i32
    %select_n3A_87 = arith.select %eq3A_85, %jit3A_86, %select_n3A_79 : i32
    %eq3A_88 = arith.constant 12 : i32
    %eq3A_89 = arith.cmpi eq, %add3A, %eq3A_88 : i32
    %jit3A_90 = arith.constant 452 : i32
    %select_n3A_91 = arith.select %eq3A_89, %jit3A_90, %select_n3A_83 : i32
    %eq3A_92 = arith.constant 12 : i32
    %eq3A_93 = arith.cmpi eq, %add3A, %eq3A_92 : i32
    %jit3A_94 = arith.constant 36 : i32
    %select_n3A_95 = arith.select %eq3A_93, %jit3A_94, %select_n3A_87 : i32
    %eq3A_96 = arith.constant 13 : i32
    %eq3A_97 = arith.cmpi eq, %add3A, %eq3A_96 : i32
    %jit3A_98 = arith.constant 488 : i32
    %select_n3A_99 = arith.select %eq3A_97, %jit3A_98, %select_n3A_91 : i32
    %eq3A_100 = arith.constant 13 : i32
    %eq3A_101 = arith.cmpi eq, %add3A, %eq3A_100 : i32
    %jit3A_102 = arith.constant 35 : i32
    %select_n3A_103 = arith.select %eq3A_101, %jit3A_102, %select_n3A_95 : i32
    %eq3A_104 = arith.constant 14 : i32
    %eq3A_105 = arith.cmpi eq, %add3A, %eq3A_104 : i32
    %jit3A_106 = arith.constant 523 : i32
    %select_n3A_107 = arith.select %eq3A_105, %jit3A_106, %select_n3A_99 : i32
    %eq3A_108 = arith.constant 14 : i32
    %eq3A_109 = arith.cmpi eq, %add3A, %eq3A_108 : i32
    %jit3A_110 = arith.constant 35 : i32
    %select_n3A_111 = arith.select %eq3A_109, %jit3A_110, %select_n3A_103 : i32
    %eq3A_112 = arith.constant 15 : i32
    %eq3A_113 = arith.cmpi eq, %add3A, %eq3A_112 : i32
    %jit3A_114 = arith.constant 558 : i32
    %select_n3A_115 = arith.select %eq3A_113, %jit3A_114, %select_n3A_107 : i32
    %eq3A_116 = arith.constant 15 : i32
    %eq3A_117 = arith.cmpi eq, %add3A, %eq3A_116 : i32
    %jit3A_118 = arith.constant 35 : i32
    %select_n3A_119 = arith.select %eq3A_117, %jit3A_118, %select_n3A_111 : i32
    %eq3A_120 = arith.constant 16 : i32
    %eq3A_121 = arith.cmpi eq, %add3A, %eq3A_120 : i32
    %jit3A_122 = arith.constant 593 : i32
    %select_n3A_123 = arith.select %eq3A_121, %jit3A_122, %select_n3A_115 : i32
    %eq3A_124 = arith.constant 16 : i32
    %eq3A_125 = arith.cmpi eq, %add3A, %eq3A_124 : i32
    %jit3A_126 = arith.constant 35 : i32
    %select_n3A_127 = arith.select %eq3A_125, %jit3A_126, %select_n3A_119 : i32
    %eq3A_128 = arith.constant 17 : i32
    %eq3A_129 = arith.cmpi eq, %add3A, %eq3A_128 : i32
    %jit3A_130 = arith.constant 628 : i32
    %select_n3A_131 = arith.select %eq3A_129, %jit3A_130, %select_n3A_123 : i32
    %eq3A_132 = arith.constant 17 : i32
    %eq3A_133 = arith.cmpi eq, %add3A, %eq3A_132 : i32
    %jit3A_134 = arith.constant 33 : i32
    %select_n3A_135 = arith.select %eq3A_133, %jit3A_134, %select_n3A_127 : i32
    %eq3A_136 = arith.constant 18 : i32
    %eq3A_137 = arith.cmpi eq, %add3A, %eq3A_136 : i32
    %jit3A_138 = arith.constant 661 : i32
    %select_n3A_139 = arith.select %eq3A_137, %jit3A_138, %select_n3A_131 : i32
    %eq3A_140 = arith.constant 18 : i32
    %eq3A_141 = arith.cmpi eq, %add3A, %eq3A_140 : i32
    %jit3A_142 = arith.constant 34 : i32
    %select_n3A_143 = arith.select %eq3A_141, %jit3A_142, %select_n3A_135 : i32
    %eq3A_144 = arith.constant 19 : i32
    %eq3A_145 = arith.cmpi eq, %add3A, %eq3A_144 : i32
    %jit3A_146 = arith.constant 695 : i32
    %select_n3A_147 = arith.select %eq3A_145, %jit3A_146, %select_n3A_139 : i32
    %eq3A_148 = arith.constant 19 : i32
    %eq3A_149 = arith.cmpi eq, %add3A, %eq3A_148 : i32
    %jit3A_150 = arith.constant 33 : i32
    %select_n3A_151 = arith.select %eq3A_149, %jit3A_150, %select_n3A_143 : i32
    %eq3A_152 = arith.constant 20 : i32
    %eq3A_153 = arith.cmpi eq, %add3A, %eq3A_152 : i32
    %jit3A_154 = arith.constant 728 : i32
    %select_n3A_155 = arith.select %eq3A_153, %jit3A_154, %select_n3A_147 : i32
    %eq3A_156 = arith.constant 20 : i32
    %eq3A_157 = arith.cmpi eq, %add3A, %eq3A_156 : i32
    %jit3A_158 = arith.constant 32 : i32
    %select_n3A_159 = arith.select %eq3A_157, %jit3A_158, %select_n3A_151 : i32
    %eq3A_160 = arith.constant 21 : i32
    %eq3A_161 = arith.cmpi eq, %add3A, %eq3A_160 : i32
    %jit3A_162 = arith.constant 760 : i32
    %select_n3A_163 = arith.select %eq3A_161, %jit3A_162, %select_n3A_155 : i32
    %eq3A_164 = arith.constant 21 : i32
    %eq3A_165 = arith.cmpi eq, %add3A, %eq3A_164 : i32
    %jit3A_166 = arith.constant 31 : i32
    %select_n3A_167 = arith.select %eq3A_165, %jit3A_166, %select_n3A_159 : i32
    %eq3A_168 = arith.constant 22 : i32
    %eq3A_169 = arith.cmpi eq, %add3A, %eq3A_168 : i32
    %jit3A_170 = arith.constant 791 : i32
    %select_n3A_171 = arith.select %eq3A_169, %jit3A_170, %select_n3A_163 : i32
    %eq3A_172 = arith.constant 22 : i32
    %eq3A_173 = arith.cmpi eq, %add3A, %eq3A_172 : i32
    %jit3A_174 = arith.constant 31 : i32
    %select_n3A_175 = arith.select %eq3A_173, %jit3A_174, %select_n3A_167 : i32
    %eq3A_176 = arith.constant 23 : i32
    %eq3A_177 = arith.cmpi eq, %add3A, %eq3A_176 : i32
    %jit3A_178 = arith.constant 822 : i32
    %select_n3A_179 = arith.select %eq3A_177, %jit3A_178, %select_n3A_171 : i32
    %eq3A_180 = arith.constant 23 : i32
    %eq3A_181 = arith.cmpi eq, %add3A, %eq3A_180 : i32
    %jit3A_182 = arith.constant 30 : i32
    %select_n3A_183 = arith.select %eq3A_181, %jit3A_182, %select_n3A_175 : i32
    %eq3A_184 = arith.constant 24 : i32
    %eq3A_185 = arith.cmpi eq, %add3A, %eq3A_184 : i32
    %jit3A_186 = arith.constant 852 : i32
    %select_n3A_187 = arith.select %eq3A_185, %jit3A_186, %select_n3A_179 : i32
    %eq3A_188 = arith.constant 24 : i32
    %eq3A_189 = arith.cmpi eq, %add3A, %eq3A_188 : i32
    %jit3A_190 = arith.constant 29 : i32
    %select_n3A_191 = arith.select %eq3A_189, %jit3A_190, %select_n3A_183 : i32
    %eq3A_192 = arith.constant 25 : i32
    %eq3A_193 = arith.cmpi eq, %add3A, %eq3A_192 : i32
    %jit3A_194 = arith.constant 881 : i32
    %select_n3A_195 = arith.select %eq3A_193, %jit3A_194, %select_n3A_187 : i32
    %eq3A_196 = arith.constant 25 : i32
    %eq3A_197 = arith.cmpi eq, %add3A, %eq3A_196 : i32
    %jit3A_198 = arith.constant 27 : i32
    %select_n3A_199 = arith.select %eq3A_197, %jit3A_198, %select_n3A_191 : i32
    %eq3A_200 = arith.constant 26 : i32
    %eq3A_201 = arith.cmpi eq, %add3A, %eq3A_200 : i32
    %jit3A_202 = arith.constant 908 : i32
    %select_n3A_203 = arith.select %eq3A_201, %jit3A_202, %select_n3A_195 : i32
    %eq3A_204 = arith.constant 26 : i32
    %eq3A_205 = arith.cmpi eq, %add3A, %eq3A_204 : i32
    %jit3A_206 = arith.constant 26 : i32
    %select_n3A_207 = arith.select %eq3A_205, %jit3A_206, %select_n3A_199 : i32
    %eq3A_208 = arith.constant 27 : i32
    %eq3A_209 = arith.cmpi eq, %add3A, %eq3A_208 : i32
    %jit3A_210 = arith.constant 934 : i32
    %select_n3A_211 = arith.select %eq3A_209, %jit3A_210, %select_n3A_203 : i32
    %eq3A_212 = arith.constant 27 : i32
    %eq3A_213 = arith.cmpi eq, %add3A, %eq3A_212 : i32
    %jit3A_214 = arith.constant 24 : i32
    %select_n3A_215 = arith.select %eq3A_213, %jit3A_214, %select_n3A_207 : i32
    %eq3A_216 = arith.constant 28 : i32
    %eq3A_217 = arith.cmpi eq, %add3A, %eq3A_216 : i32
    %jit3A_218 = arith.constant 958 : i32
    %select_n3A_219 = arith.select %eq3A_217, %jit3A_218, %select_n3A_211 : i32
    %eq3A_220 = arith.constant 28 : i32
    %eq3A_221 = arith.cmpi eq, %add3A, %eq3A_220 : i32
    %jit3A_222 = arith.constant 23 : i32
    %select_n3A_223 = arith.select %eq3A_221, %jit3A_222, %select_n3A_215 : i32
    %eq3A_224 = arith.constant 29 : i32
    %eq3A_225 = arith.cmpi eq, %add3A, %eq3A_224 : i32
    %jit3A_226 = arith.constant 981 : i32
    %select_n3A_227 = arith.select %eq3A_225, %jit3A_226, %select_n3A_219 : i32
    %eq3A_228 = arith.constant 29 : i32
    %eq3A_229 = arith.cmpi eq, %add3A, %eq3A_228 : i32
    %jit3A_230 = arith.constant 19 : i32
    %select_n3A_231 = arith.select %eq3A_229, %jit3A_230, %select_n3A_223 : i32
    %eq3A_232 = arith.constant 30 : i32
    %eq3A_233 = arith.cmpi eq, %add3A, %eq3A_232 : i32
    %jit3A_234 = arith.constant 1000 : i32
    %select_n3A_235 = arith.select %eq3A_233, %jit3A_234, %select_n3A_227 : i32
    %eq3A_236 = arith.constant 30 : i32
    %eq3A_237 = arith.cmpi eq, %add3A, %eq3A_236 : i32
    %jit3A_238 = arith.constant 15 : i32
    %select_n3A_239 = arith.select %eq3A_237, %jit3A_238, %select_n3A_231 : i32
    %eq3A_240 = arith.constant 31 : i32
    %eq3A_241 = arith.cmpi eq, %add3A, %eq3A_240 : i32
    %jit3A_242 = arith.constant 1015 : i32
    %select_n3A_243 = arith.select %eq3A_241, %jit3A_242, %select_n3A_235 : i32
    %eq3A_244 = arith.constant 31 : i32
    %eq3A_245 = arith.cmpi eq, %add3A, %eq3A_244 : i32
    %jit3A_246 = arith.constant 8 : i32
    %select_n3A_247 = arith.select %eq3A_245, %jit3A_246, %select_n3A_239 : i32
    %while3A = arith.constant 0 : i32
    %while3A_248 = arith.constant 0 : i32
    %while3A_249 = arith.subi %select_n3A_247, %while3A : i32
    %while3A_250 = arith.addi %while3A, %while3A_249 : i32
    %while3A_251 = arith.constant 1 : i32
    %while3A_252 = arith.divsi %while3A_249, %while3A_251 : i32
    %while3A_253 = arith.muli %while3A_252, %while3A_251 : i32
    %while3A_254 = arith.addi %while3A, %while3A_253 : i32
    %while3A_255 = arith.constant 1 : i32
    %while3A_256 = scf.for %while3A_289 = %while3A to %while3A_254 step %while3A_255 iter_args(%while3A_290 = %while3A_248) -> (i32)  : i32 {
      %add3A_291 = arith.addi %select_n3A_243, %while3A_289 : i32
      %mul3A_292 = arith.constant 64 : i32
      %mul3A_293 = arith.muli %add3A_291, %mul3A_292 : i32
      %mul3A_294 = arith.constant 128 : i32
      %mul3A_295 = arith.muli %mul3A_293, %mul3A_294 : i32
      %and3A = arith.constant 1 : i32
      %and3A_296 = arith.andi %while3A_289, %and3A : i32
      %ge3A = arith.constant 2 : i32
      %ge3A_297 = arith.cmpi sge, %while3A_289, %ge3A : i32
      %convert_element_type3A_298 = arith.extui %ge3A_297 : i1 to i32
      %cond3A_299 = arith.constant 0 : i32
      %cond3A_300 = arith.cmpi ne, %convert_element_type3A_298, %cond3A_299 : i32
      scf.if %cond3A_300 {
        %dma_wait3A_458 = arith.constant 0 : i32
        %dma_wait3A_459 = arith.constant 0 : i32
        %dma_wait3A_460 = arith.constant 0 : i32
        %dma_wait3A_461 = arith.constant 0 : i32
        %dma_wait3A_462 = tpu.memref_slice %arg5[%dma_wait3A_458, %dma_wait3A_459, %dma_wait3A_460, %dma_wait3A_461] : memref<2x64x4x128xf32, #tpu.memory_space<vmem>> -> memref<1x64x4x128xf32, #tpu.memory_space<vmem>>
        %dma_wait3A_463 = tpu.memref_squeeze %dma_wait3A_462 : memref<1x64x4x128xf32, #tpu.memory_space<vmem>> -> memref<64x4x128xf32, #tpu.memory_space<vmem>>
        %dma_wait3A_464 = arith.constant 0 : i32
        %dma_wait3A_465 = arith.constant 0 : i32
        %dma_wait3A_466 = arith.constant 0 : i32
        %dma_wait3A_467 = tpu.memref_slice %arg3[%dma_wait3A_464, %dma_wait3A_465, %dma_wait3A_466] : memref<65520x4x128xf32, #tpu.memory_space<hbm>> -> memref<64x4x128xf32, #tpu.memory_space<hbm>>
        %dma_wait3A_468 = arith.constant 0 : i32
        %dma_wait3A_469 = arith.constant 0 : i32
        %dma_wait3A_470 = arith.constant 0 : i32
        %dma_wait3A_471 = tpu.memref_slice %arg3[%dma_wait3A_468, %dma_wait3A_469, %dma_wait3A_470] : memref<65520x4x128xf32, #tpu.memory_space<hbm>> -> memref<64x4x128xf32, #tpu.memory_space<hbm>>
        %dma_wait3A_472 = arith.constant 0 : i32
        %dma_wait3A_473 = arith.constant 0 : i32
        %dma_wait3A_474 = arith.constant 0 : i32
        %dma_wait3A_475 = tpu.memref_slice %arg5[%dma_wait3A_458, %dma_wait3A_472, %dma_wait3A_473, %dma_wait3A_474] : memref<2x64x4x128xf32, #tpu.memory_space<vmem>> -> memref<1x64x4x128xf32, #tpu.memory_space<vmem>>
        %dma_wait3A_476 = tpu.memref_squeeze %dma_wait3A_475 : memref<1x64x4x128xf32, #tpu.memory_space<vmem>> -> memref<64x4x128xf32, #tpu.memory_space<vmem>>
        tpu.wait_dma2 semaphore(%arg6 : memref<!tpu.dma_semaphore, #tpu.memory_space<semaphore_mem>>) src(%dma_wait3A_476 : memref<64x4x128xf32, #tpu.memory_space<vmem>>) dst(%dma_wait3A_471 : memref<64x4x128xf32, #tpu.memory_space<hbm>>)
      } else {
      }
      %add3A_301 = arith.constant 8192 : i32
      %add3A_302 = arith.addi %mul3A_295, %add3A_301 : i32
      %add3A_303 = arith.constant 0 : i32
      %add3A_304 = arith.constant 4095 : i32
      %add3A_305 = arith.addi %add3A_303, %add3A_304 : i32
      %shift_right_arithmetic3A = arith.constant 1 : i32
      %shift_right_arithmetic3A_306 = arith.shrsi %add3A_305, %shift_right_arithmetic3A : i32
      %sub3A = arith.constant 8191 : i32
      %sub3A_307 = arith.subi %sub3A, %shift_right_arithmetic3A_306 : i32
      %mul3A_308 = arith.muli %shift_right_arithmetic3A_306, %sub3A_307 : i32
      %shift_right_arithmetic3A_309 = arith.constant 1 : i32
      %shift_right_arithmetic3A_310 = arith.shrsi %mul3A_308, %shift_right_arithmetic3A_309 : i32
      %le3A = arith.cmpi sle, %shift_right_arithmetic3A_310, %mul3A_295 : i32
      %jit3A_311 = arith.constant 0 : i32
      %select_n3A_312 = arith.select %le3A, %shift_right_arithmetic3A_306, %jit3A_311 : i32
      %jit3A_313 = arith.constant 4095 : i32
      %select_n3A_314 = arith.select %le3A, %jit3A_313, %shift_right_arithmetic3A_306 : i32
      %add3A_315 = arith.addi %select_n3A_312, %select_n3A_314 : i32
      %shift_right_arithmetic3A_316 = arith.constant 1 : i32
      %shift_right_arithmetic3A_317 = arith.shrsi %add3A_315, %shift_right_arithmetic3A_316 : i32
      %sub3A_318 = arith.constant 8191 : i32
      %sub3A_319 = arith.subi %sub3A_318, %shift_right_arithmetic3A_317 : i32
      %mul3A_320 = arith.muli %shift_right_arithmetic3A_317, %sub3A_319 : i32
      %shift_right_arithmetic3A_321 = arith.constant 1 : i32
      %shift_right_arithmetic3A_322 = arith.shrsi %mul3A_320, %shift_right_arithmetic3A_321 : i32
      %le3A_323 = arith.cmpi sle, %shift_right_arithmetic3A_322, %mul3A_295 : i32
      %select_n3A_324 = arith.select %le3A_323, %shift_right_arithmetic3A_317, %select_n3A_312 : i32
      %select_n3A_325 = arith.select %le3A_323, %select_n3A_314, %shift_right_arithmetic3A_317 : i32
      %add3A_326 = arith.addi %select_n3A_324, %select_n3A_325 : i32
      %shift_right_arithmetic3A_327 = arith.constant 1 : i32
      %shift_right_arithmetic3A_328 = arith.shrsi %add3A_326, %shift_right_arithmetic3A_327 : i32
      %sub3A_329 = arith.constant 8191 : i32
      %sub3A_330 = arith.subi %sub3A_329, %shift_right_arithmetic3A_328 : i32
      %mul3A_331 = arith.muli %shift_right_arithmetic3A_328, %sub3A_330 : i32
      %shift_right_arithmetic3A_332 = arith.constant 1 : i32
      %shift_right_arithmetic3A_333 = arith.shrsi %mul3A_331, %shift_right_arithmetic3A_332 : i32
      %le3A_334 = arith.cmpi sle, %shift_right_arithmetic3A_333, %mul3A_295 : i32
      %select_n3A_335 = arith.select %le3A_334, %shift_right_arithmetic3A_328, %select_n3A_324 : i32
      %select_n3A_336 = arith.select %le3A_334, %select_n3A_325, %shift_right_arithmetic3A_328 : i32
      %add3A_337 = arith.addi %select_n3A_335, %select_n3A_336 : i32
      %shift_right_arithmetic3A_338 = arith.constant 1 : i32
      %shift_right_arithmetic3A_339 = arith.shrsi %add3A_337, %shift_right_arithmetic3A_338 : i32
      %sub3A_340 = arith.constant 8191 : i32
      %sub3A_341 = arith.subi %sub3A_340, %shift_right_arithmetic3A_339 : i32
      %mul3A_342 = arith.muli %shift_right_arithmetic3A_339, %sub3A_341 : i32
      %shift_right_arithmetic3A_343 = arith.constant 1 : i32
      %shift_right_arithmetic3A_344 = arith.shrsi %mul3A_342, %shift_right_arithmetic3A_343 : i32
      %le3A_345 = arith.cmpi sle, %shift_right_arithmetic3A_344, %mul3A_295 : i32
      %select_n3A_346 = arith.select %le3A_345, %shift_right_arithmetic3A_339, %select_n3A_335 : i32
      %select_n3A_347 = arith.select %le3A_345, %select_n3A_336, %shift_right_arithmetic3A_339 : i32
      %add3A_348 = arith.addi %select_n3A_346, %select_n3A_347 : i32
      %shift_right_arithmetic3A_349 = arith.constant 1 : i32
      %shift_right_arithmetic3A_350 = arith.shrsi %add3A_348, %shift_right_arithmetic3A_349 : i32
      %sub3A_351 = arith.constant 8191 : i32
      %sub3A_352 = arith.subi %sub3A_351, %shift_right_arithmetic3A_350 : i32
      %mul3A_353 = arith.muli %shift_right_arithmetic3A_350, %sub3A_352 : i32
      %shift_right_arithmetic3A_354 = arith.constant 1 : i32
      %shift_right_arithmetic3A_355 = arith.shrsi %mul3A_353, %shift_right_arithmetic3A_354 : i32
      %le3A_356 = arith.cmpi sle, %shift_right_arithmetic3A_355, %mul3A_295 : i32
      %select_n3A_357 = arith.select %le3A_356, %shift_right_arithmetic3A_350, %select_n3A_346 : i32
      %select_n3A_358 = arith.select %le3A_356, %select_n3A_347, %shift_right_arithmetic3A_350 : i32
      %add3A_359 = arith.addi %select_n3A_357, %select_n3A_358 : i32
      %shift_right_arithmetic3A_360 = arith.constant 1 : i32
      %shift_right_arithmetic3A_361 = arith.shrsi %add3A_359, %shift_right_arithmetic3A_360 : i32
      %sub3A_362 = arith.constant 8191 : i32
      %sub3A_363 = arith.subi %sub3A_362, %shift_right_arithmetic3A_361 : i32
      %mul3A_364 = arith.muli %shift_right_arithmetic3A_361, %sub3A_363 : i32
      %shift_right_arithmetic3A_365 = arith.constant 1 : i32
      %shift_right_arithmetic3A_366 = arith.shrsi %mul3A_364, %shift_right_arithmetic3A_365 : i32
      %le3A_367 = arith.cmpi sle, %shift_right_arithmetic3A_366, %mul3A_295 : i32
      %select_n3A_368 = arith.select %le3A_367, %shift_right_arithmetic3A_361, %select_n3A_357 : i32
      %select_n3A_369 = arith.select %le3A_367, %select_n3A_358, %shift_right_arithmetic3A_361 : i32
      %add3A_370 = arith.addi %select_n3A_368, %select_n3A_369 : i32
      %shift_right_arithmetic3A_371 = arith.constant 1 : i32
      %shift_right_arithmetic3A_372 = arith.shrsi %add3A_370, %shift_right_arithmetic3A_371 : i32
      %sub3A_373 = arith.constant 8191 : i32
      %sub3A_374 = arith.subi %sub3A_373, %shift_right_arithmetic3A_372 : i32
      %mul3A_375 = arith.muli %shift_right_arithmetic3A_372, %sub3A_374 : i32
      %shift_right_arithmetic3A_376 = arith.constant 1 : i32
      %shift_right_arithmetic3A_377 = arith.shrsi %mul3A_375, %shift_right_arithmetic3A_376 : i32
      %le3A_378 = arith.cmpi sle, %shift_right_arithmetic3A_377, %mul3A_295 : i32
      %select_n3A_379 = arith.select %le3A_378, %shift_right_arithmetic3A_372, %select_n3A_368 : i32
      %select_n3A_380 = arith.select %le3A_378, %select_n3A_369, %shift_right_arithmetic3A_372 : i32
      %add3A_381 = arith.addi %select_n3A_379, %select_n3A_380 : i32
      %shift_right_arithmetic3A_382 = arith.constant 1 : i32
      %shift_right_arithmetic3A_383 = arith.shrsi %add3A_381, %shift_right_arithmetic3A_382 : i32
      %sub3A_384 = arith.constant 8191 : i32
      %sub3A_385 = arith.subi %sub3A_384, %shift_right_arithmetic3A_383 : i32
      %mul3A_386 = arith.muli %shift_right_arithmetic3A_383, %sub3A_385 : i32
      %shift_right_arithmetic3A_387 = arith.constant 1 : i32
      %shift_right_arithmetic3A_388 = arith.shrsi %mul3A_386, %shift_right_arithmetic3A_387 : i32
      %le3A_389 = arith.cmpi sle, %shift_right_arithmetic3A_388, %mul3A_295 : i32
      %select_n3A_390 = arith.select %le3A_389, %shift_right_arithmetic3A_383, %select_n3A_379 : i32
      %select_n3A_391 = arith.select %le3A_389, %select_n3A_380, %shift_right_arithmetic3A_383 : i32
      %add3A_392 = arith.addi %select_n3A_390, %select_n3A_391 : i32
      %shift_right_arithmetic3A_393 = arith.constant 1 : i32
      %shift_right_arithmetic3A_394 = arith.shrsi %add3A_392, %shift_right_arithmetic3A_393 : i32
      %sub3A_395 = arith.constant 8191 : i32
      %sub3A_396 = arith.subi %sub3A_395, %shift_right_arithmetic3A_394 : i32
      %mul3A_397 = arith.muli %shift_right_arithmetic3A_394, %sub3A_396 : i32
      %shift_right_arithmetic3A_398 = arith.constant 1 : i32
      %shift_right_arithmetic3A_399 = arith.shrsi %mul3A_397, %shift_right_arithmetic3A_398 : i32
      %le3A_400 = arith.cmpi sle, %shift_right_arithmetic3A_399, %mul3A_295 : i32
      %select_n3A_401 = arith.select %le3A_400, %shift_right_arithmetic3A_394, %select_n3A_390 : i32
      %select_n3A_402 = arith.select %le3A_400, %select_n3A_391, %shift_right_arithmetic3A_394 : i32
      %add3A_403 = arith.addi %select_n3A_401, %select_n3A_402 : i32
      %shift_right_arithmetic3A_404 = arith.constant 1 : i32
      %shift_right_arithmetic3A_405 = arith.shrsi %add3A_403, %shift_right_arithmetic3A_404 : i32
      %sub3A_406 = arith.constant 8191 : i32
      %sub3A_407 = arith.subi %sub3A_406, %shift_right_arithmetic3A_405 : i32
      %mul3A_408 = arith.muli %shift_right_arithmetic3A_405, %sub3A_407 : i32
      %shift_right_arithmetic3A_409 = arith.constant 1 : i32
      %shift_right_arithmetic3A_410 = arith.shrsi %mul3A_408, %shift_right_arithmetic3A_409 : i32
      %le3A_411 = arith.cmpi sle, %shift_right_arithmetic3A_410, %mul3A_295 : i32
      %select_n3A_412 = arith.select %le3A_411, %shift_right_arithmetic3A_405, %select_n3A_401 : i32
      %select_n3A_413 = arith.select %le3A_411, %select_n3A_402, %shift_right_arithmetic3A_405 : i32
      %add3A_414 = arith.addi %select_n3A_412, %select_n3A_413 : i32
      %shift_right_arithmetic3A_415 = arith.constant 1 : i32
      %shift_right_arithmetic3A_416 = arith.shrsi %add3A_414, %shift_right_arithmetic3A_415 : i32
      %sub3A_417 = arith.constant 8191 : i32
      %sub3A_418 = arith.subi %sub3A_417, %shift_right_arithmetic3A_416 : i32
      %mul3A_419 = arith.muli %shift_right_arithmetic3A_416, %sub3A_418 : i32
      %shift_right_arithmetic3A_420 = arith.constant 1 : i32
      %shift_right_arithmetic3A_421 = arith.shrsi %mul3A_419, %shift_right_arithmetic3A_420 : i32
      %le3A_422 = arith.cmpi sle, %shift_right_arithmetic3A_421, %mul3A_295 : i32
      %select_n3A_423 = arith.select %le3A_422, %shift_right_arithmetic3A_416, %select_n3A_412 : i32
      %select_n3A_424 = arith.select %le3A_422, %select_n3A_413, %shift_right_arithmetic3A_416 : i32
      %add3A_425 = arith.addi %select_n3A_423, %select_n3A_424 : i32
      %shift_right_arithmetic3A_426 = arith.constant 1 : i32
      %shift_right_arithmetic3A_427 = arith.shrsi %add3A_425, %shift_right_arithmetic3A_426 : i32
      %sub3A_428 = arith.constant 8191 : i32
      %sub3A_429 = arith.subi %sub3A_428, %shift_right_arithmetic3A_427 : i32
      %mul3A_430 = arith.muli %shift_right_arithmetic3A_427, %sub3A_429 : i32
      %shift_right_arithmetic3A_431 = arith.constant 1 : i32
      %shift_right_arithmetic3A_432 = arith.shrsi %mul3A_430, %shift_right_arithmetic3A_431 : i32
      %le3A_433 = arith.cmpi sle, %shift_right_arithmetic3A_432, %mul3A_295 : i32
      %select_n3A_434 = arith.select %le3A_433, %shift_right_arithmetic3A_427, %select_n3A_423 : i32
      %select_n3A_435 = arith.select %le3A_433, %select_n3A_424, %shift_right_arithmetic3A_427 : i32
      %sub3A_436 = arith.constant 8191 : i32
      %sub3A_437 = arith.subi %sub3A_436, %select_n3A_434 : i32
      %mul3A_438 = arith.muli %select_n3A_434, %sub3A_437 : i32
      %shift_right_arithmetic3A_439 = arith.constant 1 : i32
      %shift_right_arithmetic3A_440 = arith.shrsi %mul3A_438, %shift_right_arithmetic3A_439 : i32
      %while3A_441:2 = scf.while (%while3A_458 = %select_n3A_434, %while3A_459 = %shift_right_arithmetic3A_440) : (i32, i32) -> (i32, i32) {
        %lt3A_460 = arith.cmpi slt, %while3A_459, %add3A_302 : i32
        scf.condition(%lt3A_460) %while3A_458, %while3A_459 : i32, i32
      } do {
      ^bb0(%while3A_458: i32, %while3A_459: i32):
        %sub3A_460 = arith.constant 4095 : i32
        %sub3A_461 = arith.subi %sub3A_460, %while3A_458 : i32
        %add3A_462 = arith.addi %while3A_459, %sub3A_461 : i32
        %max3A = arith.maxsi %while3A_459, %mul3A_295 : i32
        %min3A = arith.minsi %add3A_462, %add3A_302 : i32
        %sub3A_463 = arith.subi %max3A, %mul3A_295 : i32
        %sub3A_464 = arith.subi %min3A, %mul3A_295 : i32
        %add3A_465 = arith.constant 1 : i32
        %add3A_466 = arith.addi %while3A_458, %add3A_465 : i32
        %sub3A_467 = arith.subi %max3A, %while3A_459 : i32
        %add3A_468 = arith.addi %add3A_466, %sub3A_467 : i32
        %add3A_469 = arith.constant 15 : i32
        %add3A_470 = arith.addi %sub3A_463, %add3A_469 : i32
        %and3A_471 = arith.constant -16 : i32
        %and3A_472 = arith.andi %add3A_470, %and3A_471 : i32
        %min3A_473 = arith.minsi %and3A_472, %sub3A_464 : i32
        %sub3A_474 = arith.subi %sub3A_464, %min3A_473 : i32
        %and3A_475 = arith.constant -16 : i32
        %and3A_476 = arith.andi %sub3A_474, %and3A_475 : i32
        %add3A_477 = arith.addi %min3A_473, %and3A_476 : i32
        %add3A_478 = arith.constant 127 : i32
        %add3A_479 = arith.addi %min3A_473, %add3A_478 : i32
        %and3A_480 = arith.constant -128 : i32
        %and3A_481 = arith.andi %add3A_479, %and3A_480 : i32
        %min3A_482 = arith.minsi %and3A_481, %add3A_477 : i32
        %sub3A_483 = arith.subi %add3A_477, %min3A_482 : i32
        %and3A_484 = arith.constant -128 : i32
        %and3A_485 = arith.andi %sub3A_483, %and3A_484 : i32
        %add3A_486 = arith.addi %min3A_482, %and3A_485 : i32
        %sub3A_487 = arith.subi %min3A_482, %min3A_473 : i32
        %shift_right_arithmetic3A_488 = arith.constant 4 : i32
        %shift_right_arithmetic3A_489 = arith.shrsi %sub3A_487, %shift_right_arithmetic3A_488 : i32
        %sub3A_490 = arith.subi %add3A_486, %min3A_482 : i32
        %shift_right_arithmetic3A_491 = arith.constant 7 : i32
        %shift_right_arithmetic3A_492 = arith.shrsi %sub3A_490, %shift_right_arithmetic3A_491 : i32
        %sub3A_493 = arith.subi %add3A_477, %add3A_486 : i32
        %shift_right_arithmetic3A_494 = arith.constant 4 : i32
        %shift_right_arithmetic3A_495 = arith.shrsi %sub3A_493, %shift_right_arithmetic3A_494 : i32
        %add3A_496 = arith.constant 0 : i32
        %add3A_497 = arith.addi %add3A_496, %while3A_458 : i32
        %get3A = arith.index_cast %add3A_497 : i32 to index
        %get3A_498 = tpu.vector_load %arg4[%get3A] {strides = array<i32>} : memref<16400xf32, #tpu.memory_space<vmem>>, vector<16xf32>,
        %slice3A = vector.extract_strided_slice %get3A_498 {offsets = [0], sizes = [1], strides = [1]} : vector<16xf32> to vector<1xf32>
        %squeeze3A = vector.extract %slice3A[0] : f32 from vector<1xf32>
        %add3A_499 = arith.constant 4096 : i32
        %add3A_500 = arith.addi %add3A_499, %while3A_458 : i32
        %get3A_501 = arith.index_cast %add3A_500 : i32 to index
        %get3A_502 = tpu.vector_load %arg4[%get3A_501] {strides = array<i32>} : memref<16400xf32, #tpu.memory_space<vmem>>, vector<16xf32>,
        %slice3A_503 = vector.extract_strided_slice %get3A_502 {offsets = [0], sizes = [1], strides = [1]} : vector<16xf32> to vector<1xf32>
        %squeeze3A_504 = vector.extract %slice3A_503[0] : f32 from vector<1xf32>
        %add3A_505 = arith.constant 8192 : i32
        %add3A_506 = arith.addi %add3A_505, %while3A_458 : i32
        %get3A_507 = arith.index_cast %add3A_506 : i32 to index
        %get3A_508 = tpu.vector_load %arg4[%get3A_507] {strides = array<i32>} : memref<16400xf32, #tpu.memory_space<vmem>>, vector<16xf32>,
        %slice3A_509 = vector.extract_strided_slice %get3A_508 {offsets = [0], sizes = [1], strides = [1]} : vector<16xf32> to vector<1xf32>
        %squeeze3A_510 = vector.extract %slice3A_509[0] : f32 from vector<1xf32>
        %add3A_511 = arith.constant 12288 : i32
        %add3A_512 = arith.addi %add3A_511, %while3A_458 : i32
        %get3A_513 = arith.index_cast %add3A_512 : i32 to index
        %get3A_514 = tpu.vector_load %arg4[%get3A_513] {strides = array<i32>} : memref<16400xf32, #tpu.memory_space<vmem>>, vector<16xf32>,
        %slice3A_515 = vector.extract_strided_slice %get3A_514 {offsets = [0], sizes = [1], strides = [1]} : vector<16xf32> to vector<1xf32>
        %squeeze3A_516 = vector.extract %slice3A_515[0] : f32 from vector<1xf32>
        %add3A_517 = arith.constant 0 : i32
        %add3A_518 = arith.addi %add3A_517, %add3A_468 : i32
        %sub3A_519 = arith.subi %add3A_518, %sub3A_463 : i32
        %add3A_520 = arith.constant 4096 : i32
        %add3A_521 = arith.addi %add3A_520, %add3A_468 : i32
        %sub3A_522 = arith.subi %add3A_521, %sub3A_463 : i32
        %add3A_523 = arith.constant 8192 : i32
        %add3A_524 = arith.addi %add3A_523, %add3A_468 : i32
        %sub3A_525 = arith.subi %add3A_524, %sub3A_463 : i32
        %add3A_526 = arith.constant 12288 : i32
        %add3A_527 = arith.addi %add3A_526, %add3A_468 : i32
        %sub3A_528 = arith.subi %add3A_527, %sub3A_463 : i32
        %sub3A_529 = arith.subi %min3A_473, %sub3A_463 : i32
        %add3A_530 = arith.addi %sub3A_519, %sub3A_463 : i32
        %add3A_531 = vector.broadcast %sub3A_463 : i32 to vector<16xi32>
        %add3A_532 = arith.addi %add3A_531, %iota3A : vector<16xi32>
        %lt3A_533 = vector.broadcast %sub3A_529 : i32 to vector<16xi32>
        %lt3A_534 = arith.cmpi slt, %iota3A, %lt3A_533 : vector<16xi32>
        %broadcast_in_dim3A = vector.broadcast %and3A_296 : i32 to vector<16xi32>
        %shift_right_arithmetic3A_535 = arith.constant 7 : i32
        %shift_right_arithmetic3A_536 = vector.broadcast %shift_right_arithmetic3A_535 : i32 to vector<16xi32>
        %shift_right_arithmetic3A_537 = arith.shrsi %add3A_532, %shift_right_arithmetic3A_536 : vector<16xi32>
        %and3A_538 = arith.constant 127 : i32
        %and3A_539 = vector.broadcast %and3A_538 : i32 to vector<16xi32>
        %and3A_540 = arith.andi %add3A_532, %and3A_539 : vector<16xi32>
        %broadcast_in_dim3A_541 = arith.constant 0 : i32
        %broadcast_in_dim3A_542 = vector.broadcast %broadcast_in_dim3A_541 : i32 to vector<16xi32>
        %get3A_543 = arith.index_cast %add3A_530 : i32 to index
        %get3A_544 = tpu.vector_load %arg4[%get3A_543] {strides = array<i32>} : memref<16400xf32, #tpu.memory_space<vmem>>, vector<16xf32>,
        %sub3A_545 = vector.broadcast %squeeze3A : f32 to vector<16xf32>
        %sub3A_546 = arith.subf %get3A_544, %sub3A_545 : vector<16xf32>
        tpu.vector_store_idx %arg5[%broadcast_in_dim3A, %shift_right_arithmetic3A_537, %broadcast_in_dim3A_542, %and3A_540], %sub3A_546 masked %lt3A_534 : memref<2x64x4x128xf32, #tpu.memory_space<vmem>>[vector<16xi32>, vector<16xi32>, vector<16xi32>, vector<16xi32>], vector<16xf32>, vector<16xi1>
        %sub3A_547 = arith.subi %min3A_473, %sub3A_463 : i32
        %add3A_548 = arith.addi %sub3A_522, %sub3A_463 : i32
        %add3A_549 = vector.broadcast %sub3A_463 : i32 to vector<16xi32>
        %add3A_550 = arith.addi %add3A_549, %iota3A : vector<16xi32>
        %lt3A_551 = vector.broadcast %sub3A_547 : i32 to vector<16xi32>
        %lt3A_552 = arith.cmpi slt, %iota3A, %lt3A_551 : vector<16xi32>
        %broadcast_in_dim3A_553 = vector.broadcast %and3A_296 : i32 to vector<16xi32>
        %shift_right_arithmetic3A_554 = arith.constant 7 : i32
        %shift_right_arithmetic3A_555 = vector.broadcast %shift_right_arithmetic3A_554 : i32 to vector<16xi32>
        %shift_right_arithmetic3A_556 = arith.shrsi %add3A_550, %shift_right_arithmetic3A_555 : vector<16xi32>
        %and3A_557 = arith.constant 127 : i32
        %and3A_558 = vector.broadcast %and3A_557 : i32 to vector<16xi32>
        %and3A_559 = arith.andi %add3A_550, %and3A_558 : vector<16xi32>
        %broadcast_in_dim3A_560 = arith.constant 1 : i32
        %broadcast_in_dim3A_561 = vector.broadcast %broadcast_in_dim3A_560 : i32 to vector<16xi32>
        %get3A_562 = arith.index_cast %add3A_548 : i32 to index
        %get3A_563 = tpu.vector_load %arg4[%get3A_562] {strides = array<i32>} : memref<16400xf32, #tpu.memory_space<vmem>>, vector<16xf32>,
        %sub3A_564 = vector.broadcast %squeeze3A_504 : f32 to vector<16xf32>
        %sub3A_565 = arith.subf %get3A_563, %sub3A_564 : vector<16xf32>
        tpu.vector_store_idx %arg5[%broadcast_in_dim3A_553, %shift_right_arithmetic3A_556, %broadcast_in_dim3A_561, %and3A_559], %sub3A_565 masked %lt3A_552 : memref<2x64x4x128xf32, #tpu.memory_space<vmem>>[vector<16xi32>, vector<16xi32>, vector<16xi32>, vector<16xi32>], vector<16xf32>, vector<16xi1>
        %sub3A_566 = arith.subi %min3A_473, %sub3A_463 : i32
        %add3A_567 = arith.addi %sub3A_525, %sub3A_463 : i32
        %add3A_568 = vector.broadcast %sub3A_463 : i32 to vector<16xi32>
        %add3A_569 = arith.addi %add3A_568, %iota3A : vector<16xi32>
        %lt3A_570 = vector.broadcast %sub3A_566 : i32 to vector<16xi32>
        %lt3A_571 = arith.cmpi slt, %iota3A, %lt3A_570 : vector<16xi32>
        %broadcast_in_dim3A_572 = vector.broadcast %and3A_296 : i32 to vector<16xi32>
        %shift_right_arithmetic3A_573 = arith.constant 7 : i32
        %shift_right_arithmetic3A_574 = vector.broadcast %shift_right_arithmetic3A_573 : i32 to vector<16xi32>
        %shift_right_arithmetic3A_575 = arith.shrsi %add3A_569, %shift_right_arithmetic3A_574 : vector<16xi32>
        %and3A_576 = arith.constant 127 : i32
        %and3A_577 = vector.broadcast %and3A_576 : i32 to vector<16xi32>
        %and3A_578 = arith.andi %add3A_569, %and3A_577 : vector<16xi32>
        %broadcast_in_dim3A_579 = arith.constant 2 : i32
        %broadcast_in_dim3A_580 = vector.broadcast %broadcast_in_dim3A_579 : i32 to vector<16xi32>
        %get3A_581 = arith.index_cast %add3A_567 : i32 to index
        %get3A_582 = tpu.vector_load %arg4[%get3A_581] {strides = array<i32>} : memref<16400xf32, #tpu.memory_space<vmem>>, vector<16xf32>,
        %sub3A_583 = vector.broadcast %squeeze3A_510 : f32 to vector<16xf32>
        %sub3A_584 = arith.subf %get3A_582, %sub3A_583 : vector<16xf32>
        tpu.vector_store_idx %arg5[%broadcast_in_dim3A_572, %shift_right_arithmetic3A_575, %broadcast_in_dim3A_580, %and3A_578], %sub3A_584 masked %lt3A_571 : memref<2x64x4x128xf32, #tpu.memory_space<vmem>>[vector<16xi32>, vector<16xi32>, vector<16xi32>, vector<16xi32>], vector<16xf32>, vector<16xi1>
        %sub3A_585 = arith.subi %min3A_473, %sub3A_463 : i32
        %add3A_586 = arith.addi %sub3A_528, %sub3A_463 : i32
        %add3A_587 = vector.broadcast %sub3A_463 : i32 to vector<16xi32>
        %add3A_588 = arith.addi %add3A_587, %iota3A : vector<16xi32>
        %lt3A_589 = vector.broadcast %sub3A_585 : i32 to vector<16xi32>
        %lt3A_590 = arith.cmpi slt, %iota3A, %lt3A_589 : vector<16xi32>
        %broadcast_in_dim3A_591 = vector.broadcast %and3A_296 : i32 to vector<16xi32>
        %shift_right_arithmetic3A_592 = arith.constant 7 : i32
        %shift_right_arithmetic3A_593 = vector.broadcast %shift_right_arithmetic3A_592 : i32 to vector<16xi32>
        %shift_right_arithmetic3A_594 = arith.shrsi %add3A_588, %shift_right_arithmetic3A_593 : vector<16xi32>
        %and3A_595 = arith.constant 127 : i32
        %and3A_596 = vector.broadcast %and3A_595 : i32 to vector<16xi32>
        %and3A_597 = arith.andi %add3A_588, %and3A_596 : vector<16xi32>
        %broadcast_in_dim3A_598 = arith.constant 3 : i32
        %broadcast_in_dim3A_599 = vector.broadcast %broadcast_in_dim3A_598 : i32 to vector<16xi32>
        %get3A_600 = arith.index_cast %add3A_586 : i32 to index
        %get3A_601 = tpu.vector_load %arg4[%get3A_600] {strides = array<i32>} : memref<16400xf32, #tpu.memory_space<vmem>>, vector<16xf32>,
        %sub3A_602 = vector.broadcast %squeeze3A_516 : f32 to vector<16xf32>
        %sub3A_603 = arith.subf %get3A_601, %sub3A_602 : vector<16xf32>
        tpu.vector_store_idx %arg5[%broadcast_in_dim3A_591, %shift_right_arithmetic3A_594, %broadcast_in_dim3A_599, %and3A_597], %sub3A_603 masked %lt3A_590 : memref<2x64x4x128xf32, #tpu.memory_space<vmem>>[vector<16xi32>, vector<16xi32>, vector<16xi32>, vector<16xi32>], vector<16xf32>, vector<16xi1>
        %parallel_loop3A = arith.constant 0 : i32
        %parallel_loop3A_604 = arith.constant 1 : i32
        scf.for %parallel_loop3A_689 = %parallel_loop3A to %shift_right_arithmetic3A_489 step %parallel_loop3A_604  : i32 {
          %parallel_loop3A_690 = arith.constant 16 : i32
          %parallel_loop3A_691 = arith.muli %parallel_loop3A_689, %parallel_loop3A_690 : i32
          %parallel_loop3A_692 = arith.addi %min3A_473, %parallel_loop3A_691 : i32
          %parallel_loop3A_693 = arith.constant 7 : i32
          %parallel_loop3A_694 = arith.shrsi %parallel_loop3A_692, %parallel_loop3A_693 : i32
          %parallel_loop3A_695 = arith.constant 127 : i32
          %parallel_loop3A_696 = arith.andi %parallel_loop3A_692, %parallel_loop3A_695 : i32
          %parallel_loop3A_697 = arith.addi %sub3A_519, %parallel_loop3A_692 : i32
          %parallel_loop3A_698 = arith.index_cast %parallel_loop3A_697 : i32 to index
          %parallel_loop3A_699 = tpu.vector_load %arg4[%parallel_loop3A_698] {strides = array<i32>} : memref<16400xf32, #tpu.memory_space<vmem>>, vector<16xf32>,
          %parallel_loop3A_700 = vector.broadcast %squeeze3A : f32 to vector<16xf32>
          %parallel_loop3A_701 = arith.subf %parallel_loop3A_699, %parallel_loop3A_700 : vector<16xf32>
          %parallel_loop3A_702 = arith.constant 0 : i32
          %parallel_loop3A_703 = arith.index_cast %and3A_296 : i32 to index
          %parallel_loop3A_704 = arith.index_cast %parallel_loop3A_694 : i32 to index
          %parallel_loop3A_705 = arith.index_cast %parallel_loop3A_702 : i32 to index
          %parallel_loop3A_706 = arith.index_cast %parallel_loop3A_696 : i32 to index
          %parallel_loop3A_707 = tpu.vector_load %arg5[%parallel_loop3A_703, %parallel_loop3A_704, %parallel_loop3A_705, %parallel_loop3A_706] {strides = array<i32>} : memref<2x64x4x128xf32, #tpu.memory_space<vmem>>, vector<16xf32>,
          tpu.vector_store %arg5[%parallel_loop3A_703, %parallel_loop3A_704, %parallel_loop3A_705, %parallel_loop3A_706], %parallel_loop3A_701 {strides = array<i32>} : memref<2x64x4x128xf32, #tpu.memory_space<vmem>>, vector<16xf32>,
          %parallel_loop3A_708 = arith.addi %sub3A_522, %parallel_loop3A_692 : i32
          %parallel_loop3A_709 = arith.index_cast %parallel_loop3A_708 : i32 to index
          %parallel_loop3A_710 = tpu.vector_load %arg4[%parallel_loop3A_709] {strides = array<i32>} : memref<16400xf32, #tpu.memory_space<vmem>>, vector<16xf32>,
          %parallel_loop3A_711 = vector.broadcast %squeeze3A_504 : f32 to vector<16xf32>
          %parallel_loop3A_712 = arith.subf %parallel_loop3A_710, %parallel_loop3A_711 : vector<16xf32>
          %parallel_loop3A_713 = arith.constant 1 : i32
          %parallel_loop3A_714 = arith.index_cast %and3A_296 : i32 to index
          %parallel_loop3A_715 = arith.index_cast %parallel_loop3A_694 : i32 to index
          %parallel_loop3A_716 = arith.index_cast %parallel_loop3A_713 : i32 to index
          %parallel_loop3A_717 = arith.index_cast %parallel_loop3A_696 : i32 to index
          %parallel_loop3A_718 = tpu.vector_load %arg5[%parallel_loop3A_714, %parallel_loop3A_715, %parallel_loop3A_716, %parallel_loop3A_717] {strides = array<i32>} : memref<2x64x4x128xf32, #tpu.memory_space<vmem>>, vector<16xf32>,
          tpu.vector_store %arg5[%parallel_loop3A_714, %parallel_loop3A_715, %parallel_loop3A_716, %parallel_loop3A_717], %parallel_loop3A_712 {strides = array<i32>} : memref<2x64x4x128xf32, #tpu.memory_space<vmem>>, vector<16xf32>,
          %parallel_loop3A_719 = arith.addi %sub3A_525, %parallel_loop3A_692 : i32
          %parallel_loop3A_720 = arith.index_cast %parallel_loop3A_719 : i32 to index
          %parallel_loop3A_721 = tpu.vector_load %arg4[%parallel_loop3A_720] {strides = array<i32>} : memref<16400xf32, #tpu.memory_space<vmem>>, vector<16xf32>,
          %parallel_loop3A_722 = vector.broadcast %squeeze3A_510 : f32 to vector<16xf32>
          %parallel_loop3A_723 = arith.subf %parallel_loop3A_721, %parallel_loop3A_722 : vector<16xf32>
          %parallel_loop3A_724 = arith.constant 2 : i32
          %parallel_loop3A_725 = arith.index_cast %and3A_296 : i32 to index
          %parallel_loop3A_726 = arith.index_cast %parallel_loop3A_694 : i32 to index
          %parallel_loop3A_727 = arith.index_cast %parallel_loop3A_724 : i32 to index
          %parallel_loop3A_728 = arith.index_cast %parallel_loop3A_696 : i32 to index
          %parallel_loop3A_729 = tpu.vector_load %arg5[%parallel_loop3A_725, %parallel_loop3A_726, %parallel_loop3A_727, %parallel_loop3A_728] {strides = array<i32>} : memref<2x64x4x128xf32, #tpu.memory_space<vmem>>, vector<16xf32>,
          tpu.vector_store %arg5[%parallel_loop3A_725, %parallel_loop3A_726, %parallel_loop3A_727, %parallel_loop3A_728], %parallel_loop3A_723 {strides = array<i32>} : memref<2x64x4x128xf32, #tpu.memory_space<vmem>>, vector<16xf32>,
          %parallel_loop3A_730 = arith.addi %sub3A_528, %parallel_loop3A_692 : i32
          %parallel_loop3A_731 = arith.index_cast %parallel_loop3A_730 : i32 to index
          %parallel_loop3A_732 = tpu.vector_load %arg4[%parallel_loop3A_731] {strides = array<i32>} : memref<16400xf32, #tpu.memory_space<vmem>>, vector<16xf32>,
          %parallel_loop3A_733 = vector.broadcast %squeeze3A_516 : f32 to vector<16xf32>
          %parallel_loop3A_734 = arith.subf %parallel_loop3A_732, %parallel_loop3A_733 : vector<16xf32>
          %parallel_loop3A_735 = arith.constant 3 : i32
          %parallel_loop3A_736 = arith.index_cast %and3A_296 : i32 to index
          %parallel_loop3A_737 = arith.index_cast %parallel_loop3A_694 : i32 to index
          %parallel_loop3A_738 = arith.index_cast %parallel_loop3A_735 : i32 to index
          %parallel_loop3A_739 = arith.index_cast %parallel_loop3A_696 : i32 to index
          %parallel_loop3A_740 = tpu.vector_load %arg5[%parallel_loop3A_736, %parallel_loop3A_737, %parallel_loop3A_738, %parallel_loop3A_739] {strides = array<i32>} : memref<2x64x4x128xf32, #tpu.memory_space<vmem>>, vector<16xf32>,
          tpu.vector_store %arg5[%parallel_loop3A_736, %parallel_loop3A_737, %parallel_loop3A_738, %parallel_loop3A_739], %parallel_loop3A_734 {strides = array<i32>} : memref<2x64x4x128xf32, #tpu.memory_space<vmem>>, vector<16xf32>,
        } {sc.loop_unroll_factor = 1 : i64, sc.parallel_access}
        %shift_right_arithmetic3A_605 = arith.constant 7 : i32
        %shift_right_arithmetic3A_606 = arith.shrsi %min3A_482, %shift_right_arithmetic3A_605 : i32
        %parallel_loop3A_607 = arith.constant 0 : i32
        %parallel_loop3A_608 = arith.constant 1 : i32
        scf.for %parallel_loop3A_689 = %parallel_loop3A_607 to %shift_right_arithmetic3A_492 step %parallel_loop3A_608  : i32 {
          %parallel_loop3A_690 = arith.addi %shift_right_arithmetic3A_606, %parallel_loop3A_689 : i32
          %parallel_loop3A_691 = arith.constant 128 : i32
          %parallel_loop3A_692 = arith.muli %parallel_loop3A_689, %parallel_loop3A_691 : i32
          %parallel_loop3A_693 = arith.addi %min3A_482, %parallel_loop3A_692 : i32
          %parallel_loop3A_694 = arith.addi %sub3A_519, %parallel_loop3A_693 : i32
          %parallel_loop3A_695 = arith.constant 0 : i32
          %parallel_loop3A_696 = arith.addi %parallel_loop3A_694, %parallel_loop3A_695 : i32
          %parallel_loop3A_697 = arith.index_cast %parallel_loop3A_696 : i32 to index
          %parallel_loop3A_698 = tpu.vector_load %arg4[%parallel_loop3A_697] {strides = array<i32>} : memref<16400xf32, #tpu.memory_space<vmem>>, vector<16xf32>,
          %parallel_loop3A_699 = vector.broadcast %squeeze3A : f32 to vector<16xf32>
          %parallel_loop3A_700 = arith.subf %parallel_loop3A_698, %parallel_loop3A_699 : vector<16xf32>
          %parallel_loop3A_701 = arith.constant 0 : i32
          %parallel_loop3A_702 = arith.index_cast %and3A_296 : i32 to index
          %parallel_loop3A_703 = arith.index_cast %parallel_loop3A_690 : i32 to index
          %parallel_loop3A_704 = arith.index_cast %parallel_loop3A_701 : i32 to index
          %parallel_loop3A_705 = arith.constant 0 : index
          %parallel_loop3A_706 = tpu.vector_load %arg5[%parallel_loop3A_702, %parallel_loop3A_703, %parallel_loop3A_704, %parallel_loop3A_705] {strides = array<i32>} : memref<2x64x4x128xf32, #tpu.memory_space<vmem>>, vector<16xf32>,
          tpu.vector_store %arg5[%parallel_loop3A_702, %parallel_loop3A_703, %parallel_loop3A_704, %parallel_loop3A_705], %parallel_loop3A_700 {strides = array<i32>} : memref<2x64x4x128xf32, #tpu.memory_space<vmem>>, vector<16xf32>,
          %parallel_loop3A_707 = arith.constant 16 : i32
          %parallel_loop3A_708 = arith.addi %parallel_loop3A_694, %parallel_loop3A_707 : i32
          %parallel_loop3A_709 = arith.index_cast %parallel_loop3A_708 : i32 to index
          %parallel_loop3A_710 = tpu.vector_load %arg4[%parallel_loop3A_709] {strides = array<i32>} : memref<16400xf32, #tpu.memory_space<vmem>>, vector<16xf32>,
          %parallel_loop3A_711 = vector.broadcast %squeeze3A : f32 to vector<16xf32>
          %parallel_loop3A_712 = arith.subf %parallel_loop3A_710, %parallel_loop3A_711 : vector<16xf32>
          %parallel_loop3A_713 = arith.constant 0 : i32
          %parallel_loop3A_714 = arith.index_cast %and3A_296 : i32 to index
          %parallel_loop3A_715 = arith.index_cast %parallel_loop3A_690 : i32 to index
          %parallel_loop3A_716 = arith.index_cast %parallel_loop3A_713 : i32 to index
          %parallel_loop3A_717 = arith.constant 16 : index
          %parallel_loop3A_718 = tpu.vector_load %arg5[%parallel_loop3A_714, %parallel_loop3A_715, %parallel_loop3A_716, %parallel_loop3A_717] {strides = array<i32>} : memref<2x64x4x128xf32, #tpu.memory_space<vmem>>, vector<16xf32>,
          tpu.vector_store %arg5[%parallel_loop3A_714, %parallel_loop3A_715, %parallel_loop3A_716, %parallel_loop3A_717], %parallel_loop3A_712 {strides = array<i32>} : memref<2x64x4x128xf32, #tpu.memory_space<vmem>>, vector<16xf32>,
          %parallel_loop3A_719 = arith.constant 32 : i32
          %parallel_loop3A_720 = arith.addi %parallel_loop3A_694, %parallel_loop3A_719 : i32
          %parallel_loop3A_721 = arith.index_cast %parallel_loop3A_720 : i32 to index
          %parallel_loop3A_722 = tpu.vector_load %arg4[%parallel_loop3A_721] {strides = array<i32>} : memref<16400xf32, #tpu.memory_space<vmem>>, vector<16xf32>,
          %parallel_loop3A_723 = vector.broadcast %squeeze3A : f32 to vector<16xf32>
          %parallel_loop3A_724 = arith.subf %parallel_loop3A_722, %parallel_loop3A_723 : vector<16xf32>
          %parallel_loop3A_725 = arith.constant 0 : i32
          %parallel_loop3A_726 = arith.index_cast %and3A_296 : i32 to index
          %parallel_loop3A_727 = arith.index_cast %parallel_loop3A_690 : i32 to index
          %parallel_loop3A_728 = arith.index_cast %parallel_loop3A_725 : i32 to index
          %parallel_loop3A_729 = arith.constant 32 : index
          %parallel_loop3A_730 = tpu.vector_load %arg5[%parallel_loop3A_726, %parallel_loop3A_727, %parallel_loop3A_728, %parallel_loop3A_729] {strides = array<i32>} : memref<2x64x4x128xf32, #tpu.memory_space<vmem>>, vector<16xf32>,
          tpu.vector_store %arg5[%parallel_loop3A_726, %parallel_loop3A_727, %parallel_loop3A_728, %parallel_loop3A_729], %parallel_loop3A_724 {strides = array<i32>} : memref<2x64x4x128xf32, #tpu.memory_space<vmem>>, vector<16xf32>,
          %parallel_loop3A_731 = arith.constant 48 : i32
          %parallel_loop3A_732 = arith.addi %parallel_loop3A_694, %parallel_loop3A_731 : i32
          %parallel_loop3A_733 = arith.index_cast %parallel_loop3A_732 : i32 to index
          %parallel_loop3A_734 = tpu.vector_load %arg4[%parallel_loop3A_733] {strides = array<i32>} : memref<16400xf32, #tpu.memory_space<vmem>>, vector<16xf32>,
          %parallel_loop3A_735 = vector.broadcast %squeeze3A : f32 to vector<16xf32>
          %parallel_loop3A_736 = arith.subf %parallel_loop3A_734, %parallel_loop3A_735 : vector<16xf32>
          %parallel_loop3A_737 = arith.constant 0 : i32
          %parallel_loop3A_738 = arith.index_cast %and3A_296 : i32 to index
          %parallel_loop3A_739 = arith.index_cast %parallel_loop3A_690 : i32 to index
          %parallel_loop3A_740 = arith.index_cast %parallel_loop3A_737 : i32 to index
          %parallel_loop3A_741 = arith.constant 48 : index
          %parallel_loop3A_742 = tpu.vector_load %arg5[%parallel_loop3A_738, %parallel_loop3A_739, %parallel_loop3A_740, %parallel_loop3A_741] {strides = array<i32>} : memref<2x64x4x128xf32, #tpu.memory_space<vmem>>, vector<16xf32>,
          tpu.vector_store %arg5[%parallel_loop3A_738, %parallel_loop3A_739, %parallel_loop3A_740, %parallel_loop3A_741], %parallel_loop3A_736 {strides = array<i32>} : memref<2x64x4x128xf32, #tpu.memory_space<vmem>>, vector<16xf32>,
          %parallel_loop3A_743 = arith.constant 64 : i32
          %parallel_loop3A_744 = arith.addi %parallel_loop3A_694, %parallel_loop3A_743 : i32
          %parallel_loop3A_745 = arith.index_cast %parallel_loop3A_744 : i32 to index
          %parallel_loop3A_746 = tpu.vector_load %arg4[%parallel_loop3A_745] {strides = array<i32>} : memref<16400xf32, #tpu.memory_space<vmem>>, vector<16xf32>,
          %parallel_loop3A_747 = vector.broadcast %squeeze3A : f32 to vector<16xf32>
          %parallel_loop3A_748 = arith.subf %parallel_loop3A_746, %parallel_loop3A_747 : vector<16xf32>
          %parallel_loop3A_749 = arith.constant 0 : i32
          %parallel_loop3A_750 = arith.index_cast %and3A_296 : i32 to index
          %parallel_loop3A_751 = arith.index_cast %parallel_loop3A_690 : i32 to index
          %parallel_loop3A_752 = arith.index_cast %parallel_loop3A_749 : i32 to index
          %parallel_loop3A_753 = arith.constant 64 : index
          %parallel_loop3A_754 = tpu.vector_load %arg5[%parallel_loop3A_750, %parallel_loop3A_751, %parallel_loop3A_752, %parallel_loop3A_753] {strides = array<i32>} : memref<2x64x4x128xf32, #tpu.memory_space<vmem>>, vector<16xf32>,
          tpu.vector_store %arg5[%parallel_loop3A_750, %parallel_loop3A_751, %parallel_loop3A_752, %parallel_loop3A_753], %parallel_loop3A_748 {strides = array<i32>} : memref<2x64x4x128xf32, #tpu.memory_space<vmem>>, vector<16xf32>,
          %parallel_loop3A_755 = arith.constant 80 : i32
          %parallel_loop3A_756 = arith.addi %parallel_loop3A_694, %parallel_loop3A_755 : i32
          %parallel_loop3A_757 = arith.index_cast %parallel_loop3A_756 : i32 to index
          %parallel_loop3A_758 = tpu.vector_load %arg4[%parallel_loop3A_757] {strides = array<i32>} : memref<16400xf32, #tpu.memory_space<vmem>>, vector<16xf32>,
          %parallel_loop3A_759 = vector.broadcast %squeeze3A : f32 to vector<16xf32>
          %parallel_loop3A_760 = arith.subf %parallel_loop3A_758, %parallel_loop3A_759 : vector<16xf32>
          %parallel_loop3A_761 = arith.constant 0 : i32
          %parallel_loop3A_762 = arith.index_cast %and3A_296 : i32 to index
          %parallel_loop3A_763 = arith.index_cast %parallel_loop3A_690 : i32 to index
          %parallel_loop3A_764 = arith.index_cast %parallel_loop3A_761 : i32 to index
          %parallel_loop3A_765 = arith.constant 80 : index
          %parallel_loop3A_766 = tpu.vector_load %arg5[%parallel_loop3A_762, %parallel_loop3A_763, %parallel_loop3A_764, %parallel_loop3A_765] {strides = array<i32>} : memref<2x64x4x128xf32, #tpu.memory_space<vmem>>, vector<16xf32>,
          tpu.vector_store %arg5[%parallel_loop3A_762, %parallel_loop3A_763, %parallel_loop3A_764, %parallel_loop3A_765], %parallel_loop3A_760 {strides = array<i32>} : memref<2x64x4x128xf32, #tpu.memory_space<vmem>>, vector<16xf32>,
          %parallel_loop3A_767 = arith.constant 96 : i32
          %parallel_loop3A_768 = arith.addi %parallel_loop3A_694, %parallel_loop3A_767 : i32
          %parallel_loop3A_769 = arith.index_cast %parallel_loop3A_768 : i32 to index
          %parallel_loop3A_770 = tpu.vector_load %arg4[%parallel_loop3A_769] {strides = array<i32>} : memref<16400xf32, #tpu.memory_space<vmem>>, vector<16xf32>,
          %parallel_loop3A_771 = vector.broadcast %squeeze3A : f32 to vector<16xf32>
          %parallel_loop3A_772 = arith.subf %parallel_loop3A_770, %parallel_loop3A_771 : vector<16xf32>
          %parallel_loop3A_773 = arith.constant 0 : i32
          %parallel_loop3A_774 = arith.index_cast %and3A_296 : i32 to index
          %parallel_loop3A_775 = arith.index_cast %parallel_loop3A_690 : i32 to index
          %parallel_loop3A_776 = arith.index_cast %parallel_loop3A_773 : i32 to index
          %parallel_loop3A_777 = arith.constant 96 : index
          %parallel_loop3A_778 = tpu.vector_load %arg5[%parallel_loop3A_774, %parallel_loop3A_775, %parallel_loop3A_776, %parallel_loop3A_777] {strides = array<i32>} : memref<2x64x4x128xf32, #tpu.memory_space<vmem>>, vector<16xf32>,
          tpu.vector_store %arg5[%parallel_loop3A_774, %parallel_loop3A_775, %parallel_loop3A_776, %parallel_loop3A_777], %parallel_loop3A_772 {strides = array<i32>} : memref<2x64x4x128xf32, #tpu.memory_space<vmem>>, vector<16xf32>,
          %parallel_loop3A_779 = arith.constant 112 : i32
          %parallel_loop3A_780 = arith.addi %parallel_loop3A_694, %parallel_loop3A_779 : i32
          %parallel_loop3A_781 = arith.index_cast %parallel_loop3A_780 : i32 to index
          %parallel_loop3A_782 = tpu.vector_load %arg4[%parallel_loop3A_781] {strides = array<i32>} : memref<16400xf32, #tpu.memory_space<vmem>>, vector<16xf32>,
          %parallel_loop3A_783 = vector.broadcast %squeeze3A : f32 to vector<16xf32>
          %parallel_loop3A_784 = arith.subf %parallel_loop3A_782, %parallel_loop3A_783 : vector<16xf32>
          %parallel_loop3A_785 = arith.constant 0 : i32
          %parallel_loop3A_786 = arith.index_cast %and3A_296 : i32 to index
          %parallel_loop3A_787 = arith.index_cast %parallel_loop3A_690 : i32 to index
          %parallel_loop3A_788 = arith.index_cast %parallel_loop3A_785 : i32 to index
          %parallel_loop3A_789 = arith.constant 112 : index
          %parallel_loop3A_790 = tpu.vector_load %arg5[%parallel_loop3A_786, %parallel_loop3A_787, %parallel_loop3A_788, %parallel_loop3A_789] {strides = array<i32>} : memref<2x64x4x128xf32, #tpu.memory_space<vmem>>, vector<16xf32>,
          tpu.vector_store %arg5[%parallel_loop3A_786, %parallel_loop3A_787, %parallel_loop3A_788, %parallel_loop3A_789], %parallel_loop3A_784 {strides = array<i32>} : memref<2x64x4x128xf32, #tpu.memory_space<vmem>>, vector<16xf32>,
          %parallel_loop3A_791 = arith.addi %sub3A_522, %parallel_loop3A_693 : i32
          %parallel_loop3A_792 = arith.constant 0 : i32
          %parallel_loop3A_793 = arith.addi %parallel_loop3A_791, %parallel_loop3A_792 : i32
          %parallel_loop3A_794 = arith.index_cast %parallel_loop3A_793 : i32 to index
          %parallel_loop3A_795 = tpu.vector_load %arg4[%parallel_loop3A_794] {strides = array<i32>} : memref<16400xf32, #tpu.memory_space<vmem>>, vector<16xf32>,
          %parallel_loop3A_796 = vector.broadcast %squeeze3A_504 : f32 to vector<16xf32>
          %parallel_loop3A_797 = arith.subf %parallel_loop3A_795, %parallel_loop3A_796 : vector<16xf32>
          %parallel_loop3A_798 = arith.constant 1 : i32
          %parallel_loop3A_799 = arith.index_cast %and3A_296 : i32 to index
          %parallel_loop3A_800 = arith.index_cast %parallel_loop3A_690 : i32 to index
          %parallel_loop3A_801 = arith.index_cast %parallel_loop3A_798 : i32 to index
          %parallel_loop3A_802 = arith.constant 0 : index
          %parallel_loop3A_803 = tpu.vector_load %arg5[%parallel_loop3A_799, %parallel_loop3A_800, %parallel_loop3A_801, %parallel_loop3A_802] {strides = array<i32>} : memref<2x64x4x128xf32, #tpu.memory_space<vmem>>, vector<16xf32>,
          tpu.vector_store %arg5[%parallel_loop3A_799, %parallel_loop3A_800, %parallel_loop3A_801, %parallel_loop3A_802], %parallel_loop3A_797 {strides = array<i32>} : memref<2x64x4x128xf32, #tpu.memory_space<vmem>>, vector<16xf32>,
          %parallel_loop3A_804 = arith.constant 16 : i32
          %parallel_loop3A_805 = arith.addi %parallel_loop3A_791, %parallel_loop3A_804 : i32
          %parallel_loop3A_806 = arith.index_cast %parallel_loop3A_805 : i32 to index
          %parallel_loop3A_807 = tpu.vector_load %arg4[%parallel_loop3A_806] {strides = array<i32>} : memref<16400xf32, #tpu.memory_space<vmem>>, vector<16xf32>,
          %parallel_loop3A_808 = vector.broadcast %squeeze3A_504 : f32 to vector<16xf32>
          %parallel_loop3A_809 = arith.subf %parallel_loop3A_807, %parallel_loop3A_808 : vector<16xf32>
          %parallel_loop3A_810 = arith.constant 1 : i32
          %parallel_loop3A_811 = arith.index_cast %and3A_296 : i32 to index
          %parallel_loop3A_812 = arith.index_cast %parallel_loop3A_690 : i32 to index
          %parallel_loop3A_813 = arith.index_cast %parallel_loop3A_810 : i32 to index
          %parallel_loop3A_814 = arith.constant 16 : index
          %parallel_loop3A_815 = tpu.vector_load %arg5[%parallel_loop3A_811, %parallel_loop3A_812, %parallel_loop3A_813, %parallel_loop3A_814] {strides = array<i32>} : memref<2x64x4x128xf32, #tpu.memory_space<vmem>>, vector<16xf32>,
          tpu.vector_store %arg5[%parallel_loop3A_811, %parallel_loop3A_812, %parallel_loop3A_813, %parallel_loop3A_814], %parallel_loop3A_809 {strides = array<i32>} : memref<2x64x4x128xf32, #tpu.memory_space<vmem>>, vector<16xf32>,
          %parallel_loop3A_816 = arith.constant 32 : i32
          %parallel_loop3A_817 = arith.addi %parallel_loop3A_791, %parallel_loop3A_816 : i32
          %parallel_loop3A_818 = arith.index_cast %parallel_loop3A_817 : i32 to index
          %parallel_loop3A_819 = tpu.vector_load %arg4[%parallel_loop3A_818] {strides = array<i32>} : memref<16400xf32, #tpu.memory_space<vmem>>, vector<16xf32>,
          %parallel_loop3A_820 = vector.broadcast %squeeze3A_504 : f32 to vector<16xf32>
          %parallel_loop3A_821 = arith.subf %parallel_loop3A_819, %parallel_loop3A_820 : vector<16xf32>
          %parallel_loop3A_822 = arith.constant 1 : i32
          %parallel_loop3A_823 = arith.index_cast %and3A_296 : i32 to index
          %parallel_loop3A_824 = arith.index_cast %parallel_loop3A_690 : i32 to index
          %parallel_loop3A_825 = arith.index_cast %parallel_loop3A_822 : i32 to index
          %parallel_loop3A_826 = arith.constant 32 : index
          %parallel_loop3A_827 = tpu.vector_load %arg5[%parallel_loop3A_823, %parallel_loop3A_824, %parallel_loop3A_825, %parallel_loop3A_826] {strides = array<i32>} : memref<2x64x4x128xf32, #tpu.memory_space<vmem>>, vector<16xf32>,
          tpu.vector_store %arg5[%parallel_loop3A_823, %parallel_loop3A_824, %parallel_loop3A_825, %parallel_loop3A_826], %parallel_loop3A_821 {strides = array<i32>} : memref<2x64x4x128xf32, #tpu.memory_space<vmem>>, vector<16xf32>,
          %parallel_loop3A_828 = arith.constant 48 : i32
          %parallel_loop3A_829 = arith.addi %parallel_loop3A_791, %parallel_loop3A_828 : i32
          %parallel_loop3A_830 = arith.index_cast %parallel_loop3A_829 : i32 to index
          %parallel_loop3A_831 = tpu.vector_load %arg4[%parallel_loop3A_830] {strides = array<i32>} : memref<16400xf32, #tpu.memory_space<vmem>>, vector<16xf32>,
          %parallel_loop3A_832 = vector.broadcast %squeeze3A_504 : f32 to vector<16xf32>
          %parallel_loop3A_833 = arith.subf %parallel_loop3A_831, %parallel_loop3A_832 : vector<16xf32>
          %parallel_loop3A_834 = arith.constant 1 : i32
          %parallel_loop3A_835 = arith.index_cast %and3A_296 : i32 to index
          %parallel_loop3A_836 = arith.index_cast %parallel_loop3A_690 : i32 to index
          %parallel_loop3A_837 = arith.index_cast %parallel_loop3A_834 : i32 to index
          %parallel_loop3A_838 = arith.constant 48 : index
          %parallel_loop3A_839 = tpu.vector_load %arg5[%parallel_loop3A_835, %parallel_loop3A_836, %parallel_loop3A_837, %parallel_loop3A_838] {strides = array<i32>} : memref<2x64x4x128xf32, #tpu.memory_space<vmem>>, vector<16xf32>,
          tpu.vector_store %arg5[%parallel_loop3A_835, %parallel_loop3A_836, %parallel_loop3A_837, %parallel_loop3A_838], %parallel_loop3A_833 {strides = array<i32>} : memref<2x64x4x128xf32, #tpu.memory_space<vmem>>, vector<16xf32>,
          %parallel_loop3A_840 = arith.constant 64 : i32
          %parallel_loop3A_841 = arith.addi %parallel_loop3A_791, %parallel_loop3A_840 : i32
          %parallel_loop3A_842 = arith.index_cast %parallel_loop3A_841 : i32 to index
          %parallel_loop3A_843 = tpu.vector_load %arg4[%parallel_loop3A_842] {strides = array<i32>} : memref<16400xf32, #tpu.memory_space<vmem>>, vector<16xf32>,
          %parallel_loop3A_844 = vector.broadcast %squeeze3A_504 : f32 to vector<16xf32>
          %parallel_loop3A_845 = arith.subf %parallel_loop3A_843, %parallel_loop3A_844 : vector<16xf32>
          %parallel_loop3A_846 = arith.constant 1 : i32
          %parallel_loop3A_847 = arith.index_cast %and3A_296 : i32 to index
          %parallel_loop3A_848 = arith.index_cast %parallel_loop3A_690 : i32 to index
          %parallel_loop3A_849 = arith.index_cast %parallel_loop3A_846 : i32 to index
          %parallel_loop3A_850 = arith.constant 64 : index
          %parallel_loop3A_851 = tpu.vector_load %arg5[%parallel_loop3A_847, %parallel_loop3A_848, %parallel_loop3A_849, %parallel_loop3A_850] {strides = array<i32>} : memref<2x64x4x128xf32, #tpu.memory_space<vmem>>, vector<16xf32>,
          tpu.vector_store %arg5[%parallel_loop3A_847, %parallel_loop3A_848, %parallel_loop3A_849, %parallel_loop3A_850], %parallel_loop3A_845 {strides = array<i32>} : memref<2x64x4x128xf32, #tpu.memory_space<vmem>>, vector<16xf32>,
          %parallel_loop3A_852 = arith.constant 80 : i32
          %parallel_loop3A_853 = arith.addi %parallel_loop3A_791, %parallel_loop3A_852 : i32
          %parallel_loop3A_854 = arith.index_cast %parallel_loop3A_853 : i32 to index
          %parallel_loop3A_855 = tpu.vector_load %arg4[%parallel_loop3A_854] {strides = array<i32>} : memref<16400xf32, #tpu.memory_space<vmem>>, vector<16xf32>,
          %parallel_loop3A_856 = vector.broadcast %squeeze3A_504 : f32 to vector<16xf32>
          %parallel_loop3A_857 = arith.subf %parallel_loop3A_855, %parallel_loop3A_856 : vector<16xf32>
          %parallel_loop3A_858 = arith.constant 1 : i32
          %parallel_loop3A_859 = arith.index_cast %and3A_296 : i32 to index
          %parallel_loop3A_860 = arith.index_cast %parallel_loop3A_690 : i32 to index
          %parallel_loop3A_861 = arith.index_cast %parallel_loop3A_858 : i32 to index
          %parallel_loop3A_862 = arith.constant 80 : index
          %parallel_loop3A_863 = tpu.vector_load %arg5[%parallel_loop3A_859, %parallel_loop3A_860, %parallel_loop3A_861, %parallel_loop3A_862] {strides = array<i32>} : memref<2x64x4x128xf32, #tpu.memory_space<vmem>>, vector<16xf32>,
          tpu.vector_store %arg5[%parallel_loop3A_859, %parallel_loop3A_860, %parallel_loop3A_861, %parallel_loop3A_862], %parallel_loop3A_857 {strides = array<i32>} : memref<2x64x4x128xf32, #tpu.memory_space<vmem>>, vector<16xf32>,
          %parallel_loop3A_864 = arith.constant 96 : i32
          %parallel_loop3A_865 = arith.addi %parallel_loop3A_791, %parallel_loop3A_864 : i32
          %parallel_loop3A_866 = arith.index_cast %parallel_loop3A_865 : i32 to index
          %parallel_loop3A_867 = tpu.vector_load %arg4[%parallel_loop3A_866] {strides = array<i32>} : memref<16400xf32, #tpu.memory_space<vmem>>, vector<16xf32>,
          %parallel_loop3A_868 = vector.broadcast %squeeze3A_504 : f32 to vector<16xf32>
          %parallel_loop3A_869 = arith.subf %parallel_loop3A_867, %parallel_loop3A_868 : vector<16xf32>
          %parallel_loop3A_870 = arith.constant 1 : i32
          %parallel_loop3A_871 = arith.index_cast %and3A_296 : i32 to index
          %parallel_loop3A_872 = arith.index_cast %parallel_loop3A_690 : i32 to index
          %parallel_loop3A_873 = arith.index_cast %parallel_loop3A_870 : i32 to index
          %parallel_loop3A_874 = arith.constant 96 : index
          %parallel_loop3A_875 = tpu.vector_load %arg5[%parallel_loop3A_871, %parallel_loop3A_872, %parallel_loop3A_873, %parallel_loop3A_874] {strides = array<i32>} : memref<2x64x4x128xf32, #tpu.memory_space<vmem>>, vector<16xf32>,
          tpu.vector_store %arg5[%parallel_loop3A_871, %parallel_loop3A_872, %parallel_loop3A_873, %parallel_loop3A_874], %parallel_loop3A_869 {strides = array<i32>} : memref<2x64x4x128xf32, #tpu.memory_space<vmem>>, vector<16xf32>,
          %parallel_loop3A_876 = arith.constant 112 : i32
          %parallel_loop3A_877 = arith.addi %parallel_loop3A_791, %parallel_loop3A_876 : i32
          %parallel_loop3A_878 = arith.index_cast %parallel_loop3A_877 : i32 to index
          %parallel_loop3A_879 = tpu.vector_load %arg4[%parallel_loop3A_878] {strides = array<i32>} : memref<16400xf32, #tpu.memory_space<vmem>>, vector<16xf32>,
          %parallel_loop3A_880 = vector.broadcast %squeeze3A_504 : f32 to vector<16xf32>
          %parallel_loop3A_881 = arith.subf %parallel_loop3A_879, %parallel_loop3A_880 : vector<16xf32>
          %parallel_loop3A_882 = arith.constant 1 : i32
          %parallel_loop3A_883 = arith.index_cast %and3A_296 : i32 to index
          %parallel_loop3A_884 = arith.index_cast %parallel_loop3A_690 : i32 to index
          %parallel_loop3A_885 = arith.index_cast %parallel_loop3A_882 : i32 to index
          %parallel_loop3A_886 = arith.constant 112 : index
          %parallel_loop3A_887 = tpu.vector_load %arg5[%parallel_loop3A_883, %parallel_loop3A_884, %parallel_loop3A_885, %parallel_loop3A_886] {strides = array<i32>} : memref<2x64x4x128xf32, #tpu.memory_space<vmem>>, vector<16xf32>,
          tpu.vector_store %arg5[%parallel_loop3A_883, %parallel_loop3A_884, %parallel_loop3A_885, %parallel_loop3A_886], %parallel_loop3A_881 {strides = array<i32>} : memref<2x64x4x128xf32, #tpu.memory_space<vmem>>, vector<16xf32>,
          %parallel_loop3A_888 = arith.addi %sub3A_525, %parallel_loop3A_693 : i32
          %parallel_loop3A_889 = arith.constant 0 : i32
          %parallel_loop3A_890 = arith.addi %parallel_loop3A_888, %parallel_loop3A_889 : i32
          %parallel_loop3A_891 = arith.index_cast %parallel_loop3A_890 : i32 to index
          %parallel_loop3A_892 = tpu.vector_load %arg4[%parallel_loop3A_891] {strides = array<i32>} : memref<16400xf32, #tpu.memory_space<vmem>>, vector<16xf32>,
          %parallel_loop3A_893 = vector.broadcast %squeeze3A_510 : f32 to vector<16xf32>
          %parallel_loop3A_894 = arith.subf %parallel_loop3A_892, %parallel_loop3A_893 : vector<16xf32>
          %parallel_loop3A_895 = arith.constant 2 : i32
          %parallel_loop3A_896 = arith.index_cast %and3A_296 : i32 to index
          %parallel_loop3A_897 = arith.index_cast %parallel_loop3A_690 : i32 to index
          %parallel_loop3A_898 = arith.index_cast %parallel_loop3A_895 : i32 to index
          %parallel_loop3A_899 = arith.constant 0 : index
          %parallel_loop3A_900 = tpu.vector_load %arg5[%parallel_loop3A_896, %parallel_loop3A_897, %parallel_loop3A_898, %parallel_loop3A_899] {strides = array<i32>} : memref<2x64x4x128xf32, #tpu.memory_space<vmem>>, vector<16xf32>,
          tpu.vector_store %arg5[%parallel_loop3A_896, %parallel_loop3A_897, %parallel_loop3A_898, %parallel_loop3A_899], %parallel_loop3A_894 {strides = array<i32>} : memref<2x64x4x128xf32, #tpu.memory_space<vmem>>, vector<16xf32>,
          %parallel_loop3A_901 = arith.constant 16 : i32
          %parallel_loop3A_902 = arith.addi %parallel_loop3A_888, %parallel_loop3A_901 : i32
          %parallel_loop3A_903 = arith.index_cast %parallel_loop3A_902 : i32 to index
          %parallel_loop3A_904 = tpu.vector_load %arg4[%parallel_loop3A_903] {strides = array<i32>} : memref<16400xf32, #tpu.memory_space<vmem>>, vector<16xf32>,
          %parallel_loop3A_905 = vector.broadcast %squeeze3A_510 : f32 to vector<16xf32>
          %parallel_loop3A_906 = arith.subf %parallel_loop3A_904, %parallel_loop3A_905 : vector<16xf32>
          %parallel_loop3A_907 = arith.constant 2 : i32
          %parallel_loop3A_908 = arith.index_cast %and3A_296 : i32 to index
          %parallel_loop3A_909 = arith.index_cast %parallel_loop3A_690 : i32 to index
          %parallel_loop3A_910 = arith.index_cast %parallel_loop3A_907 : i32 to index
          %parallel_loop3A_911 = arith.constant 16 : index
          %parallel_loop3A_912 = tpu.vector_load %arg5[%parallel_loop3A_908, %parallel_loop3A_909, %parallel_loop3A_910, %parallel_loop3A_911] {strides = array<i32>} : memref<2x64x4x128xf32, #tpu.memory_space<vmem>>, vector<16xf32>,
          tpu.vector_store %arg5[%parallel_loop3A_908, %parallel_loop3A_909, %parallel_loop3A_910, %parallel_loop3A_911], %parallel_loop3A_906 {strides = array<i32>} : memref<2x64x4x128xf32, #tpu.memory_space<vmem>>, vector<16xf32>,
          %parallel_loop3A_913 = arith.constant 32 : i32
          %parallel_loop3A_914 = arith.addi %parallel_loop3A_888, %parallel_loop3A_913 : i32
          %parallel_loop3A_915 = arith.index_cast %parallel_loop3A_914 : i32 to index
          %parallel_loop3A_916 = tpu.vector_load %arg4[%parallel_loop3A_915] {strides = array<i32>} : memref<16400xf32, #tpu.memory_space<vmem>>, vector<16xf32>,
          %parallel_loop3A_917 = vector.broadcast %squeeze3A_510 : f32 to vector<16xf32>
          %parallel_loop3A_918 = arith.subf %parallel_loop3A_916, %parallel_loop3A_917 : vector<16xf32>
          %parallel_loop3A_919 = arith.constant 2 : i32
          %parallel_loop3A_920 = arith.index_cast %and3A_296 : i32 to index
          %parallel_loop3A_921 = arith.index_cast %parallel_loop3A_690 : i32 to index
          %parallel_loop3A_922 = arith.index_cast %parallel_loop3A_919 : i32 to index
          %parallel_loop3A_923 = arith.constant 32 : index
          %parallel_loop3A_924 = tpu.vector_load %arg5[%parallel_loop3A_920, %parallel_loop3A_921, %parallel_loop3A_922, %parallel_loop3A_923] {strides = array<i32>} : memref<2x64x4x128xf32, #tpu.memory_space<vmem>>, vector<16xf32>,
          tpu.vector_store %arg5[%parallel_loop3A_920, %parallel_loop3A_921, %parallel_loop3A_922, %parallel_loop3A_923], %parallel_loop3A_918 {strides = array<i32>} : memref<2x64x4x128xf32, #tpu.memory_space<vmem>>, vector<16xf32>,
          %parallel_loop3A_925 = arith.constant 48 : i32
          %parallel_loop3A_926 = arith.addi %parallel_loop3A_888, %parallel_loop3A_925 : i32
          %parallel_loop3A_927 = arith.index_cast %parallel_loop3A_926 : i32 to index
          %parallel_loop3A_928 = tpu.vector_load %arg4[%parallel_loop3A_927] {strides = array<i32>} : memref<16400xf32, #tpu.memory_space<vmem>>, vector<16xf32>,
          %parallel_loop3A_929 = vector.broadcast %squeeze3A_510 : f32 to vector<16xf32>
          %parallel_loop3A_930 = arith.subf %parallel_loop3A_928, %parallel_loop3A_929 : vector<16xf32>
          %parallel_loop3A_931 = arith.constant 2 : i32
          %parallel_loop3A_932 = arith.index_cast %and3A_296 : i32 to index
          %parallel_loop3A_933 = arith.index_cast %parallel_loop3A_690 : i32 to index
          %parallel_loop3A_934 = arith.index_cast %parallel_loop3A_931 : i32 to index
          %parallel_loop3A_935 = arith.constant 48 : index
          %parallel_loop3A_936 = tpu.vector_load %arg5[%parallel_loop3A_932, %parallel_loop3A_933, %parallel_loop3A_934, %parallel_loop3A_935] {strides = array<i32>} : memref<2x64x4x128xf32, #tpu.memory_space<vmem>>, vector<16xf32>,
          tpu.vector_store %arg5[%parallel_loop3A_932, %parallel_loop3A_933, %parallel_loop3A_934, %parallel_loop3A_935], %parallel_loop3A_930 {strides = array<i32>} : memref<2x64x4x128xf32, #tpu.memory_space<vmem>>, vector<16xf32>,
          %parallel_loop3A_937 = arith.constant 64 : i32
          %parallel_loop3A_938 = arith.addi %parallel_loop3A_888, %parallel_loop3A_937 : i32
          %parallel_loop3A_939 = arith.index_cast %parallel_loop3A_938 : i32 to index
          %parallel_loop3A_940 = tpu.vector_load %arg4[%parallel_loop3A_939] {strides = array<i32>} : memref<16400xf32, #tpu.memory_space<vmem>>, vector<16xf32>,
          %parallel_loop3A_941 = vector.broadcast %squeeze3A_510 : f32 to vector<16xf32>
          %parallel_loop3A_942 = arith.subf %parallel_loop3A_940, %parallel_loop3A_941 : vector<16xf32>
          %parallel_loop3A_943 = arith.constant 2 : i32
          %parallel_loop3A_944 = arith.index_cast %and3A_296 : i32 to index
          %parallel_loop3A_945 = arith.index_cast %parallel_loop3A_690 : i32 to index
          %parallel_loop3A_946 = arith.index_cast %parallel_loop3A_943 : i32 to index
          %parallel_loop3A_947 = arith.constant 64 : index
          %parallel_loop3A_948 = tpu.vector_load %arg5[%parallel_loop3A_944, %parallel_loop3A_945, %parallel_loop3A_946, %parallel_loop3A_947] {strides = array<i32>} : memref<2x64x4x128xf32, #tpu.memory_space<vmem>>, vector<16xf32>,
          tpu.vector_store %arg5[%parallel_loop3A_944, %parallel_loop3A_945, %parallel_loop3A_946, %parallel_loop3A_947], %parallel_loop3A_942 {strides = array<i32>} : memref<2x64x4x128xf32, #tpu.memory_space<vmem>>, vector<16xf32>,
          %parallel_loop3A_949 = arith.constant 80 : i32
          %parallel_loop3A_950 = arith.addi %parallel_loop3A_888, %parallel_loop3A_949 : i32
          %parallel_loop3A_951 = arith.index_cast %parallel_loop3A_950 : i32 to index
          %parallel_loop3A_952 = tpu.vector_load %arg4[%parallel_loop3A_951] {strides = array<i32>} : memref<16400xf32, #tpu.memory_space<vmem>>, vector<16xf32>,
          %parallel_loop3A_953 = vector.broadcast %squeeze3A_510 : f32 to vector<16xf32>
          %parallel_loop3A_954 = arith.subf %parallel_loop3A_952, %parallel_loop3A_953 : vector<16xf32>
          %parallel_loop3A_955 = arith.constant 2 : i32
          %parallel_loop3A_956 = arith.index_cast %and3A_296 : i32 to index
          %parallel_loop3A_957 = arith.index_cast %parallel_loop3A_690 : i32 to index
          %parallel_loop3A_958 = arith.index_cast %parallel_loop3A_955 : i32 to index
          %parallel_loop3A_959 = arith.constant 80 : index
          %parallel_loop3A_960 = tpu.vector_load %arg5[%parallel_loop3A_956, %parallel_loop3A_957, %parallel_loop3A_958, %parallel_loop3A_959] {strides = array<i32>} : memref<2x64x4x128xf32, #tpu.memory_space<vmem>>, vector<16xf32>,
          tpu.vector_store %arg5[%parallel_loop3A_956, %parallel_loop3A_957, %parallel_loop3A_958, %parallel_loop3A_959], %parallel_loop3A_954 {strides = array<i32>} : memref<2x64x4x128xf32, #tpu.memory_space<vmem>>, vector<16xf32>,
          %parallel_loop3A_961 = arith.constant 96 : i32
          %parallel_loop3A_962 = arith.addi %parallel_loop3A_888, %parallel_loop3A_961 : i32
          %parallel_loop3A_963 = arith.index_cast %parallel_loop3A_962 : i32 to index
          %parallel_loop3A_964 = tpu.vector_load %arg4[%parallel_loop3A_963] {strides = array<i32>} : memref<16400xf32, #tpu.memory_space<vmem>>, vector<16xf32>,
          %parallel_loop3A_965 = vector.broadcast %squeeze3A_510 : f32 to vector<16xf32>
          %parallel_loop3A_966 = arith.subf %parallel_loop3A_964, %parallel_loop3A_965 : vector<16xf32>
          %parallel_loop3A_967 = arith.constant 2 : i32
          %parallel_loop3A_968 = arith.index_cast %and3A_296 : i32 to index
          %parallel_loop3A_969 = arith.index_cast %parallel_loop3A_690 : i32 to index
          %parallel_loop3A_970 = arith.index_cast %parallel_loop3A_967 : i32 to index
          %parallel_loop3A_971 = arith.constant 96 : index
          %parallel_loop3A_972 = tpu.vector_load %arg5[%parallel_loop3A_968, %parallel_loop3A_969, %parallel_loop3A_970, %parallel_loop3A_971] {strides = array<i32>} : memref<2x64x4x128xf32, #tpu.memory_space<vmem>>, vector<16xf32>,
          tpu.vector_store %arg5[%parallel_loop3A_968, %parallel_loop3A_969, %parallel_loop3A_970, %parallel_loop3A_971], %parallel_loop3A_966 {strides = array<i32>} : memref<2x64x4x128xf32, #tpu.memory_space<vmem>>, vector<16xf32>,
          %parallel_loop3A_973 = arith.constant 112 : i32
          %parallel_loop3A_974 = arith.addi %parallel_loop3A_888, %parallel_loop3A_973 : i32
          %parallel_loop3A_975 = arith.index_cast %parallel_loop3A_974 : i32 to index
          %parallel_loop3A_976 = tpu.vector_load %arg4[%parallel_loop3A_975] {strides = array<i32>} : memref<16400xf32, #tpu.memory_space<vmem>>, vector<16xf32>,
          %parallel_loop3A_977 = vector.broadcast %squeeze3A_510 : f32 to vector<16xf32>
          %parallel_loop3A_978 = arith.subf %parallel_loop3A_976, %parallel_loop3A_977 : vector<16xf32>
          %parallel_loop3A_979 = arith.constant 2 : i32
          %parallel_loop3A_980 = arith.index_cast %and3A_296 : i32 to index
          %parallel_loop3A_981 = arith.index_cast %parallel_loop3A_690 : i32 to index
          %parallel_loop3A_982 = arith.index_cast %parallel_loop3A_979 : i32 to index
          %parallel_loop3A_983 = arith.constant 112 : index
          %parallel_loop3A_984 = tpu.vector_load %arg5[%parallel_loop3A_980, %parallel_loop3A_981, %parallel_loop3A_982, %parallel_loop3A_983] {strides = array<i32>} : memref<2x64x4x128xf32, #tpu.memory_space<vmem>>, vector<16xf32>,
          tpu.vector_store %arg5[%parallel_loop3A_980, %parallel_loop3A_981, %parallel_loop3A_982, %parallel_loop3A_983], %parallel_loop3A_978 {strides = array<i32>} : memref<2x64x4x128xf32, #tpu.memory_space<vmem>>, vector<16xf32>,
          %parallel_loop3A_985 = arith.addi %sub3A_528, %parallel_loop3A_693 : i32
          %parallel_loop3A_986 = arith.constant 0 : i32
          %parallel_loop3A_987 = arith.addi %parallel_loop3A_985, %parallel_loop3A_986 : i32
          %parallel_loop3A_988 = arith.index_cast %parallel_loop3A_987 : i32 to index
          %parallel_loop3A_989 = tpu.vector_load %arg4[%parallel_loop3A_988] {strides = array<i32>} : memref<16400xf32, #tpu.memory_space<vmem>>, vector<16xf32>,
          %parallel_loop3A_990 = vector.broadcast %squeeze3A_516 : f32 to vector<16xf32>
          %parallel_loop3A_991 = arith.subf %parallel_loop3A_989, %parallel_loop3A_990 : vector<16xf32>
          %parallel_loop3A_992 = arith.constant 3 : i32
          %parallel_loop3A_993 = arith.index_cast %and3A_296 : i32 to index
          %parallel_loop3A_994 = arith.index_cast %parallel_loop3A_690 : i32 to index
          %parallel_loop3A_995 = arith.index_cast %parallel_loop3A_992 : i32 to index
          %parallel_loop3A_996 = arith.constant 0 : index
          %parallel_loop3A_997 = tpu.vector_load %arg5[%parallel_loop3A_993, %parallel_loop3A_994, %parallel_loop3A_995, %parallel_loop3A_996] {strides = array<i32>} : memref<2x64x4x128xf32, #tpu.memory_space<vmem>>, vector<16xf32>,
          tpu.vector_store %arg5[%parallel_loop3A_993, %parallel_loop3A_994, %parallel_loop3A_995, %parallel_loop3A_996], %parallel_loop3A_991 {strides = array<i32>} : memref<2x64x4x128xf32, #tpu.memory_space<vmem>>, vector<16xf32>,
          %parallel_loop3A_998 = arith.constant 16 : i32
          %parallel_loop3A_999 = arith.addi %parallel_loop3A_985, %parallel_loop3A_998 : i32
          %parallel_loop3A_1000 = arith.index_cast %parallel_loop3A_999 : i32 to index
          %parallel_loop3A_1001 = tpu.vector_load %arg4[%parallel_loop3A_1000] {strides = array<i32>} : memref<16400xf32, #tpu.memory_space<vmem>>, vector<16xf32>,
          %parallel_loop3A_1002 = vector.broadcast %squeeze3A_516 : f32 to vector<16xf32>
          %parallel_loop3A_1003 = arith.subf %parallel_loop3A_1001, %parallel_loop3A_1002 : vector<16xf32>
          %parallel_loop3A_1004 = arith.constant 3 : i32
          %parallel_loop3A_1005 = arith.index_cast %and3A_296 : i32 to index
          %parallel_loop3A_1006 = arith.index_cast %parallel_loop3A_690 : i32 to index
          %parallel_loop3A_1007 = arith.index_cast %parallel_loop3A_1004 : i32 to index
          %parallel_loop3A_1008 = arith.constant 16 : index
          %parallel_loop3A_1009 = tpu.vector_load %arg5[%parallel_loop3A_1005, %parallel_loop3A_1006, %parallel_loop3A_1007, %parallel_loop3A_1008] {strides = array<i32>} : memref<2x64x4x128xf32, #tpu.memory_space<vmem>>, vector<16xf32>,
          tpu.vector_store %arg5[%parallel_loop3A_1005, %parallel_loop3A_1006, %parallel_loop3A_1007, %parallel_loop3A_1008], %parallel_loop3A_1003 {strides = array<i32>} : memref<2x64x4x128xf32, #tpu.memory_space<vmem>>, vector<16xf32>,
          %parallel_loop3A_1010 = arith.constant 32 : i32
          %parallel_loop3A_1011 = arith.addi %parallel_loop3A_985, %parallel_loop3A_1010 : i32
          %parallel_loop3A_1012 = arith.index_cast %parallel_loop3A_1011 : i32 to index
          %parallel_loop3A_1013 = tpu.vector_load %arg4[%parallel_loop3A_1012] {strides = array<i32>} : memref<16400xf32, #tpu.memory_space<vmem>>, vector<16xf32>,
          %parallel_loop3A_1014 = vector.broadcast %squeeze3A_516 : f32 to vector<16xf32>
          %parallel_loop3A_1015 = arith.subf %parallel_loop3A_1013, %parallel_loop3A_1014 : vector<16xf32>
          %parallel_loop3A_1016 = arith.constant 3 : i32
          %parallel_loop3A_1017 = arith.index_cast %and3A_296 : i32 to index
          %parallel_loop3A_1018 = arith.index_cast %parallel_loop3A_690 : i32 to index
          %parallel_loop3A_1019 = arith.index_cast %parallel_loop3A_1016 : i32 to index
          %parallel_loop3A_1020 = arith.constant 32 : index
          %parallel_loop3A_1021 = tpu.vector_load %arg5[%parallel_loop3A_1017, %parallel_loop3A_1018, %parallel_loop3A_1019, %parallel_loop3A_1020] {strides = array<i32>} : memref<2x64x4x128xf32, #tpu.memory_space<vmem>>, vector<16xf32>,
          tpu.vector_store %arg5[%parallel_loop3A_1017, %parallel_loop3A_1018, %parallel_loop3A_1019, %parallel_loop3A_1020], %parallel_loop3A_1015 {strides = array<i32>} : memref<2x64x4x128xf32, #tpu.memory_space<vmem>>, vector<16xf32>,
          %parallel_loop3A_1022 = arith.constant 48 : i32
          %parallel_loop3A_1023 = arith.addi %parallel_loop3A_985, %parallel_loop3A_1022 : i32
          %parallel_loop3A_1024 = arith.index_cast %parallel_loop3A_1023 : i32 to index
          %parallel_loop3A_1025 = tpu.vector_load %arg4[%parallel_loop3A_1024] {strides = array<i32>} : memref<16400xf32, #tpu.memory_space<vmem>>, vector<16xf32>,
          %parallel_loop3A_1026 = vector.broadcast %squeeze3A_516 : f32 to vector<16xf32>
          %parallel_loop3A_1027 = arith.subf %parallel_loop3A_1025, %parallel_loop3A_1026 : vector<16xf32>
          %parallel_loop3A_1028 = arith.constant 3 : i32
          %parallel_loop3A_1029 = arith.index_cast %and3A_296 : i32 to index
          %parallel_loop3A_1030 = arith.index_cast %parallel_loop3A_690 : i32 to index
          %parallel_loop3A_1031 = arith.index_cast %parallel_loop3A_1028 : i32 to index
          %parallel_loop3A_1032 = arith.constant 48 : index
          %parallel_loop3A_1033 = tpu.vector_load %arg5[%parallel_loop3A_1029, %parallel_loop3A_1030, %parallel_loop3A_1031, %parallel_loop3A_1032] {strides = array<i32>} : memref<2x64x4x128xf32, #tpu.memory_space<vmem>>, vector<16xf32>,
          tpu.vector_store %arg5[%parallel_loop3A_1029, %parallel_loop3A_1030, %parallel_loop3A_1031, %parallel_loop3A_1032], %parallel_loop3A_1027 {strides = array<i32>} : memref<2x64x4x128xf32, #tpu.memory_space<vmem>>, vector<16xf32>,
          %parallel_loop3A_1034 = arith.constant 64 : i32
          %parallel_loop3A_1035 = arith.addi %parallel_loop3A_985, %parallel_loop3A_1034 : i32
          %parallel_loop3A_1036 = arith.index_cast %parallel_loop3A_1035 : i32 to index
          %parallel_loop3A_1037 = tpu.vector_load %arg4[%parallel_loop3A_1036] {strides = array<i32>} : memref<16400xf32, #tpu.memory_space<vmem>>, vector<16xf32>,
          %parallel_loop3A_1038 = vector.broadcast %squeeze3A_516 : f32 to vector<16xf32>
          %parallel_loop3A_1039 = arith.subf %parallel_loop3A_1037, %parallel_loop3A_1038 : vector<16xf32>
          %parallel_loop3A_1040 = arith.constant 3 : i32
          %parallel_loop3A_1041 = arith.index_cast %and3A_296 : i32 to index
          %parallel_loop3A_1042 = arith.index_cast %parallel_loop3A_690 : i32 to index
          %parallel_loop3A_1043 = arith.index_cast %parallel_loop3A_1040 : i32 to index
          %parallel_loop3A_1044 = arith.constant 64 : index
          %parallel_loop3A_1045 = tpu.vector_load %arg5[%parallel_loop3A_1041, %parallel_loop3A_1042, %parallel_loop3A_1043, %parallel_loop3A_1044] {strides = array<i32>} : memref<2x64x4x128xf32, #tpu.memory_space<vmem>>, vector<16xf32>,
          tpu.vector_store %arg5[%parallel_loop3A_1041, %parallel_loop3A_1042, %parallel_loop3A_1043, %parallel_loop3A_1044], %parallel_loop3A_1039 {strides = array<i32>} : memref<2x64x4x128xf32, #tpu.memory_space<vmem>>, vector<16xf32>,
          %parallel_loop3A_1046 = arith.constant 80 : i32
          %parallel_loop3A_1047 = arith.addi %parallel_loop3A_985, %parallel_loop3A_1046 : i32
          %parallel_loop3A_1048 = arith.index_cast %parallel_loop3A_1047 : i32 to index
          %parallel_loop3A_1049 = tpu.vector_load %arg4[%parallel_loop3A_1048] {strides = array<i32>} : memref<16400xf32, #tpu.memory_space<vmem>>, vector<16xf32>,
          %parallel_loop3A_1050 = vector.broadcast %squeeze3A_516 : f32 to vector<16xf32>
          %parallel_loop3A_1051 = arith.subf %parallel_loop3A_1049, %parallel_loop3A_1050 : vector<16xf32>
          %parallel_loop3A_1052 = arith.constant 3 : i32
          %parallel_loop3A_1053 = arith.index_cast %and3A_296 : i32 to index
          %parallel_loop3A_1054 = arith.index_cast %parallel_loop3A_690 : i32 to index
          %parallel_loop3A_1055 = arith.index_cast %parallel_loop3A_1052 : i32 to index
          %parallel_loop3A_1056 = arith.constant 80 : index
          %parallel_loop3A_1057 = tpu.vector_load %arg5[%parallel_loop3A_1053, %parallel_loop3A_1054, %parallel_loop3A_1055, %parallel_loop3A_1056] {strides = array<i32>} : memref<2x64x4x128xf32, #tpu.memory_space<vmem>>, vector<16xf32>,
          tpu.vector_store %arg5[%parallel_loop3A_1053, %parallel_loop3A_1054, %parallel_loop3A_1055, %parallel_loop3A_1056], %parallel_loop3A_1051 {strides = array<i32>} : memref<2x64x4x128xf32, #tpu.memory_space<vmem>>, vector<16xf32>,
          %parallel_loop3A_1058 = arith.constant 96 : i32
          %parallel_loop3A_1059 = arith.addi %parallel_loop3A_985, %parallel_loop3A_1058 : i32
          %parallel_loop3A_1060 = arith.index_cast %parallel_loop3A_1059 : i32 to index
          %parallel_loop3A_1061 = tpu.vector_load %arg4[%parallel_loop3A_1060] {strides = array<i32>} : memref<16400xf32, #tpu.memory_space<vmem>>, vector<16xf32>,
          %parallel_loop3A_1062 = vector.broadcast %squeeze3A_516 : f32 to vector<16xf32>
          %parallel_loop3A_1063 = arith.subf %parallel_loop3A_1061, %parallel_loop3A_1062 : vector<16xf32>
          %parallel_loop3A_1064 = arith.constant 3 : i32
          %parallel_loop3A_1065 = arith.index_cast %and3A_296 : i32 to index
          %parallel_loop3A_1066 = arith.index_cast %parallel_loop3A_690 : i32 to index
          %parallel_loop3A_1067 = arith.index_cast %parallel_loop3A_1064 : i32 to index
          %parallel_loop3A_1068 = arith.constant 96 : index
          %parallel_loop3A_1069 = tpu.vector_load %arg5[%parallel_loop3A_1065, %parallel_loop3A_1066, %parallel_loop3A_1067, %parallel_loop3A_1068] {strides = array<i32>} : memref<2x64x4x128xf32, #tpu.memory_space<vmem>>, vector<16xf32>,
          tpu.vector_store %arg5[%parallel_loop3A_1065, %parallel_loop3A_1066, %parallel_loop3A_1067, %parallel_loop3A_1068], %parallel_loop3A_1063 {strides = array<i32>} : memref<2x64x4x128xf32, #tpu.memory_space<vmem>>, vector<16xf32>,
          %parallel_loop3A_1070 = arith.constant 112 : i32
          %parallel_loop3A_1071 = arith.addi %parallel_loop3A_985, %parallel_loop3A_1070 : i32
          %parallel_loop3A_1072 = arith.index_cast %parallel_loop3A_1071 : i32 to index
          %parallel_loop3A_1073 = tpu.vector_load %arg4[%parallel_loop3A_1072] {strides = array<i32>} : memref<16400xf32, #tpu.memory_space<vmem>>, vector<16xf32>,
          %parallel_loop3A_1074 = vector.broadcast %squeeze3A_516 : f32 to vector<16xf32>
          %parallel_loop3A_1075 = arith.subf %parallel_loop3A_1073, %parallel_loop3A_1074 : vector<16xf32>
          %parallel_loop3A_1076 = arith.constant 3 : i32
          %parallel_loop3A_1077 = arith.index_cast %and3A_296 : i32 to index
          %parallel_loop3A_1078 = arith.index_cast %parallel_loop3A_690 : i32 to index
          %parallel_loop3A_1079 = arith.index_cast %parallel_loop3A_1076 : i32 to index
          %parallel_loop3A_1080 = arith.constant 112 : index
          %parallel_loop3A_1081 = tpu.vector_load %arg5[%parallel_loop3A_1077, %parallel_loop3A_1078, %parallel_loop3A_1079, %parallel_loop3A_1080] {strides = array<i32>} : memref<2x64x4x128xf32, #tpu.memory_space<vmem>>, vector<16xf32>,
          tpu.vector_store %arg5[%parallel_loop3A_1077, %parallel_loop3A_1078, %parallel_loop3A_1079, %parallel_loop3A_1080], %parallel_loop3A_1075 {strides = array<i32>} : memref<2x64x4x128xf32, #tpu.memory_space<vmem>>, vector<16xf32>,
        } {sc.loop_unroll_factor = 2 : i64, sc.parallel_access}
        %parallel_loop3A_609 = arith.constant 0 : i32
        %parallel_loop3A_610 = arith.constant 1 : i32
        scf.for %parallel_loop3A_689 = %parallel_loop3A_609 to %shift_right_arithmetic3A_495 step %parallel_loop3A_610  : i32 {
          %parallel_loop3A_690 = arith.constant 16 : i32
          %parallel_loop3A_691 = arith.muli %parallel_loop3A_689, %parallel_loop3A_690 : i32
          %parallel_loop3A_692 = arith.addi %add3A_486, %parallel_loop3A_691 : i32
          %parallel_loop3A_693 = arith.constant 7 : i32
          %parallel_loop3A_694 = arith.shrsi %parallel_loop3A_692, %parallel_loop3A_693 : i32
          %parallel_loop3A_695 = arith.constant 127 : i32
          %parallel_loop3A_696 = arith.andi %parallel_loop3A_692, %parallel_loop3A_695 : i32
          %parallel_loop3A_697 = arith.addi %sub3A_519, %parallel_loop3A_692 : i32
          %parallel_loop3A_698 = arith.index_cast %parallel_loop3A_697 : i32 to index
          %parallel_loop3A_699 = tpu.vector_load %arg4[%parallel_loop3A_698] {strides = array<i32>} : memref<16400xf32, #tpu.memory_space<vmem>>, vector<16xf32>,
          %parallel_loop3A_700 = vector.broadcast %squeeze3A : f32 to vector<16xf32>
          %parallel_loop3A_701 = arith.subf %parallel_loop3A_699, %parallel_loop3A_700 : vector<16xf32>
          %parallel_loop3A_702 = arith.constant 0 : i32
          %parallel_loop3A_703 = arith.index_cast %and3A_296 : i32 to index
          %parallel_loop3A_704 = arith.index_cast %parallel_loop3A_694 : i32 to index
          %parallel_loop3A_705 = arith.index_cast %parallel_loop3A_702 : i32 to index
          %parallel_loop3A_706 = arith.index_cast %parallel_loop3A_696 : i32 to index
          %parallel_loop3A_707 = tpu.vector_load %arg5[%parallel_loop3A_703, %parallel_loop3A_704, %parallel_loop3A_705, %parallel_loop3A_706] {strides = array<i32>} : memref<2x64x4x128xf32, #tpu.memory_space<vmem>>, vector<16xf32>,
          tpu.vector_store %arg5[%parallel_loop3A_703, %parallel_loop3A_704, %parallel_loop3A_705, %parallel_loop3A_706], %parallel_loop3A_701 {strides = array<i32>} : memref<2x64x4x128xf32, #tpu.memory_space<vmem>>, vector<16xf32>,
          %parallel_loop3A_708 = arith.addi %sub3A_522, %parallel_loop3A_692 : i32
          %parallel_loop3A_709 = arith.index_cast %parallel_loop3A_708 : i32 to index
          %parallel_loop3A_710 = tpu.vector_load %arg4[%parallel_loop3A_709] {strides = array<i32>} : memref<16400xf32, #tpu.memory_space<vmem>>, vector<16xf32>,
          %parallel_loop3A_711 = vector.broadcast %squeeze3A_504 : f32 to vector<16xf32>
          %parallel_loop3A_712 = arith.subf %parallel_loop3A_710, %parallel_loop3A_711 : vector<16xf32>
          %parallel_loop3A_713 = arith.constant 1 : i32
          %parallel_loop3A_714 = arith.index_cast %and3A_296 : i32 to index
          %parallel_loop3A_715 = arith.index_cast %parallel_loop3A_694 : i32 to index
          %parallel_loop3A_716 = arith.index_cast %parallel_loop3A_713 : i32 to index
          %parallel_loop3A_717 = arith.index_cast %parallel_loop3A_696 : i32 to index
          %parallel_loop3A_718 = tpu.vector_load %arg5[%parallel_loop3A_714, %parallel_loop3A_715, %parallel_loop3A_716, %parallel_loop3A_717] {strides = array<i32>} : memref<2x64x4x128xf32, #tpu.memory_space<vmem>>, vector<16xf32>,
          tpu.vector_store %arg5[%parallel_loop3A_714, %parallel_loop3A_715, %parallel_loop3A_716, %parallel_loop3A_717], %parallel_loop3A_712 {strides = array<i32>} : memref<2x64x4x128xf32, #tpu.memory_space<vmem>>, vector<16xf32>,
          %parallel_loop3A_719 = arith.addi %sub3A_525, %parallel_loop3A_692 : i32
          %parallel_loop3A_720 = arith.index_cast %parallel_loop3A_719 : i32 to index
          %parallel_loop3A_721 = tpu.vector_load %arg4[%parallel_loop3A_720] {strides = array<i32>} : memref<16400xf32, #tpu.memory_space<vmem>>, vector<16xf32>,
          %parallel_loop3A_722 = vector.broadcast %squeeze3A_510 : f32 to vector<16xf32>
          %parallel_loop3A_723 = arith.subf %parallel_loop3A_721, %parallel_loop3A_722 : vector<16xf32>
          %parallel_loop3A_724 = arith.constant 2 : i32
          %parallel_loop3A_725 = arith.index_cast %and3A_296 : i32 to index
          %parallel_loop3A_726 = arith.index_cast %parallel_loop3A_694 : i32 to index
          %parallel_loop3A_727 = arith.index_cast %parallel_loop3A_724 : i32 to index
          %parallel_loop3A_728 = arith.index_cast %parallel_loop3A_696 : i32 to index
          %parallel_loop3A_729 = tpu.vector_load %arg5[%parallel_loop3A_725, %parallel_loop3A_726, %parallel_loop3A_727, %parallel_loop3A_728] {strides = array<i32>} : memref<2x64x4x128xf32, #tpu.memory_space<vmem>>, vector<16xf32>,
          tpu.vector_store %arg5[%parallel_loop3A_725, %parallel_loop3A_726, %parallel_loop3A_727, %parallel_loop3A_728], %parallel_loop3A_723 {strides = array<i32>} : memref<2x64x4x128xf32, #tpu.memory_space<vmem>>, vector<16xf32>,
          %parallel_loop3A_730 = arith.addi %sub3A_528, %parallel_loop3A_692 : i32
          %parallel_loop3A_731 = arith.index_cast %parallel_loop3A_730 : i32 to index
          %parallel_loop3A_732 = tpu.vector_load %arg4[%parallel_loop3A_731] {strides = array<i32>} : memref<16400xf32, #tpu.memory_space<vmem>>, vector<16xf32>,
          %parallel_loop3A_733 = vector.broadcast %squeeze3A_516 : f32 to vector<16xf32>
          %parallel_loop3A_734 = arith.subf %parallel_loop3A_732, %parallel_loop3A_733 : vector<16xf32>
          %parallel_loop3A_735 = arith.constant 3 : i32
          %parallel_loop3A_736 = arith.index_cast %and3A_296 : i32 to index
          %parallel_loop3A_737 = arith.index_cast %parallel_loop3A_694 : i32 to index
          %parallel_loop3A_738 = arith.index_cast %parallel_loop3A_735 : i32 to index
          %parallel_loop3A_739 = arith.index_cast %parallel_loop3A_696 : i32 to index
          %parallel_loop3A_740 = tpu.vector_load %arg5[%parallel_loop3A_736, %parallel_loop3A_737, %parallel_loop3A_738, %parallel_loop3A_739] {strides = array<i32>} : memref<2x64x4x128xf32, #tpu.memory_space<vmem>>, vector<16xf32>,
          tpu.vector_store %arg5[%parallel_loop3A_736, %parallel_loop3A_737, %parallel_loop3A_738, %parallel_loop3A_739], %parallel_loop3A_734 {strides = array<i32>} : memref<2x64x4x128xf32, #tpu.memory_space<vmem>>, vector<16xf32>,
        } {sc.loop_unroll_factor = 1 : i64, sc.parallel_access}
        %sub3A_611 = arith.subi %sub3A_464, %add3A_477 : i32
        %add3A_612 = arith.addi %sub3A_519, %add3A_477 : i32
        %add3A_613 = vector.broadcast %add3A_477 : i32 to vector<16xi32>
        %add3A_614 = arith.addi %add3A_613, %iota3A : vector<16xi32>
        %lt3A_615 = vector.broadcast %sub3A_611 : i32 to vector<16xi32>
        %lt3A_616 = arith.cmpi slt, %iota3A, %lt3A_615 : vector<16xi32>
        %broadcast_in_dim3A_617 = vector.broadcast %and3A_296 : i32 to vector<16xi32>
        %shift_right_arithmetic3A_618 = arith.constant 7 : i32
        %shift_right_arithmetic3A_619 = vector.broadcast %shift_right_arithmetic3A_618 : i32 to vector<16xi32>
        %shift_right_arithmetic3A_620 = arith.shrsi %add3A_614, %shift_right_arithmetic3A_619 : vector<16xi32>
        %and3A_621 = arith.constant 127 : i32
        %and3A_622 = vector.broadcast %and3A_621 : i32 to vector<16xi32>
        %and3A_623 = arith.andi %add3A_614, %and3A_622 : vector<16xi32>
        %broadcast_in_dim3A_624 = arith.constant 0 : i32
        %broadcast_in_dim3A_625 = vector.broadcast %broadcast_in_dim3A_624 : i32 to vector<16xi32>
        %get3A_626 = arith.index_cast %add3A_612 : i32 to index
        %get3A_627 = tpu.vector_load %arg4[%get3A_626] {strides = array<i32>} : memref<16400xf32, #tpu.memory_space<vmem>>, vector<16xf32>,
        %sub3A_628 = vector.broadcast %squeeze3A : f32 to vector<16xf32>
        %sub3A_629 = arith.subf %get3A_627, %sub3A_628 : vector<16xf32>
        tpu.vector_store_idx %arg5[%broadcast_in_dim3A_617, %shift_right_arithmetic3A_620, %broadcast_in_dim3A_625, %and3A_623], %sub3A_629 masked %lt3A_616 : memref<2x64x4x128xf32, #tpu.memory_space<vmem>>[vector<16xi32>, vector<16xi32>, vector<16xi32>, vector<16xi32>], vector<16xf32>, vector<16xi1>
        %sub3A_630 = arith.subi %sub3A_464, %add3A_477 : i32
        %add3A_631 = arith.addi %sub3A_522, %add3A_477 : i32
        %add3A_632 = vector.broadcast %add3A_477 : i32 to vector<16xi32>
        %add3A_633 = arith.addi %add3A_632, %iota3A : vector<16xi32>
        %lt3A_634 = vector.broadcast %sub3A_630 : i32 to vector<16xi32>
        %lt3A_635 = arith.cmpi slt, %iota3A, %lt3A_634 : vector<16xi32>
        %broadcast_in_dim3A_636 = vector.broadcast %and3A_296 : i32 to vector<16xi32>
        %shift_right_arithmetic3A_637 = arith.constant 7 : i32
        %shift_right_arithmetic3A_638 = vector.broadcast %shift_right_arithmetic3A_637 : i32 to vector<16xi32>
        %shift_right_arithmetic3A_639 = arith.shrsi %add3A_633, %shift_right_arithmetic3A_638 : vector<16xi32>
        %and3A_640 = arith.constant 127 : i32
        %and3A_641 = vector.broadcast %and3A_640 : i32 to vector<16xi32>
        %and3A_642 = arith.andi %add3A_633, %and3A_641 : vector<16xi32>
        %broadcast_in_dim3A_643 = arith.constant 1 : i32
        %broadcast_in_dim3A_644 = vector.broadcast %broadcast_in_dim3A_643 : i32 to vector<16xi32>
        %get3A_645 = arith.index_cast %add3A_631 : i32 to index
        %get3A_646 = tpu.vector_load %arg4[%get3A_645] {strides = array<i32>} : memref<16400xf32, #tpu.memory_space<vmem>>, vector<16xf32>,
        %sub3A_647 = vector.broadcast %squeeze3A_504 : f32 to vector<16xf32>
        %sub3A_648 = arith.subf %get3A_646, %sub3A_647 : vector<16xf32>
        tpu.vector_store_idx %arg5[%broadcast_in_dim3A_636, %shift_right_arithmetic3A_639, %broadcast_in_dim3A_644, %and3A_642], %sub3A_648 masked %lt3A_635 : memref<2x64x4x128xf32, #tpu.memory_space<vmem>>[vector<16xi32>, vector<16xi32>, vector<16xi32>, vector<16xi32>], vector<16xf32>, vector<16xi1>
        %sub3A_649 = arith.subi %sub3A_464, %add3A_477 : i32
        %add3A_650 = arith.addi %sub3A_525, %add3A_477 : i32
        %add3A_651 = vector.broadcast %add3A_477 : i32 to vector<16xi32>
        %add3A_652 = arith.addi %add3A_651, %iota3A : vector<16xi32>
        %lt3A_653 = vector.broadcast %sub3A_649 : i32 to vector<16xi32>
        %lt3A_654 = arith.cmpi slt, %iota3A, %lt3A_653 : vector<16xi32>
        %broadcast_in_dim3A_655 = vector.broadcast %and3A_296 : i32 to vector<16xi32>
        %shift_right_arithmetic3A_656 = arith.constant 7 : i32
        %shift_right_arithmetic3A_657 = vector.broadcast %shift_right_arithmetic3A_656 : i32 to vector<16xi32>
        %shift_right_arithmetic3A_658 = arith.shrsi %add3A_652, %shift_right_arithmetic3A_657 : vector<16xi32>
        %and3A_659 = arith.constant 127 : i32
        %and3A_660 = vector.broadcast %and3A_659 : i32 to vector<16xi32>
        %and3A_661 = arith.andi %add3A_652, %and3A_660 : vector<16xi32>
        %broadcast_in_dim3A_662 = arith.constant 2 : i32
        %broadcast_in_dim3A_663 = vector.broadcast %broadcast_in_dim3A_662 : i32 to vector<16xi32>
        %get3A_664 = arith.index_cast %add3A_650 : i32 to index
        %get3A_665 = tpu.vector_load %arg4[%get3A_664] {strides = array<i32>} : memref<16400xf32, #tpu.memory_space<vmem>>, vector<16xf32>,
        %sub3A_666 = vector.broadcast %squeeze3A_510 : f32 to vector<16xf32>
        %sub3A_667 = arith.subf %get3A_665, %sub3A_666 : vector<16xf32>
        tpu.vector_store_idx %arg5[%broadcast_in_dim3A_655, %shift_right_arithmetic3A_658, %broadcast_in_dim3A_663, %and3A_661], %sub3A_667 masked %lt3A_654 : memref<2x64x4x128xf32, #tpu.memory_space<vmem>>[vector<16xi32>, vector<16xi32>, vector<16xi32>, vector<16xi32>], vector<16xf32>, vector<16xi1>
        %sub3A_668 = arith.subi %sub3A_464, %add3A_477 : i32
        %add3A_669 = arith.addi %sub3A_528, %add3A_477 : i32
        %add3A_670 = vector.broadcast %add3A_477 : i32 to vector<16xi32>
        %add3A_671 = arith.addi %add3A_670, %iota3A : vector<16xi32>
        %lt3A_672 = vector.broadcast %sub3A_668 : i32 to vector<16xi32>
        %lt3A_673 = arith.cmpi slt, %iota3A, %lt3A_672 : vector<16xi32>
        %broadcast_in_dim3A_674 = vector.broadcast %and3A_296 : i32 to vector<16xi32>
        %shift_right_arithmetic3A_675 = arith.constant 7 : i32
        %shift_right_arithmetic3A_676 = vector.broadcast %shift_right_arithmetic3A_675 : i32 to vector<16xi32>
        %shift_right_arithmetic3A_677 = arith.shrsi %add3A_671, %shift_right_arithmetic3A_676 : vector<16xi32>
        %and3A_678 = arith.constant 127 : i32
        %and3A_679 = vector.broadcast %and3A_678 : i32 to vector<16xi32>
        %and3A_680 = arith.andi %add3A_671, %and3A_679 : vector<16xi32>
        %broadcast_in_dim3A_681 = arith.constant 3 : i32
        %broadcast_in_dim3A_682 = vector.broadcast %broadcast_in_dim3A_681 : i32 to vector<16xi32>
        %get3A_683 = arith.index_cast %add3A_669 : i32 to index
        %get3A_684 = tpu.vector_load %arg4[%get3A_683] {strides = array<i32>} : memref<16400xf32, #tpu.memory_space<vmem>>, vector<16xf32>,
        %sub3A_685 = vector.broadcast %squeeze3A_516 : f32 to vector<16xf32>
        %sub3A_686 = arith.subf %get3A_684, %sub3A_685 : vector<16xf32>
        tpu.vector_store_idx %arg5[%broadcast_in_dim3A_674, %shift_right_arithmetic3A_677, %broadcast_in_dim3A_682, %and3A_680], %sub3A_686 masked %lt3A_673 : memref<2x64x4x128xf32, #tpu.memory_space<vmem>>[vector<16xi32>, vector<16xi32>, vector<16xi32>, vector<16xi32>], vector<16xf32>, vector<16xi1>
        %add3A_687 = arith.constant 1 : i32
        %add3A_688 = arith.addi %while3A_458, %add3A_687 : i32
        scf.yield %add3A_688, %add3A_462 : i32, i32
      }
      %dma_start3A = arith.constant 0 : i32
      %dma_start3A_442 = arith.constant 0 : i32
      %dma_start3A_443 = arith.constant 0 : i32
      %dma_start3A_444 = tpu.memref_slice %arg5[%and3A_296, %dma_start3A, %dma_start3A_442, %dma_start3A_443] : memref<2x64x4x128xf32, #tpu.memory_space<vmem>> -> memref<1x64x4x128xf32, #tpu.memory_space<vmem>>
      %dma_start3A_445 = tpu.memref_squeeze %dma_start3A_444 : memref<1x64x4x128xf32, #tpu.memory_space<vmem>> -> memref<64x4x128xf32, #tpu.memory_space<vmem>>
      %dma_start3A_446 = arith.constant 0 : i32
      %dma_start3A_447 = arith.constant 0 : i32
      %dma_start3A_448 = tpu.memref_slice %arg3[%mul3A_293, %dma_start3A_446, %dma_start3A_447] : memref<65520x4x128xf32, #tpu.memory_space<hbm>> -> memref<64x4x128xf32, #tpu.memory_space<hbm>>
      %dma_start3A_449 = arith.constant 0 : i32
      %dma_start3A_450 = arith.constant 0 : i32
      %dma_start3A_451 = tpu.memref_slice %arg3[%mul3A_293, %dma_start3A_449, %dma_start3A_450] : memref<65520x4x128xf32, #tpu.memory_space<hbm>> -> memref<64x4x128xf32, #tpu.memory_space<hbm>>
      %dma_start3A_452 = arith.constant 0 : i32
      %dma_start3A_453 = arith.constant 0 : i32
      %dma_start3A_454 = arith.constant 0 : i32
      %dma_start3A_455 = tpu.memref_slice %arg5[%and3A_296, %dma_start3A_452, %dma_start3A_453, %dma_start3A_454] : memref<2x64x4x128xf32, #tpu.memory_space<vmem>> -> memref<1x64x4x128xf32, #tpu.memory_space<vmem>>
      %dma_start3A_456 = tpu.memref_squeeze %dma_start3A_455 : memref<1x64x4x128xf32, #tpu.memory_space<vmem>> -> memref<64x4x128xf32, #tpu.memory_space<vmem>>
      tpu.enqueue_dma source(%dma_start3A_456 : memref<64x4x128xf32, #tpu.memory_space<vmem>>) target(%dma_start3A_451 : memref<64x4x128xf32, #tpu.memory_space<hbm>>) target_semaphore(%arg6 : memref<!tpu.dma_semaphore, #tpu.memory_space<semaphore_mem>>)
      %while3A_457 = arith.constant 0 : i32
      scf.yield %while3A_457 : i32
    }
    %while3A_257 = arith.constant 1 : i32
    %while3A_258 = scf.for %while3A_289 = %while3A_254 to %while3A_250 step %while3A_257 iter_args(%while3A_290 = %while3A_256) -> (i32)  : i32 {
      %add3A_291 = arith.addi %select_n3A_243, %while3A_289 : i32
      %mul3A_292 = arith.constant 64 : i32
      %mul3A_293 = arith.muli %add3A_291, %mul3A_292 : i32
      %mul3A_294 = arith.constant 128 : i32
      %mul3A_295 = arith.muli %mul3A_293, %mul3A_294 : i32
      %and3A = arith.constant 1 : i32
      %and3A_296 = arith.andi %while3A_289, %and3A : i32
      %ge3A = arith.constant 2 : i32
      %ge3A_297 = arith.cmpi sge, %while3A_289, %ge3A : i32
      %convert_element_type3A_298 = arith.extui %ge3A_297 : i1 to i32
      %cond3A_299 = arith.constant 0 : i32
      %cond3A_300 = arith.cmpi ne, %convert_element_type3A_298, %cond3A_299 : i32
      scf.if %cond3A_300 {
        %dma_wait3A_458 = arith.constant 0 : i32
        %dma_wait3A_459 = arith.constant 0 : i32
        %dma_wait3A_460 = arith.constant 0 : i32
        %dma_wait3A_461 = arith.constant 0 : i32
        %dma_wait3A_462 = tpu.memref_slice %arg5[%dma_wait3A_458, %dma_wait3A_459, %dma_wait3A_460, %dma_wait3A_461] : memref<2x64x4x128xf32, #tpu.memory_space<vmem>> -> memref<1x64x4x128xf32, #tpu.memory_space<vmem>>
        %dma_wait3A_463 = tpu.memref_squeeze %dma_wait3A_462 : memref<1x64x4x128xf32, #tpu.memory_space<vmem>> -> memref<64x4x128xf32, #tpu.memory_space<vmem>>
        %dma_wait3A_464 = arith.constant 0 : i32
        %dma_wait3A_465 = arith.constant 0 : i32
        %dma_wait3A_466 = arith.constant 0 : i32
        %dma_wait3A_467 = tpu.memref_slice %arg3[%dma_wait3A_464, %dma_wait3A_465, %dma_wait3A_466] : memref<65520x4x128xf32, #tpu.memory_space<hbm>> -> memref<64x4x128xf32, #tpu.memory_space<hbm>>
        %dma_wait3A_468 = arith.constant 0 : i32
        %dma_wait3A_469 = arith.constant 0 : i32
        %dma_wait3A_470 = arith.constant 0 : i32
        %dma_wait3A_471 = tpu.memref_slice %arg3[%dma_wait3A_468, %dma_wait3A_469, %dma_wait3A_470] : memref<65520x4x128xf32, #tpu.memory_space<hbm>> -> memref<64x4x128xf32, #tpu.memory_space<hbm>>
        %dma_wait3A_472 = arith.constant 0 : i32
        %dma_wait3A_473 = arith.constant 0 : i32
        %dma_wait3A_474 = arith.constant 0 : i32
        %dma_wait3A_475 = tpu.memref_slice %arg5[%dma_wait3A_458, %dma_wait3A_472, %dma_wait3A_473, %dma_wait3A_474] : memref<2x64x4x128xf32, #tpu.memory_space<vmem>> -> memref<1x64x4x128xf32, #tpu.memory_space<vmem>>
        %dma_wait3A_476 = tpu.memref_squeeze %dma_wait3A_475 : memref<1x64x4x128xf32, #tpu.memory_space<vmem>> -> memref<64x4x128xf32, #tpu.memory_space<vmem>>
        tpu.wait_dma2 semaphore(%arg6 : memref<!tpu.dma_semaphore, #tpu.memory_space<semaphore_mem>>) src(%dma_wait3A_476 : memref<64x4x128xf32, #tpu.memory_space<vmem>>) dst(%dma_wait3A_471 : memref<64x4x128xf32, #tpu.memory_space<hbm>>)
      } else {
      }
      %add3A_301 = arith.constant 8192 : i32
      %add3A_302 = arith.addi %mul3A_295, %add3A_301 : i32
      %add3A_303 = arith.constant 0 : i32
      %add3A_304 = arith.constant 4095 : i32
      %add3A_305 = arith.addi %add3A_303, %add3A_304 : i32
      %shift_right_arithmetic3A = arith.constant 1 : i32
      %shift_right_arithmetic3A_306 = arith.shrsi %add3A_305, %shift_right_arithmetic3A : i32
      %sub3A = arith.constant 8191 : i32
      %sub3A_307 = arith.subi %sub3A, %shift_right_arithmetic3A_306 : i32
      %mul3A_308 = arith.muli %shift_right_arithmetic3A_306, %sub3A_307 : i32
      %shift_right_arithmetic3A_309 = arith.constant 1 : i32
      %shift_right_arithmetic3A_310 = arith.shrsi %mul3A_308, %shift_right_arithmetic3A_309 : i32
      %le3A = arith.cmpi sle, %shift_right_arithmetic3A_310, %mul3A_295 : i32
      %jit3A_311 = arith.constant 0 : i32
      %select_n3A_312 = arith.select %le3A, %shift_right_arithmetic3A_306, %jit3A_311 : i32
      %jit3A_313 = arith.constant 4095 : i32
      %select_n3A_314 = arith.select %le3A, %jit3A_313, %shift_right_arithmetic3A_306 : i32
      %add3A_315 = arith.addi %select_n3A_312, %select_n3A_314 : i32
      %shift_right_arithmetic3A_316 = arith.constant 1 : i32
      %shift_right_arithmetic3A_317 = arith.shrsi %add3A_315, %shift_right_arithmetic3A_316 : i32
      %sub3A_318 = arith.constant 8191 : i32
      %sub3A_319 = arith.subi %sub3A_318, %shift_right_arithmetic3A_317 : i32
      %mul3A_320 = arith.muli %shift_right_arithmetic3A_317, %sub3A_319 : i32
      %shift_right_arithmetic3A_321 = arith.constant 1 : i32
      %shift_right_arithmetic3A_322 = arith.shrsi %mul3A_320, %shift_right_arithmetic3A_321 : i32
      %le3A_323 = arith.cmpi sle, %shift_right_arithmetic3A_322, %mul3A_295 : i32
      %select_n3A_324 = arith.select %le3A_323, %shift_right_arithmetic3A_317, %select_n3A_312 : i32
      %select_n3A_325 = arith.select %le3A_323, %select_n3A_314, %shift_right_arithmetic3A_317 : i32
      %add3A_326 = arith.addi %select_n3A_324, %select_n3A_325 : i32
      %shift_right_arithmetic3A_327 = arith.constant 1 : i32
      %shift_right_arithmetic3A_328 = arith.shrsi %add3A_326, %shift_right_arithmetic3A_327 : i32
      %sub3A_329 = arith.constant 8191 : i32
      %sub3A_330 = arith.subi %sub3A_329, %shift_right_arithmetic3A_328 : i32
      %mul3A_331 = arith.muli %shift_right_arithmetic3A_328, %sub3A_330 : i32
      %shift_right_arithmetic3A_332 = arith.constant 1 : i32
      %shift_right_arithmetic3A_333 = arith.shrsi %mul3A_331, %shift_right_arithmetic3A_332 : i32
      %le3A_334 = arith.cmpi sle, %shift_right_arithmetic3A_333, %mul3A_295 : i32
      %select_n3A_335 = arith.select %le3A_334, %shift_right_arithmetic3A_328, %select_n3A_324 : i32
      %select_n3A_336 = arith.select %le3A_334, %select_n3A_325, %shift_right_arithmetic3A_328 : i32
      %add3A_337 = arith.addi %select_n3A_335, %select_n3A_336 : i32
      %shift_right_arithmetic3A_338 = arith.constant 1 : i32
      %shift_right_arithmetic3A_339 = arith.shrsi %add3A_337, %shift_right_arithmetic3A_338 : i32
      %sub3A_340 = arith.constant 8191 : i32
      %sub3A_341 = arith.subi %sub3A_340, %shift_right_arithmetic3A_339 : i32
      %mul3A_342 = arith.muli %shift_right_arithmetic3A_339, %sub3A_341 : i32
      %shift_right_arithmetic3A_343 = arith.constant 1 : i32
      %shift_right_arithmetic3A_344 = arith.shrsi %mul3A_342, %shift_right_arithmetic3A_343 : i32
      %le3A_345 = arith.cmpi sle, %shift_right_arithmetic3A_344, %mul3A_295 : i32
      %select_n3A_346 = arith.select %le3A_345, %shift_right_arithmetic3A_339, %select_n3A_335 : i32
      %select_n3A_347 = arith.select %le3A_345, %select_n3A_336, %shift_right_arithmetic3A_339 : i32
      %add3A_348 = arith.addi %select_n3A_346, %select_n3A_347 : i32
      %shift_right_arithmetic3A_349 = arith.constant 1 : i32
      %shift_right_arithmetic3A_350 = arith.shrsi %add3A_348, %shift_right_arithmetic3A_349 : i32
      %sub3A_351 = arith.constant 8191 : i32
      %sub3A_352 = arith.subi %sub3A_351, %shift_right_arithmetic3A_350 : i32
      %mul3A_353 = arith.muli %shift_right_arithmetic3A_350, %sub3A_352 : i32
      %shift_right_arithmetic3A_354 = arith.constant 1 : i32
      %shift_right_arithmetic3A_355 = arith.shrsi %mul3A_353, %shift_right_arithmetic3A_354 : i32
      %le3A_356 = arith.cmpi sle, %shift_right_arithmetic3A_355, %mul3A_295 : i32
      %select_n3A_357 = arith.select %le3A_356, %shift_right_arithmetic3A_350, %select_n3A_346 : i32
      %select_n3A_358 = arith.select %le3A_356, %select_n3A_347, %shift_right_arithmetic3A_350 : i32
      %add3A_359 = arith.addi %select_n3A_357, %select_n3A_358 : i32
      %shift_right_arithmetic3A_360 = arith.constant 1 : i32
      %shift_right_arithmetic3A_361 = arith.shrsi %add3A_359, %shift_right_arithmetic3A_360 : i32
      %sub3A_362 = arith.constant 8191 : i32
      %sub3A_363 = arith.subi %sub3A_362, %shift_right_arithmetic3A_361 : i32
      %mul3A_364 = arith.muli %shift_right_arithmetic3A_361, %sub3A_363 : i32
      %shift_right_arithmetic3A_365 = arith.constant 1 : i32
      %shift_right_arithmetic3A_366 = arith.shrsi %mul3A_364, %shift_right_arithmetic3A_365 : i32
      %le3A_367 = arith.cmpi sle, %shift_right_arithmetic3A_366, %mul3A_295 : i32
      %select_n3A_368 = arith.select %le3A_367, %shift_right_arithmetic3A_361, %select_n3A_357 : i32
      %select_n3A_369 = arith.select %le3A_367, %select_n3A_358, %shift_right_arithmetic3A_361 : i32
      %add3A_370 = arith.addi %select_n3A_368, %select_n3A_369 : i32
      %shift_right_arithmetic3A_371 = arith.constant 1 : i32
      %shift_right_arithmetic3A_372 = arith.shrsi %add3A_370, %shift_right_arithmetic3A_371 : i32
      %sub3A_373 = arith.constant 8191 : i32
      %sub3A_374 = arith.subi %sub3A_373, %shift_right_arithmetic3A_372 : i32
      %mul3A_375 = arith.muli %shift_right_arithmetic3A_372, %sub3A_374 : i32
      %shift_right_arithmetic3A_376 = arith.constant 1 : i32
      %shift_right_arithmetic3A_377 = arith.shrsi %mul3A_375, %shift_right_arithmetic3A_376 : i32
      %le3A_378 = arith.cmpi sle, %shift_right_arithmetic3A_377, %mul3A_295 : i32
      %select_n3A_379 = arith.select %le3A_378, %shift_right_arithmetic3A_372, %select_n3A_368 : i32
      %select_n3A_380 = arith.select %le3A_378, %select_n3A_369, %shift_right_arithmetic3A_372 : i32
      %add3A_381 = arith.addi %select_n3A_379, %select_n3A_380 : i32
      %shift_right_arithmetic3A_382 = arith.constant 1 : i32
      %shift_right_arithmetic3A_383 = arith.shrsi %add3A_381, %shift_right_arithmetic3A_382 : i32
      %sub3A_384 = arith.constant 8191 : i32
      %sub3A_385 = arith.subi %sub3A_384, %shift_right_arithmetic3A_383 : i32
      %mul3A_386 = arith.muli %shift_right_arithmetic3A_383, %sub3A_385 : i32
      %shift_right_arithmetic3A_387 = arith.constant 1 : i32
      %shift_right_arithmetic3A_388 = arith.shrsi %mul3A_386, %shift_right_arithmetic3A_387 : i32
      %le3A_389 = arith.cmpi sle, %shift_right_arithmetic3A_388, %mul3A_295 : i32
      %select_n3A_390 = arith.select %le3A_389, %shift_right_arithmetic3A_383, %select_n3A_379 : i32
      %select_n3A_391 = arith.select %le3A_389, %select_n3A_380, %shift_right_arithmetic3A_383 : i32
      %add3A_392 = arith.addi %select_n3A_390, %select_n3A_391 : i32
      %shift_right_arithmetic3A_393 = arith.constant 1 : i32
      %shift_right_arithmetic3A_394 = arith.shrsi %add3A_392, %shift_right_arithmetic3A_393 : i32
      %sub3A_395 = arith.constant 8191 : i32
      %sub3A_396 = arith.subi %sub3A_395, %shift_right_arithmetic3A_394 : i32
      %mul3A_397 = arith.muli %shift_right_arithmetic3A_394, %sub3A_396 : i32
      %shift_right_arithmetic3A_398 = arith.constant 1 : i32
      %shift_right_arithmetic3A_399 = arith.shrsi %mul3A_397, %shift_right_arithmetic3A_398 : i32
      %le3A_400 = arith.cmpi sle, %shift_right_arithmetic3A_399, %mul3A_295 : i32
      %select_n3A_401 = arith.select %le3A_400, %shift_right_arithmetic3A_394, %select_n3A_390 : i32
      %select_n3A_402 = arith.select %le3A_400, %select_n3A_391, %shift_right_arithmetic3A_394 : i32
      %add3A_403 = arith.addi %select_n3A_401, %select_n3A_402 : i32
      %shift_right_arithmetic3A_404 = arith.constant 1 : i32
      %shift_right_arithmetic3A_405 = arith.shrsi %add3A_403, %shift_right_arithmetic3A_404 : i32
      %sub3A_406 = arith.constant 8191 : i32
      %sub3A_407 = arith.subi %sub3A_406, %shift_right_arithmetic3A_405 : i32
      %mul3A_408 = arith.muli %shift_right_arithmetic3A_405, %sub3A_407 : i32
      %shift_right_arithmetic3A_409 = arith.constant 1 : i32
      %shift_right_arithmetic3A_410 = arith.shrsi %mul3A_408, %shift_right_arithmetic3A_409 : i32
      %le3A_411 = arith.cmpi sle, %shift_right_arithmetic3A_410, %mul3A_295 : i32
      %select_n3A_412 = arith.select %le3A_411, %shift_right_arithmetic3A_405, %select_n3A_401 : i32
      %select_n3A_413 = arith.select %le3A_411, %select_n3A_402, %shift_right_arithmetic3A_405 : i32
      %add3A_414 = arith.addi %select_n3A_412, %select_n3A_413 : i32
      %shift_right_arithmetic3A_415 = arith.constant 1 : i32
      %shift_right_arithmetic3A_416 = arith.shrsi %add3A_414, %shift_right_arithmetic3A_415 : i32
      %sub3A_417 = arith.constant 8191 : i32
      %sub3A_418 = arith.subi %sub3A_417, %shift_right_arithmetic3A_416 : i32
      %mul3A_419 = arith.muli %shift_right_arithmetic3A_416, %sub3A_418 : i32
      %shift_right_arithmetic3A_420 = arith.constant 1 : i32
      %shift_right_arithmetic3A_421 = arith.shrsi %mul3A_419, %shift_right_arithmetic3A_420 : i32
      %le3A_422 = arith.cmpi sle, %shift_right_arithmetic3A_421, %mul3A_295 : i32
      %select_n3A_423 = arith.select %le3A_422, %shift_right_arithmetic3A_416, %select_n3A_412 : i32
      %select_n3A_424 = arith.select %le3A_422, %select_n3A_413, %shift_right_arithmetic3A_416 : i32
      %add3A_425 = arith.addi %select_n3A_423, %select_n3A_424 : i32
      %shift_right_arithmetic3A_426 = arith.constant 1 : i32
      %shift_right_arithmetic3A_427 = arith.shrsi %add3A_425, %shift_right_arithmetic3A_426 : i32
      %sub3A_428 = arith.constant 8191 : i32
      %sub3A_429 = arith.subi %sub3A_428, %shift_right_arithmetic3A_427 : i32
      %mul3A_430 = arith.muli %shift_right_arithmetic3A_427, %sub3A_429 : i32
      %shift_right_arithmetic3A_431 = arith.constant 1 : i32
      %shift_right_arithmetic3A_432 = arith.shrsi %mul3A_430, %shift_right_arithmetic3A_431 : i32
      %le3A_433 = arith.cmpi sle, %shift_right_arithmetic3A_432, %mul3A_295 : i32
      %select_n3A_434 = arith.select %le3A_433, %shift_right_arithmetic3A_427, %select_n3A_423 : i32
      %select_n3A_435 = arith.select %le3A_433, %select_n3A_424, %shift_right_arithmetic3A_427 : i32
      %sub3A_436 = arith.constant 8191 : i32
      %sub3A_437 = arith.subi %sub3A_436, %select_n3A_434 : i32
      %mul3A_438 = arith.muli %select_n3A_434, %sub3A_437 : i32
      %shift_right_arithmetic3A_439 = arith.constant 1 : i32
      %shift_right_arithmetic3A_440 = arith.shrsi %mul3A_438, %shift_right_arithmetic3A_439 : i32
      %while3A_441:2 = scf.while (%while3A_458 = %select_n3A_434, %while3A_459 = %shift_right_arithmetic3A_440) : (i32, i32) -> (i32, i32) {
        %lt3A_460 = arith.cmpi slt, %while3A_459, %add3A_302 : i32
        scf.condition(%lt3A_460) %while3A_458, %while3A_459 : i32, i32
      } do {
      ^bb0(%while3A_458: i32, %while3A_459: i32):
        %sub3A_460 = arith.constant 4095 : i32
        %sub3A_461 = arith.subi %sub3A_460, %while3A_458 : i32
        %add3A_462 = arith.addi %while3A_459, %sub3A_461 : i32
        %max3A = arith.maxsi %while3A_459, %mul3A_295 : i32
        %min3A = arith.minsi %add3A_462, %add3A_302 : i32
        %sub3A_463 = arith.subi %max3A, %mul3A_295 : i32
        %sub3A_464 = arith.subi %min3A, %mul3A_295 : i32
        %add3A_465 = arith.constant 1 : i32
        %add3A_466 = arith.addi %while3A_458, %add3A_465 : i32
        %sub3A_467 = arith.subi %max3A, %while3A_459 : i32
        %add3A_468 = arith.addi %add3A_466, %sub3A_467 : i32
        %add3A_469 = arith.constant 15 : i32
        %add3A_470 = arith.addi %sub3A_463, %add3A_469 : i32
        %and3A_471 = arith.constant -16 : i32
        %and3A_472 = arith.andi %add3A_470, %and3A_471 : i32
        %min3A_473 = arith.minsi %and3A_472, %sub3A_464 : i32
        %sub3A_474 = arith.subi %sub3A_464, %min3A_473 : i32
        %and3A_475 = arith.constant -16 : i32
        %and3A_476 = arith.andi %sub3A_474, %and3A_475 : i32
        %add3A_477 = arith.addi %min3A_473, %and3A_476 : i32
        %add3A_478 = arith.constant 127 : i32
        %add3A_479 = arith.addi %min3A_473, %add3A_478 : i32
        %and3A_480 = arith.constant -128 : i32
        %and3A_481 = arith.andi %add3A_479, %and3A_480 : i32
        %min3A_482 = arith.minsi %and3A_481, %add3A_477 : i32
        %sub3A_483 = arith.subi %add3A_477, %min3A_482 : i32
        %and3A_484 = arith.constant -128 : i32
        %and3A_485 = arith.andi %sub3A_483, %and3A_484 : i32
        %add3A_486 = arith.addi %min3A_482, %and3A_485 : i32
        %sub3A_487 = arith.subi %min3A_482, %min3A_473 : i32
        %shift_right_arithmetic3A_488 = arith.constant 4 : i32
        %shift_right_arithmetic3A_489 = arith.shrsi %sub3A_487, %shift_right_arithmetic3A_488 : i32
        %sub3A_490 = arith.subi %add3A_486, %min3A_482 : i32
        %shift_right_arithmetic3A_491 = arith.constant 7 : i32
        %shift_right_arithmetic3A_492 = arith.shrsi %sub3A_490, %shift_right_arithmetic3A_491 : i32
        %sub3A_493 = arith.subi %add3A_477, %add3A_486 : i32
        %shift_right_arithmetic3A_494 = arith.constant 4 : i32
        %shift_right_arithmetic3A_495 = arith.shrsi %sub3A_493, %shift_right_arithmetic3A_494 : i32
        %add3A_496 = arith.constant 0 : i32
        %add3A_497 = arith.addi %add3A_496, %while3A_458 : i32
        %get3A = arith.index_cast %add3A_497 : i32 to index
        %get3A_498 = tpu.vector_load %arg4[%get3A] {strides = array<i32>} : memref<16400xf32, #tpu.memory_space<vmem>>, vector<16xf32>,
        %slice3A = vector.extract_strided_slice %get3A_498 {offsets = [0], sizes = [1], strides = [1]} : vector<16xf32> to vector<1xf32>
        %squeeze3A = vector.extract %slice3A[0] : f32 from vector<1xf32>
        %add3A_499 = arith.constant 4096 : i32
        %add3A_500 = arith.addi %add3A_499, %while3A_458 : i32
        %get3A_501 = arith.index_cast %add3A_500 : i32 to index
        %get3A_502 = tpu.vector_load %arg4[%get3A_501] {strides = array<i32>} : memref<16400xf32, #tpu.memory_space<vmem>>, vector<16xf32>,
        %slice3A_503 = vector.extract_strided_slice %get3A_502 {offsets = [0], sizes = [1], strides = [1]} : vector<16xf32> to vector<1xf32>
        %squeeze3A_504 = vector.extract %slice3A_503[0] : f32 from vector<1xf32>
        %add3A_505 = arith.constant 8192 : i32
        %add3A_506 = arith.addi %add3A_505, %while3A_458 : i32
        %get3A_507 = arith.index_cast %add3A_506 : i32 to index
        %get3A_508 = tpu.vector_load %arg4[%get3A_507] {strides = array<i32>} : memref<16400xf32, #tpu.memory_space<vmem>>, vector<16xf32>,
        %slice3A_509 = vector.extract_strided_slice %get3A_508 {offsets = [0], sizes = [1], strides = [1]} : vector<16xf32> to vector<1xf32>
        %squeeze3A_510 = vector.extract %slice3A_509[0] : f32 from vector<1xf32>
        %add3A_511 = arith.constant 12288 : i32
        %add3A_512 = arith.addi %add3A_511, %while3A_458 : i32
        %get3A_513 = arith.index_cast %add3A_512 : i32 to index
        %get3A_514 = tpu.vector_load %arg4[%get3A_513] {strides = array<i32>} : memref<16400xf32, #tpu.memory_space<vmem>>, vector<16xf32>,
        %slice3A_515 = vector.extract_strided_slice %get3A_514 {offsets = [0], sizes = [1], strides = [1]} : vector<16xf32> to vector<1xf32>
        %squeeze3A_516 = vector.extract %slice3A_515[0] : f32 from vector<1xf32>
        %add3A_517 = arith.constant 0 : i32
        %add3A_518 = arith.addi %add3A_517, %add3A_468 : i32
        %sub3A_519 = arith.subi %add3A_518, %sub3A_463 : i32
        %add3A_520 = arith.constant 4096 : i32
        %add3A_521 = arith.addi %add3A_520, %add3A_468 : i32
        %sub3A_522 = arith.subi %add3A_521, %sub3A_463 : i32
        %add3A_523 = arith.constant 8192 : i32
        %add3A_524 = arith.addi %add3A_523, %add3A_468 : i32
        %sub3A_525 = arith.subi %add3A_524, %sub3A_463 : i32
        %add3A_526 = arith.constant 12288 : i32
        %add3A_527 = arith.addi %add3A_526, %add3A_468 : i32
        %sub3A_528 = arith.subi %add3A_527, %sub3A_463 : i32
        %sub3A_529 = arith.subi %min3A_473, %sub3A_463 : i32
        %add3A_530 = arith.addi %sub3A_519, %sub3A_463 : i32
        %add3A_531 = vector.broadcast %sub3A_463 : i32 to vector<16xi32>
        %add3A_532 = arith.addi %add3A_531, %iota3A : vector<16xi32>
        %lt3A_533 = vector.broadcast %sub3A_529 : i32 to vector<16xi32>
        %lt3A_534 = arith.cmpi slt, %iota3A, %lt3A_533 : vector<16xi32>
        %broadcast_in_dim3A = vector.broadcast %and3A_296 : i32 to vector<16xi32>
        %shift_right_arithmetic3A_535 = arith.constant 7 : i32
        %shift_right_arithmetic3A_536 = vector.broadcast %shift_right_arithmetic3A_535 : i32 to vector<16xi32>
        %shift_right_arithmetic3A_537 = arith.shrsi %add3A_532, %shift_right_arithmetic3A_536 : vector<16xi32>
        %and3A_538 = arith.constant 127 : i32
        %and3A_539 = vector.broadcast %and3A_538 : i32 to vector<16xi32>
        %and3A_540 = arith.andi %add3A_532, %and3A_539 : vector<16xi32>
        %broadcast_in_dim3A_541 = arith.constant 0 : i32
        %broadcast_in_dim3A_542 = vector.broadcast %broadcast_in_dim3A_541 : i32 to vector<16xi32>
        %get3A_543 = arith.index_cast %add3A_530 : i32 to index
        %get3A_544 = tpu.vector_load %arg4[%get3A_543] {strides = array<i32>} : memref<16400xf32, #tpu.memory_space<vmem>>, vector<16xf32>,
        %sub3A_545 = vector.broadcast %squeeze3A : f32 to vector<16xf32>
        %sub3A_546 = arith.subf %get3A_544, %sub3A_545 : vector<16xf32>
        tpu.vector_store_idx %arg5[%broadcast_in_dim3A, %shift_right_arithmetic3A_537, %broadcast_in_dim3A_542, %and3A_540], %sub3A_546 masked %lt3A_534 : memref<2x64x4x128xf32, #tpu.memory_space<vmem>>[vector<16xi32>, vector<16xi32>, vector<16xi32>, vector<16xi32>], vector<16xf32>, vector<16xi1>
        %sub3A_547 = arith.subi %min3A_473, %sub3A_463 : i32
        %add3A_548 = arith.addi %sub3A_522, %sub3A_463 : i32
        %add3A_549 = vector.broadcast %sub3A_463 : i32 to vector<16xi32>
        %add3A_550 = arith.addi %add3A_549, %iota3A : vector<16xi32>
        %lt3A_551 = vector.broadcast %sub3A_547 : i32 to vector<16xi32>
        %lt3A_552 = arith.cmpi slt, %iota3A, %lt3A_551 : vector<16xi32>
        %broadcast_in_dim3A_553 = vector.broadcast %and3A_296 : i32 to vector<16xi32>
        %shift_right_arithmetic3A_554 = arith.constant 7 : i32
        %shift_right_arithmetic3A_555 = vector.broadcast %shift_right_arithmetic3A_554 : i32 to vector<16xi32>
        %shift_right_arithmetic3A_556 = arith.shrsi %add3A_550, %shift_right_arithmetic3A_555 : vector<16xi32>
        %and3A_557 = arith.constant 127 : i32
        %and3A_558 = vector.broadcast %and3A_557 : i32 to vector<16xi32>
        %and3A_559 = arith.andi %add3A_550, %and3A_558 : vector<16xi32>
        %broadcast_in_dim3A_560 = arith.constant 1 : i32
        %broadcast_in_dim3A_561 = vector.broadcast %broadcast_in_dim3A_560 : i32 to vector<16xi32>
        %get3A_562 = arith.index_cast %add3A_548 : i32 to index
        %get3A_563 = tpu.vector_load %arg4[%get3A_562] {strides = array<i32>} : memref<16400xf32, #tpu.memory_space<vmem>>, vector<16xf32>,
        %sub3A_564 = vector.broadcast %squeeze3A_504 : f32 to vector<16xf32>
        %sub3A_565 = arith.subf %get3A_563, %sub3A_564 : vector<16xf32>
        tpu.vector_store_idx %arg5[%broadcast_in_dim3A_553, %shift_right_arithmetic3A_556, %broadcast_in_dim3A_561, %and3A_559], %sub3A_565 masked %lt3A_552 : memref<2x64x4x128xf32, #tpu.memory_space<vmem>>[vector<16xi32>, vector<16xi32>, vector<16xi32>, vector<16xi32>], vector<16xf32>, vector<16xi1>
        %sub3A_566 = arith.subi %min3A_473, %sub3A_463 : i32
        %add3A_567 = arith.addi %sub3A_525, %sub3A_463 : i32
        %add3A_568 = vector.broadcast %sub3A_463 : i32 to vector<16xi32>
        %add3A_569 = arith.addi %add3A_568, %iota3A : vector<16xi32>
        %lt3A_570 = vector.broadcast %sub3A_566 : i32 to vector<16xi32>
        %lt3A_571 = arith.cmpi slt, %iota3A, %lt3A_570 : vector<16xi32>
        %broadcast_in_dim3A_572 = vector.broadcast %and3A_296 : i32 to vector<16xi32>
        %shift_right_arithmetic3A_573 = arith.constant 7 : i32
        %shift_right_arithmetic3A_574 = vector.broadcast %shift_right_arithmetic3A_573 : i32 to vector<16xi32>
        %shift_right_arithmetic3A_575 = arith.shrsi %add3A_569, %shift_right_arithmetic3A_574 : vector<16xi32>
        %and3A_576 = arith.constant 127 : i32
        %and3A_577 = vector.broadcast %and3A_576 : i32 to vector<16xi32>
        %and3A_578 = arith.andi %add3A_569, %and3A_577 : vector<16xi32>
        %broadcast_in_dim3A_579 = arith.constant 2 : i32
        %broadcast_in_dim3A_580 = vector.broadcast %broadcast_in_dim3A_579 : i32 to vector<16xi32>
        %get3A_581 = arith.index_cast %add3A_567 : i32 to index
        %get3A_582 = tpu.vector_load %arg4[%get3A_581] {strides = array<i32>} : memref<16400xf32, #tpu.memory_space<vmem>>, vector<16xf32>,
        %sub3A_583 = vector.broadcast %squeeze3A_510 : f32 to vector<16xf32>
        %sub3A_584 = arith.subf %get3A_582, %sub3A_583 : vector<16xf32>
        tpu.vector_store_idx %arg5[%broadcast_in_dim3A_572, %shift_right_arithmetic3A_575, %broadcast_in_dim3A_580, %and3A_578], %sub3A_584 masked %lt3A_571 : memref<2x64x4x128xf32, #tpu.memory_space<vmem>>[vector<16xi32>, vector<16xi32>, vector<16xi32>, vector<16xi32>], vector<16xf32>, vector<16xi1>
        %sub3A_585 = arith.subi %min3A_473, %sub3A_463 : i32
        %add3A_586 = arith.addi %sub3A_528, %sub3A_463 : i32
        %add3A_587 = vector.broadcast %sub3A_463 : i32 to vector<16xi32>
        %add3A_588 = arith.addi %add3A_587, %iota3A : vector<16xi32>
        %lt3A_589 = vector.broadcast %sub3A_585 : i32 to vector<16xi32>
        %lt3A_590 = arith.cmpi slt, %iota3A, %lt3A_589 : vector<16xi32>
        %broadcast_in_dim3A_591 = vector.broadcast %and3A_296 : i32 to vector<16xi32>
        %shift_right_arithmetic3A_592 = arith.constant 7 : i32
        %shift_right_arithmetic3A_593 = vector.broadcast %shift_right_arithmetic3A_592 : i32 to vector<16xi32>
        %shift_right_arithmetic3A_594 = arith.shrsi %add3A_588, %shift_right_arithmetic3A_593 : vector<16xi32>
        %and3A_595 = arith.constant 127 : i32
        %and3A_596 = vector.broadcast %and3A_595 : i32 to vector<16xi32>
        %and3A_597 = arith.andi %add3A_588, %and3A_596 : vector<16xi32>
        %broadcast_in_dim3A_598 = arith.constant 3 : i32
        %broadcast_in_dim3A_599 = vector.broadcast %broadcast_in_dim3A_598 : i32 to vector<16xi32>
        %get3A_600 = arith.index_cast %add3A_586 : i32 to index
        %get3A_601 = tpu.vector_load %arg4[%get3A_600] {strides = array<i32>} : memref<16400xf32, #tpu.memory_space<vmem>>, vector<16xf32>,
        %sub3A_602 = vector.broadcast %squeeze3A_516 : f32 to vector<16xf32>
        %sub3A_603 = arith.subf %get3A_601, %sub3A_602 : vector<16xf32>
        tpu.vector_store_idx %arg5[%broadcast_in_dim3A_591, %shift_right_arithmetic3A_594, %broadcast_in_dim3A_599, %and3A_597], %sub3A_603 masked %lt3A_590 : memref<2x64x4x128xf32, #tpu.memory_space<vmem>>[vector<16xi32>, vector<16xi32>, vector<16xi32>, vector<16xi32>], vector<16xf32>, vector<16xi1>
        %parallel_loop3A = arith.constant 0 : i32
        %parallel_loop3A_604 = arith.constant 1 : i32
        scf.for %parallel_loop3A_689 = %parallel_loop3A to %shift_right_arithmetic3A_489 step %parallel_loop3A_604  : i32 {
          %parallel_loop3A_690 = arith.constant 16 : i32
          %parallel_loop3A_691 = arith.muli %parallel_loop3A_689, %parallel_loop3A_690 : i32
          %parallel_loop3A_692 = arith.addi %min3A_473, %parallel_loop3A_691 : i32
          %parallel_loop3A_693 = arith.constant 7 : i32
          %parallel_loop3A_694 = arith.shrsi %parallel_loop3A_692, %parallel_loop3A_693 : i32
          %parallel_loop3A_695 = arith.constant 127 : i32
          %parallel_loop3A_696 = arith.andi %parallel_loop3A_692, %parallel_loop3A_695 : i32
          %parallel_loop3A_697 = arith.addi %sub3A_519, %parallel_loop3A_692 : i32
          %parallel_loop3A_698 = arith.index_cast %parallel_loop3A_697 : i32 to index
          %parallel_loop3A_699 = tpu.vector_load %arg4[%parallel_loop3A_698] {strides = array<i32>} : memref<16400xf32, #tpu.memory_space<vmem>>, vector<16xf32>,
          %parallel_loop3A_700 = vector.broadcast %squeeze3A : f32 to vector<16xf32>
          %parallel_loop3A_701 = arith.subf %parallel_loop3A_699, %parallel_loop3A_700 : vector<16xf32>
          %parallel_loop3A_702 = arith.constant 0 : i32
          %parallel_loop3A_703 = arith.index_cast %and3A_296 : i32 to index
          %parallel_loop3A_704 = arith.index_cast %parallel_loop3A_694 : i32 to index
          %parallel_loop3A_705 = arith.index_cast %parallel_loop3A_702 : i32 to index
          %parallel_loop3A_706 = arith.index_cast %parallel_loop3A_696 : i32 to index
          %parallel_loop3A_707 = tpu.vector_load %arg5[%parallel_loop3A_703, %parallel_loop3A_704, %parallel_loop3A_705, %parallel_loop3A_706] {strides = array<i32>} : memref<2x64x4x128xf32, #tpu.memory_space<vmem>>, vector<16xf32>,
          tpu.vector_store %arg5[%parallel_loop3A_703, %parallel_loop3A_704, %parallel_loop3A_705, %parallel_loop3A_706], %parallel_loop3A_701 {strides = array<i32>} : memref<2x64x4x128xf32, #tpu.memory_space<vmem>>, vector<16xf32>,
          %parallel_loop3A_708 = arith.addi %sub3A_522, %parallel_loop3A_692 : i32
          %parallel_loop3A_709 = arith.index_cast %parallel_loop3A_708 : i32 to index
          %parallel_loop3A_710 = tpu.vector_load %arg4[%parallel_loop3A_709] {strides = array<i32>} : memref<16400xf32, #tpu.memory_space<vmem>>, vector<16xf32>,
          %parallel_loop3A_711 = vector.broadcast %squeeze3A_504 : f32 to vector<16xf32>
          %parallel_loop3A_712 = arith.subf %parallel_loop3A_710, %parallel_loop3A_711 : vector<16xf32>
          %parallel_loop3A_713 = arith.constant 1 : i32
          %parallel_loop3A_714 = arith.index_cast %and3A_296 : i32 to index
          %parallel_loop3A_715 = arith.index_cast %parallel_loop3A_694 : i32 to index
          %parallel_loop3A_716 = arith.index_cast %parallel_loop3A_713 : i32 to index
          %parallel_loop3A_717 = arith.index_cast %parallel_loop3A_696 : i32 to index
          %parallel_loop3A_718 = tpu.vector_load %arg5[%parallel_loop3A_714, %parallel_loop3A_715, %parallel_loop3A_716, %parallel_loop3A_717] {strides = array<i32>} : memref<2x64x4x128xf32, #tpu.memory_space<vmem>>, vector<16xf32>,
          tpu.vector_store %arg5[%parallel_loop3A_714, %parallel_loop3A_715, %parallel_loop3A_716, %parallel_loop3A_717], %parallel_loop3A_712 {strides = array<i32>} : memref<2x64x4x128xf32, #tpu.memory_space<vmem>>, vector<16xf32>,
          %parallel_loop3A_719 = arith.addi %sub3A_525, %parallel_loop3A_692 : i32
          %parallel_loop3A_720 = arith.index_cast %parallel_loop3A_719 : i32 to index
          %parallel_loop3A_721 = tpu.vector_load %arg4[%parallel_loop3A_720] {strides = array<i32>} : memref<16400xf32, #tpu.memory_space<vmem>>, vector<16xf32>,
          %parallel_loop3A_722 = vector.broadcast %squeeze3A_510 : f32 to vector<16xf32>
          %parallel_loop3A_723 = arith.subf %parallel_loop3A_721, %parallel_loop3A_722 : vector<16xf32>
          %parallel_loop3A_724 = arith.constant 2 : i32
          %parallel_loop3A_725 = arith.index_cast %and3A_296 : i32 to index
          %parallel_loop3A_726 = arith.index_cast %parallel_loop3A_694 : i32 to index
          %parallel_loop3A_727 = arith.index_cast %parallel_loop3A_724 : i32 to index
          %parallel_loop3A_728 = arith.index_cast %parallel_loop3A_696 : i32 to index
          %parallel_loop3A_729 = tpu.vector_load %arg5[%parallel_loop3A_725, %parallel_loop3A_726, %parallel_loop3A_727, %parallel_loop3A_728] {strides = array<i32>} : memref<2x64x4x128xf32, #tpu.memory_space<vmem>>, vector<16xf32>,
          tpu.vector_store %arg5[%parallel_loop3A_725, %parallel_loop3A_726, %parallel_loop3A_727, %parallel_loop3A_728], %parallel_loop3A_723 {strides = array<i32>} : memref<2x64x4x128xf32, #tpu.memory_space<vmem>>, vector<16xf32>,
          %parallel_loop3A_730 = arith.addi %sub3A_528, %parallel_loop3A_692 : i32
          %parallel_loop3A_731 = arith.index_cast %parallel_loop3A_730 : i32 to index
          %parallel_loop3A_732 = tpu.vector_load %arg4[%parallel_loop3A_731] {strides = array<i32>} : memref<16400xf32, #tpu.memory_space<vmem>>, vector<16xf32>,
          %parallel_loop3A_733 = vector.broadcast %squeeze3A_516 : f32 to vector<16xf32>
          %parallel_loop3A_734 = arith.subf %parallel_loop3A_732, %parallel_loop3A_733 : vector<16xf32>
          %parallel_loop3A_735 = arith.constant 3 : i32
          %parallel_loop3A_736 = arith.index_cast %and3A_296 : i32 to index
          %parallel_loop3A_737 = arith.index_cast %parallel_loop3A_694 : i32 to index
          %parallel_loop3A_738 = arith.index_cast %parallel_loop3A_735 : i32 to index
          %parallel_loop3A_739 = arith.index_cast %parallel_loop3A_696 : i32 to index
          %parallel_loop3A_740 = tpu.vector_load %arg5[%parallel_loop3A_736, %parallel_loop3A_737, %parallel_loop3A_738, %parallel_loop3A_739] {strides = array<i32>} : memref<2x64x4x128xf32, #tpu.memory_space<vmem>>, vector<16xf32>,
          tpu.vector_store %arg5[%parallel_loop3A_736, %parallel_loop3A_737, %parallel_loop3A_738, %parallel_loop3A_739], %parallel_loop3A_734 {strides = array<i32>} : memref<2x64x4x128xf32, #tpu.memory_space<vmem>>, vector<16xf32>,
        } {sc.loop_unroll_factor = 1 : i64, sc.parallel_access}
        %shift_right_arithmetic3A_605 = arith.constant 7 : i32
        %shift_right_arithmetic3A_606 = arith.shrsi %min3A_482, %shift_right_arithmetic3A_605 : i32
        %parallel_loop3A_607 = arith.constant 0 : i32
        %parallel_loop3A_608 = arith.constant 1 : i32
        scf.for %parallel_loop3A_689 = %parallel_loop3A_607 to %shift_right_arithmetic3A_492 step %parallel_loop3A_608  : i32 {
          %parallel_loop3A_690 = arith.addi %shift_right_arithmetic3A_606, %parallel_loop3A_689 : i32
          %parallel_loop3A_691 = arith.constant 128 : i32
          %parallel_loop3A_692 = arith.muli %parallel_loop3A_689, %parallel_loop3A_691 : i32
          %parallel_loop3A_693 = arith.addi %min3A_482, %parallel_loop3A_692 : i32
          %parallel_loop3A_694 = arith.addi %sub3A_519, %parallel_loop3A_693 : i32
          %parallel_loop3A_695 = arith.constant 0 : i32
          %parallel_loop3A_696 = arith.addi %parallel_loop3A_694, %parallel_loop3A_695 : i32
          %parallel_loop3A_697 = arith.index_cast %parallel_loop3A_696 : i32 to index
          %parallel_loop3A_698 = tpu.vector_load %arg4[%parallel_loop3A_697] {strides = array<i32>} : memref<16400xf32, #tpu.memory_space<vmem>>, vector<16xf32>,
          %parallel_loop3A_699 = vector.broadcast %squeeze3A : f32 to vector<16xf32>
          %parallel_loop3A_700 = arith.subf %parallel_loop3A_698, %parallel_loop3A_699 : vector<16xf32>
          %parallel_loop3A_701 = arith.constant 0 : i32
          %parallel_loop3A_702 = arith.index_cast %and3A_296 : i32 to index
          %parallel_loop3A_703 = arith.index_cast %parallel_loop3A_690 : i32 to index
          %parallel_loop3A_704 = arith.index_cast %parallel_loop3A_701 : i32 to index
          %parallel_loop3A_705 = arith.constant 0 : index
          %parallel_loop3A_706 = tpu.vector_load %arg5[%parallel_loop3A_702, %parallel_loop3A_703, %parallel_loop3A_704, %parallel_loop3A_705] {strides = array<i32>} : memref<2x64x4x128xf32, #tpu.memory_space<vmem>>, vector<16xf32>,
          tpu.vector_store %arg5[%parallel_loop3A_702, %parallel_loop3A_703, %parallel_loop3A_704, %parallel_loop3A_705], %parallel_loop3A_700 {strides = array<i32>} : memref<2x64x4x128xf32, #tpu.memory_space<vmem>>, vector<16xf32>,
          %parallel_loop3A_707 = arith.constant 16 : i32
          %parallel_loop3A_708 = arith.addi %parallel_loop3A_694, %parallel_loop3A_707 : i32
          %parallel_loop3A_709 = arith.index_cast %parallel_loop3A_708 : i32 to index
          %parallel_loop3A_710 = tpu.vector_load %arg4[%parallel_loop3A_709] {strides = array<i32>} : memref<16400xf32, #tpu.memory_space<vmem>>, vector<16xf32>,
          %parallel_loop3A_711 = vector.broadcast %squeeze3A : f32 to vector<16xf32>
          %parallel_loop3A_712 = arith.subf %parallel_loop3A_710, %parallel_loop3A_711 : vector<16xf32>
          %parallel_loop3A_713 = arith.constant 0 : i32
          %parallel_loop3A_714 = arith.index_cast %and3A_296 : i32 to index
          %parallel_loop3A_715 = arith.index_cast %parallel_loop3A_690 : i32 to index
          %parallel_loop3A_716 = arith.index_cast %parallel_loop3A_713 : i32 to index
          %parallel_loop3A_717 = arith.constant 16 : index
          %parallel_loop3A_718 = tpu.vector_load %arg5[%parallel_loop3A_714, %parallel_loop3A_715, %parallel_loop3A_716, %parallel_loop3A_717] {strides = array<i32>} : memref<2x64x4x128xf32, #tpu.memory_space<vmem>>, vector<16xf32>,
          tpu.vector_store %arg5[%parallel_loop3A_714, %parallel_loop3A_715, %parallel_loop3A_716, %parallel_loop3A_717], %parallel_loop3A_712 {strides = array<i32>} : memref<2x64x4x128xf32, #tpu.memory_space<vmem>>, vector<16xf32>,
          %parallel_loop3A_719 = arith.constant 32 : i32
          %parallel_loop3A_720 = arith.addi %parallel_loop3A_694, %parallel_loop3A_719 : i32
          %parallel_loop3A_721 = arith.index_cast %parallel_loop3A_720 : i32 to index
          %parallel_loop3A_722 = tpu.vector_load %arg4[%parallel_loop3A_721] {strides = array<i32>} : memref<16400xf32, #tpu.memory_space<vmem>>, vector<16xf32>,
          %parallel_loop3A_723 = vector.broadcast %squeeze3A : f32 to vector<16xf32>
          %parallel_loop3A_724 = arith.subf %parallel_loop3A_722, %parallel_loop3A_723 : vector<16xf32>
          %parallel_loop3A_725 = arith.constant 0 : i32
          %parallel_loop3A_726 = arith.index_cast %and3A_296 : i32 to index
          %parallel_loop3A_727 = arith.index_cast %parallel_loop3A_690 : i32 to index
          %parallel_loop3A_728 = arith.index_cast %parallel_loop3A_725 : i32 to index
          %parallel_loop3A_729 = arith.constant 32 : index
          %parallel_loop3A_730 = tpu.vector_load %arg5[%parallel_loop3A_726, %parallel_loop3A_727, %parallel_loop3A_728, %parallel_loop3A_729] {strides = array<i32>} : memref<2x64x4x128xf32, #tpu.memory_space<vmem>>, vector<16xf32>,
          tpu.vector_store %arg5[%parallel_loop3A_726, %parallel_loop3A_727, %parallel_loop3A_728, %parallel_loop3A_729], %parallel_loop3A_724 {strides = array<i32>} : memref<2x64x4x128xf32, #tpu.memory_space<vmem>>, vector<16xf32>,
          %parallel_loop3A_731 = arith.constant 48 : i32
          %parallel_loop3A_732 = arith.addi %parallel_loop3A_694, %parallel_loop3A_731 : i32
          %parallel_loop3A_733 = arith.index_cast %parallel_loop3A_732 : i32 to index
          %parallel_loop3A_734 = tpu.vector_load %arg4[%parallel_loop3A_733] {strides = array<i32>} : memref<16400xf32, #tpu.memory_space<vmem>>, vector<16xf32>,
          %parallel_loop3A_735 = vector.broadcast %squeeze3A : f32 to vector<16xf32>
          %parallel_loop3A_736 = arith.subf %parallel_loop3A_734, %parallel_loop3A_735 : vector<16xf32>
          %parallel_loop3A_737 = arith.constant 0 : i32
          %parallel_loop3A_738 = arith.index_cast %and3A_296 : i32 to index
          %parallel_loop3A_739 = arith.index_cast %parallel_loop3A_690 : i32 to index
          %parallel_loop3A_740 = arith.index_cast %parallel_loop3A_737 : i32 to index
          %parallel_loop3A_741 = arith.constant 48 : index
          %parallel_loop3A_742 = tpu.vector_load %arg5[%parallel_loop3A_738, %parallel_loop3A_739, %parallel_loop3A_740, %parallel_loop3A_741] {strides = array<i32>} : memref<2x64x4x128xf32, #tpu.memory_space<vmem>>, vector<16xf32>,
          tpu.vector_store %arg5[%parallel_loop3A_738, %parallel_loop3A_739, %parallel_loop3A_740, %parallel_loop3A_741], %parallel_loop3A_736 {strides = array<i32>} : memref<2x64x4x128xf32, #tpu.memory_space<vmem>>, vector<16xf32>,
          %parallel_loop3A_743 = arith.constant 64 : i32
          %parallel_loop3A_744 = arith.addi %parallel_loop3A_694, %parallel_loop3A_743 : i32
          %parallel_loop3A_745 = arith.index_cast %parallel_loop3A_744 : i32 to index
          %parallel_loop3A_746 = tpu.vector_load %arg4[%parallel_loop3A_745] {strides = array<i32>} : memref<16400xf32, #tpu.memory_space<vmem>>, vector<16xf32>,
          %parallel_loop3A_747 = vector.broadcast %squeeze3A : f32 to vector<16xf32>
          %parallel_loop3A_748 = arith.subf %parallel_loop3A_746, %parallel_loop3A_747 : vector<16xf32>
          %parallel_loop3A_749 = arith.constant 0 : i32
          %parallel_loop3A_750 = arith.index_cast %and3A_296 : i32 to index
          %parallel_loop3A_751 = arith.index_cast %parallel_loop3A_690 : i32 to index
          %parallel_loop3A_752 = arith.index_cast %parallel_loop3A_749 : i32 to index
          %parallel_loop3A_753 = arith.constant 64 : index
          %parallel_loop3A_754 = tpu.vector_load %arg5[%parallel_loop3A_750, %parallel_loop3A_751, %parallel_loop3A_752, %parallel_loop3A_753] {strides = array<i32>} : memref<2x64x4x128xf32, #tpu.memory_space<vmem>>, vector<16xf32>,
          tpu.vector_store %arg5[%parallel_loop3A_750, %parallel_loop3A_751, %parallel_loop3A_752, %parallel_loop3A_753], %parallel_loop3A_748 {strides = array<i32>} : memref<2x64x4x128xf32, #tpu.memory_space<vmem>>, vector<16xf32>,
          %parallel_loop3A_755 = arith.constant 80 : i32
          %parallel_loop3A_756 = arith.addi %parallel_loop3A_694, %parallel_loop3A_755 : i32
          %parallel_loop3A_757 = arith.index_cast %parallel_loop3A_756 : i32 to index
          %parallel_loop3A_758 = tpu.vector_load %arg4[%parallel_loop3A_757] {strides = array<i32>} : memref<16400xf32, #tpu.memory_space<vmem>>, vector<16xf32>,
          %parallel_loop3A_759 = vector.broadcast %squeeze3A : f32 to vector<16xf32>
          %parallel_loop3A_760 = arith.subf %parallel_loop3A_758, %parallel_loop3A_759 : vector<16xf32>
          %parallel_loop3A_761 = arith.constant 0 : i32
          %parallel_loop3A_762 = arith.index_cast %and3A_296 : i32 to index
          %parallel_loop3A_763 = arith.index_cast %parallel_loop3A_690 : i32 to index
          %parallel_loop3A_764 = arith.index_cast %parallel_loop3A_761 : i32 to index
          %parallel_loop3A_765 = arith.constant 80 : index
          %parallel_loop3A_766 = tpu.vector_load %arg5[%parallel_loop3A_762, %parallel_loop3A_763, %parallel_loop3A_764, %parallel_loop3A_765] {strides = array<i32>} : memref<2x64x4x128xf32, #tpu.memory_space<vmem>>, vector<16xf32>,
          tpu.vector_store %arg5[%parallel_loop3A_762, %parallel_loop3A_763, %parallel_loop3A_764, %parallel_loop3A_765], %parallel_loop3A_760 {strides = array<i32>} : memref<2x64x4x128xf32, #tpu.memory_space<vmem>>, vector<16xf32>,
          %parallel_loop3A_767 = arith.constant 96 : i32
          %parallel_loop3A_768 = arith.addi %parallel_loop3A_694, %parallel_loop3A_767 : i32
          %parallel_loop3A_769 = arith.index_cast %parallel_loop3A_768 : i32 to index
          %parallel_loop3A_770 = tpu.vector_load %arg4[%parallel_loop3A_769] {strides = array<i32>} : memref<16400xf32, #tpu.memory_space<vmem>>, vector<16xf32>,
          %parallel_loop3A_771 = vector.broadcast %squeeze3A : f32 to vector<16xf32>
          %parallel_loop3A_772 = arith.subf %parallel_loop3A_770, %parallel_loop3A_771 : vector<16xf32>
          %parallel_loop3A_773 = arith.constant 0 : i32
          %parallel_loop3A_774 = arith.index_cast %and3A_296 : i32 to index
          %parallel_loop3A_775 = arith.index_cast %parallel_loop3A_690 : i32 to index
          %parallel_loop3A_776 = arith.index_cast %parallel_loop3A_773 : i32 to index
          %parallel_loop3A_777 = arith.constant 96 : index
          %parallel_loop3A_778 = tpu.vector_load %arg5[%parallel_loop3A_774, %parallel_loop3A_775, %parallel_loop3A_776, %parallel_loop3A_777] {strides = array<i32>} : memref<2x64x4x128xf32, #tpu.memory_space<vmem>>, vector<16xf32>,
          tpu.vector_store %arg5[%parallel_loop3A_774, %parallel_loop3A_775, %parallel_loop3A_776, %parallel_loop3A_777], %parallel_loop3A_772 {strides = array<i32>} : memref<2x64x4x128xf32, #tpu.memory_space<vmem>>, vector<16xf32>,
          %parallel_loop3A_779 = arith.constant 112 : i32
          %parallel_loop3A_780 = arith.addi %parallel_loop3A_694, %parallel_loop3A_779 : i32
          %parallel_loop3A_781 = arith.index_cast %parallel_loop3A_780 : i32 to index
          %parallel_loop3A_782 = tpu.vector_load %arg4[%parallel_loop3A_781] {strides = array<i32>} : memref<16400xf32, #tpu.memory_space<vmem>>, vector<16xf32>,
          %parallel_loop3A_783 = vector.broadcast %squeeze3A : f32 to vector<16xf32>
          %parallel_loop3A_784 = arith.subf %parallel_loop3A_782, %parallel_loop3A_783 : vector<16xf32>
          %parallel_loop3A_785 = arith.constant 0 : i32
          %parallel_loop3A_786 = arith.index_cast %and3A_296 : i32 to index
          %parallel_loop3A_787 = arith.index_cast %parallel_loop3A_690 : i32 to index
          %parallel_loop3A_788 = arith.index_cast %parallel_loop3A_785 : i32 to index
          %parallel_loop3A_789 = arith.constant 112 : index
          %parallel_loop3A_790 = tpu.vector_load %arg5[%parallel_loop3A_786, %parallel_loop3A_787, %parallel_loop3A_788, %parallel_loop3A_789] {strides = array<i32>} : memref<2x64x4x128xf32, #tpu.memory_space<vmem>>, vector<16xf32>,
          tpu.vector_store %arg5[%parallel_loop3A_786, %parallel_loop3A_787, %parallel_loop3A_788, %parallel_loop3A_789], %parallel_loop3A_784 {strides = array<i32>} : memref<2x64x4x128xf32, #tpu.memory_space<vmem>>, vector<16xf32>,
          %parallel_loop3A_791 = arith.addi %sub3A_522, %parallel_loop3A_693 : i32
          %parallel_loop3A_792 = arith.constant 0 : i32
          %parallel_loop3A_793 = arith.addi %parallel_loop3A_791, %parallel_loop3A_792 : i32
          %parallel_loop3A_794 = arith.index_cast %parallel_loop3A_793 : i32 to index
          %parallel_loop3A_795 = tpu.vector_load %arg4[%parallel_loop3A_794] {strides = array<i32>} : memref<16400xf32, #tpu.memory_space<vmem>>, vector<16xf32>,
          %parallel_loop3A_796 = vector.broadcast %squeeze3A_504 : f32 to vector<16xf32>
          %parallel_loop3A_797 = arith.subf %parallel_loop3A_795, %parallel_loop3A_796 : vector<16xf32>
          %parallel_loop3A_798 = arith.constant 1 : i32
          %parallel_loop3A_799 = arith.index_cast %and3A_296 : i32 to index
          %parallel_loop3A_800 = arith.index_cast %parallel_loop3A_690 : i32 to index
          %parallel_loop3A_801 = arith.index_cast %parallel_loop3A_798 : i32 to index
          %parallel_loop3A_802 = arith.constant 0 : index
          %parallel_loop3A_803 = tpu.vector_load %arg5[%parallel_loop3A_799, %parallel_loop3A_800, %parallel_loop3A_801, %parallel_loop3A_802] {strides = array<i32>} : memref<2x64x4x128xf32, #tpu.memory_space<vmem>>, vector<16xf32>,
          tpu.vector_store %arg5[%parallel_loop3A_799, %parallel_loop3A_800, %parallel_loop3A_801, %parallel_loop3A_802], %parallel_loop3A_797 {strides = array<i32>} : memref<2x64x4x128xf32, #tpu.memory_space<vmem>>, vector<16xf32>,
          %parallel_loop3A_804 = arith.constant 16 : i32
          %parallel_loop3A_805 = arith.addi %parallel_loop3A_791, %parallel_loop3A_804 : i32
          %parallel_loop3A_806 = arith.index_cast %parallel_loop3A_805 : i32 to index
          %parallel_loop3A_807 = tpu.vector_load %arg4[%parallel_loop3A_806] {strides = array<i32>} : memref<16400xf32, #tpu.memory_space<vmem>>, vector<16xf32>,
          %parallel_loop3A_808 = vector.broadcast %squeeze3A_504 : f32 to vector<16xf32>
          %parallel_loop3A_809 = arith.subf %parallel_loop3A_807, %parallel_loop3A_808 : vector<16xf32>
          %parallel_loop3A_810 = arith.constant 1 : i32
          %parallel_loop3A_811 = arith.index_cast %and3A_296 : i32 to index
          %parallel_loop3A_812 = arith.index_cast %parallel_loop3A_690 : i32 to index
          %parallel_loop3A_813 = arith.index_cast %parallel_loop3A_810 : i32 to index
          %parallel_loop3A_814 = arith.constant 16 : index
          %parallel_loop3A_815 = tpu.vector_load %arg5[%parallel_loop3A_811, %parallel_loop3A_812, %parallel_loop3A_813, %parallel_loop3A_814] {strides = array<i32>} : memref<2x64x4x128xf32, #tpu.memory_space<vmem>>, vector<16xf32>,
          tpu.vector_store %arg5[%parallel_loop3A_811, %parallel_loop3A_812, %parallel_loop3A_813, %parallel_loop3A_814], %parallel_loop3A_809 {strides = array<i32>} : memref<2x64x4x128xf32, #tpu.memory_space<vmem>>, vector<16xf32>,
          %parallel_loop3A_816 = arith.constant 32 : i32
          %parallel_loop3A_817 = arith.addi %parallel_loop3A_791, %parallel_loop3A_816 : i32
          %parallel_loop3A_818 = arith.index_cast %parallel_loop3A_817 : i32 to index
          %parallel_loop3A_819 = tpu.vector_load %arg4[%parallel_loop3A_818] {strides = array<i32>} : memref<16400xf32, #tpu.memory_space<vmem>>, vector<16xf32>,
          %parallel_loop3A_820 = vector.broadcast %squeeze3A_504 : f32 to vector<16xf32>
          %parallel_loop3A_821 = arith.subf %parallel_loop3A_819, %parallel_loop3A_820 : vector<16xf32>
          %parallel_loop3A_822 = arith.constant 1 : i32
          %parallel_loop3A_823 = arith.index_cast %and3A_296 : i32 to index
          %parallel_loop3A_824 = arith.index_cast %parallel_loop3A_690 : i32 to index
          %parallel_loop3A_825 = arith.index_cast %parallel_loop3A_822 : i32 to index
          %parallel_loop3A_826 = arith.constant 32 : index
          %parallel_loop3A_827 = tpu.vector_load %arg5[%parallel_loop3A_823, %parallel_loop3A_824, %parallel_loop3A_825, %parallel_loop3A_826] {strides = array<i32>} : memref<2x64x4x128xf32, #tpu.memory_space<vmem>>, vector<16xf32>,
          tpu.vector_store %arg5[%parallel_loop3A_823, %parallel_loop3A_824, %parallel_loop3A_825, %parallel_loop3A_826], %parallel_loop3A_821 {strides = array<i32>} : memref<2x64x4x128xf32, #tpu.memory_space<vmem>>, vector<16xf32>,
          %parallel_loop3A_828 = arith.constant 48 : i32
          %parallel_loop3A_829 = arith.addi %parallel_loop3A_791, %parallel_loop3A_828 : i32
          %parallel_loop3A_830 = arith.index_cast %parallel_loop3A_829 : i32 to index
          %parallel_loop3A_831 = tpu.vector_load %arg4[%parallel_loop3A_830] {strides = array<i32>} : memref<16400xf32, #tpu.memory_space<vmem>>, vector<16xf32>,
          %parallel_loop3A_832 = vector.broadcast %squeeze3A_504 : f32 to vector<16xf32>
          %parallel_loop3A_833 = arith.subf %parallel_loop3A_831, %parallel_loop3A_832 : vector<16xf32>
          %parallel_loop3A_834 = arith.constant 1 : i32
          %parallel_loop3A_835 = arith.index_cast %and3A_296 : i32 to index
          %parallel_loop3A_836 = arith.index_cast %parallel_loop3A_690 : i32 to index
          %parallel_loop3A_837 = arith.index_cast %parallel_loop3A_834 : i32 to index
          %parallel_loop3A_838 = arith.constant 48 : index
          %parallel_loop3A_839 = tpu.vector_load %arg5[%parallel_loop3A_835, %parallel_loop3A_836, %parallel_loop3A_837, %parallel_loop3A_838] {strides = array<i32>} : memref<2x64x4x128xf32, #tpu.memory_space<vmem>>, vector<16xf32>,
          tpu.vector_store %arg5[%parallel_loop3A_835, %parallel_loop3A_836, %parallel_loop3A_837, %parallel_loop3A_838], %parallel_loop3A_833 {strides = array<i32>} : memref<2x64x4x128xf32, #tpu.memory_space<vmem>>, vector<16xf32>,
          %parallel_loop3A_840 = arith.constant 64 : i32
          %parallel_loop3A_841 = arith.addi %parallel_loop3A_791, %parallel_loop3A_840 : i32
          %parallel_loop3A_842 = arith.index_cast %parallel_loop3A_841 : i32 to index
          %parallel_loop3A_843 = tpu.vector_load %arg4[%parallel_loop3A_842] {strides = array<i32>} : memref<16400xf32, #tpu.memory_space<vmem>>, vector<16xf32>,
          %parallel_loop3A_844 = vector.broadcast %squeeze3A_504 : f32 to vector<16xf32>
          %parallel_loop3A_845 = arith.subf %parallel_loop3A_843, %parallel_loop3A_844 : vector<16xf32>
          %parallel_loop3A_846 = arith.constant 1 : i32
          %parallel_loop3A_847 = arith.index_cast %and3A_296 : i32 to index
          %parallel_loop3A_848 = arith.index_cast %parallel_loop3A_690 : i32 to index
          %parallel_loop3A_849 = arith.index_cast %parallel_loop3A_846 : i32 to index
          %parallel_loop3A_850 = arith.constant 64 : index
          %parallel_loop3A_851 = tpu.vector_load %arg5[%parallel_loop3A_847, %parallel_loop3A_848, %parallel_loop3A_849, %parallel_loop3A_850] {strides = array<i32>} : memref<2x64x4x128xf32, #tpu.memory_space<vmem>>, vector<16xf32>,
          tpu.vector_store %arg5[%parallel_loop3A_847, %parallel_loop3A_848, %parallel_loop3A_849, %parallel_loop3A_850], %parallel_loop3A_845 {strides = array<i32>} : memref<2x64x4x128xf32, #tpu.memory_space<vmem>>, vector<16xf32>,
          %parallel_loop3A_852 = arith.constant 80 : i32
          %parallel_loop3A_853 = arith.addi %parallel_loop3A_791, %parallel_loop3A_852 : i32
          %parallel_loop3A_854 = arith.index_cast %parallel_loop3A_853 : i32 to index
          %parallel_loop3A_855 = tpu.vector_load %arg4[%parallel_loop3A_854] {strides = array<i32>} : memref<16400xf32, #tpu.memory_space<vmem>>, vector<16xf32>,
          %parallel_loop3A_856 = vector.broadcast %squeeze3A_504 : f32 to vector<16xf32>
          %parallel_loop3A_857 = arith.subf %parallel_loop3A_855, %parallel_loop3A_856 : vector<16xf32>
          %parallel_loop3A_858 = arith.constant 1 : i32
          %parallel_loop3A_859 = arith.index_cast %and3A_296 : i32 to index
          %parallel_loop3A_860 = arith.index_cast %parallel_loop3A_690 : i32 to index
          %parallel_loop3A_861 = arith.index_cast %parallel_loop3A_858 : i32 to index
          %parallel_loop3A_862 = arith.constant 80 : index
          %parallel_loop3A_863 = tpu.vector_load %arg5[%parallel_loop3A_859, %parallel_loop3A_860, %parallel_loop3A_861, %parallel_loop3A_862] {strides = array<i32>} : memref<2x64x4x128xf32, #tpu.memory_space<vmem>>, vector<16xf32>,
          tpu.vector_store %arg5[%parallel_loop3A_859, %parallel_loop3A_860, %parallel_loop3A_861, %parallel_loop3A_862], %parallel_loop3A_857 {strides = array<i32>} : memref<2x64x4x128xf32, #tpu.memory_space<vmem>>, vector<16xf32>,
          %parallel_loop3A_864 = arith.constant 96 : i32
          %parallel_loop3A_865 = arith.addi %parallel_loop3A_791, %parallel_loop3A_864 : i32
          %parallel_loop3A_866 = arith.index_cast %parallel_loop3A_865 : i32 to index
          %parallel_loop3A_867 = tpu.vector_load %arg4[%parallel_loop3A_866] {strides = array<i32>} : memref<16400xf32, #tpu.memory_space<vmem>>, vector<16xf32>,
          %parallel_loop3A_868 = vector.broadcast %squeeze3A_504 : f32 to vector<16xf32>
          %parallel_loop3A_869 = arith.subf %parallel_loop3A_867, %parallel_loop3A_868 : vector<16xf32>
          %parallel_loop3A_870 = arith.constant 1 : i32
          %parallel_loop3A_871 = arith.index_cast %and3A_296 : i32 to index
          %parallel_loop3A_872 = arith.index_cast %parallel_loop3A_690 : i32 to index
          %parallel_loop3A_873 = arith.index_cast %parallel_loop3A_870 : i32 to index
          %parallel_loop3A_874 = arith.constant 96 : index
          %parallel_loop3A_875 = tpu.vector_load %arg5[%parallel_loop3A_871, %parallel_loop3A_872, %parallel_loop3A_873, %parallel_loop3A_874] {strides = array<i32>} : memref<2x64x4x128xf32, #tpu.memory_space<vmem>>, vector<16xf32>,
          tpu.vector_store %arg5[%parallel_loop3A_871, %parallel_loop3A_872, %parallel_loop3A_873, %parallel_loop3A_874], %parallel_loop3A_869 {strides = array<i32>} : memref<2x64x4x128xf32, #tpu.memory_space<vmem>>, vector<16xf32>,
          %parallel_loop3A_876 = arith.constant 112 : i32
          %parallel_loop3A_877 = arith.addi %parallel_loop3A_791, %parallel_loop3A_876 : i32
          %parallel_loop3A_878 = arith.index_cast %parallel_loop3A_877 : i32 to index
          %parallel_loop3A_879 = tpu.vector_load %arg4[%parallel_loop3A_878] {strides = array<i32>} : memref<16400xf32, #tpu.memory_space<vmem>>, vector<16xf32>,
          %parallel_loop3A_880 = vector.broadcast %squeeze3A_504 : f32 to vector<16xf32>
          %parallel_loop3A_881 = arith.subf %parallel_loop3A_879, %parallel_loop3A_880 : vector<16xf32>
          %parallel_loop3A_882 = arith.constant 1 : i32
          %parallel_loop3A_883 = arith.index_cast %and3A_296 : i32 to index
          %parallel_loop3A_884 = arith.index_cast %parallel_loop3A_690 : i32 to index
          %parallel_loop3A_885 = arith.index_cast %parallel_loop3A_882 : i32 to index
          %parallel_loop3A_886 = arith.constant 112 : index
          %parallel_loop3A_887 = tpu.vector_load %arg5[%parallel_loop3A_883, %parallel_loop3A_884, %parallel_loop3A_885, %parallel_loop3A_886] {strides = array<i32>} : memref<2x64x4x128xf32, #tpu.memory_space<vmem>>, vector<16xf32>,
          tpu.vector_store %arg5[%parallel_loop3A_883, %parallel_loop3A_884, %parallel_loop3A_885, %parallel_loop3A_886], %parallel_loop3A_881 {strides = array<i32>} : memref<2x64x4x128xf32, #tpu.memory_space<vmem>>, vector<16xf32>,
          %parallel_loop3A_888 = arith.addi %sub3A_525, %parallel_loop3A_693 : i32
          %parallel_loop3A_889 = arith.constant 0 : i32
          %parallel_loop3A_890 = arith.addi %parallel_loop3A_888, %parallel_loop3A_889 : i32
          %parallel_loop3A_891 = arith.index_cast %parallel_loop3A_890 : i32 to index
          %parallel_loop3A_892 = tpu.vector_load %arg4[%parallel_loop3A_891] {strides = array<i32>} : memref<16400xf32, #tpu.memory_space<vmem>>, vector<16xf32>,
          %parallel_loop3A_893 = vector.broadcast %squeeze3A_510 : f32 to vector<16xf32>
          %parallel_loop3A_894 = arith.subf %parallel_loop3A_892, %parallel_loop3A_893 : vector<16xf32>
          %parallel_loop3A_895 = arith.constant 2 : i32
          %parallel_loop3A_896 = arith.index_cast %and3A_296 : i32 to index
          %parallel_loop3A_897 = arith.index_cast %parallel_loop3A_690 : i32 to index
          %parallel_loop3A_898 = arith.index_cast %parallel_loop3A_895 : i32 to index
          %parallel_loop3A_899 = arith.constant 0 : index
          %parallel_loop3A_900 = tpu.vector_load %arg5[%parallel_loop3A_896, %parallel_loop3A_897, %parallel_loop3A_898, %parallel_loop3A_899] {strides = array<i32>} : memref<2x64x4x128xf32, #tpu.memory_space<vmem>>, vector<16xf32>,
          tpu.vector_store %arg5[%parallel_loop3A_896, %parallel_loop3A_897, %parallel_loop3A_898, %parallel_loop3A_899], %parallel_loop3A_894 {strides = array<i32>} : memref<2x64x4x128xf32, #tpu.memory_space<vmem>>, vector<16xf32>,
          %parallel_loop3A_901 = arith.constant 16 : i32
          %parallel_loop3A_902 = arith.addi %parallel_loop3A_888, %parallel_loop3A_901 : i32
          %parallel_loop3A_903 = arith.index_cast %parallel_loop3A_902 : i32 to index
          %parallel_loop3A_904 = tpu.vector_load %arg4[%parallel_loop3A_903] {strides = array<i32>} : memref<16400xf32, #tpu.memory_space<vmem>>, vector<16xf32>,
          %parallel_loop3A_905 = vector.broadcast %squeeze3A_510 : f32 to vector<16xf32>
          %parallel_loop3A_906 = arith.subf %parallel_loop3A_904, %parallel_loop3A_905 : vector<16xf32>
          %parallel_loop3A_907 = arith.constant 2 : i32
          %parallel_loop3A_908 = arith.index_cast %and3A_296 : i32 to index
          %parallel_loop3A_909 = arith.index_cast %parallel_loop3A_690 : i32 to index
          %parallel_loop3A_910 = arith.index_cast %parallel_loop3A_907 : i32 to index
          %parallel_loop3A_911 = arith.constant 16 : index
          %parallel_loop3A_912 = tpu.vector_load %arg5[%parallel_loop3A_908, %parallel_loop3A_909, %parallel_loop3A_910, %parallel_loop3A_911] {strides = array<i32>} : memref<2x64x4x128xf32, #tpu.memory_space<vmem>>, vector<16xf32>,
          tpu.vector_store %arg5[%parallel_loop3A_908, %parallel_loop3A_909, %parallel_loop3A_910, %parallel_loop3A_911], %parallel_loop3A_906 {strides = array<i32>} : memref<2x64x4x128xf32, #tpu.memory_space<vmem>>, vector<16xf32>,
          %parallel_loop3A_913 = arith.constant 32 : i32
          %parallel_loop3A_914 = arith.addi %parallel_loop3A_888, %parallel_loop3A_913 : i32
          %parallel_loop3A_915 = arith.index_cast %parallel_loop3A_914 : i32 to index
          %parallel_loop3A_916 = tpu.vector_load %arg4[%parallel_loop3A_915] {strides = array<i32>} : memref<16400xf32, #tpu.memory_space<vmem>>, vector<16xf32>,
          %parallel_loop3A_917 = vector.broadcast %squeeze3A_510 : f32 to vector<16xf32>
          %parallel_loop3A_918 = arith.subf %parallel_loop3A_916, %parallel_loop3A_917 : vector<16xf32>
          %parallel_loop3A_919 = arith.constant 2 : i32
          %parallel_loop3A_920 = arith.index_cast %and3A_296 : i32 to index
          %parallel_loop3A_921 = arith.index_cast %parallel_loop3A_690 : i32 to index
          %parallel_loop3A_922 = arith.index_cast %parallel_loop3A_919 : i32 to index
          %parallel_loop3A_923 = arith.constant 32 : index
          %parallel_loop3A_924 = tpu.vector_load %arg5[%parallel_loop3A_920, %parallel_loop3A_921, %parallel_loop3A_922, %parallel_loop3A_923] {strides = array<i32>} : memref<2x64x4x128xf32, #tpu.memory_space<vmem>>, vector<16xf32>,
          tpu.vector_store %arg5[%parallel_loop3A_920, %parallel_loop3A_921, %parallel_loop3A_922, %parallel_loop3A_923], %parallel_loop3A_918 {strides = array<i32>} : memref<2x64x4x128xf32, #tpu.memory_space<vmem>>, vector<16xf32>,
          %parallel_loop3A_925 = arith.constant 48 : i32
          %parallel_loop3A_926 = arith.addi %parallel_loop3A_888, %parallel_loop3A_925 : i32
          %parallel_loop3A_927 = arith.index_cast %parallel_loop3A_926 : i32 to index
          %parallel_loop3A_928 = tpu.vector_load %arg4[%parallel_loop3A_927] {strides = array<i32>} : memref<16400xf32, #tpu.memory_space<vmem>>, vector<16xf32>,
          %parallel_loop3A_929 = vector.broadcast %squeeze3A_510 : f32 to vector<16xf32>
          %parallel_loop3A_930 = arith.subf %parallel_loop3A_928, %parallel_loop3A_929 : vector<16xf32>
          %parallel_loop3A_931 = arith.constant 2 : i32
          %parallel_loop3A_932 = arith.index_cast %and3A_296 : i32 to index
          %parallel_loop3A_933 = arith.index_cast %parallel_loop3A_690 : i32 to index
          %parallel_loop3A_934 = arith.index_cast %parallel_loop3A_931 : i32 to index
          %parallel_loop3A_935 = arith.constant 48 : index
          %parallel_loop3A_936 = tpu.vector_load %arg5[%parallel_loop3A_932, %parallel_loop3A_933, %parallel_loop3A_934, %parallel_loop3A_935] {strides = array<i32>} : memref<2x64x4x128xf32, #tpu.memory_space<vmem>>, vector<16xf32>,
          tpu.vector_store %arg5[%parallel_loop3A_932, %parallel_loop3A_933, %parallel_loop3A_934, %parallel_loop3A_935], %parallel_loop3A_930 {strides = array<i32>} : memref<2x64x4x128xf32, #tpu.memory_space<vmem>>, vector<16xf32>,
          %parallel_loop3A_937 = arith.constant 64 : i32
          %parallel_loop3A_938 = arith.addi %parallel_loop3A_888, %parallel_loop3A_937 : i32
          %parallel_loop3A_939 = arith.index_cast %parallel_loop3A_938 : i32 to index
          %parallel_loop3A_940 = tpu.vector_load %arg4[%parallel_loop3A_939] {strides = array<i32>} : memref<16400xf32, #tpu.memory_space<vmem>>, vector<16xf32>,
          %parallel_loop3A_941 = vector.broadcast %squeeze3A_510 : f32 to vector<16xf32>
          %parallel_loop3A_942 = arith.subf %parallel_loop3A_940, %parallel_loop3A_941 : vector<16xf32>
          %parallel_loop3A_943 = arith.constant 2 : i32
          %parallel_loop3A_944 = arith.index_cast %and3A_296 : i32 to index
          %parallel_loop3A_945 = arith.index_cast %parallel_loop3A_690 : i32 to index
          %parallel_loop3A_946 = arith.index_cast %parallel_loop3A_943 : i32 to index
          %parallel_loop3A_947 = arith.constant 64 : index
          %parallel_loop3A_948 = tpu.vector_load %arg5[%parallel_loop3A_944, %parallel_loop3A_945, %parallel_loop3A_946, %parallel_loop3A_947] {strides = array<i32>} : memref<2x64x4x128xf32, #tpu.memory_space<vmem>>, vector<16xf32>,
          tpu.vector_store %arg5[%parallel_loop3A_944, %parallel_loop3A_945, %parallel_loop3A_946, %parallel_loop3A_947], %parallel_loop3A_942 {strides = array<i32>} : memref<2x64x4x128xf32, #tpu.memory_space<vmem>>, vector<16xf32>,
          %parallel_loop3A_949 = arith.constant 80 : i32
          %parallel_loop3A_950 = arith.addi %parallel_loop3A_888, %parallel_loop3A_949 : i32
          %parallel_loop3A_951 = arith.index_cast %parallel_loop3A_950 : i32 to index
          %parallel_loop3A_952 = tpu.vector_load %arg4[%parallel_loop3A_951] {strides = array<i32>} : memref<16400xf32, #tpu.memory_space<vmem>>, vector<16xf32>,
          %parallel_loop3A_953 = vector.broadcast %squeeze3A_510 : f32 to vector<16xf32>
          %parallel_loop3A_954 = arith.subf %parallel_loop3A_952, %parallel_loop3A_953 : vector<16xf32>
          %parallel_loop3A_955 = arith.constant 2 : i32
          %parallel_loop3A_956 = arith.index_cast %and3A_296 : i32 to index
          %parallel_loop3A_957 = arith.index_cast %parallel_loop3A_690 : i32 to index
          %parallel_loop3A_958 = arith.index_cast %parallel_loop3A_955 : i32 to index
          %parallel_loop3A_959 = arith.constant 80 : index
          %parallel_loop3A_960 = tpu.vector_load %arg5[%parallel_loop3A_956, %parallel_loop3A_957, %parallel_loop3A_958, %parallel_loop3A_959] {strides = array<i32>} : memref<2x64x4x128xf32, #tpu.memory_space<vmem>>, vector<16xf32>,
          tpu.vector_store %arg5[%parallel_loop3A_956, %parallel_loop3A_957, %parallel_loop3A_958, %parallel_loop3A_959], %parallel_loop3A_954 {strides = array<i32>} : memref<2x64x4x128xf32, #tpu.memory_space<vmem>>, vector<16xf32>,
          %parallel_loop3A_961 = arith.constant 96 : i32
          %parallel_loop3A_962 = arith.addi %parallel_loop3A_888, %parallel_loop3A_961 : i32
          %parallel_loop3A_963 = arith.index_cast %parallel_loop3A_962 : i32 to index
          %parallel_loop3A_964 = tpu.vector_load %arg4[%parallel_loop3A_963] {strides = array<i32>} : memref<16400xf32, #tpu.memory_space<vmem>>, vector<16xf32>,
          %parallel_loop3A_965 = vector.broadcast %squeeze3A_510 : f32 to vector<16xf32>
          %parallel_loop3A_966 = arith.subf %parallel_loop3A_964, %parallel_loop3A_965 : vector<16xf32>
          %parallel_loop3A_967 = arith.constant 2 : i32
          %parallel_loop3A_968 = arith.index_cast %and3A_296 : i32 to index
          %parallel_loop3A_969 = arith.index_cast %parallel_loop3A_690 : i32 to index
          %parallel_loop3A_970 = arith.index_cast %parallel_loop3A_967 : i32 to index
          %parallel_loop3A_971 = arith.constant 96 : index
          %parallel_loop3A_972 = tpu.vector_load %arg5[%parallel_loop3A_968, %parallel_loop3A_969, %parallel_loop3A_970, %parallel_loop3A_971] {strides = array<i32>} : memref<2x64x4x128xf32, #tpu.memory_space<vmem>>, vector<16xf32>,
          tpu.vector_store %arg5[%parallel_loop3A_968, %parallel_loop3A_969, %parallel_loop3A_970, %parallel_loop3A_971], %parallel_loop3A_966 {strides = array<i32>} : memref<2x64x4x128xf32, #tpu.memory_space<vmem>>, vector<16xf32>,
          %parallel_loop3A_973 = arith.constant 112 : i32
          %parallel_loop3A_974 = arith.addi %parallel_loop3A_888, %parallel_loop3A_973 : i32
          %parallel_loop3A_975 = arith.index_cast %parallel_loop3A_974 : i32 to index
          %parallel_loop3A_976 = tpu.vector_load %arg4[%parallel_loop3A_975] {strides = array<i32>} : memref<16400xf32, #tpu.memory_space<vmem>>, vector<16xf32>,
          %parallel_loop3A_977 = vector.broadcast %squeeze3A_510 : f32 to vector<16xf32>
          %parallel_loop3A_978 = arith.subf %parallel_loop3A_976, %parallel_loop3A_977 : vector<16xf32>
          %parallel_loop3A_979 = arith.constant 2 : i32
          %parallel_loop3A_980 = arith.index_cast %and3A_296 : i32 to index
          %parallel_loop3A_981 = arith.index_cast %parallel_loop3A_690 : i32 to index
          %parallel_loop3A_982 = arith.index_cast %parallel_loop3A_979 : i32 to index
          %parallel_loop3A_983 = arith.constant 112 : index
          %parallel_loop3A_984 = tpu.vector_load %arg5[%parallel_loop3A_980, %parallel_loop3A_981, %parallel_loop3A_982, %parallel_loop3A_983] {strides = array<i32>} : memref<2x64x4x128xf32, #tpu.memory_space<vmem>>, vector<16xf32>,
          tpu.vector_store %arg5[%parallel_loop3A_980, %parallel_loop3A_981, %parallel_loop3A_982, %parallel_loop3A_983], %parallel_loop3A_978 {strides = array<i32>} : memref<2x64x4x128xf32, #tpu.memory_space<vmem>>, vector<16xf32>,
          %parallel_loop3A_985 = arith.addi %sub3A_528, %parallel_loop3A_693 : i32
          %parallel_loop3A_986 = arith.constant 0 : i32
          %parallel_loop3A_987 = arith.addi %parallel_loop3A_985, %parallel_loop3A_986 : i32
          %parallel_loop3A_988 = arith.index_cast %parallel_loop3A_987 : i32 to index
          %parallel_loop3A_989 = tpu.vector_load %arg4[%parallel_loop3A_988] {strides = array<i32>} : memref<16400xf32, #tpu.memory_space<vmem>>, vector<16xf32>,
          %parallel_loop3A_990 = vector.broadcast %squeeze3A_516 : f32 to vector<16xf32>
          %parallel_loop3A_991 = arith.subf %parallel_loop3A_989, %parallel_loop3A_990 : vector<16xf32>
          %parallel_loop3A_992 = arith.constant 3 : i32
          %parallel_loop3A_993 = arith.index_cast %and3A_296 : i32 to index
          %parallel_loop3A_994 = arith.index_cast %parallel_loop3A_690 : i32 to index
          %parallel_loop3A_995 = arith.index_cast %parallel_loop3A_992 : i32 to index
          %parallel_loop3A_996 = arith.constant 0 : index
          %parallel_loop3A_997 = tpu.vector_load %arg5[%parallel_loop3A_993, %parallel_loop3A_994, %parallel_loop3A_995, %parallel_loop3A_996] {strides = array<i32>} : memref<2x64x4x128xf32, #tpu.memory_space<vmem>>, vector<16xf32>,
          tpu.vector_store %arg5[%parallel_loop3A_993, %parallel_loop3A_994, %parallel_loop3A_995, %parallel_loop3A_996], %parallel_loop3A_991 {strides = array<i32>} : memref<2x64x4x128xf32, #tpu.memory_space<vmem>>, vector<16xf32>,
          %parallel_loop3A_998 = arith.constant 16 : i32
          %parallel_loop3A_999 = arith.addi %parallel_loop3A_985, %parallel_loop3A_998 : i32
          %parallel_loop3A_1000 = arith.index_cast %parallel_loop3A_999 : i32 to index
          %parallel_loop3A_1001 = tpu.vector_load %arg4[%parallel_loop3A_1000] {strides = array<i32>} : memref<16400xf32, #tpu.memory_space<vmem>>, vector<16xf32>,
          %parallel_loop3A_1002 = vector.broadcast %squeeze3A_516 : f32 to vector<16xf32>
          %parallel_loop3A_1003 = arith.subf %parallel_loop3A_1001, %parallel_loop3A_1002 : vector<16xf32>
          %parallel_loop3A_1004 = arith.constant 3 : i32
          %parallel_loop3A_1005 = arith.index_cast %and3A_296 : i32 to index
          %parallel_loop3A_1006 = arith.index_cast %parallel_loop3A_690 : i32 to index
          %parallel_loop3A_1007 = arith.index_cast %parallel_loop3A_1004 : i32 to index
          %parallel_loop3A_1008 = arith.constant 16 : index
          %parallel_loop3A_1009 = tpu.vector_load %arg5[%parallel_loop3A_1005, %parallel_loop3A_1006, %parallel_loop3A_1007, %parallel_loop3A_1008] {strides = array<i32>} : memref<2x64x4x128xf32, #tpu.memory_space<vmem>>, vector<16xf32>,
          tpu.vector_store %arg5[%parallel_loop3A_1005, %parallel_loop3A_1006, %parallel_loop3A_1007, %parallel_loop3A_1008], %parallel_loop3A_1003 {strides = array<i32>} : memref<2x64x4x128xf32, #tpu.memory_space<vmem>>, vector<16xf32>,
          %parallel_loop3A_1010 = arith.constant 32 : i32
          %parallel_loop3A_1011 = arith.addi %parallel_loop3A_985, %parallel_loop3A_1010 : i32
          %parallel_loop3A_1012 = arith.index_cast %parallel_loop3A_1011 : i32 to index
          %parallel_loop3A_1013 = tpu.vector_load %arg4[%parallel_loop3A_1012] {strides = array<i32>} : memref<16400xf32, #tpu.memory_space<vmem>>, vector<16xf32>,
          %parallel_loop3A_1014 = vector.broadcast %squeeze3A_516 : f32 to vector<16xf32>
          %parallel_loop3A_1015 = arith.subf %parallel_loop3A_1013, %parallel_loop3A_1014 : vector<16xf32>
          %parallel_loop3A_1016 = arith.constant 3 : i32
          %parallel_loop3A_1017 = arith.index_cast %and3A_296 : i32 to index
          %parallel_loop3A_1018 = arith.index_cast %parallel_loop3A_690 : i32 to index
          %parallel_loop3A_1019 = arith.index_cast %parallel_loop3A_1016 : i32 to index
          %parallel_loop3A_1020 = arith.constant 32 : index
          %parallel_loop3A_1021 = tpu.vector_load %arg5[%parallel_loop3A_1017, %parallel_loop3A_1018, %parallel_loop3A_1019, %parallel_loop3A_1020] {strides = array<i32>} : memref<2x64x4x128xf32, #tpu.memory_space<vmem>>, vector<16xf32>,
          tpu.vector_store %arg5[%parallel_loop3A_1017, %parallel_loop3A_1018, %parallel_loop3A_1019, %parallel_loop3A_1020], %parallel_loop3A_1015 {strides = array<i32>} : memref<2x64x4x128xf32, #tpu.memory_space<vmem>>, vector<16xf32>,
          %parallel_loop3A_1022 = arith.constant 48 : i32
          %parallel_loop3A_1023 = arith.addi %parallel_loop3A_985, %parallel_loop3A_1022 : i32
          %parallel_loop3A_1024 = arith.index_cast %parallel_loop3A_1023 : i32 to index
          %parallel_loop3A_1025 = tpu.vector_load %arg4[%parallel_loop3A_1024] {strides = array<i32>} : memref<16400xf32, #tpu.memory_space<vmem>>, vector<16xf32>,
          %parallel_loop3A_1026 = vector.broadcast %squeeze3A_516 : f32 to vector<16xf32>
          %parallel_loop3A_1027 = arith.subf %parallel_loop3A_1025, %parallel_loop3A_1026 : vector<16xf32>
          %parallel_loop3A_1028 = arith.constant 3 : i32
          %parallel_loop3A_1029 = arith.index_cast %and3A_296 : i32 to index
          %parallel_loop3A_1030 = arith.index_cast %parallel_loop3A_690 : i32 to index
          %parallel_loop3A_1031 = arith.index_cast %parallel_loop3A_1028 : i32 to index
          %parallel_loop3A_1032 = arith.constant 48 : index
          %parallel_loop3A_1033 = tpu.vector_load %arg5[%parallel_loop3A_1029, %parallel_loop3A_1030, %parallel_loop3A_1031, %parallel_loop3A_1032] {strides = array<i32>} : memref<2x64x4x128xf32, #tpu.memory_space<vmem>>, vector<16xf32>,
          tpu.vector_store %arg5[%parallel_loop3A_1029, %parallel_loop3A_1030, %parallel_loop3A_1031, %parallel_loop3A_1032], %parallel_loop3A_1027 {strides = array<i32>} : memref<2x64x4x128xf32, #tpu.memory_space<vmem>>, vector<16xf32>,
          %parallel_loop3A_1034 = arith.constant 64 : i32
          %parallel_loop3A_1035 = arith.addi %parallel_loop3A_985, %parallel_loop3A_1034 : i32
          %parallel_loop3A_1036 = arith.index_cast %parallel_loop3A_1035 : i32 to index
          %parallel_loop3A_1037 = tpu.vector_load %arg4[%parallel_loop3A_1036] {strides = array<i32>} : memref<16400xf32, #tpu.memory_space<vmem>>, vector<16xf32>,
          %parallel_loop3A_1038 = vector.broadcast %squeeze3A_516 : f32 to vector<16xf32>
          %parallel_loop3A_1039 = arith.subf %parallel_loop3A_1037, %parallel_loop3A_1038 : vector<16xf32>
          %parallel_loop3A_1040 = arith.constant 3 : i32
          %parallel_loop3A_1041 = arith.index_cast %and3A_296 : i32 to index
          %parallel_loop3A_1042 = arith.index_cast %parallel_loop3A_690 : i32 to index
          %parallel_loop3A_1043 = arith.index_cast %parallel_loop3A_1040 : i32 to index
          %parallel_loop3A_1044 = arith.constant 64 : index
          %parallel_loop3A_1045 = tpu.vector_load %arg5[%parallel_loop3A_1041, %parallel_loop3A_1042, %parallel_loop3A_1043, %parallel_loop3A_1044] {strides = array<i32>} : memref<2x64x4x128xf32, #tpu.memory_space<vmem>>, vector<16xf32>,
          tpu.vector_store %arg5[%parallel_loop3A_1041, %parallel_loop3A_1042, %parallel_loop3A_1043, %parallel_loop3A_1044], %parallel_loop3A_1039 {strides = array<i32>} : memref<2x64x4x128xf32, #tpu.memory_space<vmem>>, vector<16xf32>,
          %parallel_loop3A_1046 = arith.constant 80 : i32
          %parallel_loop3A_1047 = arith.addi %parallel_loop3A_985, %parallel_loop3A_1046 : i32
          %parallel_loop3A_1048 = arith.index_cast %parallel_loop3A_1047 : i32 to index
          %parallel_loop3A_1049 = tpu.vector_load %arg4[%parallel_loop3A_1048] {strides = array<i32>} : memref<16400xf32, #tpu.memory_space<vmem>>, vector<16xf32>,
          %parallel_loop3A_1050 = vector.broadcast %squeeze3A_516 : f32 to vector<16xf32>
          %parallel_loop3A_1051 = arith.subf %parallel_loop3A_1049, %parallel_loop3A_1050 : vector<16xf32>
          %parallel_loop3A_1052 = arith.constant 3 : i32
          %parallel_loop3A_1053 = arith.index_cast %and3A_296 : i32 to index
          %parallel_loop3A_1054 = arith.index_cast %parallel_loop3A_690 : i32 to index
          %parallel_loop3A_1055 = arith.index_cast %parallel_loop3A_1052 : i32 to index
          %parallel_loop3A_1056 = arith.constant 80 : index
          %parallel_loop3A_1057 = tpu.vector_load %arg5[%parallel_loop3A_1053, %parallel_loop3A_1054, %parallel_loop3A_1055, %parallel_loop3A_1056] {strides = array<i32>} : memref<2x64x4x128xf32, #tpu.memory_space<vmem>>, vector<16xf32>,
          tpu.vector_store %arg5[%parallel_loop3A_1053, %parallel_loop3A_1054, %parallel_loop3A_1055, %parallel_loop3A_1056], %parallel_loop3A_1051 {strides = array<i32>} : memref<2x64x4x128xf32, #tpu.memory_space<vmem>>, vector<16xf32>,
          %parallel_loop3A_1058 = arith.constant 96 : i32
          %parallel_loop3A_1059 = arith.addi %parallel_loop3A_985, %parallel_loop3A_1058 : i32
          %parallel_loop3A_1060 = arith.index_cast %parallel_loop3A_1059 : i32 to index
          %parallel_loop3A_1061 = tpu.vector_load %arg4[%parallel_loop3A_1060] {strides = array<i32>} : memref<16400xf32, #tpu.memory_space<vmem>>, vector<16xf32>,
          %parallel_loop3A_1062 = vector.broadcast %squeeze3A_516 : f32 to vector<16xf32>
          %parallel_loop3A_1063 = arith.subf %parallel_loop3A_1061, %parallel_loop3A_1062 : vector<16xf32>
          %parallel_loop3A_1064 = arith.constant 3 : i32
          %parallel_loop3A_1065 = arith.index_cast %and3A_296 : i32 to index
          %parallel_loop3A_1066 = arith.index_cast %parallel_loop3A_690 : i32 to index
          %parallel_loop3A_1067 = arith.index_cast %parallel_loop3A_1064 : i32 to index
          %parallel_loop3A_1068 = arith.constant 96 : index
          %parallel_loop3A_1069 = tpu.vector_load %arg5[%parallel_loop3A_1065, %parallel_loop3A_1066, %parallel_loop3A_1067, %parallel_loop3A_1068] {strides = array<i32>} : memref<2x64x4x128xf32, #tpu.memory_space<vmem>>, vector<16xf32>,
          tpu.vector_store %arg5[%parallel_loop3A_1065, %parallel_loop3A_1066, %parallel_loop3A_1067, %parallel_loop3A_1068], %parallel_loop3A_1063 {strides = array<i32>} : memref<2x64x4x128xf32, #tpu.memory_space<vmem>>, vector<16xf32>,
          %parallel_loop3A_1070 = arith.constant 112 : i32
          %parallel_loop3A_1071 = arith.addi %parallel_loop3A_985, %parallel_loop3A_1070 : i32
          %parallel_loop3A_1072 = arith.index_cast %parallel_loop3A_1071 : i32 to index
          %parallel_loop3A_1073 = tpu.vector_load %arg4[%parallel_loop3A_1072] {strides = array<i32>} : memref<16400xf32, #tpu.memory_space<vmem>>, vector<16xf32>,
          %parallel_loop3A_1074 = vector.broadcast %squeeze3A_516 : f32 to vector<16xf32>
          %parallel_loop3A_1075 = arith.subf %parallel_loop3A_1073, %parallel_loop3A_1074 : vector<16xf32>
          %parallel_loop3A_1076 = arith.constant 3 : i32
          %parallel_loop3A_1077 = arith.index_cast %and3A_296 : i32 to index
          %parallel_loop3A_1078 = arith.index_cast %parallel_loop3A_690 : i32 to index
          %parallel_loop3A_1079 = arith.index_cast %parallel_loop3A_1076 : i32 to index
          %parallel_loop3A_1080 = arith.constant 112 : index
          %parallel_loop3A_1081 = tpu.vector_load %arg5[%parallel_loop3A_1077, %parallel_loop3A_1078, %parallel_loop3A_1079, %parallel_loop3A_1080] {strides = array<i32>} : memref<2x64x4x128xf32, #tpu.memory_space<vmem>>, vector<16xf32>,
          tpu.vector_store %arg5[%parallel_loop3A_1077, %parallel_loop3A_1078, %parallel_loop3A_1079, %parallel_loop3A_1080], %parallel_loop3A_1075 {strides = array<i32>} : memref<2x64x4x128xf32, #tpu.memory_space<vmem>>, vector<16xf32>,
        } {sc.loop_unroll_factor = 2 : i64, sc.parallel_access}
        %parallel_loop3A_609 = arith.constant 0 : i32
        %parallel_loop3A_610 = arith.constant 1 : i32
        scf.for %parallel_loop3A_689 = %parallel_loop3A_609 to %shift_right_arithmetic3A_495 step %parallel_loop3A_610  : i32 {
          %parallel_loop3A_690 = arith.constant 16 : i32
          %parallel_loop3A_691 = arith.muli %parallel_loop3A_689, %parallel_loop3A_690 : i32
          %parallel_loop3A_692 = arith.addi %add3A_486, %parallel_loop3A_691 : i32
          %parallel_loop3A_693 = arith.constant 7 : i32
          %parallel_loop3A_694 = arith.shrsi %parallel_loop3A_692, %parallel_loop3A_693 : i32
          %parallel_loop3A_695 = arith.constant 127 : i32
          %parallel_loop3A_696 = arith.andi %parallel_loop3A_692, %parallel_loop3A_695 : i32
          %parallel_loop3A_697 = arith.addi %sub3A_519, %parallel_loop3A_692 : i32
          %parallel_loop3A_698 = arith.index_cast %parallel_loop3A_697 : i32 to index
          %parallel_loop3A_699 = tpu.vector_load %arg4[%parallel_loop3A_698] {strides = array<i32>} : memref<16400xf32, #tpu.memory_space<vmem>>, vector<16xf32>,
          %parallel_loop3A_700 = vector.broadcast %squeeze3A : f32 to vector<16xf32>
          %parallel_loop3A_701 = arith.subf %parallel_loop3A_699, %parallel_loop3A_700 : vector<16xf32>
          %parallel_loop3A_702 = arith.constant 0 : i32
          %parallel_loop3A_703 = arith.index_cast %and3A_296 : i32 to index
          %parallel_loop3A_704 = arith.index_cast %parallel_loop3A_694 : i32 to index
          %parallel_loop3A_705 = arith.index_cast %parallel_loop3A_702 : i32 to index
          %parallel_loop3A_706 = arith.index_cast %parallel_loop3A_696 : i32 to index
          %parallel_loop3A_707 = tpu.vector_load %arg5[%parallel_loop3A_703, %parallel_loop3A_704, %parallel_loop3A_705, %parallel_loop3A_706] {strides = array<i32>} : memref<2x64x4x128xf32, #tpu.memory_space<vmem>>, vector<16xf32>,
          tpu.vector_store %arg5[%parallel_loop3A_703, %parallel_loop3A_704, %parallel_loop3A_705, %parallel_loop3A_706], %parallel_loop3A_701 {strides = array<i32>} : memref<2x64x4x128xf32, #tpu.memory_space<vmem>>, vector<16xf32>,
          %parallel_loop3A_708 = arith.addi %sub3A_522, %parallel_loop3A_692 : i32
          %parallel_loop3A_709 = arith.index_cast %parallel_loop3A_708 : i32 to index
          %parallel_loop3A_710 = tpu.vector_load %arg4[%parallel_loop3A_709] {strides = array<i32>} : memref<16400xf32, #tpu.memory_space<vmem>>, vector<16xf32>,
          %parallel_loop3A_711 = vector.broadcast %squeeze3A_504 : f32 to vector<16xf32>
          %parallel_loop3A_712 = arith.subf %parallel_loop3A_710, %parallel_loop3A_711 : vector<16xf32>
          %parallel_loop3A_713 = arith.constant 1 : i32
          %parallel_loop3A_714 = arith.index_cast %and3A_296 : i32 to index
          %parallel_loop3A_715 = arith.index_cast %parallel_loop3A_694 : i32 to index
          %parallel_loop3A_716 = arith.index_cast %parallel_loop3A_713 : i32 to index
          %parallel_loop3A_717 = arith.index_cast %parallel_loop3A_696 : i32 to index
          %parallel_loop3A_718 = tpu.vector_load %arg5[%parallel_loop3A_714, %parallel_loop3A_715, %parallel_loop3A_716, %parallel_loop3A_717] {strides = array<i32>} : memref<2x64x4x128xf32, #tpu.memory_space<vmem>>, vector<16xf32>,
          tpu.vector_store %arg5[%parallel_loop3A_714, %parallel_loop3A_715, %parallel_loop3A_716, %parallel_loop3A_717], %parallel_loop3A_712 {strides = array<i32>} : memref<2x64x4x128xf32, #tpu.memory_space<vmem>>, vector<16xf32>,
          %parallel_loop3A_719 = arith.addi %sub3A_525, %parallel_loop3A_692 : i32
          %parallel_loop3A_720 = arith.index_cast %parallel_loop3A_719 : i32 to index
          %parallel_loop3A_721 = tpu.vector_load %arg4[%parallel_loop3A_720] {strides = array<i32>} : memref<16400xf32, #tpu.memory_space<vmem>>, vector<16xf32>,
          %parallel_loop3A_722 = vector.broadcast %squeeze3A_510 : f32 to vector<16xf32>
          %parallel_loop3A_723 = arith.subf %parallel_loop3A_721, %parallel_loop3A_722 : vector<16xf32>
          %parallel_loop3A_724 = arith.constant 2 : i32
          %parallel_loop3A_725 = arith.index_cast %and3A_296 : i32 to index
          %parallel_loop3A_726 = arith.index_cast %parallel_loop3A_694 : i32 to index
          %parallel_loop3A_727 = arith.index_cast %parallel_loop3A_724 : i32 to index
          %parallel_loop3A_728 = arith.index_cast %parallel_loop3A_696 : i32 to index
          %parallel_loop3A_729 = tpu.vector_load %arg5[%parallel_loop3A_725, %parallel_loop3A_726, %parallel_loop3A_727, %parallel_loop3A_728] {strides = array<i32>} : memref<2x64x4x128xf32, #tpu.memory_space<vmem>>, vector<16xf32>,
          tpu.vector_store %arg5[%parallel_loop3A_725, %parallel_loop3A_726, %parallel_loop3A_727, %parallel_loop3A_728], %parallel_loop3A_723 {strides = array<i32>} : memref<2x64x4x128xf32, #tpu.memory_space<vmem>>, vector<16xf32>,
          %parallel_loop3A_730 = arith.addi %sub3A_528, %parallel_loop3A_692 : i32
          %parallel_loop3A_731 = arith.index_cast %parallel_loop3A_730 : i32 to index
          %parallel_loop3A_732 = tpu.vector_load %arg4[%parallel_loop3A_731] {strides = array<i32>} : memref<16400xf32, #tpu.memory_space<vmem>>, vector<16xf32>,
          %parallel_loop3A_733 = vector.broadcast %squeeze3A_516 : f32 to vector<16xf32>
          %parallel_loop3A_734 = arith.subf %parallel_loop3A_732, %parallel_loop3A_733 : vector<16xf32>
          %parallel_loop3A_735 = arith.constant 3 : i32
          %parallel_loop3A_736 = arith.index_cast %and3A_296 : i32 to index
          %parallel_loop3A_737 = arith.index_cast %parallel_loop3A_694 : i32 to index
          %parallel_loop3A_738 = arith.index_cast %parallel_loop3A_735 : i32 to index
          %parallel_loop3A_739 = arith.index_cast %parallel_loop3A_696 : i32 to index
          %parallel_loop3A_740 = tpu.vector_load %arg5[%parallel_loop3A_736, %parallel_loop3A_737, %parallel_loop3A_738, %parallel_loop3A_739] {strides = array<i32>} : memref<2x64x4x128xf32, #tpu.memory_space<vmem>>, vector<16xf32>,
          tpu.vector_store %arg5[%parallel_loop3A_736, %parallel_loop3A_737, %parallel_loop3A_738, %parallel_loop3A_739], %parallel_loop3A_734 {strides = array<i32>} : memref<2x64x4x128xf32, #tpu.memory_space<vmem>>, vector<16xf32>,
        } {sc.loop_unroll_factor = 1 : i64, sc.parallel_access}
        %sub3A_611 = arith.subi %sub3A_464, %add3A_477 : i32
        %add3A_612 = arith.addi %sub3A_519, %add3A_477 : i32
        %add3A_613 = vector.broadcast %add3A_477 : i32 to vector<16xi32>
        %add3A_614 = arith.addi %add3A_613, %iota3A : vector<16xi32>
        %lt3A_615 = vector.broadcast %sub3A_611 : i32 to vector<16xi32>
        %lt3A_616 = arith.cmpi slt, %iota3A, %lt3A_615 : vector<16xi32>
        %broadcast_in_dim3A_617 = vector.broadcast %and3A_296 : i32 to vector<16xi32>
        %shift_right_arithmetic3A_618 = arith.constant 7 : i32
        %shift_right_arithmetic3A_619 = vector.broadcast %shift_right_arithmetic3A_618 : i32 to vector<16xi32>
        %shift_right_arithmetic3A_620 = arith.shrsi %add3A_614, %shift_right_arithmetic3A_619 : vector<16xi32>
        %and3A_621 = arith.constant 127 : i32
        %and3A_622 = vector.broadcast %and3A_621 : i32 to vector<16xi32>
        %and3A_623 = arith.andi %add3A_614, %and3A_622 : vector<16xi32>
        %broadcast_in_dim3A_624 = arith.constant 0 : i32
        %broadcast_in_dim3A_625 = vector.broadcast %broadcast_in_dim3A_624 : i32 to vector<16xi32>
        %get3A_626 = arith.index_cast %add3A_612 : i32 to index
        %get3A_627 = tpu.vector_load %arg4[%get3A_626] {strides = array<i32>} : memref<16400xf32, #tpu.memory_space<vmem>>, vector<16xf32>,
        %sub3A_628 = vector.broadcast %squeeze3A : f32 to vector<16xf32>
        %sub3A_629 = arith.subf %get3A_627, %sub3A_628 : vector<16xf32>
        tpu.vector_store_idx %arg5[%broadcast_in_dim3A_617, %shift_right_arithmetic3A_620, %broadcast_in_dim3A_625, %and3A_623], %sub3A_629 masked %lt3A_616 : memref<2x64x4x128xf32, #tpu.memory_space<vmem>>[vector<16xi32>, vector<16xi32>, vector<16xi32>, vector<16xi32>], vector<16xf32>, vector<16xi1>
        %sub3A_630 = arith.subi %sub3A_464, %add3A_477 : i32
        %add3A_631 = arith.addi %sub3A_522, %add3A_477 : i32
        %add3A_632 = vector.broadcast %add3A_477 : i32 to vector<16xi32>
        %add3A_633 = arith.addi %add3A_632, %iota3A : vector<16xi32>
        %lt3A_634 = vector.broadcast %sub3A_630 : i32 to vector<16xi32>
        %lt3A_635 = arith.cmpi slt, %iota3A, %lt3A_634 : vector<16xi32>
        %broadcast_in_dim3A_636 = vector.broadcast %and3A_296 : i32 to vector<16xi32>
        %shift_right_arithmetic3A_637 = arith.constant 7 : i32
        %shift_right_arithmetic3A_638 = vector.broadcast %shift_right_arithmetic3A_637 : i32 to vector<16xi32>
        %shift_right_arithmetic3A_639 = arith.shrsi %add3A_633, %shift_right_arithmetic3A_638 : vector<16xi32>
        %and3A_640 = arith.constant 127 : i32
        %and3A_641 = vector.broadcast %and3A_640 : i32 to vector<16xi32>
        %and3A_642 = arith.andi %add3A_633, %and3A_641 : vector<16xi32>
        %broadcast_in_dim3A_643 = arith.constant 1 : i32
        %broadcast_in_dim3A_644 = vector.broadcast %broadcast_in_dim3A_643 : i32 to vector<16xi32>
        %get3A_645 = arith.index_cast %add3A_631 : i32 to index
        %get3A_646 = tpu.vector_load %arg4[%get3A_645] {strides = array<i32>} : memref<16400xf32, #tpu.memory_space<vmem>>, vector<16xf32>,
        %sub3A_647 = vector.broadcast %squeeze3A_504 : f32 to vector<16xf32>
        %sub3A_648 = arith.subf %get3A_646, %sub3A_647 : vector<16xf32>
        tpu.vector_store_idx %arg5[%broadcast_in_dim3A_636, %shift_right_arithmetic3A_639, %broadcast_in_dim3A_644, %and3A_642], %sub3A_648 masked %lt3A_635 : memref<2x64x4x128xf32, #tpu.memory_space<vmem>>[vector<16xi32>, vector<16xi32>, vector<16xi32>, vector<16xi32>], vector<16xf32>, vector<16xi1>
        %sub3A_649 = arith.subi %sub3A_464, %add3A_477 : i32
        %add3A_650 = arith.addi %sub3A_525, %add3A_477 : i32
        %add3A_651 = vector.broadcast %add3A_477 : i32 to vector<16xi32>
        %add3A_652 = arith.addi %add3A_651, %iota3A : vector<16xi32>
        %lt3A_653 = vector.broadcast %sub3A_649 : i32 to vector<16xi32>
        %lt3A_654 = arith.cmpi slt, %iota3A, %lt3A_653 : vector<16xi32>
        %broadcast_in_dim3A_655 = vector.broadcast %and3A_296 : i32 to vector<16xi32>
        %shift_right_arithmetic3A_656 = arith.constant 7 : i32
        %shift_right_arithmetic3A_657 = vector.broadcast %shift_right_arithmetic3A_656 : i32 to vector<16xi32>
        %shift_right_arithmetic3A_658 = arith.shrsi %add3A_652, %shift_right_arithmetic3A_657 : vector<16xi32>
        %and3A_659 = arith.constant 127 : i32
        %and3A_660 = vector.broadcast %and3A_659 : i32 to vector<16xi32>
        %and3A_661 = arith.andi %add3A_652, %and3A_660 : vector<16xi32>
        %broadcast_in_dim3A_662 = arith.constant 2 : i32
        %broadcast_in_dim3A_663 = vector.broadcast %broadcast_in_dim3A_662 : i32 to vector<16xi32>
        %get3A_664 = arith.index_cast %add3A_650 : i32 to index
        %get3A_665 = tpu.vector_load %arg4[%get3A_664] {strides = array<i32>} : memref<16400xf32, #tpu.memory_space<vmem>>, vector<16xf32>,
        %sub3A_666 = vector.broadcast %squeeze3A_510 : f32 to vector<16xf32>
        %sub3A_667 = arith.subf %get3A_665, %sub3A_666 : vector<16xf32>
        tpu.vector_store_idx %arg5[%broadcast_in_dim3A_655, %shift_right_arithmetic3A_658, %broadcast_in_dim3A_663, %and3A_661], %sub3A_667 masked %lt3A_654 : memref<2x64x4x128xf32, #tpu.memory_space<vmem>>[vector<16xi32>, vector<16xi32>, vector<16xi32>, vector<16xi32>], vector<16xf32>, vector<16xi1>
        %sub3A_668 = arith.subi %sub3A_464, %add3A_477 : i32
        %add3A_669 = arith.addi %sub3A_528, %add3A_477 : i32
        %add3A_670 = vector.broadcast %add3A_477 : i32 to vector<16xi32>
        %add3A_671 = arith.addi %add3A_670, %iota3A : vector<16xi32>
        %lt3A_672 = vector.broadcast %sub3A_668 : i32 to vector<16xi32>
        %lt3A_673 = arith.cmpi slt, %iota3A, %lt3A_672 : vector<16xi32>
        %broadcast_in_dim3A_674 = vector.broadcast %and3A_296 : i32 to vector<16xi32>
        %shift_right_arithmetic3A_675 = arith.constant 7 : i32
        %shift_right_arithmetic3A_676 = vector.broadcast %shift_right_arithmetic3A_675 : i32 to vector<16xi32>
        %shift_right_arithmetic3A_677 = arith.shrsi %add3A_671, %shift_right_arithmetic3A_676 : vector<16xi32>
        %and3A_678 = arith.constant 127 : i32
        %and3A_679 = vector.broadcast %and3A_678 : i32 to vector<16xi32>
        %and3A_680 = arith.andi %add3A_671, %and3A_679 : vector<16xi32>
        %broadcast_in_dim3A_681 = arith.constant 3 : i32
        %broadcast_in_dim3A_682 = vector.broadcast %broadcast_in_dim3A_681 : i32 to vector<16xi32>
        %get3A_683 = arith.index_cast %add3A_669 : i32 to index
        %get3A_684 = tpu.vector_load %arg4[%get3A_683] {strides = array<i32>} : memref<16400xf32, #tpu.memory_space<vmem>>, vector<16xf32>,
        %sub3A_685 = vector.broadcast %squeeze3A_516 : f32 to vector<16xf32>
        %sub3A_686 = arith.subf %get3A_684, %sub3A_685 : vector<16xf32>
        tpu.vector_store_idx %arg5[%broadcast_in_dim3A_674, %shift_right_arithmetic3A_677, %broadcast_in_dim3A_682, %and3A_680], %sub3A_686 masked %lt3A_673 : memref<2x64x4x128xf32, #tpu.memory_space<vmem>>[vector<16xi32>, vector<16xi32>, vector<16xi32>, vector<16xi32>], vector<16xf32>, vector<16xi1>
        %add3A_687 = arith.constant 1 : i32
        %add3A_688 = arith.addi %while3A_458, %add3A_687 : i32
        scf.yield %add3A_688, %add3A_462 : i32, i32
      }
      %dma_start3A = arith.constant 0 : i32
      %dma_start3A_442 = arith.constant 0 : i32
      %dma_start3A_443 = arith.constant 0 : i32
      %dma_start3A_444 = tpu.memref_slice %arg5[%and3A_296, %dma_start3A, %dma_start3A_442, %dma_start3A_443] : memref<2x64x4x128xf32, #tpu.memory_space<vmem>> -> memref<1x64x4x128xf32, #tpu.memory_space<vmem>>
      %dma_start3A_445 = tpu.memref_squeeze %dma_start3A_444 : memref<1x64x4x128xf32, #tpu.memory_space<vmem>> -> memref<64x4x128xf32, #tpu.memory_space<vmem>>
      %dma_start3A_446 = arith.constant 0 : i32
      %dma_start3A_447 = arith.constant 0 : i32
      %dma_start3A_448 = tpu.memref_slice %arg3[%mul3A_293, %dma_start3A_446, %dma_start3A_447] : memref<65520x4x128xf32, #tpu.memory_space<hbm>> -> memref<64x4x128xf32, #tpu.memory_space<hbm>>
      %dma_start3A_449 = arith.constant 0 : i32
      %dma_start3A_450 = arith.constant 0 : i32
      %dma_start3A_451 = tpu.memref_slice %arg3[%mul3A_293, %dma_start3A_449, %dma_start3A_450] : memref<65520x4x128xf32, #tpu.memory_space<hbm>> -> memref<64x4x128xf32, #tpu.memory_space<hbm>>
      %dma_start3A_452 = arith.constant 0 : i32
      %dma_start3A_453 = arith.constant 0 : i32
      %dma_start3A_454 = arith.constant 0 : i32
      %dma_start3A_455 = tpu.memref_slice %arg5[%and3A_296, %dma_start3A_452, %dma_start3A_453, %dma_start3A_454] : memref<2x64x4x128xf32, #tpu.memory_space<vmem>> -> memref<1x64x4x128xf32, #tpu.memory_space<vmem>>
      %dma_start3A_456 = tpu.memref_squeeze %dma_start3A_455 : memref<1x64x4x128xf32, #tpu.memory_space<vmem>> -> memref<64x4x128xf32, #tpu.memory_space<vmem>>
      tpu.enqueue_dma source(%dma_start3A_456 : memref<64x4x128xf32, #tpu.memory_space<vmem>>) target(%dma_start3A_451 : memref<64x4x128xf32, #tpu.memory_space<hbm>>) target_semaphore(%arg6 : memref<!tpu.dma_semaphore, #tpu.memory_space<semaphore_mem>>)
      %while3A_457 = arith.constant 0 : i32
      scf.yield %while3A_457 : i32
    }
    %eq3A_259 = arith.constant 31 : i32
    %eq3A_260 = arith.cmpi eq, %add3A, %eq3A_259 : i32
    %convert_element_type3A = arith.extui %eq3A_260 : i1 to i32
    %cond3A = arith.constant 0 : i32
    %cond3A_261 = arith.cmpi ne, %convert_element_type3A, %cond3A : i32
    scf.if %cond3A_261 {
      %dma_wait3A_289 = arith.constant 0 : i32
      %dma_wait3A_290 = arith.constant 0 : i32
      %dma_wait3A_291 = arith.constant 0 : i32
      %dma_wait3A_292 = arith.constant 0 : i32
      %dma_wait3A_293 = tpu.memref_slice %arg5[%dma_wait3A_289, %dma_wait3A_290, %dma_wait3A_291, %dma_wait3A_292] : memref<2x64x4x128xf32, #tpu.memory_space<vmem>> -> memref<1x64x4x128xf32, #tpu.memory_space<vmem>>
      %dma_wait3A_294 = tpu.memref_squeeze %dma_wait3A_293 : memref<1x64x4x128xf32, #tpu.memory_space<vmem>> -> memref<64x4x128xf32, #tpu.memory_space<vmem>>
      %dma_wait3A_295 = arith.constant 0 : i32
      %dma_wait3A_296 = arith.constant 0 : i32
      %dma_wait3A_297 = arith.constant 0 : i32
      %dma_wait3A_298 = tpu.memref_slice %arg3[%dma_wait3A_295, %dma_wait3A_296, %dma_wait3A_297] : memref<65520x4x128xf32, #tpu.memory_space<hbm>> -> memref<64x4x128xf32, #tpu.memory_space<hbm>>
      %dma_wait3A_299 = arith.constant 0 : i32
      %dma_wait3A_300 = arith.constant 0 : i32
      %dma_wait3A_301 = arith.constant 0 : i32
      %dma_wait3A_302 = tpu.memref_slice %arg3[%dma_wait3A_299, %dma_wait3A_300, %dma_wait3A_301] : memref<65520x4x128xf32, #tpu.memory_space<hbm>> -> memref<64x4x128xf32, #tpu.memory_space<hbm>>
      %dma_wait3A_303 = arith.constant 0 : i32
      %dma_wait3A_304 = arith.constant 0 : i32
      %dma_wait3A_305 = arith.constant 0 : i32
      %dma_wait3A_306 = tpu.memref_slice %arg5[%dma_wait3A_289, %dma_wait3A_303, %dma_wait3A_304, %dma_wait3A_305] : memref<2x64x4x128xf32, #tpu.memory_space<vmem>> -> memref<1x64x4x128xf32, #tpu.memory_space<vmem>>
      %dma_wait3A_307 = tpu.memref_squeeze %dma_wait3A_306 : memref<1x64x4x128xf32, #tpu.memory_space<vmem>> -> memref<64x4x128xf32, #tpu.memory_space<vmem>>
      tpu.wait_dma2 semaphore(%arg6 : memref<!tpu.dma_semaphore, #tpu.memory_space<semaphore_mem>>) src(%dma_wait3A_307 : memref<64x4x128xf32, #tpu.memory_space<vmem>>) dst(%dma_wait3A_302 : memref<64x4x128xf32, #tpu.memory_space<hbm>>)
      %and3A = arith.constant 1 : i32
      %and3A_308 = arith.andi %select_n3A_247, %and3A : i32
      %add3A_309 = arith.constant 0 : i32
      %add3A_310 = arith.constant 4095 : i32
      %add3A_311 = arith.addi %add3A_309, %add3A_310 : i32
      %shift_right_arithmetic3A = arith.constant 1 : i32
      %shift_right_arithmetic3A_312 = arith.shrsi %add3A_311, %shift_right_arithmetic3A : i32
      %sub3A = arith.constant 8191 : i32
      %sub3A_313 = arith.subi %sub3A, %shift_right_arithmetic3A_312 : i32
      %mul3A_314 = arith.muli %shift_right_arithmetic3A_312, %sub3A_313 : i32
      %shift_right_arithmetic3A_315 = arith.constant 1 : i32
      %shift_right_arithmetic3A_316 = arith.shrsi %mul3A_314, %shift_right_arithmetic3A_315 : i32
      %le3A = arith.constant 8380416 : i32
      %le3A_317 = arith.cmpi sle, %shift_right_arithmetic3A_316, %le3A : i32
      %jit3A_318 = arith.constant 0 : i32
      %select_n3A_319 = arith.select %le3A_317, %shift_right_arithmetic3A_312, %jit3A_318 : i32
      %jit3A_320 = arith.constant 4095 : i32
      %select_n3A_321 = arith.select %le3A_317, %jit3A_320, %shift_right_arithmetic3A_312 : i32
      %add3A_322 = arith.addi %select_n3A_319, %select_n3A_321 : i32
      %shift_right_arithmetic3A_323 = arith.constant 1 : i32
      %shift_right_arithmetic3A_324 = arith.shrsi %add3A_322, %shift_right_arithmetic3A_323 : i32
      %sub3A_325 = arith.constant 8191 : i32
      %sub3A_326 = arith.subi %sub3A_325, %shift_right_arithmetic3A_324 : i32
      %mul3A_327 = arith.muli %shift_right_arithmetic3A_324, %sub3A_326 : i32
      %shift_right_arithmetic3A_328 = arith.constant 1 : i32
      %shift_right_arithmetic3A_329 = arith.shrsi %mul3A_327, %shift_right_arithmetic3A_328 : i32
      %le3A_330 = arith.constant 8380416 : i32
      %le3A_331 = arith.cmpi sle, %shift_right_arithmetic3A_329, %le3A_330 : i32
      %select_n3A_332 = arith.select %le3A_331, %shift_right_arithmetic3A_324, %select_n3A_319 : i32
      %select_n3A_333 = arith.select %le3A_331, %select_n3A_321, %shift_right_arithmetic3A_324 : i32
      %add3A_334 = arith.addi %select_n3A_332, %select_n3A_333 : i32
      %shift_right_arithmetic3A_335 = arith.constant 1 : i32
      %shift_right_arithmetic3A_336 = arith.shrsi %add3A_334, %shift_right_arithmetic3A_335 : i32
      %sub3A_337 = arith.constant 8191 : i32
      %sub3A_338 = arith.subi %sub3A_337, %shift_right_arithmetic3A_336 : i32
      %mul3A_339 = arith.muli %shift_right_arithmetic3A_336, %sub3A_338 : i32
      %shift_right_arithmetic3A_340 = arith.constant 1 : i32
      %shift_right_arithmetic3A_341 = arith.shrsi %mul3A_339, %shift_right_arithmetic3A_340 : i32
      %le3A_342 = arith.constant 8380416 : i32
      %le3A_343 = arith.cmpi sle, %shift_right_arithmetic3A_341, %le3A_342 : i32
      %select_n3A_344 = arith.select %le3A_343, %shift_right_arithmetic3A_336, %select_n3A_332 : i32
      %select_n3A_345 = arith.select %le3A_343, %select_n3A_333, %shift_right_arithmetic3A_336 : i32
      %add3A_346 = arith.addi %select_n3A_344, %select_n3A_345 : i32
      %shift_right_arithmetic3A_347 = arith.constant 1 : i32
      %shift_right_arithmetic3A_348 = arith.shrsi %add3A_346, %shift_right_arithmetic3A_347 : i32
      %sub3A_349 = arith.constant 8191 : i32
      %sub3A_350 = arith.subi %sub3A_349, %shift_right_arithmetic3A_348 : i32
      %mul3A_351 = arith.muli %shift_right_arithmetic3A_348, %sub3A_350 : i32
      %shift_right_arithmetic3A_352 = arith.constant 1 : i32
      %shift_right_arithmetic3A_353 = arith.shrsi %mul3A_351, %shift_right_arithmetic3A_352 : i32
      %le3A_354 = arith.constant 8380416 : i32
      %le3A_355 = arith.cmpi sle, %shift_right_arithmetic3A_353, %le3A_354 : i32
      %select_n3A_356 = arith.select %le3A_355, %shift_right_arithmetic3A_348, %select_n3A_344 : i32
      %select_n3A_357 = arith.select %le3A_355, %select_n3A_345, %shift_right_arithmetic3A_348 : i32
      %add3A_358 = arith.addi %select_n3A_356, %select_n3A_357 : i32
      %shift_right_arithmetic3A_359 = arith.constant 1 : i32
      %shift_right_arithmetic3A_360 = arith.shrsi %add3A_358, %shift_right_arithmetic3A_359 : i32
      %sub3A_361 = arith.constant 8191 : i32
      %sub3A_362 = arith.subi %sub3A_361, %shift_right_arithmetic3A_360 : i32
      %mul3A_363 = arith.muli %shift_right_arithmetic3A_360, %sub3A_362 : i32
      %shift_right_arithmetic3A_364 = arith.constant 1 : i32
      %shift_right_arithmetic3A_365 = arith.shrsi %mul3A_363, %shift_right_arithmetic3A_364 : i32
      %le3A_366 = arith.constant 8380416 : i32
      %le3A_367 = arith.cmpi sle, %shift_right_arithmetic3A_365, %le3A_366 : i32
      %select_n3A_368 = arith.select %le3A_367, %shift_right_arithmetic3A_360, %select_n3A_356 : i32
      %select_n3A_369 = arith.select %le3A_367, %select_n3A_357, %shift_right_arithmetic3A_360 : i32
      %add3A_370 = arith.addi %select_n3A_368, %select_n3A_369 : i32
      %shift_right_arithmetic3A_371 = arith.constant 1 : i32
      %shift_right_arithmetic3A_372 = arith.shrsi %add3A_370, %shift_right_arithmetic3A_371 : i32
      %sub3A_373 = arith.constant 8191 : i32
      %sub3A_374 = arith.subi %sub3A_373, %shift_right_arithmetic3A_372 : i32
      %mul3A_375 = arith.muli %shift_right_arithmetic3A_372, %sub3A_374 : i32
      %shift_right_arithmetic3A_376 = arith.constant 1 : i32
      %shift_right_arithmetic3A_377 = arith.shrsi %mul3A_375, %shift_right_arithmetic3A_376 : i32
      %le3A_378 = arith.constant 8380416 : i32
      %le3A_379 = arith.cmpi sle, %shift_right_arithmetic3A_377, %le3A_378 : i32
      %select_n3A_380 = arith.select %le3A_379, %shift_right_arithmetic3A_372, %select_n3A_368 : i32
      %select_n3A_381 = arith.select %le3A_379, %select_n3A_369, %shift_right_arithmetic3A_372 : i32
      %add3A_382 = arith.addi %select_n3A_380, %select_n3A_381 : i32
      %shift_right_arithmetic3A_383 = arith.constant 1 : i32
      %shift_right_arithmetic3A_384 = arith.shrsi %add3A_382, %shift_right_arithmetic3A_383 : i32
      %sub3A_385 = arith.constant 8191 : i32
      %sub3A_386 = arith.subi %sub3A_385, %shift_right_arithmetic3A_384 : i32
      %mul3A_387 = arith.muli %shift_right_arithmetic3A_384, %sub3A_386 : i32
      %shift_right_arithmetic3A_388 = arith.constant 1 : i32
      %shift_right_arithmetic3A_389 = arith.shrsi %mul3A_387, %shift_right_arithmetic3A_388 : i32
      %le3A_390 = arith.constant 8380416 : i32
      %le3A_391 = arith.cmpi sle, %shift_right_arithmetic3A_389, %le3A_390 : i32
      %select_n3A_392 = arith.select %le3A_391, %shift_right_arithmetic3A_384, %select_n3A_380 : i32
      %select_n3A_393 = arith.select %le3A_391, %select_n3A_381, %shift_right_arithmetic3A_384 : i32
      %add3A_394 = arith.addi %select_n3A_392, %select_n3A_393 : i32
      %shift_right_arithmetic3A_395 = arith.constant 1 : i32
      %shift_right_arithmetic3A_396 = arith.shrsi %add3A_394, %shift_right_arithmetic3A_395 : i32
      %sub3A_397 = arith.constant 8191 : i32
      %sub3A_398 = arith.subi %sub3A_397, %shift_right_arithmetic3A_396 : i32
      %mul3A_399 = arith.muli %shift_right_arithmetic3A_396, %sub3A_398 : i32
      %shift_right_arithmetic3A_400 = arith.constant 1 : i32
      %shift_right_arithmetic3A_401 = arith.shrsi %mul3A_399, %shift_right_arithmetic3A_400 : i32
      %le3A_402 = arith.constant 8380416 : i32
      %le3A_403 = arith.cmpi sle, %shift_right_arithmetic3A_401, %le3A_402 : i32
      %select_n3A_404 = arith.select %le3A_403, %shift_right_arithmetic3A_396, %select_n3A_392 : i32
      %select_n3A_405 = arith.select %le3A_403, %select_n3A_393, %shift_right_arithmetic3A_396 : i32
      %add3A_406 = arith.addi %select_n3A_404, %select_n3A_405 : i32
      %shift_right_arithmetic3A_407 = arith.constant 1 : i32
      %shift_right_arithmetic3A_408 = arith.shrsi %add3A_406, %shift_right_arithmetic3A_407 : i32
      %sub3A_409 = arith.constant 8191 : i32
      %sub3A_410 = arith.subi %sub3A_409, %shift_right_arithmetic3A_408 : i32
      %mul3A_411 = arith.muli %shift_right_arithmetic3A_408, %sub3A_410 : i32
      %shift_right_arithmetic3A_412 = arith.constant 1 : i32
      %shift_right_arithmetic3A_413 = arith.shrsi %mul3A_411, %shift_right_arithmetic3A_412 : i32
      %le3A_414 = arith.constant 8380416 : i32
      %le3A_415 = arith.cmpi sle, %shift_right_arithmetic3A_413, %le3A_414 : i32
      %select_n3A_416 = arith.select %le3A_415, %shift_right_arithmetic3A_408, %select_n3A_404 : i32
      %select_n3A_417 = arith.select %le3A_415, %select_n3A_405, %shift_right_arithmetic3A_408 : i32
      %add3A_418 = arith.addi %select_n3A_416, %select_n3A_417 : i32
      %shift_right_arithmetic3A_419 = arith.constant 1 : i32
      %shift_right_arithmetic3A_420 = arith.shrsi %add3A_418, %shift_right_arithmetic3A_419 : i32
      %sub3A_421 = arith.constant 8191 : i32
      %sub3A_422 = arith.subi %sub3A_421, %shift_right_arithmetic3A_420 : i32
      %mul3A_423 = arith.muli %shift_right_arithmetic3A_420, %sub3A_422 : i32
      %shift_right_arithmetic3A_424 = arith.constant 1 : i32
      %shift_right_arithmetic3A_425 = arith.shrsi %mul3A_423, %shift_right_arithmetic3A_424 : i32
      %le3A_426 = arith.constant 8380416 : i32
      %le3A_427 = arith.cmpi sle, %shift_right_arithmetic3A_425, %le3A_426 : i32
      %select_n3A_428 = arith.select %le3A_427, %shift_right_arithmetic3A_420, %select_n3A_416 : i32
      %select_n3A_429 = arith.select %le3A_427, %select_n3A_417, %shift_right_arithmetic3A_420 : i32
      %add3A_430 = arith.addi %select_n3A_428, %select_n3A_429 : i32
      %shift_right_arithmetic3A_431 = arith.constant 1 : i32
      %shift_right_arithmetic3A_432 = arith.shrsi %add3A_430, %shift_right_arithmetic3A_431 : i32
      %sub3A_433 = arith.constant 8191 : i32
      %sub3A_434 = arith.subi %sub3A_433, %shift_right_arithmetic3A_432 : i32
      %mul3A_435 = arith.muli %shift_right_arithmetic3A_432, %sub3A_434 : i32
      %shift_right_arithmetic3A_436 = arith.constant 1 : i32
      %shift_right_arithmetic3A_437 = arith.shrsi %mul3A_435, %shift_right_arithmetic3A_436 : i32
      %le3A_438 = arith.constant 8380416 : i32
      %le3A_439 = arith.cmpi sle, %shift_right_arithmetic3A_437, %le3A_438 : i32
      %select_n3A_440 = arith.select %le3A_439, %shift_right_arithmetic3A_432, %select_n3A_428 : i32
      %select_n3A_441 = arith.select %le3A_439, %select_n3A_429, %shift_right_arithmetic3A_432 : i32
      %add3A_442 = arith.addi %select_n3A_440, %select_n3A_441 : i32
      %shift_right_arithmetic3A_443 = arith.constant 1 : i32
      %shift_right_arithmetic3A_444 = arith.shrsi %add3A_442, %shift_right_arithmetic3A_443 : i32
      %sub3A_445 = arith.constant 8191 : i32
      %sub3A_446 = arith.subi %sub3A_445, %shift_right_arithmetic3A_444 : i32
      %mul3A_447 = arith.muli %shift_right_arithmetic3A_444, %sub3A_446 : i32
      %shift_right_arithmetic3A_448 = arith.constant 1 : i32
      %shift_right_arithmetic3A_449 = arith.shrsi %mul3A_447, %shift_right_arithmetic3A_448 : i32
      %le3A_450 = arith.constant 8380416 : i32
      %le3A_451 = arith.cmpi sle, %shift_right_arithmetic3A_449, %le3A_450 : i32
      %select_n3A_452 = arith.select %le3A_451, %shift_right_arithmetic3A_444, %select_n3A_440 : i32
      %select_n3A_453 = arith.select %le3A_451, %select_n3A_441, %shift_right_arithmetic3A_444 : i32
      %sub3A_454 = arith.constant 8191 : i32
      %sub3A_455 = arith.subi %sub3A_454, %select_n3A_452 : i32
      %mul3A_456 = arith.muli %select_n3A_452, %sub3A_455 : i32
      %shift_right_arithmetic3A_457 = arith.constant 1 : i32
      %shift_right_arithmetic3A_458 = arith.shrsi %mul3A_456, %shift_right_arithmetic3A_457 : i32
      %while3A_459:2 = scf.while (%while3A_477 = %select_n3A_452, %while3A_478 = %shift_right_arithmetic3A_458) : (i32, i32) -> (i32, i32) {
        %lt3A_479 = arith.constant 8386560 : i32
        %lt3A_480 = arith.cmpi slt, %while3A_478, %lt3A_479 : i32
        scf.condition(%lt3A_480) %while3A_477, %while3A_478 : i32, i32
      } do {
      ^bb0(%while3A_477: i32, %while3A_478: i32):
        %sub3A_479 = arith.constant 4095 : i32
        %sub3A_480 = arith.subi %sub3A_479, %while3A_477 : i32
        %add3A_481 = arith.addi %while3A_478, %sub3A_480 : i32
        %max3A = arith.constant 8380416 : i32
        %max3A_482 = arith.maxsi %while3A_478, %max3A : i32
        %min3A = arith.constant 8386560 : i32
        %min3A_483 = arith.minsi %add3A_481, %min3A : i32
        %sub3A_484 = arith.constant 8380416 : i32
        %sub3A_485 = arith.subi %max3A_482, %sub3A_484 : i32
        %sub3A_486 = arith.constant 8380416 : i32
        %sub3A_487 = arith.subi %min3A_483, %sub3A_486 : i32
        %add3A_488 = arith.constant 1 : i32
        %add3A_489 = arith.addi %while3A_477, %add3A_488 : i32
        %sub3A_490 = arith.subi %max3A_482, %while3A_478 : i32
        %add3A_491 = arith.addi %add3A_489, %sub3A_490 : i32
        %add3A_492 = arith.constant 15 : i32
        %add3A_493 = arith.addi %sub3A_485, %add3A_492 : i32
        %and3A_494 = arith.constant -16 : i32
        %and3A_495 = arith.andi %add3A_493, %and3A_494 : i32
        %min3A_496 = arith.minsi %and3A_495, %sub3A_487 : i32
        %sub3A_497 = arith.subi %sub3A_487, %min3A_496 : i32
        %and3A_498 = arith.constant -16 : i32
        %and3A_499 = arith.andi %sub3A_497, %and3A_498 : i32
        %add3A_500 = arith.addi %min3A_496, %and3A_499 : i32
        %add3A_501 = arith.constant 127 : i32
        %add3A_502 = arith.addi %min3A_496, %add3A_501 : i32
        %and3A_503 = arith.constant -128 : i32
        %and3A_504 = arith.andi %add3A_502, %and3A_503 : i32
        %min3A_505 = arith.minsi %and3A_504, %add3A_500 : i32
        %sub3A_506 = arith.subi %add3A_500, %min3A_505 : i32
        %and3A_507 = arith.constant -128 : i32
        %and3A_508 = arith.andi %sub3A_506, %and3A_507 : i32
        %add3A_509 = arith.addi %min3A_505, %and3A_508 : i32
        %sub3A_510 = arith.subi %min3A_505, %min3A_496 : i32
        %shift_right_arithmetic3A_511 = arith.constant 4 : i32
        %shift_right_arithmetic3A_512 = arith.shrsi %sub3A_510, %shift_right_arithmetic3A_511 : i32
        %sub3A_513 = arith.subi %add3A_509, %min3A_505 : i32
        %shift_right_arithmetic3A_514 = arith.constant 7 : i32
        %shift_right_arithmetic3A_515 = arith.shrsi %sub3A_513, %shift_right_arithmetic3A_514 : i32
        %sub3A_516 = arith.subi %add3A_500, %add3A_509 : i32
        %shift_right_arithmetic3A_517 = arith.constant 4 : i32
        %shift_right_arithmetic3A_518 = arith.shrsi %sub3A_516, %shift_right_arithmetic3A_517 : i32
        %add3A_519 = arith.constant 0 : i32
        %add3A_520 = arith.addi %add3A_519, %while3A_477 : i32
        %get3A = arith.index_cast %add3A_520 : i32 to index
        %get3A_521 = tpu.vector_load %arg4[%get3A] {strides = array<i32>} : memref<16400xf32, #tpu.memory_space<vmem>>, vector<16xf32>,
        %slice3A = vector.extract_strided_slice %get3A_521 {offsets = [0], sizes = [1], strides = [1]} : vector<16xf32> to vector<1xf32>
        %squeeze3A = vector.extract %slice3A[0] : f32 from vector<1xf32>
        %add3A_522 = arith.constant 4096 : i32
        %add3A_523 = arith.addi %add3A_522, %while3A_477 : i32
        %get3A_524 = arith.index_cast %add3A_523 : i32 to index
        %get3A_525 = tpu.vector_load %arg4[%get3A_524] {strides = array<i32>} : memref<16400xf32, #tpu.memory_space<vmem>>, vector<16xf32>,
        %slice3A_526 = vector.extract_strided_slice %get3A_525 {offsets = [0], sizes = [1], strides = [1]} : vector<16xf32> to vector<1xf32>
        %squeeze3A_527 = vector.extract %slice3A_526[0] : f32 from vector<1xf32>
        %add3A_528 = arith.constant 8192 : i32
        %add3A_529 = arith.addi %add3A_528, %while3A_477 : i32
        %get3A_530 = arith.index_cast %add3A_529 : i32 to index
        %get3A_531 = tpu.vector_load %arg4[%get3A_530] {strides = array<i32>} : memref<16400xf32, #tpu.memory_space<vmem>>, vector<16xf32>,
        %slice3A_532 = vector.extract_strided_slice %get3A_531 {offsets = [0], sizes = [1], strides = [1]} : vector<16xf32> to vector<1xf32>
        %squeeze3A_533 = vector.extract %slice3A_532[0] : f32 from vector<1xf32>
        %add3A_534 = arith.constant 12288 : i32
        %add3A_535 = arith.addi %add3A_534, %while3A_477 : i32
        %get3A_536 = arith.index_cast %add3A_535 : i32 to index
        %get3A_537 = tpu.vector_load %arg4[%get3A_536] {strides = array<i32>} : memref<16400xf32, #tpu.memory_space<vmem>>, vector<16xf32>,
        %slice3A_538 = vector.extract_strided_slice %get3A_537 {offsets = [0], sizes = [1], strides = [1]} : vector<16xf32> to vector<1xf32>
        %squeeze3A_539 = vector.extract %slice3A_538[0] : f32 from vector<1xf32>
        %add3A_540 = arith.constant 0 : i32
        %add3A_541 = arith.addi %add3A_540, %add3A_491 : i32
        %sub3A_542 = arith.subi %add3A_541, %sub3A_485 : i32
        %add3A_543 = arith.constant 4096 : i32
        %add3A_544 = arith.addi %add3A_543, %add3A_491 : i32
        %sub3A_545 = arith.subi %add3A_544, %sub3A_485 : i32
        %add3A_546 = arith.constant 8192 : i32
        %add3A_547 = arith.addi %add3A_546, %add3A_491 : i32
        %sub3A_548 = arith.subi %add3A_547, %sub3A_485 : i32
        %add3A_549 = arith.constant 12288 : i32
        %add3A_550 = arith.addi %add3A_549, %add3A_491 : i32
        %sub3A_551 = arith.subi %add3A_550, %sub3A_485 : i32
        %sub3A_552 = arith.subi %min3A_496, %sub3A_485 : i32
        %add3A_553 = arith.addi %sub3A_542, %sub3A_485 : i32
        %add3A_554 = vector.broadcast %sub3A_485 : i32 to vector<16xi32>
        %add3A_555 = arith.addi %add3A_554, %iota3A : vector<16xi32>
        %lt3A_556 = vector.broadcast %sub3A_552 : i32 to vector<16xi32>
        %lt3A_557 = arith.cmpi slt, %iota3A, %lt3A_556 : vector<16xi32>
        %broadcast_in_dim3A = vector.broadcast %and3A_308 : i32 to vector<16xi32>
        %shift_right_arithmetic3A_558 = arith.constant 7 : i32
        %shift_right_arithmetic3A_559 = vector.broadcast %shift_right_arithmetic3A_558 : i32 to vector<16xi32>
        %shift_right_arithmetic3A_560 = arith.shrsi %add3A_555, %shift_right_arithmetic3A_559 : vector<16xi32>
        %and3A_561 = arith.constant 127 : i32
        %and3A_562 = vector.broadcast %and3A_561 : i32 to vector<16xi32>
        %and3A_563 = arith.andi %add3A_555, %and3A_562 : vector<16xi32>
        %broadcast_in_dim3A_564 = arith.constant 0 : i32
        %broadcast_in_dim3A_565 = vector.broadcast %broadcast_in_dim3A_564 : i32 to vector<16xi32>
        %get3A_566 = arith.index_cast %add3A_553 : i32 to index
        %get3A_567 = tpu.vector_load %arg4[%get3A_566] {strides = array<i32>} : memref<16400xf32, #tpu.memory_space<vmem>>, vector<16xf32>,
        %sub3A_568 = vector.broadcast %squeeze3A : f32 to vector<16xf32>
        %sub3A_569 = arith.subf %get3A_567, %sub3A_568 : vector<16xf32>
        tpu.vector_store_idx %arg5[%broadcast_in_dim3A, %shift_right_arithmetic3A_560, %broadcast_in_dim3A_565, %and3A_563], %sub3A_569 masked %lt3A_557 : memref<2x64x4x128xf32, #tpu.memory_space<vmem>>[vector<16xi32>, vector<16xi32>, vector<16xi32>, vector<16xi32>], vector<16xf32>, vector<16xi1>
        %sub3A_570 = arith.subi %min3A_496, %sub3A_485 : i32
        %add3A_571 = arith.addi %sub3A_545, %sub3A_485 : i32
        %add3A_572 = vector.broadcast %sub3A_485 : i32 to vector<16xi32>
        %add3A_573 = arith.addi %add3A_572, %iota3A : vector<16xi32>
        %lt3A_574 = vector.broadcast %sub3A_570 : i32 to vector<16xi32>
        %lt3A_575 = arith.cmpi slt, %iota3A, %lt3A_574 : vector<16xi32>
        %broadcast_in_dim3A_576 = vector.broadcast %and3A_308 : i32 to vector<16xi32>
        %shift_right_arithmetic3A_577 = arith.constant 7 : i32
        %shift_right_arithmetic3A_578 = vector.broadcast %shift_right_arithmetic3A_577 : i32 to vector<16xi32>
        %shift_right_arithmetic3A_579 = arith.shrsi %add3A_573, %shift_right_arithmetic3A_578 : vector<16xi32>
        %and3A_580 = arith.constant 127 : i32
        %and3A_581 = vector.broadcast %and3A_580 : i32 to vector<16xi32>
        %and3A_582 = arith.andi %add3A_573, %and3A_581 : vector<16xi32>
        %broadcast_in_dim3A_583 = arith.constant 1 : i32
        %broadcast_in_dim3A_584 = vector.broadcast %broadcast_in_dim3A_583 : i32 to vector<16xi32>
        %get3A_585 = arith.index_cast %add3A_571 : i32 to index
        %get3A_586 = tpu.vector_load %arg4[%get3A_585] {strides = array<i32>} : memref<16400xf32, #tpu.memory_space<vmem>>, vector<16xf32>,
        %sub3A_587 = vector.broadcast %squeeze3A_527 : f32 to vector<16xf32>
        %sub3A_588 = arith.subf %get3A_586, %sub3A_587 : vector<16xf32>
        tpu.vector_store_idx %arg5[%broadcast_in_dim3A_576, %shift_right_arithmetic3A_579, %broadcast_in_dim3A_584, %and3A_582], %sub3A_588 masked %lt3A_575 : memref<2x64x4x128xf32, #tpu.memory_space<vmem>>[vector<16xi32>, vector<16xi32>, vector<16xi32>, vector<16xi32>], vector<16xf32>, vector<16xi1>
        %sub3A_589 = arith.subi %min3A_496, %sub3A_485 : i32
        %add3A_590 = arith.addi %sub3A_548, %sub3A_485 : i32
        %add3A_591 = vector.broadcast %sub3A_485 : i32 to vector<16xi32>
        %add3A_592 = arith.addi %add3A_591, %iota3A : vector<16xi32>
        %lt3A_593 = vector.broadcast %sub3A_589 : i32 to vector<16xi32>
        %lt3A_594 = arith.cmpi slt, %iota3A, %lt3A_593 : vector<16xi32>
        %broadcast_in_dim3A_595 = vector.broadcast %and3A_308 : i32 to vector<16xi32>
        %shift_right_arithmetic3A_596 = arith.constant 7 : i32
        %shift_right_arithmetic3A_597 = vector.broadcast %shift_right_arithmetic3A_596 : i32 to vector<16xi32>
        %shift_right_arithmetic3A_598 = arith.shrsi %add3A_592, %shift_right_arithmetic3A_597 : vector<16xi32>
        %and3A_599 = arith.constant 127 : i32
        %and3A_600 = vector.broadcast %and3A_599 : i32 to vector<16xi32>
        %and3A_601 = arith.andi %add3A_592, %and3A_600 : vector<16xi32>
        %broadcast_in_dim3A_602 = arith.constant 2 : i32
        %broadcast_in_dim3A_603 = vector.broadcast %broadcast_in_dim3A_602 : i32 to vector<16xi32>
        %get3A_604 = arith.index_cast %add3A_590 : i32 to index
        %get3A_605 = tpu.vector_load %arg4[%get3A_604] {strides = array<i32>} : memref<16400xf32, #tpu.memory_space<vmem>>, vector<16xf32>,
        %sub3A_606 = vector.broadcast %squeeze3A_533 : f32 to vector<16xf32>
        %sub3A_607 = arith.subf %get3A_605, %sub3A_606 : vector<16xf32>
        tpu.vector_store_idx %arg5[%broadcast_in_dim3A_595, %shift_right_arithmetic3A_598, %broadcast_in_dim3A_603, %and3A_601], %sub3A_607 masked %lt3A_594 : memref<2x64x4x128xf32, #tpu.memory_space<vmem>>[vector<16xi32>, vector<16xi32>, vector<16xi32>, vector<16xi32>], vector<16xf32>, vector<16xi1>
        %sub3A_608 = arith.subi %min3A_496, %sub3A_485 : i32
        %add3A_609 = arith.addi %sub3A_551, %sub3A_485 : i32
        %add3A_610 = vector.broadcast %sub3A_485 : i32 to vector<16xi32>
        %add3A_611 = arith.addi %add3A_610, %iota3A : vector<16xi32>
        %lt3A_612 = vector.broadcast %sub3A_608 : i32 to vector<16xi32>
        %lt3A_613 = arith.cmpi slt, %iota3A, %lt3A_612 : vector<16xi32>
        %broadcast_in_dim3A_614 = vector.broadcast %and3A_308 : i32 to vector<16xi32>
        %shift_right_arithmetic3A_615 = arith.constant 7 : i32
        %shift_right_arithmetic3A_616 = vector.broadcast %shift_right_arithmetic3A_615 : i32 to vector<16xi32>
        %shift_right_arithmetic3A_617 = arith.shrsi %add3A_611, %shift_right_arithmetic3A_616 : vector<16xi32>
        %and3A_618 = arith.constant 127 : i32
        %and3A_619 = vector.broadcast %and3A_618 : i32 to vector<16xi32>
        %and3A_620 = arith.andi %add3A_611, %and3A_619 : vector<16xi32>
        %broadcast_in_dim3A_621 = arith.constant 3 : i32
        %broadcast_in_dim3A_622 = vector.broadcast %broadcast_in_dim3A_621 : i32 to vector<16xi32>
        %get3A_623 = arith.index_cast %add3A_609 : i32 to index
        %get3A_624 = tpu.vector_load %arg4[%get3A_623] {strides = array<i32>} : memref<16400xf32, #tpu.memory_space<vmem>>, vector<16xf32>,
        %sub3A_625 = vector.broadcast %squeeze3A_539 : f32 to vector<16xf32>
        %sub3A_626 = arith.subf %get3A_624, %sub3A_625 : vector<16xf32>
        tpu.vector_store_idx %arg5[%broadcast_in_dim3A_614, %shift_right_arithmetic3A_617, %broadcast_in_dim3A_622, %and3A_620], %sub3A_626 masked %lt3A_613 : memref<2x64x4x128xf32, #tpu.memory_space<vmem>>[vector<16xi32>, vector<16xi32>, vector<16xi32>, vector<16xi32>], vector<16xf32>, vector<16xi1>
        %parallel_loop3A = arith.constant 0 : i32
        %parallel_loop3A_627 = arith.constant 1 : i32
        scf.for %parallel_loop3A_712 = %parallel_loop3A to %shift_right_arithmetic3A_512 step %parallel_loop3A_627  : i32 {
          %parallel_loop3A_713 = arith.constant 16 : i32
          %parallel_loop3A_714 = arith.muli %parallel_loop3A_712, %parallel_loop3A_713 : i32
          %parallel_loop3A_715 = arith.addi %min3A_496, %parallel_loop3A_714 : i32
          %parallel_loop3A_716 = arith.constant 7 : i32
          %parallel_loop3A_717 = arith.shrsi %parallel_loop3A_715, %parallel_loop3A_716 : i32
          %parallel_loop3A_718 = arith.constant 127 : i32
          %parallel_loop3A_719 = arith.andi %parallel_loop3A_715, %parallel_loop3A_718 : i32
          %parallel_loop3A_720 = arith.addi %sub3A_542, %parallel_loop3A_715 : i32
          %parallel_loop3A_721 = arith.index_cast %parallel_loop3A_720 : i32 to index
          %parallel_loop3A_722 = tpu.vector_load %arg4[%parallel_loop3A_721] {strides = array<i32>} : memref<16400xf32, #tpu.memory_space<vmem>>, vector<16xf32>,
          %parallel_loop3A_723 = vector.broadcast %squeeze3A : f32 to vector<16xf32>
          %parallel_loop3A_724 = arith.subf %parallel_loop3A_722, %parallel_loop3A_723 : vector<16xf32>
          %parallel_loop3A_725 = arith.constant 0 : i32
          %parallel_loop3A_726 = arith.index_cast %and3A_308 : i32 to index
          %parallel_loop3A_727 = arith.index_cast %parallel_loop3A_717 : i32 to index
          %parallel_loop3A_728 = arith.index_cast %parallel_loop3A_725 : i32 to index
          %parallel_loop3A_729 = arith.index_cast %parallel_loop3A_719 : i32 to index
          %parallel_loop3A_730 = tpu.vector_load %arg5[%parallel_loop3A_726, %parallel_loop3A_727, %parallel_loop3A_728, %parallel_loop3A_729] {strides = array<i32>} : memref<2x64x4x128xf32, #tpu.memory_space<vmem>>, vector<16xf32>,
          tpu.vector_store %arg5[%parallel_loop3A_726, %parallel_loop3A_727, %parallel_loop3A_728, %parallel_loop3A_729], %parallel_loop3A_724 {strides = array<i32>} : memref<2x64x4x128xf32, #tpu.memory_space<vmem>>, vector<16xf32>,
          %parallel_loop3A_731 = arith.addi %sub3A_545, %parallel_loop3A_715 : i32
          %parallel_loop3A_732 = arith.index_cast %parallel_loop3A_731 : i32 to index
          %parallel_loop3A_733 = tpu.vector_load %arg4[%parallel_loop3A_732] {strides = array<i32>} : memref<16400xf32, #tpu.memory_space<vmem>>, vector<16xf32>,
          %parallel_loop3A_734 = vector.broadcast %squeeze3A_527 : f32 to vector<16xf32>
          %parallel_loop3A_735 = arith.subf %parallel_loop3A_733, %parallel_loop3A_734 : vector<16xf32>
          %parallel_loop3A_736 = arith.constant 1 : i32
          %parallel_loop3A_737 = arith.index_cast %and3A_308 : i32 to index
          %parallel_loop3A_738 = arith.index_cast %parallel_loop3A_717 : i32 to index
          %parallel_loop3A_739 = arith.index_cast %parallel_loop3A_736 : i32 to index
          %parallel_loop3A_740 = arith.index_cast %parallel_loop3A_719 : i32 to index
          %parallel_loop3A_741 = tpu.vector_load %arg5[%parallel_loop3A_737, %parallel_loop3A_738, %parallel_loop3A_739, %parallel_loop3A_740] {strides = array<i32>} : memref<2x64x4x128xf32, #tpu.memory_space<vmem>>, vector<16xf32>,
          tpu.vector_store %arg5[%parallel_loop3A_737, %parallel_loop3A_738, %parallel_loop3A_739, %parallel_loop3A_740], %parallel_loop3A_735 {strides = array<i32>} : memref<2x64x4x128xf32, #tpu.memory_space<vmem>>, vector<16xf32>,
          %parallel_loop3A_742 = arith.addi %sub3A_548, %parallel_loop3A_715 : i32
          %parallel_loop3A_743 = arith.index_cast %parallel_loop3A_742 : i32 to index
          %parallel_loop3A_744 = tpu.vector_load %arg4[%parallel_loop3A_743] {strides = array<i32>} : memref<16400xf32, #tpu.memory_space<vmem>>, vector<16xf32>,
          %parallel_loop3A_745 = vector.broadcast %squeeze3A_533 : f32 to vector<16xf32>
          %parallel_loop3A_746 = arith.subf %parallel_loop3A_744, %parallel_loop3A_745 : vector<16xf32>
          %parallel_loop3A_747 = arith.constant 2 : i32
          %parallel_loop3A_748 = arith.index_cast %and3A_308 : i32 to index
          %parallel_loop3A_749 = arith.index_cast %parallel_loop3A_717 : i32 to index
          %parallel_loop3A_750 = arith.index_cast %parallel_loop3A_747 : i32 to index
          %parallel_loop3A_751 = arith.index_cast %parallel_loop3A_719 : i32 to index
          %parallel_loop3A_752 = tpu.vector_load %arg5[%parallel_loop3A_748, %parallel_loop3A_749, %parallel_loop3A_750, %parallel_loop3A_751] {strides = array<i32>} : memref<2x64x4x128xf32, #tpu.memory_space<vmem>>, vector<16xf32>,
          tpu.vector_store %arg5[%parallel_loop3A_748, %parallel_loop3A_749, %parallel_loop3A_750, %parallel_loop3A_751], %parallel_loop3A_746 {strides = array<i32>} : memref<2x64x4x128xf32, #tpu.memory_space<vmem>>, vector<16xf32>,
          %parallel_loop3A_753 = arith.addi %sub3A_551, %parallel_loop3A_715 : i32
          %parallel_loop3A_754 = arith.index_cast %parallel_loop3A_753 : i32 to index
          %parallel_loop3A_755 = tpu.vector_load %arg4[%parallel_loop3A_754] {strides = array<i32>} : memref<16400xf32, #tpu.memory_space<vmem>>, vector<16xf32>,
          %parallel_loop3A_756 = vector.broadcast %squeeze3A_539 : f32 to vector<16xf32>
          %parallel_loop3A_757 = arith.subf %parallel_loop3A_755, %parallel_loop3A_756 : vector<16xf32>
          %parallel_loop3A_758 = arith.constant 3 : i32
          %parallel_loop3A_759 = arith.index_cast %and3A_308 : i32 to index
          %parallel_loop3A_760 = arith.index_cast %parallel_loop3A_717 : i32 to index
          %parallel_loop3A_761 = arith.index_cast %parallel_loop3A_758 : i32 to index
          %parallel_loop3A_762 = arith.index_cast %parallel_loop3A_719 : i32 to index
          %parallel_loop3A_763 = tpu.vector_load %arg5[%parallel_loop3A_759, %parallel_loop3A_760, %parallel_loop3A_761, %parallel_loop3A_762] {strides = array<i32>} : memref<2x64x4x128xf32, #tpu.memory_space<vmem>>, vector<16xf32>,
          tpu.vector_store %arg5[%parallel_loop3A_759, %parallel_loop3A_760, %parallel_loop3A_761, %parallel_loop3A_762], %parallel_loop3A_757 {strides = array<i32>} : memref<2x64x4x128xf32, #tpu.memory_space<vmem>>, vector<16xf32>,
        } {sc.loop_unroll_factor = 1 : i64, sc.parallel_access}
        %shift_right_arithmetic3A_628 = arith.constant 7 : i32
        %shift_right_arithmetic3A_629 = arith.shrsi %min3A_505, %shift_right_arithmetic3A_628 : i32
        %parallel_loop3A_630 = arith.constant 0 : i32
        %parallel_loop3A_631 = arith.constant 1 : i32
        scf.for %parallel_loop3A_712 = %parallel_loop3A_630 to %shift_right_arithmetic3A_515 step %parallel_loop3A_631  : i32 {
          %parallel_loop3A_713 = arith.addi %shift_right_arithmetic3A_629, %parallel_loop3A_712 : i32
          %parallel_loop3A_714 = arith.constant 128 : i32
          %parallel_loop3A_715 = arith.muli %parallel_loop3A_712, %parallel_loop3A_714 : i32
          %parallel_loop3A_716 = arith.addi %min3A_505, %parallel_loop3A_715 : i32
          %parallel_loop3A_717 = arith.addi %sub3A_542, %parallel_loop3A_716 : i32
          %parallel_loop3A_718 = arith.constant 0 : i32
          %parallel_loop3A_719 = arith.addi %parallel_loop3A_717, %parallel_loop3A_718 : i32
          %parallel_loop3A_720 = arith.index_cast %parallel_loop3A_719 : i32 to index
          %parallel_loop3A_721 = tpu.vector_load %arg4[%parallel_loop3A_720] {strides = array<i32>} : memref<16400xf32, #tpu.memory_space<vmem>>, vector<16xf32>,
          %parallel_loop3A_722 = vector.broadcast %squeeze3A : f32 to vector<16xf32>
          %parallel_loop3A_723 = arith.subf %parallel_loop3A_721, %parallel_loop3A_722 : vector<16xf32>
          %parallel_loop3A_724 = arith.constant 0 : i32
          %parallel_loop3A_725 = arith.index_cast %and3A_308 : i32 to index
          %parallel_loop3A_726 = arith.index_cast %parallel_loop3A_713 : i32 to index
          %parallel_loop3A_727 = arith.index_cast %parallel_loop3A_724 : i32 to index
          %parallel_loop3A_728 = arith.constant 0 : index
          %parallel_loop3A_729 = tpu.vector_load %arg5[%parallel_loop3A_725, %parallel_loop3A_726, %parallel_loop3A_727, %parallel_loop3A_728] {strides = array<i32>} : memref<2x64x4x128xf32, #tpu.memory_space<vmem>>, vector<16xf32>,
          tpu.vector_store %arg5[%parallel_loop3A_725, %parallel_loop3A_726, %parallel_loop3A_727, %parallel_loop3A_728], %parallel_loop3A_723 {strides = array<i32>} : memref<2x64x4x128xf32, #tpu.memory_space<vmem>>, vector<16xf32>,
          %parallel_loop3A_730 = arith.constant 16 : i32
          %parallel_loop3A_731 = arith.addi %parallel_loop3A_717, %parallel_loop3A_730 : i32
          %parallel_loop3A_732 = arith.index_cast %parallel_loop3A_731 : i32 to index
          %parallel_loop3A_733 = tpu.vector_load %arg4[%parallel_loop3A_732] {strides = array<i32>} : memref<16400xf32, #tpu.memory_space<vmem>>, vector<16xf32>,
          %parallel_loop3A_734 = vector.broadcast %squeeze3A : f32 to vector<16xf32>
          %parallel_loop3A_735 = arith.subf %parallel_loop3A_733, %parallel_loop3A_734 : vector<16xf32>
          %parallel_loop3A_736 = arith.constant 0 : i32
          %parallel_loop3A_737 = arith.index_cast %and3A_308 : i32 to index
          %parallel_loop3A_738 = arith.index_cast %parallel_loop3A_713 : i32 to index
          %parallel_loop3A_739 = arith.index_cast %parallel_loop3A_736 : i32 to index
          %parallel_loop3A_740 = arith.constant 16 : index
          %parallel_loop3A_741 = tpu.vector_load %arg5[%parallel_loop3A_737, %parallel_loop3A_738, %parallel_loop3A_739, %parallel_loop3A_740] {strides = array<i32>} : memref<2x64x4x128xf32, #tpu.memory_space<vmem>>, vector<16xf32>,
          tpu.vector_store %arg5[%parallel_loop3A_737, %parallel_loop3A_738, %parallel_loop3A_739, %parallel_loop3A_740], %parallel_loop3A_735 {strides = array<i32>} : memref<2x64x4x128xf32, #tpu.memory_space<vmem>>, vector<16xf32>,
          %parallel_loop3A_742 = arith.constant 32 : i32
          %parallel_loop3A_743 = arith.addi %parallel_loop3A_717, %parallel_loop3A_742 : i32
          %parallel_loop3A_744 = arith.index_cast %parallel_loop3A_743 : i32 to index
          %parallel_loop3A_745 = tpu.vector_load %arg4[%parallel_loop3A_744] {strides = array<i32>} : memref<16400xf32, #tpu.memory_space<vmem>>, vector<16xf32>,
          %parallel_loop3A_746 = vector.broadcast %squeeze3A : f32 to vector<16xf32>
          %parallel_loop3A_747 = arith.subf %parallel_loop3A_745, %parallel_loop3A_746 : vector<16xf32>
          %parallel_loop3A_748 = arith.constant 0 : i32
          %parallel_loop3A_749 = arith.index_cast %and3A_308 : i32 to index
          %parallel_loop3A_750 = arith.index_cast %parallel_loop3A_713 : i32 to index
          %parallel_loop3A_751 = arith.index_cast %parallel_loop3A_748 : i32 to index
          %parallel_loop3A_752 = arith.constant 32 : index
          %parallel_loop3A_753 = tpu.vector_load %arg5[%parallel_loop3A_749, %parallel_loop3A_750, %parallel_loop3A_751, %parallel_loop3A_752] {strides = array<i32>} : memref<2x64x4x128xf32, #tpu.memory_space<vmem>>, vector<16xf32>,
          tpu.vector_store %arg5[%parallel_loop3A_749, %parallel_loop3A_750, %parallel_loop3A_751, %parallel_loop3A_752], %parallel_loop3A_747 {strides = array<i32>} : memref<2x64x4x128xf32, #tpu.memory_space<vmem>>, vector<16xf32>,
          %parallel_loop3A_754 = arith.constant 48 : i32
          %parallel_loop3A_755 = arith.addi %parallel_loop3A_717, %parallel_loop3A_754 : i32
          %parallel_loop3A_756 = arith.index_cast %parallel_loop3A_755 : i32 to index
          %parallel_loop3A_757 = tpu.vector_load %arg4[%parallel_loop3A_756] {strides = array<i32>} : memref<16400xf32, #tpu.memory_space<vmem>>, vector<16xf32>,
          %parallel_loop3A_758 = vector.broadcast %squeeze3A : f32 to vector<16xf32>
          %parallel_loop3A_759 = arith.subf %parallel_loop3A_757, %parallel_loop3A_758 : vector<16xf32>
          %parallel_loop3A_760 = arith.constant 0 : i32
          %parallel_loop3A_761 = arith.index_cast %and3A_308 : i32 to index
          %parallel_loop3A_762 = arith.index_cast %parallel_loop3A_713 : i32 to index
          %parallel_loop3A_763 = arith.index_cast %parallel_loop3A_760 : i32 to index
          %parallel_loop3A_764 = arith.constant 48 : index
          %parallel_loop3A_765 = tpu.vector_load %arg5[%parallel_loop3A_761, %parallel_loop3A_762, %parallel_loop3A_763, %parallel_loop3A_764] {strides = array<i32>} : memref<2x64x4x128xf32, #tpu.memory_space<vmem>>, vector<16xf32>,
          tpu.vector_store %arg5[%parallel_loop3A_761, %parallel_loop3A_762, %parallel_loop3A_763, %parallel_loop3A_764], %parallel_loop3A_759 {strides = array<i32>} : memref<2x64x4x128xf32, #tpu.memory_space<vmem>>, vector<16xf32>,
          %parallel_loop3A_766 = arith.constant 64 : i32
          %parallel_loop3A_767 = arith.addi %parallel_loop3A_717, %parallel_loop3A_766 : i32
          %parallel_loop3A_768 = arith.index_cast %parallel_loop3A_767 : i32 to index
          %parallel_loop3A_769 = tpu.vector_load %arg4[%parallel_loop3A_768] {strides = array<i32>} : memref<16400xf32, #tpu.memory_space<vmem>>, vector<16xf32>,
          %parallel_loop3A_770 = vector.broadcast %squeeze3A : f32 to vector<16xf32>
          %parallel_loop3A_771 = arith.subf %parallel_loop3A_769, %parallel_loop3A_770 : vector<16xf32>
          %parallel_loop3A_772 = arith.constant 0 : i32
          %parallel_loop3A_773 = arith.index_cast %and3A_308 : i32 to index
          %parallel_loop3A_774 = arith.index_cast %parallel_loop3A_713 : i32 to index
          %parallel_loop3A_775 = arith.index_cast %parallel_loop3A_772 : i32 to index
          %parallel_loop3A_776 = arith.constant 64 : index
          %parallel_loop3A_777 = tpu.vector_load %arg5[%parallel_loop3A_773, %parallel_loop3A_774, %parallel_loop3A_775, %parallel_loop3A_776] {strides = array<i32>} : memref<2x64x4x128xf32, #tpu.memory_space<vmem>>, vector<16xf32>,
          tpu.vector_store %arg5[%parallel_loop3A_773, %parallel_loop3A_774, %parallel_loop3A_775, %parallel_loop3A_776], %parallel_loop3A_771 {strides = array<i32>} : memref<2x64x4x128xf32, #tpu.memory_space<vmem>>, vector<16xf32>,
          %parallel_loop3A_778 = arith.constant 80 : i32
          %parallel_loop3A_779 = arith.addi %parallel_loop3A_717, %parallel_loop3A_778 : i32
          %parallel_loop3A_780 = arith.index_cast %parallel_loop3A_779 : i32 to index
          %parallel_loop3A_781 = tpu.vector_load %arg4[%parallel_loop3A_780] {strides = array<i32>} : memref<16400xf32, #tpu.memory_space<vmem>>, vector<16xf32>,
          %parallel_loop3A_782 = vector.broadcast %squeeze3A : f32 to vector<16xf32>
          %parallel_loop3A_783 = arith.subf %parallel_loop3A_781, %parallel_loop3A_782 : vector<16xf32>
          %parallel_loop3A_784 = arith.constant 0 : i32
          %parallel_loop3A_785 = arith.index_cast %and3A_308 : i32 to index
          %parallel_loop3A_786 = arith.index_cast %parallel_loop3A_713 : i32 to index
          %parallel_loop3A_787 = arith.index_cast %parallel_loop3A_784 : i32 to index
          %parallel_loop3A_788 = arith.constant 80 : index
          %parallel_loop3A_789 = tpu.vector_load %arg5[%parallel_loop3A_785, %parallel_loop3A_786, %parallel_loop3A_787, %parallel_loop3A_788] {strides = array<i32>} : memref<2x64x4x128xf32, #tpu.memory_space<vmem>>, vector<16xf32>,
          tpu.vector_store %arg5[%parallel_loop3A_785, %parallel_loop3A_786, %parallel_loop3A_787, %parallel_loop3A_788], %parallel_loop3A_783 {strides = array<i32>} : memref<2x64x4x128xf32, #tpu.memory_space<vmem>>, vector<16xf32>,
          %parallel_loop3A_790 = arith.constant 96 : i32
          %parallel_loop3A_791 = arith.addi %parallel_loop3A_717, %parallel_loop3A_790 : i32
          %parallel_loop3A_792 = arith.index_cast %parallel_loop3A_791 : i32 to index
          %parallel_loop3A_793 = tpu.vector_load %arg4[%parallel_loop3A_792] {strides = array<i32>} : memref<16400xf32, #tpu.memory_space<vmem>>, vector<16xf32>,
          %parallel_loop3A_794 = vector.broadcast %squeeze3A : f32 to vector<16xf32>
          %parallel_loop3A_795 = arith.subf %parallel_loop3A_793, %parallel_loop3A_794 : vector<16xf32>
          %parallel_loop3A_796 = arith.constant 0 : i32
          %parallel_loop3A_797 = arith.index_cast %and3A_308 : i32 to index
          %parallel_loop3A_798 = arith.index_cast %parallel_loop3A_713 : i32 to index
          %parallel_loop3A_799 = arith.index_cast %parallel_loop3A_796 : i32 to index
          %parallel_loop3A_800 = arith.constant 96 : index
          %parallel_loop3A_801 = tpu.vector_load %arg5[%parallel_loop3A_797, %parallel_loop3A_798, %parallel_loop3A_799, %parallel_loop3A_800] {strides = array<i32>} : memref<2x64x4x128xf32, #tpu.memory_space<vmem>>, vector<16xf32>,
          tpu.vector_store %arg5[%parallel_loop3A_797, %parallel_loop3A_798, %parallel_loop3A_799, %parallel_loop3A_800], %parallel_loop3A_795 {strides = array<i32>} : memref<2x64x4x128xf32, #tpu.memory_space<vmem>>, vector<16xf32>,
          %parallel_loop3A_802 = arith.constant 112 : i32
          %parallel_loop3A_803 = arith.addi %parallel_loop3A_717, %parallel_loop3A_802 : i32
          %parallel_loop3A_804 = arith.index_cast %parallel_loop3A_803 : i32 to index
          %parallel_loop3A_805 = tpu.vector_load %arg4[%parallel_loop3A_804] {strides = array<i32>} : memref<16400xf32, #tpu.memory_space<vmem>>, vector<16xf32>,
          %parallel_loop3A_806 = vector.broadcast %squeeze3A : f32 to vector<16xf32>
          %parallel_loop3A_807 = arith.subf %parallel_loop3A_805, %parallel_loop3A_806 : vector<16xf32>
          %parallel_loop3A_808 = arith.constant 0 : i32
          %parallel_loop3A_809 = arith.index_cast %and3A_308 : i32 to index
          %parallel_loop3A_810 = arith.index_cast %parallel_loop3A_713 : i32 to index
          %parallel_loop3A_811 = arith.index_cast %parallel_loop3A_808 : i32 to index
          %parallel_loop3A_812 = arith.constant 112 : index
          %parallel_loop3A_813 = tpu.vector_load %arg5[%parallel_loop3A_809, %parallel_loop3A_810, %parallel_loop3A_811, %parallel_loop3A_812] {strides = array<i32>} : memref<2x64x4x128xf32, #tpu.memory_space<vmem>>, vector<16xf32>,
          tpu.vector_store %arg5[%parallel_loop3A_809, %parallel_loop3A_810, %parallel_loop3A_811, %parallel_loop3A_812], %parallel_loop3A_807 {strides = array<i32>} : memref<2x64x4x128xf32, #tpu.memory_space<vmem>>, vector<16xf32>,
          %parallel_loop3A_814 = arith.addi %sub3A_545, %parallel_loop3A_716 : i32
          %parallel_loop3A_815 = arith.constant 0 : i32
          %parallel_loop3A_816 = arith.addi %parallel_loop3A_814, %parallel_loop3A_815 : i32
          %parallel_loop3A_817 = arith.index_cast %parallel_loop3A_816 : i32 to index
          %parallel_loop3A_818 = tpu.vector_load %arg4[%parallel_loop3A_817] {strides = array<i32>} : memref<16400xf32, #tpu.memory_space<vmem>>, vector<16xf32>,
          %parallel_loop3A_819 = vector.broadcast %squeeze3A_527 : f32 to vector<16xf32>
          %parallel_loop3A_820 = arith.subf %parallel_loop3A_818, %parallel_loop3A_819 : vector<16xf32>
          %parallel_loop3A_821 = arith.constant 1 : i32
          %parallel_loop3A_822 = arith.index_cast %and3A_308 : i32 to index
          %parallel_loop3A_823 = arith.index_cast %parallel_loop3A_713 : i32 to index
          %parallel_loop3A_824 = arith.index_cast %parallel_loop3A_821 : i32 to index
          %parallel_loop3A_825 = arith.constant 0 : index
          %parallel_loop3A_826 = tpu.vector_load %arg5[%parallel_loop3A_822, %parallel_loop3A_823, %parallel_loop3A_824, %parallel_loop3A_825] {strides = array<i32>} : memref<2x64x4x128xf32, #tpu.memory_space<vmem>>, vector<16xf32>,
          tpu.vector_store %arg5[%parallel_loop3A_822, %parallel_loop3A_823, %parallel_loop3A_824, %parallel_loop3A_825], %parallel_loop3A_820 {strides = array<i32>} : memref<2x64x4x128xf32, #tpu.memory_space<vmem>>, vector<16xf32>,
          %parallel_loop3A_827 = arith.constant 16 : i32
          %parallel_loop3A_828 = arith.addi %parallel_loop3A_814, %parallel_loop3A_827 : i32
          %parallel_loop3A_829 = arith.index_cast %parallel_loop3A_828 : i32 to index
          %parallel_loop3A_830 = tpu.vector_load %arg4[%parallel_loop3A_829] {strides = array<i32>} : memref<16400xf32, #tpu.memory_space<vmem>>, vector<16xf32>,
          %parallel_loop3A_831 = vector.broadcast %squeeze3A_527 : f32 to vector<16xf32>
          %parallel_loop3A_832 = arith.subf %parallel_loop3A_830, %parallel_loop3A_831 : vector<16xf32>
          %parallel_loop3A_833 = arith.constant 1 : i32
          %parallel_loop3A_834 = arith.index_cast %and3A_308 : i32 to index
          %parallel_loop3A_835 = arith.index_cast %parallel_loop3A_713 : i32 to index
          %parallel_loop3A_836 = arith.index_cast %parallel_loop3A_833 : i32 to index
          %parallel_loop3A_837 = arith.constant 16 : index
          %parallel_loop3A_838 = tpu.vector_load %arg5[%parallel_loop3A_834, %parallel_loop3A_835, %parallel_loop3A_836, %parallel_loop3A_837] {strides = array<i32>} : memref<2x64x4x128xf32, #tpu.memory_space<vmem>>, vector<16xf32>,
          tpu.vector_store %arg5[%parallel_loop3A_834, %parallel_loop3A_835, %parallel_loop3A_836, %parallel_loop3A_837], %parallel_loop3A_832 {strides = array<i32>} : memref<2x64x4x128xf32, #tpu.memory_space<vmem>>, vector<16xf32>,
          %parallel_loop3A_839 = arith.constant 32 : i32
          %parallel_loop3A_840 = arith.addi %parallel_loop3A_814, %parallel_loop3A_839 : i32
          %parallel_loop3A_841 = arith.index_cast %parallel_loop3A_840 : i32 to index
          %parallel_loop3A_842 = tpu.vector_load %arg4[%parallel_loop3A_841] {strides = array<i32>} : memref<16400xf32, #tpu.memory_space<vmem>>, vector<16xf32>,
          %parallel_loop3A_843 = vector.broadcast %squeeze3A_527 : f32 to vector<16xf32>
          %parallel_loop3A_844 = arith.subf %parallel_loop3A_842, %parallel_loop3A_843 : vector<16xf32>
          %parallel_loop3A_845 = arith.constant 1 : i32
          %parallel_loop3A_846 = arith.index_cast %and3A_308 : i32 to index
          %parallel_loop3A_847 = arith.index_cast %parallel_loop3A_713 : i32 to index
          %parallel_loop3A_848 = arith.index_cast %parallel_loop3A_845 : i32 to index
          %parallel_loop3A_849 = arith.constant 32 : index
          %parallel_loop3A_850 = tpu.vector_load %arg5[%parallel_loop3A_846, %parallel_loop3A_847, %parallel_loop3A_848, %parallel_loop3A_849] {strides = array<i32>} : memref<2x64x4x128xf32, #tpu.memory_space<vmem>>, vector<16xf32>,
          tpu.vector_store %arg5[%parallel_loop3A_846, %parallel_loop3A_847, %parallel_loop3A_848, %parallel_loop3A_849], %parallel_loop3A_844 {strides = array<i32>} : memref<2x64x4x128xf32, #tpu.memory_space<vmem>>, vector<16xf32>,
          %parallel_loop3A_851 = arith.constant 48 : i32
          %parallel_loop3A_852 = arith.addi %parallel_loop3A_814, %parallel_loop3A_851 : i32
          %parallel_loop3A_853 = arith.index_cast %parallel_loop3A_852 : i32 to index
          %parallel_loop3A_854 = tpu.vector_load %arg4[%parallel_loop3A_853] {strides = array<i32>} : memref<16400xf32, #tpu.memory_space<vmem>>, vector<16xf32>,
          %parallel_loop3A_855 = vector.broadcast %squeeze3A_527 : f32 to vector<16xf32>
          %parallel_loop3A_856 = arith.subf %parallel_loop3A_854, %parallel_loop3A_855 : vector<16xf32>
          %parallel_loop3A_857 = arith.constant 1 : i32
          %parallel_loop3A_858 = arith.index_cast %and3A_308 : i32 to index
          %parallel_loop3A_859 = arith.index_cast %parallel_loop3A_713 : i32 to index
          %parallel_loop3A_860 = arith.index_cast %parallel_loop3A_857 : i32 to index
          %parallel_loop3A_861 = arith.constant 48 : index
          %parallel_loop3A_862 = tpu.vector_load %arg5[%parallel_loop3A_858, %parallel_loop3A_859, %parallel_loop3A_860, %parallel_loop3A_861] {strides = array<i32>} : memref<2x64x4x128xf32, #tpu.memory_space<vmem>>, vector<16xf32>,
          tpu.vector_store %arg5[%parallel_loop3A_858, %parallel_loop3A_859, %parallel_loop3A_860, %parallel_loop3A_861], %parallel_loop3A_856 {strides = array<i32>} : memref<2x64x4x128xf32, #tpu.memory_space<vmem>>, vector<16xf32>,
          %parallel_loop3A_863 = arith.constant 64 : i32
          %parallel_loop3A_864 = arith.addi %parallel_loop3A_814, %parallel_loop3A_863 : i32
          %parallel_loop3A_865 = arith.index_cast %parallel_loop3A_864 : i32 to index
          %parallel_loop3A_866 = tpu.vector_load %arg4[%parallel_loop3A_865] {strides = array<i32>} : memref<16400xf32, #tpu.memory_space<vmem>>, vector<16xf32>,
          %parallel_loop3A_867 = vector.broadcast %squeeze3A_527 : f32 to vector<16xf32>
          %parallel_loop3A_868 = arith.subf %parallel_loop3A_866, %parallel_loop3A_867 : vector<16xf32>
          %parallel_loop3A_869 = arith.constant 1 : i32
          %parallel_loop3A_870 = arith.index_cast %and3A_308 : i32 to index
          %parallel_loop3A_871 = arith.index_cast %parallel_loop3A_713 : i32 to index
          %parallel_loop3A_872 = arith.index_cast %parallel_loop3A_869 : i32 to index
          %parallel_loop3A_873 = arith.constant 64 : index
          %parallel_loop3A_874 = tpu.vector_load %arg5[%parallel_loop3A_870, %parallel_loop3A_871, %parallel_loop3A_872, %parallel_loop3A_873] {strides = array<i32>} : memref<2x64x4x128xf32, #tpu.memory_space<vmem>>, vector<16xf32>,
          tpu.vector_store %arg5[%parallel_loop3A_870, %parallel_loop3A_871, %parallel_loop3A_872, %parallel_loop3A_873], %parallel_loop3A_868 {strides = array<i32>} : memref<2x64x4x128xf32, #tpu.memory_space<vmem>>, vector<16xf32>,
          %parallel_loop3A_875 = arith.constant 80 : i32
          %parallel_loop3A_876 = arith.addi %parallel_loop3A_814, %parallel_loop3A_875 : i32
          %parallel_loop3A_877 = arith.index_cast %parallel_loop3A_876 : i32 to index
          %parallel_loop3A_878 = tpu.vector_load %arg4[%parallel_loop3A_877] {strides = array<i32>} : memref<16400xf32, #tpu.memory_space<vmem>>, vector<16xf32>,
          %parallel_loop3A_879 = vector.broadcast %squeeze3A_527 : f32 to vector<16xf32>
          %parallel_loop3A_880 = arith.subf %parallel_loop3A_878, %parallel_loop3A_879 : vector<16xf32>
          %parallel_loop3A_881 = arith.constant 1 : i32
          %parallel_loop3A_882 = arith.index_cast %and3A_308 : i32 to index
          %parallel_loop3A_883 = arith.index_cast %parallel_loop3A_713 : i32 to index
          %parallel_loop3A_884 = arith.index_cast %parallel_loop3A_881 : i32 to index
          %parallel_loop3A_885 = arith.constant 80 : index
          %parallel_loop3A_886 = tpu.vector_load %arg5[%parallel_loop3A_882, %parallel_loop3A_883, %parallel_loop3A_884, %parallel_loop3A_885] {strides = array<i32>} : memref<2x64x4x128xf32, #tpu.memory_space<vmem>>, vector<16xf32>,
          tpu.vector_store %arg5[%parallel_loop3A_882, %parallel_loop3A_883, %parallel_loop3A_884, %parallel_loop3A_885], %parallel_loop3A_880 {strides = array<i32>} : memref<2x64x4x128xf32, #tpu.memory_space<vmem>>, vector<16xf32>,
          %parallel_loop3A_887 = arith.constant 96 : i32
          %parallel_loop3A_888 = arith.addi %parallel_loop3A_814, %parallel_loop3A_887 : i32
          %parallel_loop3A_889 = arith.index_cast %parallel_loop3A_888 : i32 to index
          %parallel_loop3A_890 = tpu.vector_load %arg4[%parallel_loop3A_889] {strides = array<i32>} : memref<16400xf32, #tpu.memory_space<vmem>>, vector<16xf32>,
          %parallel_loop3A_891 = vector.broadcast %squeeze3A_527 : f32 to vector<16xf32>
          %parallel_loop3A_892 = arith.subf %parallel_loop3A_890, %parallel_loop3A_891 : vector<16xf32>
          %parallel_loop3A_893 = arith.constant 1 : i32
          %parallel_loop3A_894 = arith.index_cast %and3A_308 : i32 to index
          %parallel_loop3A_895 = arith.index_cast %parallel_loop3A_713 : i32 to index
          %parallel_loop3A_896 = arith.index_cast %parallel_loop3A_893 : i32 to index
          %parallel_loop3A_897 = arith.constant 96 : index
          %parallel_loop3A_898 = tpu.vector_load %arg5[%parallel_loop3A_894, %parallel_loop3A_895, %parallel_loop3A_896, %parallel_loop3A_897] {strides = array<i32>} : memref<2x64x4x128xf32, #tpu.memory_space<vmem>>, vector<16xf32>,
          tpu.vector_store %arg5[%parallel_loop3A_894, %parallel_loop3A_895, %parallel_loop3A_896, %parallel_loop3A_897], %parallel_loop3A_892 {strides = array<i32>} : memref<2x64x4x128xf32, #tpu.memory_space<vmem>>, vector<16xf32>,
          %parallel_loop3A_899 = arith.constant 112 : i32
          %parallel_loop3A_900 = arith.addi %parallel_loop3A_814, %parallel_loop3A_899 : i32
          %parallel_loop3A_901 = arith.index_cast %parallel_loop3A_900 : i32 to index
          %parallel_loop3A_902 = tpu.vector_load %arg4[%parallel_loop3A_901] {strides = array<i32>} : memref<16400xf32, #tpu.memory_space<vmem>>, vector<16xf32>,
          %parallel_loop3A_903 = vector.broadcast %squeeze3A_527 : f32 to vector<16xf32>
          %parallel_loop3A_904 = arith.subf %parallel_loop3A_902, %parallel_loop3A_903 : vector<16xf32>
          %parallel_loop3A_905 = arith.constant 1 : i32
          %parallel_loop3A_906 = arith.index_cast %and3A_308 : i32 to index
          %parallel_loop3A_907 = arith.index_cast %parallel_loop3A_713 : i32 to index
          %parallel_loop3A_908 = arith.index_cast %parallel_loop3A_905 : i32 to index
          %parallel_loop3A_909 = arith.constant 112 : index
          %parallel_loop3A_910 = tpu.vector_load %arg5[%parallel_loop3A_906, %parallel_loop3A_907, %parallel_loop3A_908, %parallel_loop3A_909] {strides = array<i32>} : memref<2x64x4x128xf32, #tpu.memory_space<vmem>>, vector<16xf32>,
          tpu.vector_store %arg5[%parallel_loop3A_906, %parallel_loop3A_907, %parallel_loop3A_908, %parallel_loop3A_909], %parallel_loop3A_904 {strides = array<i32>} : memref<2x64x4x128xf32, #tpu.memory_space<vmem>>, vector<16xf32>,
          %parallel_loop3A_911 = arith.addi %sub3A_548, %parallel_loop3A_716 : i32
          %parallel_loop3A_912 = arith.constant 0 : i32
          %parallel_loop3A_913 = arith.addi %parallel_loop3A_911, %parallel_loop3A_912 : i32
          %parallel_loop3A_914 = arith.index_cast %parallel_loop3A_913 : i32 to index
          %parallel_loop3A_915 = tpu.vector_load %arg4[%parallel_loop3A_914] {strides = array<i32>} : memref<16400xf32, #tpu.memory_space<vmem>>, vector<16xf32>,
          %parallel_loop3A_916 = vector.broadcast %squeeze3A_533 : f32 to vector<16xf32>
          %parallel_loop3A_917 = arith.subf %parallel_loop3A_915, %parallel_loop3A_916 : vector<16xf32>
          %parallel_loop3A_918 = arith.constant 2 : i32
          %parallel_loop3A_919 = arith.index_cast %and3A_308 : i32 to index
          %parallel_loop3A_920 = arith.index_cast %parallel_loop3A_713 : i32 to index
          %parallel_loop3A_921 = arith.index_cast %parallel_loop3A_918 : i32 to index
          %parallel_loop3A_922 = arith.constant 0 : index
          %parallel_loop3A_923 = tpu.vector_load %arg5[%parallel_loop3A_919, %parallel_loop3A_920, %parallel_loop3A_921, %parallel_loop3A_922] {strides = array<i32>} : memref<2x64x4x128xf32, #tpu.memory_space<vmem>>, vector<16xf32>,
          tpu.vector_store %arg5[%parallel_loop3A_919, %parallel_loop3A_920, %parallel_loop3A_921, %parallel_loop3A_922], %parallel_loop3A_917 {strides = array<i32>} : memref<2x64x4x128xf32, #tpu.memory_space<vmem>>, vector<16xf32>,
          %parallel_loop3A_924 = arith.constant 16 : i32
          %parallel_loop3A_925 = arith.addi %parallel_loop3A_911, %parallel_loop3A_924 : i32
          %parallel_loop3A_926 = arith.index_cast %parallel_loop3A_925 : i32 to index
          %parallel_loop3A_927 = tpu.vector_load %arg4[%parallel_loop3A_926] {strides = array<i32>} : memref<16400xf32, #tpu.memory_space<vmem>>, vector<16xf32>,
          %parallel_loop3A_928 = vector.broadcast %squeeze3A_533 : f32 to vector<16xf32>
          %parallel_loop3A_929 = arith.subf %parallel_loop3A_927, %parallel_loop3A_928 : vector<16xf32>
          %parallel_loop3A_930 = arith.constant 2 : i32
          %parallel_loop3A_931 = arith.index_cast %and3A_308 : i32 to index
          %parallel_loop3A_932 = arith.index_cast %parallel_loop3A_713 : i32 to index
          %parallel_loop3A_933 = arith.index_cast %parallel_loop3A_930 : i32 to index
          %parallel_loop3A_934 = arith.constant 16 : index
          %parallel_loop3A_935 = tpu.vector_load %arg5[%parallel_loop3A_931, %parallel_loop3A_932, %parallel_loop3A_933, %parallel_loop3A_934] {strides = array<i32>} : memref<2x64x4x128xf32, #tpu.memory_space<vmem>>, vector<16xf32>,
          tpu.vector_store %arg5[%parallel_loop3A_931, %parallel_loop3A_932, %parallel_loop3A_933, %parallel_loop3A_934], %parallel_loop3A_929 {strides = array<i32>} : memref<2x64x4x128xf32, #tpu.memory_space<vmem>>, vector<16xf32>,
          %parallel_loop3A_936 = arith.constant 32 : i32
          %parallel_loop3A_937 = arith.addi %parallel_loop3A_911, %parallel_loop3A_936 : i32
          %parallel_loop3A_938 = arith.index_cast %parallel_loop3A_937 : i32 to index
          %parallel_loop3A_939 = tpu.vector_load %arg4[%parallel_loop3A_938] {strides = array<i32>} : memref<16400xf32, #tpu.memory_space<vmem>>, vector<16xf32>,
          %parallel_loop3A_940 = vector.broadcast %squeeze3A_533 : f32 to vector<16xf32>
          %parallel_loop3A_941 = arith.subf %parallel_loop3A_939, %parallel_loop3A_940 : vector<16xf32>
          %parallel_loop3A_942 = arith.constant 2 : i32
          %parallel_loop3A_943 = arith.index_cast %and3A_308 : i32 to index
          %parallel_loop3A_944 = arith.index_cast %parallel_loop3A_713 : i32 to index
          %parallel_loop3A_945 = arith.index_cast %parallel_loop3A_942 : i32 to index
          %parallel_loop3A_946 = arith.constant 32 : index
          %parallel_loop3A_947 = tpu.vector_load %arg5[%parallel_loop3A_943, %parallel_loop3A_944, %parallel_loop3A_945, %parallel_loop3A_946] {strides = array<i32>} : memref<2x64x4x128xf32, #tpu.memory_space<vmem>>, vector<16xf32>,
          tpu.vector_store %arg5[%parallel_loop3A_943, %parallel_loop3A_944, %parallel_loop3A_945, %parallel_loop3A_946], %parallel_loop3A_941 {strides = array<i32>} : memref<2x64x4x128xf32, #tpu.memory_space<vmem>>, vector<16xf32>,
          %parallel_loop3A_948 = arith.constant 48 : i32
          %parallel_loop3A_949 = arith.addi %parallel_loop3A_911, %parallel_loop3A_948 : i32
          %parallel_loop3A_950 = arith.index_cast %parallel_loop3A_949 : i32 to index
          %parallel_loop3A_951 = tpu.vector_load %arg4[%parallel_loop3A_950] {strides = array<i32>} : memref<16400xf32, #tpu.memory_space<vmem>>, vector<16xf32>,
          %parallel_loop3A_952 = vector.broadcast %squeeze3A_533 : f32 to vector<16xf32>
          %parallel_loop3A_953 = arith.subf %parallel_loop3A_951, %parallel_loop3A_952 : vector<16xf32>
          %parallel_loop3A_954 = arith.constant 2 : i32
          %parallel_loop3A_955 = arith.index_cast %and3A_308 : i32 to index
          %parallel_loop3A_956 = arith.index_cast %parallel_loop3A_713 : i32 to index
          %parallel_loop3A_957 = arith.index_cast %parallel_loop3A_954 : i32 to index
          %parallel_loop3A_958 = arith.constant 48 : index
          %parallel_loop3A_959 = tpu.vector_load %arg5[%parallel_loop3A_955, %parallel_loop3A_956, %parallel_loop3A_957, %parallel_loop3A_958] {strides = array<i32>} : memref<2x64x4x128xf32, #tpu.memory_space<vmem>>, vector<16xf32>,
          tpu.vector_store %arg5[%parallel_loop3A_955, %parallel_loop3A_956, %parallel_loop3A_957, %parallel_loop3A_958], %parallel_loop3A_953 {strides = array<i32>} : memref<2x64x4x128xf32, #tpu.memory_space<vmem>>, vector<16xf32>,
          %parallel_loop3A_960 = arith.constant 64 : i32
          %parallel_loop3A_961 = arith.addi %parallel_loop3A_911, %parallel_loop3A_960 : i32
          %parallel_loop3A_962 = arith.index_cast %parallel_loop3A_961 : i32 to index
          %parallel_loop3A_963 = tpu.vector_load %arg4[%parallel_loop3A_962] {strides = array<i32>} : memref<16400xf32, #tpu.memory_space<vmem>>, vector<16xf32>,
          %parallel_loop3A_964 = vector.broadcast %squeeze3A_533 : f32 to vector<16xf32>
          %parallel_loop3A_965 = arith.subf %parallel_loop3A_963, %parallel_loop3A_964 : vector<16xf32>
          %parallel_loop3A_966 = arith.constant 2 : i32
          %parallel_loop3A_967 = arith.index_cast %and3A_308 : i32 to index
          %parallel_loop3A_968 = arith.index_cast %parallel_loop3A_713 : i32 to index
          %parallel_loop3A_969 = arith.index_cast %parallel_loop3A_966 : i32 to index
          %parallel_loop3A_970 = arith.constant 64 : index
          %parallel_loop3A_971 = tpu.vector_load %arg5[%parallel_loop3A_967, %parallel_loop3A_968, %parallel_loop3A_969, %parallel_loop3A_970] {strides = array<i32>} : memref<2x64x4x128xf32, #tpu.memory_space<vmem>>, vector<16xf32>,
          tpu.vector_store %arg5[%parallel_loop3A_967, %parallel_loop3A_968, %parallel_loop3A_969, %parallel_loop3A_970], %parallel_loop3A_965 {strides = array<i32>} : memref<2x64x4x128xf32, #tpu.memory_space<vmem>>, vector<16xf32>,
          %parallel_loop3A_972 = arith.constant 80 : i32
          %parallel_loop3A_973 = arith.addi %parallel_loop3A_911, %parallel_loop3A_972 : i32
          %parallel_loop3A_974 = arith.index_cast %parallel_loop3A_973 : i32 to index
          %parallel_loop3A_975 = tpu.vector_load %arg4[%parallel_loop3A_974] {strides = array<i32>} : memref<16400xf32, #tpu.memory_space<vmem>>, vector<16xf32>,
          %parallel_loop3A_976 = vector.broadcast %squeeze3A_533 : f32 to vector<16xf32>
          %parallel_loop3A_977 = arith.subf %parallel_loop3A_975, %parallel_loop3A_976 : vector<16xf32>
          %parallel_loop3A_978 = arith.constant 2 : i32
          %parallel_loop3A_979 = arith.index_cast %and3A_308 : i32 to index
          %parallel_loop3A_980 = arith.index_cast %parallel_loop3A_713 : i32 to index
          %parallel_loop3A_981 = arith.index_cast %parallel_loop3A_978 : i32 to index
          %parallel_loop3A_982 = arith.constant 80 : index
          %parallel_loop3A_983 = tpu.vector_load %arg5[%parallel_loop3A_979, %parallel_loop3A_980, %parallel_loop3A_981, %parallel_loop3A_982] {strides = array<i32>} : memref<2x64x4x128xf32, #tpu.memory_space<vmem>>, vector<16xf32>,
          tpu.vector_store %arg5[%parallel_loop3A_979, %parallel_loop3A_980, %parallel_loop3A_981, %parallel_loop3A_982], %parallel_loop3A_977 {strides = array<i32>} : memref<2x64x4x128xf32, #tpu.memory_space<vmem>>, vector<16xf32>,
          %parallel_loop3A_984 = arith.constant 96 : i32
          %parallel_loop3A_985 = arith.addi %parallel_loop3A_911, %parallel_loop3A_984 : i32
          %parallel_loop3A_986 = arith.index_cast %parallel_loop3A_985 : i32 to index
          %parallel_loop3A_987 = tpu.vector_load %arg4[%parallel_loop3A_986] {strides = array<i32>} : memref<16400xf32, #tpu.memory_space<vmem>>, vector<16xf32>,
          %parallel_loop3A_988 = vector.broadcast %squeeze3A_533 : f32 to vector<16xf32>
          %parallel_loop3A_989 = arith.subf %parallel_loop3A_987, %parallel_loop3A_988 : vector<16xf32>
          %parallel_loop3A_990 = arith.constant 2 : i32
          %parallel_loop3A_991 = arith.index_cast %and3A_308 : i32 to index
          %parallel_loop3A_992 = arith.index_cast %parallel_loop3A_713 : i32 to index
          %parallel_loop3A_993 = arith.index_cast %parallel_loop3A_990 : i32 to index
          %parallel_loop3A_994 = arith.constant 96 : index
          %parallel_loop3A_995 = tpu.vector_load %arg5[%parallel_loop3A_991, %parallel_loop3A_992, %parallel_loop3A_993, %parallel_loop3A_994] {strides = array<i32>} : memref<2x64x4x128xf32, #tpu.memory_space<vmem>>, vector<16xf32>,
          tpu.vector_store %arg5[%parallel_loop3A_991, %parallel_loop3A_992, %parallel_loop3A_993, %parallel_loop3A_994], %parallel_loop3A_989 {strides = array<i32>} : memref<2x64x4x128xf32, #tpu.memory_space<vmem>>, vector<16xf32>,
          %parallel_loop3A_996 = arith.constant 112 : i32
          %parallel_loop3A_997 = arith.addi %parallel_loop3A_911, %parallel_loop3A_996 : i32
          %parallel_loop3A_998 = arith.index_cast %parallel_loop3A_997 : i32 to index
          %parallel_loop3A_999 = tpu.vector_load %arg4[%parallel_loop3A_998] {strides = array<i32>} : memref<16400xf32, #tpu.memory_space<vmem>>, vector<16xf32>,
          %parallel_loop3A_1000 = vector.broadcast %squeeze3A_533 : f32 to vector<16xf32>
          %parallel_loop3A_1001 = arith.subf %parallel_loop3A_999, %parallel_loop3A_1000 : vector<16xf32>
          %parallel_loop3A_1002 = arith.constant 2 : i32
          %parallel_loop3A_1003 = arith.index_cast %and3A_308 : i32 to index
          %parallel_loop3A_1004 = arith.index_cast %parallel_loop3A_713 : i32 to index
          %parallel_loop3A_1005 = arith.index_cast %parallel_loop3A_1002 : i32 to index
          %parallel_loop3A_1006 = arith.constant 112 : index
          %parallel_loop3A_1007 = tpu.vector_load %arg5[%parallel_loop3A_1003, %parallel_loop3A_1004, %parallel_loop3A_1005, %parallel_loop3A_1006] {strides = array<i32>} : memref<2x64x4x128xf32, #tpu.memory_space<vmem>>, vector<16xf32>,
          tpu.vector_store %arg5[%parallel_loop3A_1003, %parallel_loop3A_1004, %parallel_loop3A_1005, %parallel_loop3A_1006], %parallel_loop3A_1001 {strides = array<i32>} : memref<2x64x4x128xf32, #tpu.memory_space<vmem>>, vector<16xf32>,
          %parallel_loop3A_1008 = arith.addi %sub3A_551, %parallel_loop3A_716 : i32
          %parallel_loop3A_1009 = arith.constant 0 : i32
          %parallel_loop3A_1010 = arith.addi %parallel_loop3A_1008, %parallel_loop3A_1009 : i32
          %parallel_loop3A_1011 = arith.index_cast %parallel_loop3A_1010 : i32 to index
          %parallel_loop3A_1012 = tpu.vector_load %arg4[%parallel_loop3A_1011] {strides = array<i32>} : memref<16400xf32, #tpu.memory_space<vmem>>, vector<16xf32>,
          %parallel_loop3A_1013 = vector.broadcast %squeeze3A_539 : f32 to vector<16xf32>
          %parallel_loop3A_1014 = arith.subf %parallel_loop3A_1012, %parallel_loop3A_1013 : vector<16xf32>
          %parallel_loop3A_1015 = arith.constant 3 : i32
          %parallel_loop3A_1016 = arith.index_cast %and3A_308 : i32 to index
          %parallel_loop3A_1017 = arith.index_cast %parallel_loop3A_713 : i32 to index
          %parallel_loop3A_1018 = arith.index_cast %parallel_loop3A_1015 : i32 to index
          %parallel_loop3A_1019 = arith.constant 0 : index
          %parallel_loop3A_1020 = tpu.vector_load %arg5[%parallel_loop3A_1016, %parallel_loop3A_1017, %parallel_loop3A_1018, %parallel_loop3A_1019] {strides = array<i32>} : memref<2x64x4x128xf32, #tpu.memory_space<vmem>>, vector<16xf32>,
          tpu.vector_store %arg5[%parallel_loop3A_1016, %parallel_loop3A_1017, %parallel_loop3A_1018, %parallel_loop3A_1019], %parallel_loop3A_1014 {strides = array<i32>} : memref<2x64x4x128xf32, #tpu.memory_space<vmem>>, vector<16xf32>,
          %parallel_loop3A_1021 = arith.constant 16 : i32
          %parallel_loop3A_1022 = arith.addi %parallel_loop3A_1008, %parallel_loop3A_1021 : i32
          %parallel_loop3A_1023 = arith.index_cast %parallel_loop3A_1022 : i32 to index
          %parallel_loop3A_1024 = tpu.vector_load %arg4[%parallel_loop3A_1023] {strides = array<i32>} : memref<16400xf32, #tpu.memory_space<vmem>>, vector<16xf32>,
          %parallel_loop3A_1025 = vector.broadcast %squeeze3A_539 : f32 to vector<16xf32>
          %parallel_loop3A_1026 = arith.subf %parallel_loop3A_1024, %parallel_loop3A_1025 : vector<16xf32>
          %parallel_loop3A_1027 = arith.constant 3 : i32
          %parallel_loop3A_1028 = arith.index_cast %and3A_308 : i32 to index
          %parallel_loop3A_1029 = arith.index_cast %parallel_loop3A_713 : i32 to index
          %parallel_loop3A_1030 = arith.index_cast %parallel_loop3A_1027 : i32 to index
          %parallel_loop3A_1031 = arith.constant 16 : index
          %parallel_loop3A_1032 = tpu.vector_load %arg5[%parallel_loop3A_1028, %parallel_loop3A_1029, %parallel_loop3A_1030, %parallel_loop3A_1031] {strides = array<i32>} : memref<2x64x4x128xf32, #tpu.memory_space<vmem>>, vector<16xf32>,
          tpu.vector_store %arg5[%parallel_loop3A_1028, %parallel_loop3A_1029, %parallel_loop3A_1030, %parallel_loop3A_1031], %parallel_loop3A_1026 {strides = array<i32>} : memref<2x64x4x128xf32, #tpu.memory_space<vmem>>, vector<16xf32>,
          %parallel_loop3A_1033 = arith.constant 32 : i32
          %parallel_loop3A_1034 = arith.addi %parallel_loop3A_1008, %parallel_loop3A_1033 : i32
          %parallel_loop3A_1035 = arith.index_cast %parallel_loop3A_1034 : i32 to index
          %parallel_loop3A_1036 = tpu.vector_load %arg4[%parallel_loop3A_1035] {strides = array<i32>} : memref<16400xf32, #tpu.memory_space<vmem>>, vector<16xf32>,
          %parallel_loop3A_1037 = vector.broadcast %squeeze3A_539 : f32 to vector<16xf32>
          %parallel_loop3A_1038 = arith.subf %parallel_loop3A_1036, %parallel_loop3A_1037 : vector<16xf32>
          %parallel_loop3A_1039 = arith.constant 3 : i32
          %parallel_loop3A_1040 = arith.index_cast %and3A_308 : i32 to index
          %parallel_loop3A_1041 = arith.index_cast %parallel_loop3A_713 : i32 to index
          %parallel_loop3A_1042 = arith.index_cast %parallel_loop3A_1039 : i32 to index
          %parallel_loop3A_1043 = arith.constant 32 : index
          %parallel_loop3A_1044 = tpu.vector_load %arg5[%parallel_loop3A_1040, %parallel_loop3A_1041, %parallel_loop3A_1042, %parallel_loop3A_1043] {strides = array<i32>} : memref<2x64x4x128xf32, #tpu.memory_space<vmem>>, vector<16xf32>,
          tpu.vector_store %arg5[%parallel_loop3A_1040, %parallel_loop3A_1041, %parallel_loop3A_1042, %parallel_loop3A_1043], %parallel_loop3A_1038 {strides = array<i32>} : memref<2x64x4x128xf32, #tpu.memory_space<vmem>>, vector<16xf32>,
          %parallel_loop3A_1045 = arith.constant 48 : i32
          %parallel_loop3A_1046 = arith.addi %parallel_loop3A_1008, %parallel_loop3A_1045 : i32
          %parallel_loop3A_1047 = arith.index_cast %parallel_loop3A_1046 : i32 to index
          %parallel_loop3A_1048 = tpu.vector_load %arg4[%parallel_loop3A_1047] {strides = array<i32>} : memref<16400xf32, #tpu.memory_space<vmem>>, vector<16xf32>,
          %parallel_loop3A_1049 = vector.broadcast %squeeze3A_539 : f32 to vector<16xf32>
          %parallel_loop3A_1050 = arith.subf %parallel_loop3A_1048, %parallel_loop3A_1049 : vector<16xf32>
          %parallel_loop3A_1051 = arith.constant 3 : i32
          %parallel_loop3A_1052 = arith.index_cast %and3A_308 : i32 to index
          %parallel_loop3A_1053 = arith.index_cast %parallel_loop3A_713 : i32 to index
          %parallel_loop3A_1054 = arith.index_cast %parallel_loop3A_1051 : i32 to index
          %parallel_loop3A_1055 = arith.constant 48 : index
          %parallel_loop3A_1056 = tpu.vector_load %arg5[%parallel_loop3A_1052, %parallel_loop3A_1053, %parallel_loop3A_1054, %parallel_loop3A_1055] {strides = array<i32>} : memref<2x64x4x128xf32, #tpu.memory_space<vmem>>, vector<16xf32>,
          tpu.vector_store %arg5[%parallel_loop3A_1052, %parallel_loop3A_1053, %parallel_loop3A_1054, %parallel_loop3A_1055], %parallel_loop3A_1050 {strides = array<i32>} : memref<2x64x4x128xf32, #tpu.memory_space<vmem>>, vector<16xf32>,
          %parallel_loop3A_1057 = arith.constant 64 : i32
          %parallel_loop3A_1058 = arith.addi %parallel_loop3A_1008, %parallel_loop3A_1057 : i32
          %parallel_loop3A_1059 = arith.index_cast %parallel_loop3A_1058 : i32 to index
          %parallel_loop3A_1060 = tpu.vector_load %arg4[%parallel_loop3A_1059] {strides = array<i32>} : memref<16400xf32, #tpu.memory_space<vmem>>, vector<16xf32>,
          %parallel_loop3A_1061 = vector.broadcast %squeeze3A_539 : f32 to vector<16xf32>
          %parallel_loop3A_1062 = arith.subf %parallel_loop3A_1060, %parallel_loop3A_1061 : vector<16xf32>
          %parallel_loop3A_1063 = arith.constant 3 : i32
          %parallel_loop3A_1064 = arith.index_cast %and3A_308 : i32 to index
          %parallel_loop3A_1065 = arith.index_cast %parallel_loop3A_713 : i32 to index
          %parallel_loop3A_1066 = arith.index_cast %parallel_loop3A_1063 : i32 to index
          %parallel_loop3A_1067 = arith.constant 64 : index
          %parallel_loop3A_1068 = tpu.vector_load %arg5[%parallel_loop3A_1064, %parallel_loop3A_1065, %parallel_loop3A_1066, %parallel_loop3A_1067] {strides = array<i32>} : memref<2x64x4x128xf32, #tpu.memory_space<vmem>>, vector<16xf32>,
          tpu.vector_store %arg5[%parallel_loop3A_1064, %parallel_loop3A_1065, %parallel_loop3A_1066, %parallel_loop3A_1067], %parallel_loop3A_1062 {strides = array<i32>} : memref<2x64x4x128xf32, #tpu.memory_space<vmem>>, vector<16xf32>,
          %parallel_loop3A_1069 = arith.constant 80 : i32
          %parallel_loop3A_1070 = arith.addi %parallel_loop3A_1008, %parallel_loop3A_1069 : i32
          %parallel_loop3A_1071 = arith.index_cast %parallel_loop3A_1070 : i32 to index
          %parallel_loop3A_1072 = tpu.vector_load %arg4[%parallel_loop3A_1071] {strides = array<i32>} : memref<16400xf32, #tpu.memory_space<vmem>>, vector<16xf32>,
          %parallel_loop3A_1073 = vector.broadcast %squeeze3A_539 : f32 to vector<16xf32>
          %parallel_loop3A_1074 = arith.subf %parallel_loop3A_1072, %parallel_loop3A_1073 : vector<16xf32>
          %parallel_loop3A_1075 = arith.constant 3 : i32
          %parallel_loop3A_1076 = arith.index_cast %and3A_308 : i32 to index
          %parallel_loop3A_1077 = arith.index_cast %parallel_loop3A_713 : i32 to index
          %parallel_loop3A_1078 = arith.index_cast %parallel_loop3A_1075 : i32 to index
          %parallel_loop3A_1079 = arith.constant 80 : index
          %parallel_loop3A_1080 = tpu.vector_load %arg5[%parallel_loop3A_1076, %parallel_loop3A_1077, %parallel_loop3A_1078, %parallel_loop3A_1079] {strides = array<i32>} : memref<2x64x4x128xf32, #tpu.memory_space<vmem>>, vector<16xf32>,
          tpu.vector_store %arg5[%parallel_loop3A_1076, %parallel_loop3A_1077, %parallel_loop3A_1078, %parallel_loop3A_1079], %parallel_loop3A_1074 {strides = array<i32>} : memref<2x64x4x128xf32, #tpu.memory_space<vmem>>, vector<16xf32>,
          %parallel_loop3A_1081 = arith.constant 96 : i32
          %parallel_loop3A_1082 = arith.addi %parallel_loop3A_1008, %parallel_loop3A_1081 : i32
          %parallel_loop3A_1083 = arith.index_cast %parallel_loop3A_1082 : i32 to index
          %parallel_loop3A_1084 = tpu.vector_load %arg4[%parallel_loop3A_1083] {strides = array<i32>} : memref<16400xf32, #tpu.memory_space<vmem>>, vector<16xf32>,
          %parallel_loop3A_1085 = vector.broadcast %squeeze3A_539 : f32 to vector<16xf32>
          %parallel_loop3A_1086 = arith.subf %parallel_loop3A_1084, %parallel_loop3A_1085 : vector<16xf32>
          %parallel_loop3A_1087 = arith.constant 3 : i32
          %parallel_loop3A_1088 = arith.index_cast %and3A_308 : i32 to index
          %parallel_loop3A_1089 = arith.index_cast %parallel_loop3A_713 : i32 to index
          %parallel_loop3A_1090 = arith.index_cast %parallel_loop3A_1087 : i32 to index
          %parallel_loop3A_1091 = arith.constant 96 : index
          %parallel_loop3A_1092 = tpu.vector_load %arg5[%parallel_loop3A_1088, %parallel_loop3A_1089, %parallel_loop3A_1090, %parallel_loop3A_1091] {strides = array<i32>} : memref<2x64x4x128xf32, #tpu.memory_space<vmem>>, vector<16xf32>,
          tpu.vector_store %arg5[%parallel_loop3A_1088, %parallel_loop3A_1089, %parallel_loop3A_1090, %parallel_loop3A_1091], %parallel_loop3A_1086 {strides = array<i32>} : memref<2x64x4x128xf32, #tpu.memory_space<vmem>>, vector<16xf32>,
          %parallel_loop3A_1093 = arith.constant 112 : i32
          %parallel_loop3A_1094 = arith.addi %parallel_loop3A_1008, %parallel_loop3A_1093 : i32
          %parallel_loop3A_1095 = arith.index_cast %parallel_loop3A_1094 : i32 to index
          %parallel_loop3A_1096 = tpu.vector_load %arg4[%parallel_loop3A_1095] {strides = array<i32>} : memref<16400xf32, #tpu.memory_space<vmem>>, vector<16xf32>,
          %parallel_loop3A_1097 = vector.broadcast %squeeze3A_539 : f32 to vector<16xf32>
          %parallel_loop3A_1098 = arith.subf %parallel_loop3A_1096, %parallel_loop3A_1097 : vector<16xf32>
          %parallel_loop3A_1099 = arith.constant 3 : i32
          %parallel_loop3A_1100 = arith.index_cast %and3A_308 : i32 to index
          %parallel_loop3A_1101 = arith.index_cast %parallel_loop3A_713 : i32 to index
          %parallel_loop3A_1102 = arith.index_cast %parallel_loop3A_1099 : i32 to index
          %parallel_loop3A_1103 = arith.constant 112 : index
          %parallel_loop3A_1104 = tpu.vector_load %arg5[%parallel_loop3A_1100, %parallel_loop3A_1101, %parallel_loop3A_1102, %parallel_loop3A_1103] {strides = array<i32>} : memref<2x64x4x128xf32, #tpu.memory_space<vmem>>, vector<16xf32>,
          tpu.vector_store %arg5[%parallel_loop3A_1100, %parallel_loop3A_1101, %parallel_loop3A_1102, %parallel_loop3A_1103], %parallel_loop3A_1098 {strides = array<i32>} : memref<2x64x4x128xf32, #tpu.memory_space<vmem>>, vector<16xf32>,
        } {sc.loop_unroll_factor = 2 : i64, sc.parallel_access}
        %parallel_loop3A_632 = arith.constant 0 : i32
        %parallel_loop3A_633 = arith.constant 1 : i32
        scf.for %parallel_loop3A_712 = %parallel_loop3A_632 to %shift_right_arithmetic3A_518 step %parallel_loop3A_633  : i32 {
          %parallel_loop3A_713 = arith.constant 16 : i32
          %parallel_loop3A_714 = arith.muli %parallel_loop3A_712, %parallel_loop3A_713 : i32
          %parallel_loop3A_715 = arith.addi %add3A_509, %parallel_loop3A_714 : i32
          %parallel_loop3A_716 = arith.constant 7 : i32
          %parallel_loop3A_717 = arith.shrsi %parallel_loop3A_715, %parallel_loop3A_716 : i32
          %parallel_loop3A_718 = arith.constant 127 : i32
          %parallel_loop3A_719 = arith.andi %parallel_loop3A_715, %parallel_loop3A_718 : i32
          %parallel_loop3A_720 = arith.addi %sub3A_542, %parallel_loop3A_715 : i32
          %parallel_loop3A_721 = arith.index_cast %parallel_loop3A_720 : i32 to index
          %parallel_loop3A_722 = tpu.vector_load %arg4[%parallel_loop3A_721] {strides = array<i32>} : memref<16400xf32, #tpu.memory_space<vmem>>, vector<16xf32>,
          %parallel_loop3A_723 = vector.broadcast %squeeze3A : f32 to vector<16xf32>
          %parallel_loop3A_724 = arith.subf %parallel_loop3A_722, %parallel_loop3A_723 : vector<16xf32>
          %parallel_loop3A_725 = arith.constant 0 : i32
          %parallel_loop3A_726 = arith.index_cast %and3A_308 : i32 to index
          %parallel_loop3A_727 = arith.index_cast %parallel_loop3A_717 : i32 to index
          %parallel_loop3A_728 = arith.index_cast %parallel_loop3A_725 : i32 to index
          %parallel_loop3A_729 = arith.index_cast %parallel_loop3A_719 : i32 to index
          %parallel_loop3A_730 = tpu.vector_load %arg5[%parallel_loop3A_726, %parallel_loop3A_727, %parallel_loop3A_728, %parallel_loop3A_729] {strides = array<i32>} : memref<2x64x4x128xf32, #tpu.memory_space<vmem>>, vector<16xf32>,
          tpu.vector_store %arg5[%parallel_loop3A_726, %parallel_loop3A_727, %parallel_loop3A_728, %parallel_loop3A_729], %parallel_loop3A_724 {strides = array<i32>} : memref<2x64x4x128xf32, #tpu.memory_space<vmem>>, vector<16xf32>,
          %parallel_loop3A_731 = arith.addi %sub3A_545, %parallel_loop3A_715 : i32
          %parallel_loop3A_732 = arith.index_cast %parallel_loop3A_731 : i32 to index
          %parallel_loop3A_733 = tpu.vector_load %arg4[%parallel_loop3A_732] {strides = array<i32>} : memref<16400xf32, #tpu.memory_space<vmem>>, vector<16xf32>,
          %parallel_loop3A_734 = vector.broadcast %squeeze3A_527 : f32 to vector<16xf32>
          %parallel_loop3A_735 = arith.subf %parallel_loop3A_733, %parallel_loop3A_734 : vector<16xf32>
          %parallel_loop3A_736 = arith.constant 1 : i32
          %parallel_loop3A_737 = arith.index_cast %and3A_308 : i32 to index
          %parallel_loop3A_738 = arith.index_cast %parallel_loop3A_717 : i32 to index
          %parallel_loop3A_739 = arith.index_cast %parallel_loop3A_736 : i32 to index
          %parallel_loop3A_740 = arith.index_cast %parallel_loop3A_719 : i32 to index
          %parallel_loop3A_741 = tpu.vector_load %arg5[%parallel_loop3A_737, %parallel_loop3A_738, %parallel_loop3A_739, %parallel_loop3A_740] {strides = array<i32>} : memref<2x64x4x128xf32, #tpu.memory_space<vmem>>, vector<16xf32>,
          tpu.vector_store %arg5[%parallel_loop3A_737, %parallel_loop3A_738, %parallel_loop3A_739, %parallel_loop3A_740], %parallel_loop3A_735 {strides = array<i32>} : memref<2x64x4x128xf32, #tpu.memory_space<vmem>>, vector<16xf32>,
          %parallel_loop3A_742 = arith.addi %sub3A_548, %parallel_loop3A_715 : i32
          %parallel_loop3A_743 = arith.index_cast %parallel_loop3A_742 : i32 to index
          %parallel_loop3A_744 = tpu.vector_load %arg4[%parallel_loop3A_743] {strides = array<i32>} : memref<16400xf32, #tpu.memory_space<vmem>>, vector<16xf32>,
          %parallel_loop3A_745 = vector.broadcast %squeeze3A_533 : f32 to vector<16xf32>
          %parallel_loop3A_746 = arith.subf %parallel_loop3A_744, %parallel_loop3A_745 : vector<16xf32>
          %parallel_loop3A_747 = arith.constant 2 : i32
          %parallel_loop3A_748 = arith.index_cast %and3A_308 : i32 to index
          %parallel_loop3A_749 = arith.index_cast %parallel_loop3A_717 : i32 to index
          %parallel_loop3A_750 = arith.index_cast %parallel_loop3A_747 : i32 to index
          %parallel_loop3A_751 = arith.index_cast %parallel_loop3A_719 : i32 to index
          %parallel_loop3A_752 = tpu.vector_load %arg5[%parallel_loop3A_748, %parallel_loop3A_749, %parallel_loop3A_750, %parallel_loop3A_751] {strides = array<i32>} : memref<2x64x4x128xf32, #tpu.memory_space<vmem>>, vector<16xf32>,
          tpu.vector_store %arg5[%parallel_loop3A_748, %parallel_loop3A_749, %parallel_loop3A_750, %parallel_loop3A_751], %parallel_loop3A_746 {strides = array<i32>} : memref<2x64x4x128xf32, #tpu.memory_space<vmem>>, vector<16xf32>,
          %parallel_loop3A_753 = arith.addi %sub3A_551, %parallel_loop3A_715 : i32
          %parallel_loop3A_754 = arith.index_cast %parallel_loop3A_753 : i32 to index
          %parallel_loop3A_755 = tpu.vector_load %arg4[%parallel_loop3A_754] {strides = array<i32>} : memref<16400xf32, #tpu.memory_space<vmem>>, vector<16xf32>,
          %parallel_loop3A_756 = vector.broadcast %squeeze3A_539 : f32 to vector<16xf32>
          %parallel_loop3A_757 = arith.subf %parallel_loop3A_755, %parallel_loop3A_756 : vector<16xf32>
          %parallel_loop3A_758 = arith.constant 3 : i32
          %parallel_loop3A_759 = arith.index_cast %and3A_308 : i32 to index
          %parallel_loop3A_760 = arith.index_cast %parallel_loop3A_717 : i32 to index
          %parallel_loop3A_761 = arith.index_cast %parallel_loop3A_758 : i32 to index
          %parallel_loop3A_762 = arith.index_cast %parallel_loop3A_719 : i32 to index
          %parallel_loop3A_763 = tpu.vector_load %arg5[%parallel_loop3A_759, %parallel_loop3A_760, %parallel_loop3A_761, %parallel_loop3A_762] {strides = array<i32>} : memref<2x64x4x128xf32, #tpu.memory_space<vmem>>, vector<16xf32>,
          tpu.vector_store %arg5[%parallel_loop3A_759, %parallel_loop3A_760, %parallel_loop3A_761, %parallel_loop3A_762], %parallel_loop3A_757 {strides = array<i32>} : memref<2x64x4x128xf32, #tpu.memory_space<vmem>>, vector<16xf32>,
        } {sc.loop_unroll_factor = 1 : i64, sc.parallel_access}
        %sub3A_634 = arith.subi %sub3A_487, %add3A_500 : i32
        %add3A_635 = arith.addi %sub3A_542, %add3A_500 : i32
        %add3A_636 = vector.broadcast %add3A_500 : i32 to vector<16xi32>
        %add3A_637 = arith.addi %add3A_636, %iota3A : vector<16xi32>
        %lt3A_638 = vector.broadcast %sub3A_634 : i32 to vector<16xi32>
        %lt3A_639 = arith.cmpi slt, %iota3A, %lt3A_638 : vector<16xi32>
        %broadcast_in_dim3A_640 = vector.broadcast %and3A_308 : i32 to vector<16xi32>
        %shift_right_arithmetic3A_641 = arith.constant 7 : i32
        %shift_right_arithmetic3A_642 = vector.broadcast %shift_right_arithmetic3A_641 : i32 to vector<16xi32>
        %shift_right_arithmetic3A_643 = arith.shrsi %add3A_637, %shift_right_arithmetic3A_642 : vector<16xi32>
        %and3A_644 = arith.constant 127 : i32
        %and3A_645 = vector.broadcast %and3A_644 : i32 to vector<16xi32>
        %and3A_646 = arith.andi %add3A_637, %and3A_645 : vector<16xi32>
        %broadcast_in_dim3A_647 = arith.constant 0 : i32
        %broadcast_in_dim3A_648 = vector.broadcast %broadcast_in_dim3A_647 : i32 to vector<16xi32>
        %get3A_649 = arith.index_cast %add3A_635 : i32 to index
        %get3A_650 = tpu.vector_load %arg4[%get3A_649] {strides = array<i32>} : memref<16400xf32, #tpu.memory_space<vmem>>, vector<16xf32>,
        %sub3A_651 = vector.broadcast %squeeze3A : f32 to vector<16xf32>
        %sub3A_652 = arith.subf %get3A_650, %sub3A_651 : vector<16xf32>
        tpu.vector_store_idx %arg5[%broadcast_in_dim3A_640, %shift_right_arithmetic3A_643, %broadcast_in_dim3A_648, %and3A_646], %sub3A_652 masked %lt3A_639 : memref<2x64x4x128xf32, #tpu.memory_space<vmem>>[vector<16xi32>, vector<16xi32>, vector<16xi32>, vector<16xi32>], vector<16xf32>, vector<16xi1>
        %sub3A_653 = arith.subi %sub3A_487, %add3A_500 : i32
        %add3A_654 = arith.addi %sub3A_545, %add3A_500 : i32
        %add3A_655 = vector.broadcast %add3A_500 : i32 to vector<16xi32>
        %add3A_656 = arith.addi %add3A_655, %iota3A : vector<16xi32>
        %lt3A_657 = vector.broadcast %sub3A_653 : i32 to vector<16xi32>
        %lt3A_658 = arith.cmpi slt, %iota3A, %lt3A_657 : vector<16xi32>
        %broadcast_in_dim3A_659 = vector.broadcast %and3A_308 : i32 to vector<16xi32>
        %shift_right_arithmetic3A_660 = arith.constant 7 : i32
        %shift_right_arithmetic3A_661 = vector.broadcast %shift_right_arithmetic3A_660 : i32 to vector<16xi32>
        %shift_right_arithmetic3A_662 = arith.shrsi %add3A_656, %shift_right_arithmetic3A_661 : vector<16xi32>
        %and3A_663 = arith.constant 127 : i32
        %and3A_664 = vector.broadcast %and3A_663 : i32 to vector<16xi32>
        %and3A_665 = arith.andi %add3A_656, %and3A_664 : vector<16xi32>
        %broadcast_in_dim3A_666 = arith.constant 1 : i32
        %broadcast_in_dim3A_667 = vector.broadcast %broadcast_in_dim3A_666 : i32 to vector<16xi32>
        %get3A_668 = arith.index_cast %add3A_654 : i32 to index
        %get3A_669 = tpu.vector_load %arg4[%get3A_668] {strides = array<i32>} : memref<16400xf32, #tpu.memory_space<vmem>>, vector<16xf32>,
        %sub3A_670 = vector.broadcast %squeeze3A_527 : f32 to vector<16xf32>
        %sub3A_671 = arith.subf %get3A_669, %sub3A_670 : vector<16xf32>
        tpu.vector_store_idx %arg5[%broadcast_in_dim3A_659, %shift_right_arithmetic3A_662, %broadcast_in_dim3A_667, %and3A_665], %sub3A_671 masked %lt3A_658 : memref<2x64x4x128xf32, #tpu.memory_space<vmem>>[vector<16xi32>, vector<16xi32>, vector<16xi32>, vector<16xi32>], vector<16xf32>, vector<16xi1>
        %sub3A_672 = arith.subi %sub3A_487, %add3A_500 : i32
        %add3A_673 = arith.addi %sub3A_548, %add3A_500 : i32
        %add3A_674 = vector.broadcast %add3A_500 : i32 to vector<16xi32>
        %add3A_675 = arith.addi %add3A_674, %iota3A : vector<16xi32>
        %lt3A_676 = vector.broadcast %sub3A_672 : i32 to vector<16xi32>
        %lt3A_677 = arith.cmpi slt, %iota3A, %lt3A_676 : vector<16xi32>
        %broadcast_in_dim3A_678 = vector.broadcast %and3A_308 : i32 to vector<16xi32>
        %shift_right_arithmetic3A_679 = arith.constant 7 : i32
        %shift_right_arithmetic3A_680 = vector.broadcast %shift_right_arithmetic3A_679 : i32 to vector<16xi32>
        %shift_right_arithmetic3A_681 = arith.shrsi %add3A_675, %shift_right_arithmetic3A_680 : vector<16xi32>
        %and3A_682 = arith.constant 127 : i32
        %and3A_683 = vector.broadcast %and3A_682 : i32 to vector<16xi32>
        %and3A_684 = arith.andi %add3A_675, %and3A_683 : vector<16xi32>
        %broadcast_in_dim3A_685 = arith.constant 2 : i32
        %broadcast_in_dim3A_686 = vector.broadcast %broadcast_in_dim3A_685 : i32 to vector<16xi32>
        %get3A_687 = arith.index_cast %add3A_673 : i32 to index
        %get3A_688 = tpu.vector_load %arg4[%get3A_687] {strides = array<i32>} : memref<16400xf32, #tpu.memory_space<vmem>>, vector<16xf32>,
        %sub3A_689 = vector.broadcast %squeeze3A_533 : f32 to vector<16xf32>
        %sub3A_690 = arith.subf %get3A_688, %sub3A_689 : vector<16xf32>
        tpu.vector_store_idx %arg5[%broadcast_in_dim3A_678, %shift_right_arithmetic3A_681, %broadcast_in_dim3A_686, %and3A_684], %sub3A_690 masked %lt3A_677 : memref<2x64x4x128xf32, #tpu.memory_space<vmem>>[vector<16xi32>, vector<16xi32>, vector<16xi32>, vector<16xi32>], vector<16xf32>, vector<16xi1>
        %sub3A_691 = arith.subi %sub3A_487, %add3A_500 : i32
        %add3A_692 = arith.addi %sub3A_551, %add3A_500 : i32
        %add3A_693 = vector.broadcast %add3A_500 : i32 to vector<16xi32>
        %add3A_694 = arith.addi %add3A_693, %iota3A : vector<16xi32>
        %lt3A_695 = vector.broadcast %sub3A_691 : i32 to vector<16xi32>
        %lt3A_696 = arith.cmpi slt, %iota3A, %lt3A_695 : vector<16xi32>
        %broadcast_in_dim3A_697 = vector.broadcast %and3A_308 : i32 to vector<16xi32>
        %shift_right_arithmetic3A_698 = arith.constant 7 : i32
        %shift_right_arithmetic3A_699 = vector.broadcast %shift_right_arithmetic3A_698 : i32 to vector<16xi32>
        %shift_right_arithmetic3A_700 = arith.shrsi %add3A_694, %shift_right_arithmetic3A_699 : vector<16xi32>
        %and3A_701 = arith.constant 127 : i32
        %and3A_702 = vector.broadcast %and3A_701 : i32 to vector<16xi32>
        %and3A_703 = arith.andi %add3A_694, %and3A_702 : vector<16xi32>
        %broadcast_in_dim3A_704 = arith.constant 3 : i32
        %broadcast_in_dim3A_705 = vector.broadcast %broadcast_in_dim3A_704 : i32 to vector<16xi32>
        %get3A_706 = arith.index_cast %add3A_692 : i32 to index
        %get3A_707 = tpu.vector_load %arg4[%get3A_706] {strides = array<i32>} : memref<16400xf32, #tpu.memory_space<vmem>>, vector<16xf32>,
        %sub3A_708 = vector.broadcast %squeeze3A_539 : f32 to vector<16xf32>
        %sub3A_709 = arith.subf %get3A_707, %sub3A_708 : vector<16xf32>
        tpu.vector_store_idx %arg5[%broadcast_in_dim3A_697, %shift_right_arithmetic3A_700, %broadcast_in_dim3A_705, %and3A_703], %sub3A_709 masked %lt3A_696 : memref<2x64x4x128xf32, #tpu.memory_space<vmem>>[vector<16xi32>, vector<16xi32>, vector<16xi32>, vector<16xi32>], vector<16xf32>, vector<16xi1>
        %add3A_710 = arith.constant 1 : i32
        %add3A_711 = arith.addi %while3A_477, %add3A_710 : i32
        scf.yield %add3A_711, %add3A_481 : i32, i32
      }
      %dma_start3A = arith.constant 0 : i32
      %dma_start3A_460 = arith.constant 0 : i32
      %dma_start3A_461 = arith.constant 0 : i32
      %dma_start3A_462 = tpu.memref_slice %arg5[%and3A_308, %dma_start3A, %dma_start3A_460, %dma_start3A_461] : memref<2x64x4x128xf32, #tpu.memory_space<vmem>> -> memref<1x48x4x128xf32, #tpu.memory_space<vmem>>
      %dma_start3A_463 = tpu.memref_squeeze %dma_start3A_462 : memref<1x48x4x128xf32, #tpu.memory_space<vmem>> -> memref<48x4x128xf32, #tpu.memory_space<vmem>>
      %dma_start3A_464 = arith.constant 65472 : i32
      %dma_start3A_465 = arith.constant 0 : i32
      %dma_start3A_466 = arith.constant 0 : i32
      %dma_start3A_467 = tpu.memref_slice %arg3[%dma_start3A_464, %dma_start3A_465, %dma_start3A_466] : memref<65520x4x128xf32, #tpu.memory_space<hbm>> -> memref<48x4x128xf32, #tpu.memory_space<hbm>>
      %dma_start3A_468 = arith.constant 65472 : i32
      %dma_start3A_469 = arith.constant 0 : i32
      %dma_start3A_470 = arith.constant 0 : i32
      %dma_start3A_471 = tpu.memref_slice %arg3[%dma_start3A_468, %dma_start3A_469, %dma_start3A_470] : memref<65520x4x128xf32, #tpu.memory_space<hbm>> -> memref<48x4x128xf32, #tpu.memory_space<hbm>>
      %dma_start3A_472 = arith.constant 0 : i32
      %dma_start3A_473 = arith.constant 0 : i32
      %dma_start3A_474 = arith.constant 0 : i32
      %dma_start3A_475 = tpu.memref_slice %arg5[%and3A_308, %dma_start3A_472, %dma_start3A_473, %dma_start3A_474] : memref<2x64x4x128xf32, #tpu.memory_space<vmem>> -> memref<1x48x4x128xf32, #tpu.memory_space<vmem>>
      %dma_start3A_476 = tpu.memref_squeeze %dma_start3A_475 : memref<1x48x4x128xf32, #tpu.memory_space<vmem>> -> memref<48x4x128xf32, #tpu.memory_space<vmem>>
      tpu.enqueue_dma source(%dma_start3A_476 : memref<48x4x128xf32, #tpu.memory_space<vmem>>) target(%dma_start3A_471 : memref<48x4x128xf32, #tpu.memory_space<hbm>>) target_semaphore(%arg6 : memref<!tpu.dma_semaphore, #tpu.memory_space<semaphore_mem>>)
    } else {
    }
    %dma_wait3A = arith.constant 0 : i32
    %dma_wait3A_262 = arith.constant 0 : i32
    %dma_wait3A_263 = arith.constant 0 : i32
    %dma_wait3A_264 = arith.constant 0 : i32
    %dma_wait3A_265 = tpu.memref_slice %arg5[%dma_wait3A, %dma_wait3A_262, %dma_wait3A_263, %dma_wait3A_264] : memref<2x64x4x128xf32, #tpu.memory_space<vmem>> -> memref<1x64x4x128xf32, #tpu.memory_space<vmem>>
    %dma_wait3A_266 = tpu.memref_squeeze %dma_wait3A_265 : memref<1x64x4x128xf32, #tpu.memory_space<vmem>> -> memref<64x4x128xf32, #tpu.memory_space<vmem>>
    %dma_wait3A_267 = arith.constant 0 : i32
    %dma_wait3A_268 = arith.constant 0 : i32
    %dma_wait3A_269 = arith.constant 0 : i32
    %dma_wait3A_270 = tpu.memref_slice %arg3[%dma_wait3A_267, %dma_wait3A_268, %dma_wait3A_269] : memref<65520x4x128xf32, #tpu.memory_space<hbm>> -> memref<64x4x128xf32, #tpu.memory_space<hbm>>
    %dma_wait3A_271 = arith.constant 0 : i32
    %dma_wait3A_272 = arith.constant 0 : i32
    %dma_wait3A_273 = arith.constant 0 : i32
    %dma_wait3A_274 = tpu.memref_slice %arg3[%dma_wait3A_271, %dma_wait3A_272, %dma_wait3A_273] : memref<65520x4x128xf32, #tpu.memory_space<hbm>> -> memref<64x4x128xf32, #tpu.memory_space<hbm>>
    %dma_wait3A_275 = arith.constant 0 : i32
    %dma_wait3A_276 = arith.constant 0 : i32
    %dma_wait3A_277 = arith.constant 0 : i32
    %dma_wait3A_278 = tpu.memref_slice %arg5[%dma_wait3A, %dma_wait3A_275, %dma_wait3A_276, %dma_wait3A_277] : memref<2x64x4x128xf32, #tpu.memory_space<vmem>> -> memref<1x64x4x128xf32, #tpu.memory_space<vmem>>
    %dma_wait3A_279 = tpu.memref_squeeze %dma_wait3A_278 : memref<1x64x4x128xf32, #tpu.memory_space<vmem>> -> memref<64x4x128xf32, #tpu.memory_space<vmem>>
    tpu.wait_dma2 semaphore(%arg6 : memref<!tpu.dma_semaphore, #tpu.memory_space<semaphore_mem>>) src(%dma_wait3A_279 : memref<64x4x128xf32, #tpu.memory_space<vmem>>) dst(%dma_wait3A_274 : memref<64x4x128xf32, #tpu.memory_space<hbm>>)
    %lt3A = arith.constant 31 : i32
    %lt3A_280 = arith.cmpi slt, %add3A, %lt3A : i32
    %convert_element_type3A_281 = arith.extui %lt3A_280 : i1 to i32
    %cond3A_282 = arith.constant 0 : i32
    %cond3A_283 = arith.cmpi ne, %convert_element_type3A_281, %cond3A_282 : i32
    scf.if %cond3A_283 {
      %dma_wait3A_289 = arith.constant 0 : i32
      %dma_wait3A_290 = arith.constant 0 : i32
      %dma_wait3A_291 = arith.constant 0 : i32
      %dma_wait3A_292 = arith.constant 0 : i32
      %dma_wait3A_293 = tpu.memref_slice %arg5[%dma_wait3A_289, %dma_wait3A_290, %dma_wait3A_291, %dma_wait3A_292] : memref<2x64x4x128xf32, #tpu.memory_space<vmem>> -> memref<1x64x4x128xf32, #tpu.memory_space<vmem>>
      %dma_wait3A_294 = tpu.memref_squeeze %dma_wait3A_293 : memref<1x64x4x128xf32, #tpu.memory_space<vmem>> -> memref<64x4x128xf32, #tpu.memory_space<vmem>>
      %dma_wait3A_295 = arith.constant 0 : i32
      %dma_wait3A_296 = arith.constant 0 : i32
      %dma_wait3A_297 = arith.constant 0 : i32
      %dma_wait3A_298 = tpu.memref_slice %arg3[%dma_wait3A_295, %dma_wait3A_296, %dma_wait3A_297] : memref<65520x4x128xf32, #tpu.memory_space<hbm>> -> memref<64x4x128xf32, #tpu.memory_space<hbm>>
      %dma_wait3A_299 = arith.constant 0 : i32
      %dma_wait3A_300 = arith.constant 0 : i32
      %dma_wait3A_301 = arith.constant 0 : i32
      %dma_wait3A_302 = tpu.memref_slice %arg3[%dma_wait3A_299, %dma_wait3A_300, %dma_wait3A_301] : memref<65520x4x128xf32, #tpu.memory_space<hbm>> -> memref<64x4x128xf32, #tpu.memory_space<hbm>>
      %dma_wait3A_303 = arith.constant 0 : i32
      %dma_wait3A_304 = arith.constant 0 : i32
      %dma_wait3A_305 = arith.constant 0 : i32
      %dma_wait3A_306 = tpu.memref_slice %arg5[%dma_wait3A_289, %dma_wait3A_303, %dma_wait3A_304, %dma_wait3A_305] : memref<2x64x4x128xf32, #tpu.memory_space<vmem>> -> memref<1x64x4x128xf32, #tpu.memory_space<vmem>>
      %dma_wait3A_307 = tpu.memref_squeeze %dma_wait3A_306 : memref<1x64x4x128xf32, #tpu.memory_space<vmem>> -> memref<64x4x128xf32, #tpu.memory_space<vmem>>
      tpu.wait_dma2 semaphore(%arg6 : memref<!tpu.dma_semaphore, #tpu.memory_space<semaphore_mem>>) src(%dma_wait3A_307 : memref<64x4x128xf32, #tpu.memory_space<vmem>>) dst(%dma_wait3A_302 : memref<64x4x128xf32, #tpu.memory_space<hbm>>)
    } else {
    }
    %eq3A_284 = arith.constant 31 : i32
    %eq3A_285 = arith.cmpi eq, %add3A, %eq3A_284 : i32
    %convert_element_type3A_286 = arith.extui %eq3A_285 : i1 to i32
    %cond3A_287 = arith.constant 0 : i32
    %cond3A_288 = arith.cmpi ne, %convert_element_type3A_286, %cond3A_287 : i32
    scf.if %cond3A_288 {
      %dma_wait3A_289 = arith.constant 0 : i32
      %dma_wait3A_290 = arith.constant 0 : i32
      %dma_wait3A_291 = arith.constant 0 : i32
      %dma_wait3A_292 = arith.constant 0 : i32
      %dma_wait3A_293 = tpu.memref_slice %arg5[%dma_wait3A_289, %dma_wait3A_290, %dma_wait3A_291, %dma_wait3A_292] : memref<2x64x4x128xf32, #tpu.memory_space<vmem>> -> memref<1x48x4x128xf32, #tpu.memory_space<vmem>>
      %dma_wait3A_294 = tpu.memref_squeeze %dma_wait3A_293 : memref<1x48x4x128xf32, #tpu.memory_space<vmem>> -> memref<48x4x128xf32, #tpu.memory_space<vmem>>
      %dma_wait3A_295 = arith.constant 0 : i32
      %dma_wait3A_296 = arith.constant 0 : i32
      %dma_wait3A_297 = arith.constant 0 : i32
      %dma_wait3A_298 = tpu.memref_slice %arg3[%dma_wait3A_295, %dma_wait3A_296, %dma_wait3A_297] : memref<65520x4x128xf32, #tpu.memory_space<hbm>> -> memref<48x4x128xf32, #tpu.memory_space<hbm>>
      %dma_wait3A_299 = arith.constant 0 : i32
      %dma_wait3A_300 = arith.constant 0 : i32
      %dma_wait3A_301 = arith.constant 0 : i32
      %dma_wait3A_302 = tpu.memref_slice %arg3[%dma_wait3A_299, %dma_wait3A_300, %dma_wait3A_301] : memref<65520x4x128xf32, #tpu.memory_space<hbm>> -> memref<48x4x128xf32, #tpu.memory_space<hbm>>
      %dma_wait3A_303 = arith.constant 0 : i32
      %dma_wait3A_304 = arith.constant 0 : i32
      %dma_wait3A_305 = arith.constant 0 : i32
      %dma_wait3A_306 = tpu.memref_slice %arg5[%dma_wait3A_289, %dma_wait3A_303, %dma_wait3A_304, %dma_wait3A_305] : memref<2x64x4x128xf32, #tpu.memory_space<vmem>> -> memref<1x48x4x128xf32, #tpu.memory_space<vmem>>
      %dma_wait3A_307 = tpu.memref_squeeze %dma_wait3A_306 : memref<1x48x4x128xf32, #tpu.memory_space<vmem>> -> memref<48x4x128xf32, #tpu.memory_space<vmem>>
      tpu.wait_dma2 semaphore(%arg6 : memref<!tpu.dma_semaphore, #tpu.memory_space<semaphore_mem>>) src(%dma_wait3A_307 : memref<48x4x128xf32, #tpu.memory_space<vmem>>) dst(%dma_wait3A_302 : memref<48x4x128xf32, #tpu.memory_space<hbm>>)
    } else {
    }
    return
  }
}

</mosaic_0001>

<sc_bundles>
// kernel: kernel.3.cloned.1.call-start
scs
__scs_entry_jumppad:
0x0: {  	(pc) =	sbr.rel $0x88, $3  }
0x1: {  	(tag) =	ssettag $0x0;
	lr =	simm.s32 $0x1  }
0x2: {  	[smem:$0x3FA0] =	sst lr;
	_ =	strace $0xD0000000  }
0x3: {  	_ = 	snop  }
0x4: {  	_ = 	snop  }
0x5: {  	_ = 	snop  }
0x6: {  	_ = 	snop  }
0x7: {  	_ = 	snop  }
__scs_overlays_trampoline_lowered:
0x8: {  	[smem:$0x3FAF] =	sst s0  }
0x9: {  	[smem:$0x3FB0] =	sst s1  }
0xa: {  	[smem:$0x3FB1] =	sst s2  }
0xb: {  	[smem:$0x3FB2] =	sst s3  }
0xc: {  	[smem:$0x3FB3] =	sst s4  }
0xd: {  	[smem:$0x3FB4] =	sst s5  }
0xe: {  	[smem:$0x3FB5] =	sst s6  }
0xf: {  	[smem:$0x3FB6] =	sst s7  }
0x10: {  	[smem:$0x3FB7] =	sst s8  }
0x11: {  	[smem:$0x3FB8] =	sst s9;
	s0 =	simm.s32 @!p0 $0x0  }
0x12: {  	s1 =	sld [smem:$0x3F9E];
	s0 =	simm.s32 @p0 $0x1  }
0x13: {  	[smem:$0x3FB9] =	sst s0;
	s0 =	simm.s32 @!p1 $0x0  }
0x14: {  	s2 =	sld [smem:$0x3F9D];
	s0 =	simm.s32 @p1 $0x1  }
0x15: {  	[smem:$0x3FBA] =	sst s0;
	s0 =	simm.s32 @!p2 $0x0  }
0x16: {  	s3 =	sld [smem:$0x3FDB];
	s0 =	simm.s32 @p2 $0x1  }
0x17: {  	s4 =	simm.s32 $0x1BF5;
	[smem:$0x3FBC] =	sst s0  }
0x18: {  	s0 =	sld [smem:$0x3F9F];
	_ =	swait.ge [sflag:s4], $0x0  }
0x19: {  	s7 =	sld [smem:$0x3FA0]  }
0x1a: {  	s8 =	sadd.s32 $0xFFFFE003, lr  }
0x1b: {  	s9 =	sadd.s32 $0xFFFFFEF7, lr;
	s5 =	simm.s32 $0xFFFFFFFF;
	p2 =	slt.u32 s8, $0xFFFFF086  }
0x1c: {  	p1 =	slt.u32 s9, $0xF7A;
	s5 =	simm.s32 @!p2 $0x0  }
0x1d: {  	s5 =	simm.s32 @p1 $0x1;
	p0 =	seq.s32 s7, s2  }
0x1e: {  	s7 =	smul.u32 @!p0 $0xF7A, s2;
	p2 =	seq.s32 @!p0 s5, $0x0  }
0x1f: {  	s9 =	smul.u32 $0xF7A, s1;
	s8 =	simm.s32 @!p0 $0x1BF5;
	p2 =	por !p2, p0  }
0x20: {  	[sflag:s8] =	ssyncset.s32 @!p0 $0xFFFFF086;
	s6 =	sadd.s32 @!p0 s3, s7;
	s7 =	simm.s32 @!p0 $0x108  }
0x21: {  	s3 =	sadd.s32 s3, s9;
	s6 =	sadd.s32 @!p0 $0x88, s6;
	s7 =	simm.s32 @p2 $0x1082  }
0x22: {  	[simem:s7], [sflag:s8] =	dma.local @!p0 [hbm:s6], $0xF7A  }
0x23: {  	s9 =	sor.u32 $0xD0000000, s2;
	s6 =	simm.s32 $0x108;
	_ =	swait.ge @!p0 [sflag:s8], $0x0  }
0x24: {  	s3 =	sadd.s32 $0x88, s3;
	s6 =	simm.s32 @!p1 $0x1082;
	[sflag:s4] =	ssyncset.s32 $0xFFFFF086  }
0x25: {  	[simem:s6], [sflag:s4] =	dma.local [hbm:s3], $0xF7A  }
0x26: {  	[smem:$0x3FA0] =	sst s1;
	(tag) =	ssettag s2;
	_ =	strace s9  }
0x27: {  	s1 =	sld [smem:$0x3FB0]  }
0x28: {  	s2 =	sld [smem:$0x3FB1]  }
0x29: {  	s4 =	sld [smem:$0x3FB3]  }
0x2a: {  	p0 =	seq.s32 s5, $0x0;
	s5 =	sld [smem:$0x3FB4]  }
0x2b: {  	s6 =	sld [smem:$0x3FB5]  }
0x2c: {  	s7 =	sld [smem:$0x3FB6]  }
0x2d: {  	s3 =	simm.s32 $0x108;
	s8 =	sld [smem:$0x3FB7]  }
0x2e: {  	s3 =	simm.s32 @!p0 $0x1082;
	s9 =	sld [smem:$0x3FB8]  }
0x2f: {  	lr =	sadd.s32 s0, s3;
	s0 =	sld [smem:$0x3FAF]  }
0x30: {  	s3 =	sld [smem:$0x3FB2]  }
0x31: {  	[smem:$0x3FBB] =	sst s10  }
0x32: {  	s10 =	sld [smem:$0x3FB9];
	_ =	sdelay $0x3  }
0x33: {  	p0 =	seq.s32 s10, $0x1;
	s10 =	sld [smem:$0x3FBB];
	_ =	sdelay $0x3  }
0x34: {  	[smem:$0x3FBB] =	sst s10  }
0x35: {  	s10 =	sld [smem:$0x3FBA];
	_ =	sdelay $0x3  }
0x36: {  	p1 =	seq.s32 s10, $0x1;
	s10 =	sld [smem:$0x3FBB];
	_ =	sdelay $0x3  }
0x37: {  	[smem:$0x3FBB] =	sst s10  }
0x38: {  	s10 =	sld [smem:$0x3FBC]  }
0x39: {  	_ = 	snop;
	(pc) =	sbr.ind lr, $3  }
0x3a: {  	_ = 	snop  }
0x3b: {  	_ = 	snop  }
0x3c: {  	p2 =	seq.s32 s10, $0x1;
	s10 =	sld [smem:$0x3FBB]  }
0x3d: {  	_ =	shalt  }
0x3e: {  	_ =	shalt  }
0x3f: {  	_ =	shalt  }
0x40: {  	_ =	shalt  }
0x41: {  	_ =	shalt  }
0x42: {  	_ =	shalt  }
0x43: {  	_ =	shalt  }
0x44: {  	_ =	shalt  }
0x45: {  	_ =	shalt  }
0x46: {  	_ =	shalt  }
0x47: {  	_ =	shalt  }
0x48: {  	_ =	shalt  }
0x49: {  	_ =	shalt  }
0x4a: {  	_ =	shalt  }
0x4b: {  	_ =	shalt  }
0x4c: {  	_ =	shalt  }
0x4d: {  	_ =	shalt  }
0x4e: {  	_ =	shalt  }
0x4f: {  	_ =	shalt  }
0x50: {  	_ =	shalt  }
0x51: {  	_ =	shalt  }
0x52: {  	_ =	shalt  }
0x53: {  	_ =	shalt  }
0x54: {  	_ =	shalt  }
0x55: {  	_ =	shalt  }
0x56: {  	_ =	shalt  }
0x57: {  	_ =	shalt  }
0x58: {  	_ =	shalt  }
0x59: {  	_ =	shalt  }
0x5a: {  	_ =	shalt  }
0x5b: {  	_ =	shalt  }
0x5c: {  	_ =	shalt  }
0x5d: {  	_ =	shalt  }
0x5e: {  	_ =	shalt  }
0x5f: {  	_ =	shalt  }
0x60: {  	_ =	shalt  }
0x61: {  	_ =	shalt  }
0x62: {  	_ =	shalt  }
0x63: {  	_ =	shalt  }
0x64: {  	_ =	shalt  }
0x65: {  	_ =	shalt  }
0x66: {  	_ =	shalt  }
0x67: {  	_ =	shalt  }
0x68: {  	_ =	shalt  }
0x69: {  	_ =	shalt  }
0x6a: {  	_ =	shalt  }
0x6b: {  	_ =	shalt  }
0x6c: {  	_ =	shalt  }
0x6d: {  	_ =	shalt  }
0x6e: {  	_ =	shalt  }
0x6f: {  	_ =	shalt  }
0x70: {  	_ =	shalt  }
0x71: {  	_ =	shalt  }
0x72: {  	_ =	shalt  }
0x73: {  	_ =	shalt  }
0x74: {  	_ =	shalt  }
0x75: {  	_ =	shalt  }
0x76: {  	_ =	shalt  }
0x77: {  	_ =	shalt  }
0x78: {  	_ =	shalt  }
0x79: {  	_ =	shalt  }
0x7a: {  	_ =	shalt  }
0x7b: {  	_ =	shalt  }
0x7c: {  	_ =	shalt  }
0x7d: {  	_ =	shalt  }
0x7e: {  	_ =	shalt  }
0x7f: {  	_ =	shalt  }
0x80: {  	_ =	shalt  }
0x81: {  	_ =	shalt  }
0x82: {  	_ =	shalt  }
0x83: {  	_ =	shalt  }
0x84: {  	_ =	shalt  }
0x85: {  	_ =	shalt  }
0x86: {  	_ =	shalt  }
0x87: {  	_ =	shalt  }
.Lfunc_end0:
.L_simem_size_0:
called_computation_lowered:
.L_overlay_start_0:
0x88: {  	s2 =	sld [smem:$0x3FD9]  }
0x89: {  	s3 =	sld [smem:$0x3FFE];
	_ =	sdelay $0x1  }
0x8a: {  	s1 =	srdreg.scid  }
0x8b: {  	s0 =	sand.u32 $0x1, s1  }
0x8c: {  	s17 =	sshll.u32 s0, $0xA;
	s2 =	sadd.s32 s3, s2  }
0x8d: {  	s2 =	sadd.s32 s2, s17  }
0x8e: {  	[smem:$0x3FC7] =	sst s2  }
0x8f: {  	_ = 	snop  }
0x90: {  	s2 =	sld [smem:$0x3FD0];
	(tm) =	ssettm $0x1  }
0x91: {  	s18 =	sld [smem:$0x3FFB];
	_ =	sdelay $0x3  }
0x92: {  	_ =	strace s18  }
0x93: {  	s3 =	sld [smem:$0x3FFC];
	_ =	sdelay $0x3  }
0x94: {  	_ =	strace s3  }
0x95: {  	s3 =	sld [smem:$0x3FFD];
	_ =	sdelay $0x3  }
0x96: {  	_ =	strace s3  }
0x97: {  	_ =	strace $0x8FFFFFFF  }
0x98: {  	s19 =	sld [smem:$0x3FDB];
	_ =	sdelay $0x1  }
0x99: {  	s4 =	simm.s32 $_scs_section_size  }
0x9a: {  	s5 =	simm.s32 $_size__tile_overlayer_lowered;
	s6 =	simm.s32 $_tile_overlayer_lowered  }
0x9b: {  	s22 =	simm.s32 $0x1BFF;
	s21 =	sshll.u32 s6, $0x1;
	s3 =	sadd.s32 s4, s19  }
0x9c: {  	s7 =	simm.s32 $0x0;
	s20 =	sshll.u32 s5, $0x1;
	s5 =	sadd.s32 s21, s3  }
0x9d: {  	[timem:s7], [sflag:s22] =	dma.local [hbm:s5], s20  }
0x9e: {  	_ =	swait.ge [sflag:s22], s20  }
0x9f: {  	s4 =	ssub.s32 $0x0, s20;
	[sflag:s22] =	ssyncset.done $0x0  }
0xa0: {  	[sflag:s22] =	ssyncadd.s32 s4;
	_ =	sdelay $0x1  }
0xa1: {  	s23 =	simm.s32 $0x1B8B  }
0xa2: {  	_ =	swait.ge [sflag:s23], $0x1  }
0xa3: {  	[sflag:s23] =	ssyncset.done $0x0  }
0xa4: {  	s25 =	simm.s32 $0x1B8E;
	s24 =	sld [smem:$0x3FFE];
	[sflag:s23] =	ssyncadd.s32 $0xFFFFFFFF  }
0xa5: {  	s26 =	simm.s32 $execute0_lowered;
	[smem:$0x3FD2] =	sst s25  }
0xa6: {  	s5 =	sshll.u32 s26, $0x1;
	_ =	strace $0x80000046;
	[dreg:$0x1] =	wrdreg $0xFFFFFFFF  }
0xa7: {  	s28 =	simm.s32 $_size_execute0_lowered;
	s3 =	sadd.s32 s3, s5;
	[dreg:$0x0] =	wrdreg $0x0  }
0xa8: {  	s5 =	sshll.u32 s28, $0x1;
	[dreg:$0x2] =	wrdreg s3  }
0xa9: {  	[dreg:$0x3] =	wrdreg s5  }
0xaa: {  	[dreg:$0x4] =	wrdreg $0xC0  }
0xab: {  	_ =	task [dreg:s7], $0x5FFFF  }
0xac: {  	[dreg:$0x1] =	wrdreg $0xFFFFFFFF  }
0xad: {  	[dreg:$0x0] =	wrdreg $0x60  }
0xae: {  	[dreg:$0x2] =	wrdreg s24  }
0xaf: {  	[dreg:$0x3] =	wrdreg s2  }
0xb0: {  	[dreg:$0x4] =	wrdreg $0x9  }
0xb1: {  	_ =	task.clear_ibuf [dreg:s7], $0x5FFFF;
	_ =	strace $0x90000046  }
0xb2: {  	s29 =	simm.s32 $0x9;
	_ =	strace $0x80000048  }
0xb3: {  	_ =	swait.ge [sflag:s29], $0x1  }
0xb4: {  	[sflag:s29] =	ssyncadd.s32 $0xFFFFFFFF  }
0xb5: {  	_ =	strace $0x90000048  }
0xb6: {  	_ =	sfence  }
0xb7: {  	s30 =	sld [smem:$0x0];
	_ =	sdelay $0x2  }
0xb8: {  	s31 =	sshll.u32 s1, $0xD;
	s1 =	sshrl.u32 s1, $0x2  }
0xb9: {  	s3 =	sand.u32 $0x4000, s31;
	s1 =	sadd.s32 s1, s30  }
0xba: {  	s0 =	sor.u32 s3, s0;
	s1 =	sshll.u32 s1, $0x11  }
0xbb: {  	s0 =	sor.u32 s1, s0  }
0xbc: {  	s0 =	sadd.s32 $0x8F2B, s0  }
0xbd: {  	[sflag:s0] =	ssyncadd.remote.s32 $0x1  }
0xbe: {  	_ =	sfence.sel $0xFFFF  }
0xbf: {  	[dreg:$0x0] =	wrdreg $0xFFFFFFFF;
	(pc) =	sbr.abs _section_cstart, $3  }
0xc0: {  	[dreg:$0x1] =	wrdreg $0xFFFFFFFF  }
0xc1: {  	_ =	task.clear_ibuf [dreg:s7], $0x2FFFF;
	_ =	strace $0x9FFFFFFF  }
0xc2: {  	(tm) =	ssettm $0x7FFFFFFF  }
0xc3: {  	_ =	shalt  }
tec
execute0_lowered:
.L_overlay_start_1:
0x0: {  	(tag) =	ssettag $0x1  }
0x1: {  	s0 =	srdreg.scid  }
0x2: {  	s1 =	sand.u32 $0x1, s0  }
0x3: {  	s2 =	stileid.u32;
	s0 =	sshll.u32 s1, $0x4  }
0x4: {  	s0 =	sor.u32 s2, s0  }
0x5: {  	s4 =	simm.s32 $0x27;
	p0 =	seq.s32 s0, $0x1  }
0x6: {  	s4 =	simm.s32 @!p0 $0x0;
	p0 =	seq.s32 s0, $0x2  }
0x7: {  	s5 =	simm.s32 $0x26;
	s4 =	simm.s32 @p0 $0x4E;
	p0 =	seq.s32 s0, $0x3  }
0x8: {  	s19 =	rddreg [dreg:$0x0];
	s4 =	simm.s32 @p0 $0x74;
	p0 =	seq.s32 s0, $0x4  }
0x9: {  	s6 =	rddreg [dreg:$0x1];
	s4 =	simm.s32 @p0 $0x9A;
	p0 =	seq.s32 s0, $0x5  }
0xa: {  	s8 =	simm.s32 $0x0;
	s4 =	simm.s32 @p0 $0xC0;
	p0 =	seq.s32 s0, $0x6  }
0xb: {  	[smem:$0x7FF] =	sst s8;
	s4 =	simm.s32 @p0 $0xE6;
	p0 =	seq.s32 s0, $0x7  }
0xc: {  	s2 =	sadd.s32 $0xFFFFFFFE, s0;
	s4 =	simm.s32 @p0 $0x10C;
	p0 =	seq.s32 s0, $0x8  }
0xd: {  	s18 =	sadd.s32 $0xFFFFFFF9, s0;
	s4 =	simm.s32 @p0 $0x131;
	p0 =	seq.s32 s0, $0x9  }
0xe: {  	p1 =	slt.u32 s2, $0x5;
	s4 =	simm.s32 @p0 $0x156;
	p0 =	seq.s32 s0, $0xA  }
0xf: {  	s5 =	simm.s32 @!p1 $0x27;
	s4 =	simm.s32 @p0 $0x17B;
	p0 =	slt.u32 s18, $0x4  }
0x10: {  	s23 =	sadd.s32 $0x3FF000, s6;
	s5 =	simm.s32 @p0 $0x25;
	p0 =	seq.s32 s0, $0xB  }
0x11: {  	s3 =	sadd.s32 $0xFFFFFFF5, s0;
	s4 =	simm.s32 @p0 $0x1A0;
	p0 =	seq.s32 s0, $0xC  }
0x12: {  	_ =	strace $0x80000047;
	s4 =	simm.s32 @p0 $0x1C4;
	p0 =	slt.u32 s3, $0x2  }
0x13: {  	s1 =	ssub.s32 $0x2, s1;
	s5 =	simm.s32 @p0 $0x24;
	p0 =	seq.s32 s0, $0xD  }
0x14: {  	[dreg:$0x6] =	wrdreg s23;
	s4 =	simm.s32 @p0 $0x1E8;
	p0 =	seq.s32 s0, $0xE  }
0x15: {  	s22 =	sshrl.u32 s1, $0x1;
	s4 =	simm.s32 @p0 $0x20B;
	p0 =	seq.s32 s0, $0xF  }
0x16: {  	s20 =	sadd.s32 $0xFFFFFFF3, s0;
	s4 =	simm.s32 @p0 $0x22E;
	p0 =	seq.s32 s0, $0x10  }
0x17: {  	s21 =	sadd.s32 $0xFFFFFFEB, s0;
	s4 =	simm.s32 @p0 $0x251;
	p0 =	slt.u32 s20, $0x4  }
0x18: {  	s1 =	ssub.s32 s1, s22;
	s5 =	simm.s32 @p0 $0x23;
	p0 =	seq.s32 s0, $0x11  }
0x19: {  	s4 =	simm.s32 @p0 $0x274;
	s5 =	simm.s32 @p0 $0x21;
	p0 =	seq.s32 s0, $0x12  }
0x1a: {  	s4 =	simm.s32 @p0 $0x295;
	s5 =	simm.s32 @p0 $0x22;
	p0 =	seq.s32 s0, $0x13  }
0x1b: {  	s4 =	simm.s32 @p0 $0x2B7;
	s5 =	simm.s32 @p0 $0x21;
	p0 =	seq.s32 s0, $0x14  }
0x1c: {  	s4 =	simm.s32 @p0 $0x2D8;
	s5 =	simm.s32 @p0 $0x20;
	p0 =	seq.s32 s0, $0x15  }
0x1d: {  	s2 =	sadd.s32 $0x400, s19;
	s4 =	simm.s32 @p0 $0x2F8;
	p0 =	seq.s32 s0, $0x16  }
0x1e: {  	s1 =	smax.u32 s1, $0x1;
	s4 =	simm.s32 @p0 $0x317;
	p0 =	slt.u32 s21, $0x2  }
0x1f: {  	[dreg:$0x5] =	wrdreg s2;
	s5 =	simm.s32 @p0 $0x1F;
	p0 =	seq.s32 s0, $0x17  }
0x20: {  	s4 =	simm.s32 @p0 $0x336;
	s5 =	simm.s32 @p0 $0x1E;
	p0 =	seq.s32 s0, $0x18  }
0x21: {  	s4 =	simm.s32 @p0 $0x354;
	s5 =	simm.s32 @p0 $0x1D;
	p0 =	seq.s32 s0, $0x19  }
0x22: {  	s4 =	simm.s32 @p0 $0x371;
	s5 =	simm.s32 @p0 $0x1B;
	p0 =	seq.s32 s0, $0x1A  }
0x23: {  	s4 =	simm.s32 @p0 $0x38C;
	s5 =	simm.s32 @p0 $0x1A;
	p0 =	seq.s32 s0, $0x1B  }
0x24: {  	s4 =	simm.s32 @p0 $0x3A6;
	s5 =	simm.s32 @p0 $0x18;
	p0 =	seq.s32 s0, $0x1C  }
0x25: {  	s4 =	simm.s32 @p0 $0x3BE;
	s5 =	simm.s32 @p0 $0x17;
	p0 =	seq.s32 s0, $0x1D  }
0x26: {  	s4 =	simm.s32 @p0 $0x3D5;
	s5 =	simm.s32 @p0 $0x13;
	p0 =	seq.s32 s0, $0x1E  }
0x27: {  	s4 =	simm.s32 @p0 $0x3E8;
	s5 =	simm.s32 @p0 $0xF;
	p0 =	seq.s32 s0, $0x1F  }
0x28: {  	[dreg:$0x7] =	wrdreg s1;
	s5 =	simm.s32 @p0 $0x8  }
0x29: {  	s4 =	simm.s32 @p0 $0x3F7;
	[dreg:$0x4] =	wrdreg s5  }
0x2a: {  	[dreg:$0x3] =	wrdreg s4;
	s24 =	sshll.u32 s4, $0xD  }
0x2b: {  	s25 =	sadd.s32 $0x3001, s24;
	[dreg:$0x8] =	wrdreg s24  }
0x2c: {  	s26 =	ssub.s32 $0xF, s24;
	[dreg:$0x9] =	wrdreg s25  }
0x2d: {  	s28 =	ssub.s32 $0x0, s24;
	[dreg:$0xa] =	wrdreg s26  }
0x2e: {  	s29 =	sadd.s32 $0x2000, s24;
	[dreg:$0xb] =	wrdreg s28  }
.Ltmp0:
0x2f: {  	s30 =	sadd.s32 $0x2001, s24;
	[dreg:$0xc] =	wrdreg s29;
	(pc) =	sbr.rel .LBB2_1-.Ltmp0, $4  }
0x30: {  	p0 =	sne.s32 s0, $0x1F;
	s31 =	sor.u32 $0x1001, s24;
	[dreg:$0xd] =	wrdreg s30  }
0x31: {  	s0 =	simm.s32 @!p0 $0x0;
	s1 =	sor.u32 $0x1, s24;
	[dreg:$0xe] =	wrdreg s31  }
0x32: {  	s0 =	simm.s32 @p0 $0x1;
	[dreg:$0xf] =	wrdreg s1  }
0x33: {  	v0 =	vlaneseq.u32;
	s18 =	simm.s32 $0x4080;
	[smem:$0x7FD] =	sst s0;
	s1 =	simm.s32 $0x0  }
.LBB2_104:
0x34: {  	_ =	swait.ge [sflag:s0], $0x8000  }
0x35: {  	[sflag:s0] =	ssyncset.done $0x0  }
0x36: {  	s1 =	rddreg [dreg:$0x10];
	[sflag:s0] =	ssyncadd.s32 $0xFFFF8000  }
.LBB2_105:
0x37: {  	s1 =	sadd.s32 $0x1, s1;
	s0 =	rddreg [dreg:$0x7]  }
0x38: {  	p0 =	sne.s32 s1, s0  }
.Ltmp1:
0x39: {  	_ = 	snop;
	(pc) =	sbr.rel @!p0 .LBB2_106-.Ltmp1, $1  }
0x3a: {  	_ =	sdelay $0x3  }
.LBB2_1:
0x3b: {  	[dreg:$0x10] =	wrdreg s1  }
0x3c: {  	s0 =	rddreg [dreg:$0x5];
	s26 =	simm.s32 $0x2  }
0x3d: {  	[tilespmem:s8], [sflag:$0x2] =	stream.linear.gather [hbm4b:s0+s8], $0x4000, $0x38;
	[tilespmem:$0x14080] =	vst v63  }
0x3e: {  	_ =	swait.ge [sflag:s26], $0x4000  }
0x3f: {  	s4 =	rddreg [dreg:$0xf]  }
0x40: {  	s5 =	rddreg [dreg:$0xe]  }
0x41: {  	s6 =	rddreg [dreg:$0xd]  }
0x42: {  	s28 =	rddreg [dreg:$0xc]  }
0x43: {  	s29 =	rddreg [dreg:$0xb]  }
0x44: {  	s30 =	rddreg [dreg:$0x8]  }
0x45: {  	s31 =	rddreg [dreg:$0xa]  }
.Ltmp2:
0x46: {  	s9 =	rddreg [dreg:$0x9];
	(pc) =	sbr.rel .LBB2_2-.Ltmp2, $4  }
0x47: {  	[dreg:$0x14] =	wrdreg s28  }
0x48: {  	[dreg:$0x15] =	wrdreg s29  }
0x49: {  	p2 =	por $0x0, $0x0;
	[sflag:s26] =	ssyncset.done $0x0;
	[dreg:$0x16] =	wrdreg s30  }
0x4a: {  	s10 =	simm.s32 $0x0;
	[sflag:s26] =	ssyncadd.s32 $0xFFFFC000;
	[dreg:$0x17] =	wrdreg s31  }
.LBB2_3:
0x4b: {  	s1 =	sshll.u32 s0, $0x11  }
.LBB2_4:
0x4c: {  	s2 =	rddreg [dreg:$0x1]  }
0x4d: {  	s26 =	rddreg [dreg:$0x17]  }
0x4e: {  	s28 =	rddreg [dreg:$0x16]  }
0x4f: {  	s0 =	sshll.u32 s11, $0xC;
	s1 =	sshrl.u32 s1, $0x2;
	s29 =	rddreg [dreg:$0x15]  }
0x50: {  	s10 =	sadd.s32 $0x1, s10;
	s31 =	rddreg [dreg:$0x4];
	s0 =	sand.u32 $0x1FFFF000, s0  }
0x51: {  	s1 =	sadd.s32 $0x4080, s1;
	p0 =	sne.s32 s10, s31;
	s0 =	sadd.s32 s2, s0  }
0x52: {  	[hbm4b:s0+s8] =	stream.linear.scatter [tilespmem:s1], [sflag:$0x1], $0x8000, $0x38;
	[tilespmem:$0x14080] =	vst v63  }
.Ltmp3:
0x53: {  	s30 =	rddreg [dreg:$0x14];
	s0 =	sadd.s32 $0xFFFFE000, s26;
	(pc) =	sbr.rel @!p0 .LBB2_5-.Ltmp3, $4  }
0x54: {  	s9 =	sadd.s32 $0x2000, s9;
	[dreg:$0x17] =	wrdreg s0;
	s0 =	sadd.s32 $0x2000, s28  }
0x55: {  	s6 =	sadd.s32 $0x2000, s6;
	[dreg:$0x16] =	wrdreg s0;
	s0 =	sadd.s32 $0xFFFFE000, s29  }
0x56: {  	s5 =	sadd.s32 $0x2000, s5;
	[dreg:$0x15] =	wrdreg s0;
	s0 =	sadd.s32 $0x2000, s30  }
0x57: {  	s4 =	sadd.s32 $0x2000, s4;
	p2 =	por !p2, !p2;
	[dreg:$0x14] =	wrdreg s0  }
.LBB2_2:
0x58: {  	s0 =	rddreg [dreg:$0x3]  }
0x59: {  	s11 =	sadd.s32 s0, s10  }
0x5a: {  	s7 =	sshll.u32 s11, $0xD  }
0x5b: {  	s1 =	simm.s32 $0xBFF;
	p0 =	sgt.s32 s7, $0x5FF3FF  }
0x5c: {  	s1 =	simm.s32 @!p0 $0x3FF  }
0x5d: {  	s21 =	sxor.u32 $0x1FFF, s1  }
0x5e: {  	s2 =	smul.u32 s1, s21  }
0x5f: {  	s3 =	simm.s32 $0x7FF  }
0x60: {  	s0 =	simm.s32 $0xFFF;
	s3 =	simm.s32 @!p0 $0x0;
	s2 =	sshrl.u32 s2, $0x1  }
0x61: {  	s0 =	simm.s32 @!p0 $0x7FF;
	p0 =	sgt.s32 s2, s7;
	s2 =	smov.u32 s1  }
0x62: {  	s2 =	smov.u32 @p0 s3;
	s0 =	smov.u32 @p0 s1  }
0x63: {  	s1 =	sadd.s32 s2, s0  }
0x64: {  	s1 =	sshrl.u32 s1, $0x1  }
0x65: {  	s22 =	sxor.u32 $0x1FFF, s1  }
0x66: {  	s3 =	smul.u32 s1, s22;
	_ =	sdelay $0x1  }
0x67: {  	s3 =	sshrl.u32 s3, $0x1  }
0x68: {  	p0 =	sgt.s32 s3, s7;
	s3 =	smov.u32 s1  }
0x69: {  	s3 =	smov.u32 @p0 s2;
	s0 =	smov.u32 @p0 s1  }
0x6a: {  	s1 =	sadd.s32 s0, s3  }
0x6b: {  	s1 =	sshrl.u32 s1, $0x1  }
0x6c: {  	s23 =	sxor.u32 $0x1FFF, s1  }
0x6d: {  	s2 =	smul.u32 s1, s23;
	_ =	sdelay $0x1  }
0x6e: {  	s2 =	sshrl.u32 s2, $0x1  }
0x6f: {  	p0 =	sgt.s32 s2, s7;
	s2 =	smov.u32 s1  }
0x70: {  	s2 =	smov.u32 @p0 s3;
	s0 =	smov.u32 @p0 s1  }
0x71: {  	s1 =	sxor.u32 s0, s2  }
0x72: {  	s3 =	sand.u32 s0, s2;
	s1 =	sshrl.u32 s1, $0x1  }
0x73: {  	s1 =	sadd.s32 s1, s3  }
0x74: {  	s3 =	sxor.u32 $0x1FFF, s1  }
0x75: {  	s3 =	smul.u32 s1, s3;
	_ =	sdelay $0x1  }
0x76: {  	s3 =	sshrl.u32 s3, $0x1  }
0x77: {  	p0 =	sgt.s32 s3, s7;
	s3 =	smov.u32 s1  }
0x78: {  	s3 =	smov.u32 @p0 s2;
	s0 =	smov.u32 @p0 s1  }
0x79: {  	s1 =	sxor.u32 s0, s3  }
0x7a: {  	s2 =	sand.u32 s0, s3;
	s1 =	sshrl.u32 s1, $0x1  }
0x7b: {  	s1 =	sadd.s32 s1, s2  }
0x7c: {  	s2 =	sxor.u32 $0x1FFF, s1  }
0x7d: {  	s2 =	smul.u32 s1, s2;
	_ =	sdelay $0x1  }
0x7e: {  	s2 =	sshrl.u32 s2, $0x1  }
0x7f: {  	p0 =	sgt.s32 s2, s7;
	s2 =	smov.u32 s1  }
0x80: {  	s2 =	smov.u32 @p0 s3;
	s0 =	smov.u32 @p0 s1  }
0x81: {  	s1 =	sadd.s32 s0, s2  }
0x82: {  	s1 =	sshrl.u32 s1, $0x1  }
0x83: {  	s24 =	sxor.u32 $0x1FFF, s1  }
0x84: {  	s3 =	smul.u32 s1, s24;
	_ =	sdelay $0x1  }
0x85: {  	s3 =	sshrl.u32 s3, $0x1  }
0x86: {  	p0 =	sgt.s32 s3, s7;
	s3 =	smov.u32 s1  }
0x87: {  	s3 =	smov.u32 @p0 s2;
	s0 =	smov.u32 @p0 s1  }
0x88: {  	s1 =	sadd.s32 s0, s3  }
0x89: {  	s1 =	sshrl.u32 s1, $0x1  }
0x8a: {  	s25 =	sxor.u32 $0x1FFF, s1  }
0x8b: {  	s2 =	smul.u32 s1, s25;
	_ =	sdelay $0x1  }
0x8c: {  	s2 =	sshrl.u32 s2, $0x1  }
0x8d: {  	p0 =	sgt.s32 s2, s7;
	s2 =	smov.u32 s1  }
0x8e: {  	s2 =	smov.u32 @p0 s3;
	s0 =	smov.u32 @p0 s1  }
0x8f: {  	s1 =	sadd.s32 s0, s2  }
0x90: {  	s1 =	sshrl.u32 s1, $0x1  }
0x91: {  	s26 =	sxor.u32 $0x1FFF, s1  }
0x92: {  	s3 =	smul.u32 s1, s26;
	_ =	sdelay $0x1  }
0x93: {  	s3 =	sshrl.u32 s3, $0x1  }
0x94: {  	p0 =	sgt.s32 s3, s7;
	s3 =	smov.u32 s1  }
0x95: {  	s3 =	smov.u32 @p0 s2;
	s0 =	smov.u32 @p0 s1  }
0x96: {  	s1 =	sadd.s32 s0, s3  }
0x97: {  	s1 =	sshrl.u32 s1, $0x1  }
0x98: {  	s28 =	sxor.u32 $0x1FFF, s1  }
0x99: {  	s2 =	smul.u32 s1, s28;
	_ =	sdelay $0x1  }
0x9a: {  	s2 =	sshrl.u32 s2, $0x1  }
0x9b: {  	p0 =	sgt.s32 s2, s7;
	s2 =	smov.u32 s1  }
0x9c: {  	s2 =	smov.u32 @p0 s3;
	s0 =	smov.u32 @p0 s1  }
0x9d: {  	s1 =	sadd.s32 s0, s2  }
0x9e: {  	s1 =	sshrl.u32 s1, $0x1  }
0x9f: {  	s29 =	sxor.u32 $0x1FFF, s1  }
0xa0: {  	s3 =	smul.u32 s1, s29;
	_ =	sdelay $0x1  }
0xa1: {  	s3 =	sshrl.u32 s3, $0x1  }
0xa2: {  	p0 =	sgt.s32 s3, s7;
	s3 =	smov.u32 s1  }
0xa3: {  	s3 =	smov.u32 @p0 s2;
	s0 =	smov.u32 @p0 s1  }
0xa4: {  	s0 =	sadd.s32 s0, s3  }
0xa5: {  	s12 =	sshrl.u32 s0, $0x1  }
0xa6: {  	s0 =	sxor.u32 $0x1FFF, s12  }
0xa7: {  	s0 =	smul.u32 s12, s0;
	_ =	sdelay $0x1  }
0xa8: {  	s0 =	sshrl.u32 s0, $0x1  }
0xa9: {  	p0 =	sgt.s32 s0, s7  }
0xaa: {  	s12 =	smov.u32 @p0 s3  }
0xab: {  	s30 =	sxor.u32 $0x1FFF, s12  }
0xac: {  	p0 =	slt.u32 s10, $0x2;
	s0 =	smul.u32 s12, s30  }
0xad: {  	s31 =	sadd.s32 $0x2000, s7;
	s1 =	simm.s32 @!p0 $0x1  }
0xae: {  	_ =	swait.ge @!p0 [sflag:s1], $0x8000;
	[dreg:$0x1b] =	wrdreg s7;
	s7 =	sshrl.u32 s0, $0x1  }
0xaf: {  	p1 =	slt.s32 s7, s31  }
.Ltmp4:
0xb0: {  	_ = 	snop;
	(pc) =	sbr.rel @!p1 .LBB2_3-.Ltmp4, $3  }
0xb1: {  	_ =	sdelay $0x1  }
0xb2: {  	[sflag:s1] =	ssyncset.done @!p0 $0x0  }
0xb3: {  	[dreg:$0x1c] =	wrdreg s31;
	[sflag:s1] =	ssyncadd.s32 @!p0 $0xFFFF8000;
	s0 =	sand.u32 $0x1, s10  }
0xb4: {  	[dreg:$0x1a] =	wrdreg s11  }
0xb5: {  	[dreg:$0x19] =	wrdreg s10;
	s1 =	simm.s32 $0x1;
	s2 =	simm.s32 @!p2 $0x0  }
0xb6: {  	s19 =	sshll.u32 s0, $0xF;
	s20 =	sshll.u32 s0, $0x11;
	[dreg:$0x11] =	wrdreg s4  }
0xb7: {  	s3 =	sshll.u32 s12, $0x2;
	s21 =	sadd.s32 s4, s12;
	[dreg:$0x12] =	wrdreg s5  }
0xb8: {  	s4 =	ssub.s32 $0xFFF, s12;
	s23 =	ssub.s32 s7, s12;
	[dreg:$0x13] =	wrdreg s6  }
0xb9: {  	s26 =	sadd.s32 s5, s12;
	s28 =	sadd.s32 s6, s12;
	[dreg:$0x18] =	wrdreg s9  }
0xba: {  	s29 =	sadd.s32 s9, s12;
	s2 =	simm.s32 @p2 $0x1;
	s1 =	simm.s32 @!p2 $0x0  }
0xbb: {  	[dreg:$0x1e] =	wrdreg s20;
	s0 =	sshrl.u32 s20, $0x2;
	s13 =	sadd.s32 $0xFFFFC008, s3  }
0xbc: {  	s22 =	ssub.s32 s21, s7;
	s3 =	ssub.s32 s29, s7;
	[smem:$0x7F5] =	sst s2  }
0xbd: {  	s1 =	sshll.u32 s1, $0x11;
	s10 =	sor.u32 $0x4080, s0;
	s0 =	sshll.u32 s22, $0x2  }
0xbe: {  	s3 =	sshll.u32 s3, $0x2;
	s1 =	sshrl.u32 s1, $0x2;
	s17 =	sshra.s32 s0, $0x2  }
0xbf: {  	s0 =	ssub.s32 s26, s7;
	s3 =	sshra.s32 s3, $0x2;
	s24 =	sadd.s32 $0x4280, s1  }
0xc0: {  	s25 =	sadd.s32 $0x80, s17;
	s1 =	ssub.s32 s28, s7;
	[smem:$0x7F6] =	sst s24  }
0xc1: {  	s0 =	sshll.u32 s0, $0x2;
	s31 =	sadd.s32 $0xF0, s3;
	[smem:$0x7F7] =	sst s25  }
.Ltmp5:
0xc2: {  	s0 =	sshra.s32 s0, $0x2;
	[smem:$0x7FC] =	sst s31;
	(pc) =	sbr.rel .LBB2_11-.Ltmp5, $4  }
0xc3: {  	s1 =	sshll.u32 s1, $0x2;
	[smem:$0x7F8] =	sst s0;
	s0 =	sadd.s32 $0x80, s0  }
0xc4: {  	s8 =	ssub.s32 $0xFFE, s12;
	s1 =	sshra.s32 s1, $0x2;
	[smem:$0x7F9] =	sst s0  }
0xc5: {  	s11 =	sadd.s32 $0xFFF, s23;
	[smem:$0x7FA] =	sst s1;
	s30 =	sadd.s32 $0x80, s1  }
0xc6: {  	v1 =	vmov s19;
	v2 =	vmov s10;
	s20 =	smov.u32 s3;
	s1 =	smov.u32 s7;
	[smem:$0x7FB] =	sst s30  }
.LBB2_34:
0xc7: {  	s30 =	smov.u32 s13  }
.LBB2_58:
0xc8: {  	s2 =	sand.u32 $0xFFFFFE00, s22  }
0xc9: {  	s5 =	sand.u32 $0x7F, s9;
	v19 =	vsub.f32 v20, v5;
	s2 =	sadd.s32 s2, s10  }
0xca: {  	s2 =	sadd.s32 s5, s2  }
0xcb: {  	[tilespmem:s2+$0x0] =	vst v19  }
0xcc: {  	v10 =	vsub.f32 @p3 v10, v6;
	v9 =	vld.idx.msk [tilespmem:v9+s30+$0x0 ss:$0x1], $0xffff  }
0xcd: {  	s5 =	smov.u32 @p3 s23  }
0xce: {  	[tilespmem:s26+$0x80] =	vst @p4 v12;
	s8 =	smov.u32 @p4 s12;
	s19 =	smov.u32 @p3 s4;
	s21 =	smov.u32 @p3 s5;
	v10 =	vpsel p3, v10, v17  }
0xcf: {  	v12 =	vld.idx.msk @p4 [tilespmem:v8+s8+$0x0 ss:$0x1], $0xffff;
	s4 =	smov.u32 @p3 s19;
	[tilespmem:s21+$0x80] =	vst @p3 v10  }
0xd0: {  	v10 =	vld.idx.msk @p3 [tilespmem:v8+s4+$0x0 ss:$0x1], $0xffff  }
0xd1: {  	v9 =	vsub.f32 v9, v6;
	_ =	sdelay $0x1  }
0xd2: {  	[tilespmem:s2+$0x80] =	vst v9  }
0xd3: {  	s5 =	smov.u32 @p4 s26;
	v12 =	vpsel p4, v12, v16;
	v9 =	vsub.f32 @p5 v14, v4;
	v8 =	vld.idx.msk [tilespmem:v8+s30+$0x0 ss:$0x1], $0xffff  }
0xd4: {  	s9 =	smov.u32 @p5 s29;
	s16 =	smov.u32 @p4 s5;
	s5 =	smov.u32 @p3 s21;
	v12 =	vsub.f32 @p4 v12, v4;
	v10 =	vpsel p3, v10, v11  }
0xd5: {  	s12 =	smov.u32 s14;
	s14 =	smov.u32 @p3 s5;
	[tilespmem:s9+$0x100] =	vst @p5 v9;
	v9 =	vsub.f32 @p3 v10, v4  }
0xd6: {  	s15 =	smov.u32 @p4 s8;
	s5 =	smov.u32 @p3 s14;
	[tilespmem:s16+$0x100] =	vst @p4 v12;
	v10 =	vld.idx.msk @p5 [tilespmem:v7+s28+$0x0 ss:$0x1], $0xffff  }
0xd7: {  	s13 =	smov.u32 @p3 s4;
	v11 =	vld.idx.msk @p4 [tilespmem:v7+s15+$0x0 ss:$0x1], $0xffff;
	[tilespmem:s5+$0x100] =	vst @p3 v9  }
0xd8: {  	v9 =	vld.idx.msk @p3 [tilespmem:v7+s13+$0x0 ss:$0x1], $0xffff;
	v8 =	vsub.f32 v8, v4;
	_ =	sdelay $0x1  }
0xd9: {  	[tilespmem:s2+$0x100] =	vst v8  }
0xda: {  	v8 =	vsub.f32 @p6 v18, v3;
	v10 =	vpsel p5, v10, v15;
	v7 =	vld.idx.msk [tilespmem:v7+s30+$0x0 ss:$0x1], $0xffff  }
0xdb: {  	s12 =	smov.u32 @p5 s9;
	s4 =	smov.u32 @p6 s25;
	v11 =	vpsel p4, v11, v0;
	v10 =	vsub.f32 @p5 v10, v3  }
0xdc: {  	[tilespmem:s24+$0x180] =	vst @p0 v13;
	s8 =	smov.u32 @p5 s12;
	s4 =	smov.u32 @p6 s4;
	s9 =	smov.u32 @p4 s16;
	v11 =	vsub.f32 @p4 v11, v3;
	v8 =	vpsel p6, v8, v0;
	v9 =	vpsel p3, v9, v0  }
0xdd: {  	[tilespmem:s4+$0x180] =	vst @p6 v8;
	v8 =	vpsel p5, v10, v0;
	s4 =	smov.u32 @p5 s8;
	s8 =	smov.u32 @p4 s9;
	v9 =	vsub.f32 @p3 v9, v3  }
0xde: {  	s5 =	smov.u32 @p3 s5;
	[tilespmem:s4+$0x180] =	vst @p5 v8;
	v8 =	vpsel p4, v11, v0;
	s4 =	smov.u32 @p4 s8  }
0xdf: {  	[tilespmem:s4+$0x180] =	vst @p4 v8;
	v8 =	vpsel p3, v9, v0;
	s4 =	smov.u32 @p3 s5;
	v7 =	vsub.f32 v7, v3  }
0xe0: {  	[tilespmem:s4+$0x180] =	vst @p3 v8  }
0xe1: {  	[tilespmem:s2+$0x180] =	vst v7  }
.LBB2_44:
0xe2: {  	s2 =	sld [smem:$0x7F4];
	_ =	sdelay $0x1  }
0xe3: {  	v7 =	vadd.s32 s31, v0  }
0xe4: {  	s4 =	sadd.s32 s31, s6;
	v8 =	vshll.u32 v7, $0x2;
	s2 =	ssub.s32 s2, s31  }
0xe5: {  	v10 =	vld [tilespmem:s4+$0x0];
	v8 =	vand.u32 $0xFFFFFE00, v8;
	v9 =	vmov s2  }
0xe6: {  	v7 =	vand.u32 $0x7F, v7;
	v8 =	vadd.s32 v1, v8;
	vm0 =	vgt.s32 v9, v0  }
0xe7: {  	v7 =	vor.u32 v7, v8;
	_ =	sdelay $0x2  }
0xe8: {  	v5 =	vsub.f32 v10, v5  }
0xe9: {  	s18 =	simm.s32 $0x4080  }
0xea: {  	s19 =	sadd.s32 s31, s3;
	[tilespmem:v7+s18+$0x0] =	vst.idx.msk vm0, v5  }
0xeb: {  	v5 =	vld [tilespmem:s19+$0x0];
	_ =	sdelay $0x1  }
0xec: {  	v8 =	vor.u32 $0x80, v7;
	_ =	sdelay $0x2  }
0xed: {  	v5 =	vsub.f32 v5, v6;
	_ =	sdelay $0x1  }
0xee: {  	s1 =	sadd.s32 s31, s1;
	s21 =	sld [smem:$0x7F0];
	[tilespmem:v8+s18+$0x0] =	vst.idx.msk vm0, v5  }
0xef: {  	s22 =	sld [smem:$0x7F2];
	v5 =	vld [tilespmem:s1+$0x0]  }
0xf0: {  	s24 =	sld [smem:$0x7F1]  }
0xf1: {  	s25 =	sld [smem:$0x7FA];
	v62 =	vor.u32 $0x100, v7  }
0xf2: {  	s26 =	sld [smem:$0x7F8]  }
0xf3: {  	s28 =	sld [smem:$0x7F7]  }
0xf4: {  	s29 =	sld [smem:$0x7F9];
	v4 =	vsub.f32 v5, v4  }
0xf5: {  	s30 =	sld [smem:$0x7FB]  }
0xf6: {  	s0 =	sadd.s32 s31, s0;
	s12 =	rddreg [dreg:$0x1d];
	s1 =	sshra.s32 s21, $0x2;
	[tilespmem:v62+s18+$0x0] =	vst.idx.msk vm0, v4  }
0xf7: {  	s31 =	sld [smem:$0x7FC];
	s4 =	sadd.s32 s1, s25;
	v4 =	vld [tilespmem:s0+$0x0]  }
0xf8: {  	s13 =	sadd.s32 $0x4, s21;
	[smem:$0x7FA] =	sst s4;
	s4 =	sadd.s32 s1, s26  }
0xf9: {  	s23 =	sadd.s32 $0xFFFFFFFF, s22;
	v63 =	vor.u32 $0x180, v7;
	[smem:$0x7F8] =	sst s4;
	s4 =	sadd.s32 s1, s28  }
.Ltmp6:
0xfa: {  	[smem:$0x7F7] =	sst s4;
	s4 =	sadd.s32 s1, s29;
	(pc) =	sbr.rel @!p2 .LBB2_45-.Ltmp6, $4  }
0xfb: {  	s7 =	sadd.s32 s22, s7;
	[smem:$0x7F9] =	sst s4;
	s4 =	sadd.s32 s1, s30  }
0xfc: {  	s8 =	sadd.s32 $0xFFFFFFFF, s24;
	s20 =	sadd.s32 s1, s20;
	[smem:$0x7FB] =	sst s4;
	v3 =	vsub.f32 v4, v3  }
0xfd: {  	s17 =	sadd.s32 s1, s17;
	s4 =	sadd.s32 s1, s31;
	s1 =	sld [smem:$0x7F3]  }
0xfe: {  	s11 =	sadd.s32 s24, s11;
	[smem:$0x7FC] =	sst s4;
	s4 =	smov.u32 s23;
	[tilespmem:v63+s18+$0x0] =	vst.idx.msk vm0, v3  }
.LBB2_11:
0xff: {  	[smem:$0x7F2] =	sst s4  }
0x100: {  	s5 =	rddreg [dreg:$0x1b]  }
0x101: {  	s2 =	ssub.s32 s1, s12;
	p0 =	sgt.s32 s1, s5;
	s3 =	smov.u32 s5  }
0x102: {  	s4 =	sadd.s32 $0xFFF, s2;
	s3 =	smov.u32 @p0 s1;
	s2 =	rddreg [dreg:$0x1c]  }
0x103: {  	p2 =	slt.s32 s4, s2;
	s22 =	ssub.s32 s3, s5  }
0x104: {  	s2 =	smov.u32 @p2 s4;
	s23 =	sadd.s32 $0xF, s22  }
0x105: {  	s5 =	ssub.s32 s2, s5;
	s2 =	sand.u32 $0xFFFFFFF0, s23  }
0x106: {  	s1 =	ssub.s32 s3, s1;
	p0 =	slt.s32 s2, s5;
	s3 =	smov.u32 s5  }
0x107: {  	s24 =	sadd.s32 $0x1, s12;
	v3 =	vadd.s32 s22, v0;
	s3 =	smov.u32 @p0 s2  }
0x108: {  	v5 =	vld.msk [tilespmem:s12+$0x0 ss:$0x0], $0xffff;
	s23 =	sadd.s32 s24, s1;
	v6 =	vshll.u32 v3, $0x2;
	s25 =	ssub.s32 s3, s22  }
0x109: {  	v4 =	vld [tilespmem:s23+$0x0];
	v6 =	vand.u32 $0xFFFFFE00, v6;
	v7 =	vmov s25  }
0x10a: {  	v3 =	vand.u32 $0x7F, v3;
	v6 =	vadd.s32 v1, v6;
	vm0 =	vgt.s32 v7, v0  }
0x10b: {  	v7 =	vor.u32 v3, v6;
	_ =	sdelay $0x2  }
0x10c: {  	v6 =	vld.msk [tilespmem:s12+$0x1000 ss:$0x0], $0xffff;
	v8 =	vsub.f32 v4, v5  }
0x10d: {  	v3 =	vld.msk [tilespmem:s12+$0x3000 ss:$0x0], $0xffff  }
0x10e: {  	v4 =	vld.msk [tilespmem:s12+$0x2000 ss:$0x0], $0xffff;
	[tilespmem:v7+s18+$0x0] =	vst.idx.msk vm0, v8  }
0x10f: {  	v8 =	vld [tilespmem:s23+$0x1000];
	_ =	sdelay $0x1  }
0x110: {  	v9 =	vor.u32 $0x80, v7;
	_ =	sdelay $0x2  }
0x111: {  	v8 =	vsub.f32 v8, v6;
	_ =	sdelay $0x1  }
0x112: {  	[tilespmem:v9+s18+$0x0] =	vst.idx.msk vm0, v8  }
0x113: {  	v8 =	vld [tilespmem:s23+$0x2000];
	_ =	sdelay $0x1  }
0x114: {  	v63 =	vor.u32 $0x100, v7  }
0x115: {  	s0 =	ssub.s32 s5, s3  }
0x116: {  	[smem:$0x7F0] =	sst s13;
	s26 =	sadd.s32 $0x7F, s3;
	s0 =	sand.u32 $0xFFFFFFF0, s0  }
0x117: {  	[smem:$0x7F1] =	sst s8;
	s31 =	sadd.s32 s3, s0;
	s0 =	sand.u32 $0xFFFFFF80, s26;
	v8 =	vsub.f32 v8, v4  }
0x118: {  	s28 =	rddreg [dreg:$0x17];
	p1 =	slt.s32 s0, s31;
	s21 =	smov.u32 s31  }
0x119: {  	[smem:$0x7F3] =	sst s4;
	s21 =	smov.u32 @p1 s0;
	[tilespmem:v63+s18+$0x0] =	vst.idx.msk vm0, v8  }
0x11a: {  	s2 =	rddreg [dreg:$0x16];
	s29 =	ssub.s32 s21, s3;
	v8 =	vld [tilespmem:s23+$0x3000]  }
0x11b: {  	s1 =	smov.u32 s7;
	p0 =	sgt.s32 s2, s7;
	s3 =	sshra.s32 s29, $0x4  }
0x11c: {  	s4 =	rddreg [dreg:$0x14];
	s1 =	smov.u32 @p0 s2;
	p1 =	slt.s32 s3, $0x1;
	v7 =	vor.u32 $0x180, v7  }
.Ltmp7:
0x11d: {  	p0 =	slt.s32 s4, s11;
	s2 =	smov.u32 s11;
	(pc) =	sbr.rel @p1 .LBB2_27-.Ltmp7, $4  }
0x11e: {  	s30 =	rddreg [dreg:$0x15];
	s2 =	smov.u32 @p0 s4;
	s0 =	sadd.s32 s1, s28  }
0x11f: {  	[dreg:$0x1f] =	wrdreg s17;
	s4 =	sand.u32 $0xFFFFFFF0, s0;
	s0 =	sadd.s32 s2, s30;
	v8 =	vsub.f32 v8, v3  }
0x120: {  	[dreg:$0x1d] =	wrdreg s24;
	p0 =	slt.s32 s4, s0;
	s1 =	smov.u32 s0  }
0x121: {  	[smem:$0x7F4] =	sst s5;
	s1 =	smov.u32 @p0 s4;
	[tilespmem:v7+s18+$0x0] =	vst.idx.msk vm0, v8  }
0x122: {  	v19 =	vmov s17;
	p1 =	seq.s32 s3, $0x1  }
.Ltmp8:
0x123: {  	s4 =	sld [smem:$0x7F8];
	(pc) =	sbr.rel @p1 .LBB2_13-.Ltmp8, $4  }
0x124: {  	s30 =	sld [smem:$0x7FA]  }
0x125: {  	s2 =	sshll.u32 s1, $0x2;
	s3 =	sadd.s32 $0xFFFFFFFF, s3;
	p3 =	por $0x0, $0x0  }
0x126: {  	p4 =	por $0x0, $0x0;
	p5 =	por $0x0, $0x0;
	s8 =	sshra.s32 s2, $0x2  }
0x127: {  	v7 =	vmov s20;
	p6 =	por $0x0, $0x0;
	p0 =	por $0x0, $0x0;
	s14 =	sadd.s32 $0x40, s2;
	v9 =	vmov s4;
	v8 =	vmov s30;
	v10 =	vld.idx.msk [tilespmem:v19+s8+$0x0 ss:$0x1], $0xffff  }
0x128: {  	_ =	sdelay $0x1  }
0x129: {  	p1 =	seq.s32 s3, $0x1  }
.Ltmp9:
0x12a: {  	s2 =	sand.u32 $0xFFFFFE00, s2;
	(pc) =	sbr.rel @p1 .LBB2_15-.Ltmp9, $4  }
0x12b: {  	s4 =	sand.u32 $0x7F, s1;
	s2 =	sadd.s32 s2, s10;
	v11 =	vsub.f32 v10, v5  }
0x12c: {  	s13 =	sshra.s32 s14, $0x2;
	s9 =	sadd.s32 s4, s2  }
0x12d: {  	s6 =	sadd.s32 $0x10, s1;
	v10 =	vld.idx.msk [tilespmem:v19+s13+$0x0 ss:$0x1], $0xffff;
	[tilespmem:s9+$0x0] =	vst v11  }
0x12e: {  	p3 =	por $0x1, $0x1;
	s2 =	sadd.s32 $0xFFFFFFFF, s3;
	s4 =	sadd.s32 $0x40, s14;
	v11 =	vld.idx.msk [tilespmem:v9+s8+$0x0 ss:$0x1], $0xffff  }
0x12f: {  	_ = 	snop  }
0x130: {  	p1 =	seq.s32 s2, $0x1  }
.Ltmp10:
0x131: {  	s3 =	sand.u32 $0xFFFFFE00, s14;
	(pc) =	sbr.rel @p1 .LBB2_17-.Ltmp10, $4  }
0x132: {  	s5 =	sand.u32 $0x7F, s6;
	s3 =	sadd.s32 s3, s10;
	v12 =	vsub.f32 v10, v5  }
0x133: {  	s16 =	sshra.s32 s4, $0x2;
	s15 =	sadd.s32 s5, s3  }
0x134: {  	s2 =	sadd.s32 $0xFFFFFFFF, s2;
	v10 =	vld.idx.msk [tilespmem:v19+s16+$0x0 ss:$0x1], $0xffff;
	[tilespmem:s15+$0x0] =	vst v12  }
0x135: {  	s14 =	sadd.s32 $0x40, s4;
	s6 =	sadd.s32 $0x10, s6;
	p4 =	por $0x1, $0x1;
	v13 =	vsub.f32 v11, v6;
	v15 =	vld.idx.msk [tilespmem:v9+s13+$0x0 ss:$0x1], $0xffff  }
0x136: {  	_ = 	snop  }
0x137: {  	p1 =	seq.s32 s2, $0x1  }
.Ltmp11:
0x138: {  	s4 =	sand.u32 $0xFFFFFE00, s4;
	(pc) =	sbr.rel @p1 .LBB2_19-.Ltmp11, $4  }
0x139: {  	s5 =	sand.u32 $0x7F, s6;
	s4 =	sadd.s32 s4, s10;
	[tilespmem:s9+$0x80] =	vst v13;
	v11 =	vsub.f32 v10, v5  }
0x13a: {  	s3 =	sshra.s32 s14, $0x2;
	s19 =	sadd.s32 s5, s4;
	v12 =	vld.idx.msk [tilespmem:v8+s8+$0x0 ss:$0x1], $0xffff  }
0x13b: {  	s2 =	sadd.s32 $0xFFFFFFFF, s2;
	v10 =	vld.idx.msk [tilespmem:v19+s3+$0x0 ss:$0x1], $0xffff;
	[tilespmem:s19+$0x0] =	vst v11  }
0x13c: {  	s6 =	sadd.s32 $0x10, s6;
	p5 =	por $0x1, $0x1;
	s5 =	sadd.s32 $0x40, s14;
	v13 =	vsub.f32 v15, v6;
	v11 =	vld.idx.msk [tilespmem:v9+s16+$0x0 ss:$0x1], $0xffff  }
0x13d: {  	_ =	sdelay $0x1  }
0x13e: {  	p1 =	seq.s32 s2, $0x1  }
.Ltmp12:
0x13f: {  	s12 =	sand.u32 $0xFFFFFE00, s14;
	[tilespmem:s15+$0x80] =	vst v13;
	v13 =	vsub.f32 v12, v4;
	(pc) =	sbr.rel @p1 .LBB2_21-.Ltmp12, $4  }
0x140: {  	s4 =	sshra.s32 s5, $0x2;
	s30 =	sand.u32 $0x7F, s6;
	s12 =	sadd.s32 s12, s10;
	v16 =	vld.idx.msk [tilespmem:v8+s13+$0x0 ss:$0x1], $0xffff;
	v14 =	vsub.f32 v10, v5  }
0x141: {  	s28 =	sadd.s32 s30, s12;
	v10 =	vld.idx.msk [tilespmem:v19+s4+$0x0 ss:$0x1], $0xffff;
	[tilespmem:s9+$0x100] =	vst v13  }
0x142: {  	s2 =	sadd.s32 $0xFFFFFFFF, s2;
	[tilespmem:s28+$0x0] =	vst v14;
	v15 =	vld.idx.msk [tilespmem:v7+s8+$0x0 ss:$0x1], $0xffff  }
0x143: {  	s14 =	sadd.s32 $0x40, s5;
	s6 =	sadd.s32 $0x10, s6;
	p6 =	por $0x1, $0x1;
	v18 =	vsub.f32 v11, v6;
	v20 =	vld.idx.msk [tilespmem:v9+s3+$0x0 ss:$0x1], $0xffff  }
0x144: {  	_ =	sdelay $0x1  }
0x145: {  	p1 =	seq.s32 s2, $0x1  }
.Ltmp13:
0x146: {  	s5 =	sand.u32 $0xFFFFFE00, s5;
	s12 =	sshra.s32 s14, $0x2;
	v13 =	vsub.f32 v16, v4;
	(pc) =	sbr.rel @p1 .LBB2_23-.Ltmp13, $4  }
0x147: {  	s17 =	sand.u32 $0x7F, s6;
	s5 =	sadd.s32 s5, s10;
	[tilespmem:s19+$0x80] =	vst v18;
	v11 =	vsub.f32 v10, v5;
	v10 =	vld.idx.msk [tilespmem:v19+s12+$0x0 ss:$0x1], $0xffff  }
0x148: {  	s2 =	sadd.s32 $0xFFFFFFFF, s2;
	s6 =	sadd.s32 $0x10, s6;
	s24 =	sadd.s32 s17, s5;
	v17 =	vld.idx.msk [tilespmem:v8+s16+$0x0 ss:$0x1], $0xffff;
	[tilespmem:s15+$0x100] =	vst v13  }
0x149: {  	p0 =	por $0x1, $0x1;
	s25 =	smov.u32 s9;
	s26 =	smov.u32 s15;
	[tilespmem:s24+$0x0] =	vst v11;
	v13 =	vsub.f32 v20, v6;
	v20 =	vld.idx.msk [tilespmem:v7+s13+$0x0 ss:$0x1], $0xffff  }
0x14a: {  	s30 =	smov.u32 s19;
	s29 =	smov.u32 s16;
	s5 =	sadd.s32 $0x40, s14;
	v14 =	vsub.f32 v15, v3;
	v11 =	vld.idx.msk [tilespmem:v9+s4+$0x0 ss:$0x1], $0xffff  }
.LBB2_24:
0x14b: {  	s17 =	sand.u32 $0x7F, s6  }
0x14c: {  	s14 =	sand.u32 $0xFFFFFE00, s14;
	s18 =	smov.u32 s3;
	s3 =	smov.u32 s4  }
0x14d: {  	[tilespmem:s28+$0x80] =	vst v13;
	s4 =	smov.u32 s12;
	s12 =	sshra.s32 s5, $0x2;
	p1 =	seq.s32 s2, $0x1  }
.Ltmp14:
0x14e: {  	s2 =	sadd.s32 $0xFFFFFFFF, s2;
	v13 =	vsub.f32 v10, v5;
	v10 =	vld.idx.msk [tilespmem:v19+s12+$0x0 ss:$0x1], $0xffff;
	s14 =	sadd.s32 s14, s10;
	[tilespmem:s25+$0x180] =	vst v14;
	(pc) =	sbr.rel @!p1 .LBB2_24-.Ltmp14, $4  }
0x14f: {  	v14 =	vsub.f32 v17, v4;
	s25 =	smov.u32 s26;
	s26 =	smov.u32 s30;
	s14 =	sadd.s32 s17, s14;
	v17 =	vld.idx.msk [tilespmem:v8+s18+$0x0 ss:$0x1], $0xffff  }
0x150: {  	s30 =	smov.u32 s28;
	s28 =	smov.u32 s24;
	[tilespmem:s14+$0x0] =	vst v13;
	s24 =	smov.u32 s14  }
0x151: {  	v13 =	vsub.f32 v11, v6;
	s14 =	smov.u32 s5;
	v11 =	vld.idx.msk [tilespmem:v9+s4+$0x0 ss:$0x1], $0xffff;
	[tilespmem:s26+$0x100] =	vst v14  }
0x152: {  	s6 =	sadd.s32 $0x10, s6;
	s5 =	sadd.s32 $0x40, s5;
	v14 =	vsub.f32 v20, v3;
	v20 =	vld.idx.msk [tilespmem:v7+s29+$0x0 ss:$0x1], $0xffff;
	s29 =	smov.u32 s18  }
0x153: {  	s17 =	smov.u32 s28;
	s5 =	smov.u32 s3  }
0x154: {  	s2 =	smov.u32 s4;
	s3 =	smov.u32 s12;
	s28 =	smov.u32 s24  }
.LBB2_26:
0x155: {  	s4 =	sand.u32 $0xFFFFFE00, s14  }
0x156: {  	s6 =	sand.u32 $0x7F, s6;
	v10 =	vsub.f32 v10, v5;
	s4 =	sadd.s32 s4, s10  }
0x157: {  	s4 =	sadd.s32 s6, s4  }
0x158: {  	[tilespmem:s4+$0x0] =	vst v10  }
0x159: {  	v10 =	vsub.f32 @p3 v11, v6;
	v9 =	vld.idx.msk [tilespmem:v9+s3+$0x0 ss:$0x1], $0xffff  }
0x15a: {  	s6 =	smov.u32 @p3 s28  }
0x15b: {  	[tilespmem:s17+$0x80] =	vst @p4 v13;
	s16 =	smov.u32 @p3 s2;
	s19 =	smov.u32 @p3 s6;
	v10 =	vpsel p3, v10, v18  }
0x15c: {  	s2 =	smov.u32 @p3 s16;
	v11 =	vld.idx.msk @p4 [tilespmem:v8+s5+$0x0 ss:$0x1], $0xffff;
	[tilespmem:s19+$0x80] =	vst @p3 v10  }
0x15d: {  	v10 =	vld.idx.msk @p3 [tilespmem:v8+s2+$0x0 ss:$0x1], $0xffff  }
0x15e: {  	v9 =	vsub.f32 v9, v6;
	_ =	sdelay $0x1  }
0x15f: {  	[tilespmem:s4+$0x80] =	vst v9  }
0x160: {  	s6 =	smov.u32 @p4 s17;
	v11 =	vpsel p4, v11, v16;
	v9 =	vsub.f32 @p5 v17, v4;
	v8 =	vld.idx.msk [tilespmem:v8+s3+$0x0 ss:$0x1], $0xffff  }
0x161: {  	s12 =	smov.u32 @p5 s30;
	s15 =	smov.u32 @p4 s6;
	s6 =	smov.u32 @p3 s19;
	v11 =	vsub.f32 @p4 v11, v4;
	v10 =	vpsel p3, v10, v12  }
0x162: {  	s14 =	smov.u32 s9;
	s9 =	smov.u32 @p3 s6;
	[tilespmem:s12+$0x100] =	vst @p5 v9;
	v9 =	vsub.f32 @p3 v10, v4  }
0x163: {  	s13 =	smov.u32 @p4 s5;
	s5 =	smov.u32 @p3 s9;
	[tilespmem:s15+$0x100] =	vst @p4 v11;
	v10 =	vld.idx.msk @p5 [tilespmem:v7+s29+$0x0 ss:$0x1], $0xffff  }
0x164: {  	s8 =	smov.u32 @p3 s2;
	v11 =	vld.idx.msk @p4 [tilespmem:v7+s13+$0x0 ss:$0x1], $0xffff;
	[tilespmem:s5+$0x100] =	vst @p3 v9  }
0x165: {  	v9 =	vld.idx.msk @p3 [tilespmem:v7+s8+$0x0 ss:$0x1], $0xffff;
	v8 =	vsub.f32 v8, v4;
	_ =	sdelay $0x1  }
0x166: {  	[tilespmem:s4+$0x100] =	vst v8  }
0x167: {  	v8 =	vsub.f32 @p6 v20, v3;
	v10 =	vpsel p5, v10, v15;
	v7 =	vld.idx.msk [tilespmem:v7+s3+$0x0 ss:$0x1], $0xffff  }
0x168: {  	s14 =	smov.u32 @p5 s12;
	s2 =	smov.u32 @p6 s26;
	v11 =	vpsel p4, v11, v0;
	v10 =	vsub.f32 @p5 v10, v3  }
0x169: {  	[tilespmem:s25+$0x180] =	vst @p0 v14;
	s6 =	smov.u32 @p4 s15;
	s2 =	smov.u32 @p6 s2;
	v11 =	vsub.f32 @p4 v11, v3;
	s3 =	smov.u32 @p5 s14;
	v8 =	vpsel p6, v8, v0;
	v9 =	vpsel p3, v9, v0  }
0x16a: {  	s5 =	smov.u32 @p3 s5;
	[tilespmem:s2+$0x180] =	vst @p6 v8;
	v8 =	vpsel p5, v10, v0;
	s2 =	smov.u32 @p5 s3;
	s3 =	smov.u32 @p4 s6;
	v9 =	vsub.f32 @p3 v9, v3  }
0x16b: {  	[tilespmem:s2+$0x180] =	vst @p5 v8;
	v8 =	vpsel p4, v11, v0;
	s2 =	smov.u32 @p4 s3;
	s3 =	smov.u32 @p3 s5  }
0x16c: {  	[tilespmem:s2+$0x180] =	vst @p4 v8;
	v8 =	vpsel p3, v9, v0;
	s2 =	smov.u32 @p3 s3;
	v7 =	vsub.f32 v7, v3  }
0x16d: {  	[tilespmem:s2+$0x180] =	vst @p3 v8  }
0x16e: {  	[tilespmem:s4+$0x180] =	vst v7  }
0x16f: {  	s17 =	rddreg [dreg:$0x1f]  }
.LBB2_27:
0x170: {  	s18 =	ssub.s32 s31, s21  }
0x171: {  	s2 =	ssub.s32 s0, s1;
	s0 =	sshra.s32 s18, $0x7  }
0x172: {  	s3 =	sadd.s32 $0x7F, s1;
	s2 =	sand.u32 $0xFFFFFFF0, s2;
	s4 =	sshrl.u32 s0, $0x1F  }
0x173: {  	s12 =	sadd.s32 s2, s1;
	s1 =	sand.u32 $0xFFFFFF80, s3;
	s26 =	sadd.s32 s4, s0  }
0x174: {  	p0 =	slt.s32 s1, s12;
	s29 =	smov.u32 s12;
	s28 =	sand.u32 $0xFFFFFFFE, s26  }
0x175: {  	s29 =	smov.u32 @p0 s1;
	p0 =	sgt.s32 s28, $0x0  }
.Ltmp15:
0x176: {  	_ = 	snop;
	(pc) =	sbr.rel @!p0 .LBB2_30-.Ltmp15, $2  }
0x177: {  	_ =	sdelay $0x2  }
0x178: {  	s30 =	sshra.s32 s21, $0x7;
	s26 =	sshll.u32 s29, $0x2  }
0x179: {  	s2 =	sld [smem:$0x7F7];
	_ =	sdelay $0x1  }
0x17a: {  	s1 =	sshra.s32 s26, $0x2  }
0x17b: {  	s2 =	sadd.s32 s1, s2  }
0x17c: {  	v7 =	vld [tilespmem:s2+$0x0];
	_ =	sdelay $0x2  }
0x17d: {  	s25 =	sld [smem:$0x7F6]  }
0x17e: {  	s4 =	sshll.u32 s30, $0xB  }
0x17f: {  	s3 =	sld [smem:$0x7F9];
	s4 =	sshra.s32 s4, $0x2;
	v7 =	vsub.f32 v7, v5  }
0x180: {  	s5 =	sld [smem:$0x7FB];
	s9 =	sadd.s32 s4, s25  }
0x181: {  	s24 =	sld [smem:$0x7FC];
	v8 =	vld [tilespmem:s2+$0xFFFFFF80];
	[tilespmem:s9+$0x0] =	vst v7  }
0x182: {  	v7 =	vld [tilespmem:s2+$0x10];
	_ =	sdelay $0x3  }
0x183: {  	v8 =	vsub.f32 v8, v5  }
0x184: {  	v7 =	vsub.f32 v7, v5  }
0x185: {  	[tilespmem:s9+$0xFFFFFE00] =	vst v8  }
0x186: {  	v8 =	vld [tilespmem:s2+$0xFFFFFF90];
	[tilespmem:s9+$0x10] =	vst v7  }
0x187: {  	v7 =	vld [tilespmem:s2+$0x20];
	_ =	sdelay $0x3  }
0x188: {  	v8 =	vsub.f32 v8, v5  }
0x189: {  	v7 =	vsub.f32 v7, v5  }
0x18a: {  	[tilespmem:s9+$0xFFFFFE10] =	vst v8  }
0x18b: {  	v8 =	vld [tilespmem:s2+$0xFFFFFFA0];
	[tilespmem:s9+$0x20] =	vst v7  }
0x18c: {  	v7 =	vld [tilespmem:s2+$0x30];
	_ =	sdelay $0x3  }
0x18d: {  	v8 =	vsub.f32 v8, v5  }
0x18e: {  	v7 =	vsub.f32 v7, v5  }
0x18f: {  	[tilespmem:s9+$0xFFFFFE20] =	vst v8  }
0x190: {  	v8 =	vld [tilespmem:s2+$0xFFFFFFB0];
	[tilespmem:s9+$0x30] =	vst v7  }
0x191: {  	v7 =	vld [tilespmem:s2+$0x40];
	_ =	sdelay $0x3  }
0x192: {  	v8 =	vsub.f32 v8, v5  }
0x193: {  	v7 =	vsub.f32 v7, v5  }
0x194: {  	[tilespmem:s9+$0xFFFFFE30] =	vst v8  }
0x195: {  	v8 =	vld [tilespmem:s2+$0xFFFFFFC0];
	[tilespmem:s9+$0x40] =	vst v7  }
0x196: {  	v7 =	vld [tilespmem:s2+$0x50];
	_ =	sdelay $0x3  }
0x197: {  	v8 =	vsub.f32 v8, v5  }
0x198: {  	v7 =	vsub.f32 v7, v5  }
0x199: {  	[tilespmem:s9+$0xFFFFFE40] =	vst v8  }
0x19a: {  	v8 =	vld [tilespmem:s2+$0xFFFFFFD0];
	[tilespmem:s9+$0x50] =	vst v7  }
0x19b: {  	v7 =	vld [tilespmem:s2+$0x60];
	_ =	sdelay $0x3  }
0x19c: {  	v8 =	vsub.f32 v8, v5  }
0x19d: {  	v7 =	vsub.f32 v7, v5  }
0x19e: {  	[tilespmem:s9+$0xFFFFFE50] =	vst v8  }
0x19f: {  	v8 =	vld [tilespmem:s2+$0xFFFFFFE0];
	[tilespmem:s9+$0x60] =	vst v7  }
0x1a0: {  	v7 =	vld [tilespmem:s2+$0x70];
	_ =	sdelay $0x1  }
0x1a1: {  	p0 =	sgt.s32 s28, $0x2  }
.Ltmp16:
0x1a2: {  	_ = 	snop;
	(pc) =	sbr.rel @!p0 .LBB2_29-.Ltmp16, $4  }
0x1a3: {  	v8 =	vsub.f32 v8, v5  }
0x1a4: {  	p3 =	por $0x0, $0x0;
	v7 =	vsub.f32 v7, v5  }
0x1a5: {  	p4 =	por $0x0, $0x0;
	p5 =	por $0x0, $0x0;
	s3 =	sadd.s32 s1, s3;
	[tilespmem:s9+$0xFFFFFE60] =	vst v8  }
0x1a6: {  	s15 =	sadd.s32 s1, s5;
	s16 =	sadd.s32 s1, s24;
	s1 =	sadd.s32 $0x100, s2;
	v15 =	vld [tilespmem:s2+$0xFFFFFFF0];
	[tilespmem:s9+$0x70] =	vst v7  }
0x1a7: {  	v7 =	vld [tilespmem:s1+$0x0];
	_ =	sdelay $0x1  }
0x1a8: {  	v8 =	vld [tilespmem:s3+$0x0];
	_ =	sdelay $0x1  }
0x1a9: {  	v9 =	vsub.f32 v15, v5  }
0x1aa: {  	v7 =	vsub.f32 v7, v5  }
0x1ab: {  	v63 =	vld [tilespmem:s1+$0xFFFFFF80];
	s25 =	sadd.s32 $0x400, s9;
	[tilespmem:s9+$0xFFFFFE70] =	vst v9  }
0x1ac: {  	v8 =	vsub.f32 v8, v6;
	v10 =	vld [tilespmem:s3+$0xFFFFFF80];
	[tilespmem:s25+$0x0] =	vst v7  }
0x1ad: {  	v7 =	vld [tilespmem:s1+$0x10]  }
0x1ae: {  	[tilespmem:s9+$0x80] =	vst v8  }
0x1af: {  	v8 =	vld [tilespmem:s3+$0x10]  }
0x1b0: {  	v9 =	vsub.f32 v63, v5  }
0x1b1: {  	v10 =	vsub.f32 v10, v6  }
0x1b2: {  	[tilespmem:s25+$0xFFFFFE00] =	vst v9;
	v7 =	vsub.f32 v7, v5  }
0x1b3: {  	v9 =	vld [tilespmem:s1+$0xFFFFFF90];
	[tilespmem:s9+$0xFFFFFE80] =	vst v10  }
0x1b4: {  	v8 =	vsub.f32 v8, v6;
	v10 =	vld [tilespmem:s3+$0xFFFFFF90];
	[tilespmem:s25+$0x10] =	vst v7  }
0x1b5: {  	v7 =	vld [tilespmem:s1+$0x20]  }
0x1b6: {  	[tilespmem:s9+$0x90] =	vst v8  }
0x1b7: {  	v8 =	vld [tilespmem:s3+$0x20]  }
0x1b8: {  	v9 =	vsub.f32 v9, v5  }
0x1b9: {  	v10 =	vsub.f32 v10, v6  }
0x1ba: {  	[tilespmem:s25+$0xFFFFFE10] =	vst v9;
	v7 =	vsub.f32 v7, v5  }
0x1bb: {  	v9 =	vld [tilespmem:s1+$0xFFFFFFA0];
	[tilespmem:s9+$0xFFFFFE90] =	vst v10  }
0x1bc: {  	v8 =	vsub.f32 v8, v6;
	v10 =	vld [tilespmem:s3+$0xFFFFFFA0];
	[tilespmem:s25+$0x20] =	vst v7  }
0x1bd: {  	v7 =	vld [tilespmem:s1+$0x30]  }
0x1be: {  	[tilespmem:s9+$0xA0] =	vst v8  }
0x1bf: {  	v8 =	vld [tilespmem:s3+$0x30]  }
0x1c0: {  	v9 =	vsub.f32 v9, v5  }
0x1c1: {  	v10 =	vsub.f32 v10, v6  }
0x1c2: {  	[tilespmem:s25+$0xFFFFFE20] =	vst v9;
	v7 =	vsub.f32 v7, v5  }
0x1c3: {  	v9 =	vld [tilespmem:s1+$0xFFFFFFB0];
	[tilespmem:s9+$0xFFFFFEA0] =	vst v10  }
0x1c4: {  	v8 =	vsub.f32 v8, v6;
	v10 =	vld [tilespmem:s3+$0xFFFFFFB0];
	[tilespmem:s25+$0x30] =	vst v7  }
0x1c5: {  	v7 =	vld [tilespmem:s1+$0x40]  }
0x1c6: {  	[tilespmem:s9+$0xB0] =	vst v8  }
0x1c7: {  	v8 =	vld [tilespmem:s3+$0x40]  }
0x1c8: {  	v9 =	vsub.f32 v9, v5  }
0x1c9: {  	v10 =	vsub.f32 v10, v6  }
0x1ca: {  	[tilespmem:s25+$0xFFFFFE30] =	vst v9;
	v7 =	vsub.f32 v7, v5  }
0x1cb: {  	v9 =	vld [tilespmem:s1+$0xFFFFFFC0];
	[tilespmem:s9+$0xFFFFFEB0] =	vst v10  }
0x1cc: {  	v8 =	vsub.f32 v8, v6;
	v10 =	vld [tilespmem:s3+$0xFFFFFFC0];
	[tilespmem:s25+$0x40] =	vst v7  }
0x1cd: {  	v7 =	vld [tilespmem:s1+$0x50]  }
0x1ce: {  	[tilespmem:s9+$0xC0] =	vst v8  }
0x1cf: {  	v8 =	vld [tilespmem:s3+$0x50]  }
0x1d0: {  	v9 =	vsub.f32 v9, v5  }
0x1d1: {  	v10 =	vsub.f32 v10, v6  }
0x1d2: {  	[tilespmem:s25+$0xFFFFFE40] =	vst v9;
	v7 =	vsub.f32 v7, v5  }
0x1d3: {  	v9 =	vld [tilespmem:s1+$0xFFFFFFD0];
	[tilespmem:s9+$0xFFFFFEC0] =	vst v10  }
0x1d4: {  	v8 =	vsub.f32 v8, v6;
	v10 =	vld [tilespmem:s3+$0xFFFFFFD0];
	[tilespmem:s25+$0x50] =	vst v7  }
0x1d5: {  	v7 =	vld [tilespmem:s1+$0x60]  }
0x1d6: {  	[tilespmem:s9+$0xD0] =	vst v8  }
0x1d7: {  	v8 =	vld [tilespmem:s3+$0x60]  }
0x1d8: {  	v9 =	vsub.f32 v9, v5  }
0x1d9: {  	v10 =	vsub.f32 v10, v6  }
0x1da: {  	[tilespmem:s25+$0xFFFFFE50] =	vst v9;
	v7 =	vsub.f32 v7, v5  }
0x1db: {  	v9 =	vld [tilespmem:s1+$0xFFFFFFE0];
	[tilespmem:s9+$0xFFFFFED0] =	vst v10  }
0x1dc: {  	v8 =	vsub.f32 v8, v6;
	v10 =	vld [tilespmem:s3+$0xFFFFFFE0];
	[tilespmem:s25+$0x60] =	vst v7  }
0x1dd: {  	v7 =	vld [tilespmem:s1+$0x70]  }
0x1de: {  	[tilespmem:s9+$0xE0] =	vst v8  }
0x1df: {  	p0 =	sgt.s32 s28, $0x4;
	v8 =	vld [tilespmem:s3+$0x70]  }
.Ltmp17:
0x1e0: {  	v9 =	vsub.f32 v9, v5;
	(pc) =	sbr.rel @!p0 .LBB2_36-.Ltmp17, $4  }
0x1e1: {  	v10 =	vsub.f32 v10, v6  }
0x1e2: {  	[tilespmem:s25+$0xFFFFFE60] =	vst v9;
	v7 =	vsub.f32 v7, v5  }
0x1e3: {  	v15 =	vld [tilespmem:s1+$0xFFFFFFF0];
	[tilespmem:s9+$0xFFFFFEE0] =	vst v10  }
0x1e4: {  	s6 =	sadd.s32 $0x100, s1;
	p3 =	por $0x1, $0x1;
	v14 =	vsub.f32 v8, v6;
	v13 =	vld [tilespmem:s3+$0xFFFFFFF0];
	[tilespmem:s25+$0x70] =	vst v7  }
0x1e5: {  	v7 =	vld [tilespmem:s6+$0x0];
	s1 =	sadd.s32 $0x100, s3  }
0x1e6: {  	[tilespmem:s9+$0xF0] =	vst v14;
	v8 =	vld [tilespmem:s1+$0x0]  }
0x1e7: {  	v9 =	vld [tilespmem:s15+$0x0]  }
0x1e8: {  	v10 =	vsub.f32 v15, v5  }
0x1e9: {  	v11 =	vsub.f32 v13, v6  }
0x1ea: {  	[tilespmem:s25+$0xFFFFFE70] =	vst v10;
	v10 =	vld [tilespmem:s6+$0xFFFFFF80];
	v7 =	vsub.f32 v7, v5  }
0x1eb: {  	s13 =	sadd.s32 $0x400, s25;
	[tilespmem:s9+$0xFFFFFEF0] =	vst v11;
	v11 =	vld [tilespmem:s1+$0xFFFFFF80];
	v8 =	vsub.f32 v8, v6  }
0x1ec: {  	v12 =	vld [tilespmem:s15+$0xFFFFFF80];
	[tilespmem:s13+$0x0] =	vst v7;
	v7 =	vsub.f32 v9, v4  }
0x1ed: {  	v9 =	vld [tilespmem:s6+$0x10];
	[tilespmem:s25+$0x80] =	vst v8  }
0x1ee: {  	v8 =	vld [tilespmem:s1+$0x10];
	[tilespmem:s9+$0x100] =	vst v7  }
0x1ef: {  	v7 =	vsub.f32 v10, v5;
	v10 =	vld [tilespmem:s15+$0x10]  }
0x1f0: {  	v11 =	vsub.f32 v11, v6  }
0x1f1: {  	[tilespmem:s13+$0xFFFFFE00] =	vst v7;
	v7 =	vsub.f32 v12, v4  }
0x1f2: {  	v12 =	vld [tilespmem:s6+$0xFFFFFF90];
	[tilespmem:s25+$0xFFFFFE80] =	vst v11;
	v9 =	vsub.f32 v9, v5  }
0x1f3: {  	v11 =	vld [tilespmem:s1+$0xFFFFFF90];
	[tilespmem:s9+$0xFFFFFF00] =	vst v7;
	v7 =	vsub.f32 v8, v6  }
0x1f4: {  	v8 =	vld [tilespmem:s15+$0xFFFFFF90];
	[tilespmem:s13+$0x10] =	vst v9;
	v9 =	vsub.f32 v10, v4  }
0x1f5: {  	v10 =	vld [tilespmem:s6+$0x20];
	[tilespmem:s25+$0x90] =	vst v7  }
0x1f6: {  	v7 =	vld [tilespmem:s1+$0x20];
	[tilespmem:s9+$0x110] =	vst v9  }
0x1f7: {  	v9 =	vsub.f32 v12, v5;
	v12 =	vld [tilespmem:s15+$0x20]  }
0x1f8: {  	v11 =	vsub.f32 v11, v6  }
0x1f9: {  	[tilespmem:s13+$0xFFFFFE10] =	vst v9;
	v8 =	vsub.f32 v8, v4  }
0x1fa: {  	v9 =	vld [tilespmem:s6+$0xFFFFFFA0];
	[tilespmem:s25+$0xFFFFFE90] =	vst v11;
	v10 =	vsub.f32 v10, v5  }
0x1fb: {  	v11 =	vld [tilespmem:s1+$0xFFFFFFA0];
	[tilespmem:s9+$0xFFFFFF10] =	vst v8;
	v7 =	vsub.f32 v7, v6  }
0x1fc: {  	v8 =	vld [tilespmem:s15+$0xFFFFFFA0];
	[tilespmem:s13+$0x20] =	vst v10;
	v10 =	vsub.f32 v12, v4  }
0x1fd: {  	v12 =	vld [tilespmem:s6+$0x30];
	[tilespmem:s25+$0xA0] =	vst v7  }
0x1fe: {  	v7 =	vld [tilespmem:s1+$0x30];
	[tilespmem:s9+$0x120] =	vst v10  }
0x1ff: {  	v9 =	vsub.f32 v9, v5;
	v10 =	vld [tilespmem:s15+$0x30]  }
0x200: {  	v11 =	vsub.f32 v11, v6  }
0x201: {  	[tilespmem:s13+$0xFFFFFE20] =	vst v9;
	v8 =	vsub.f32 v8, v4  }
0x202: {  	v9 =	vld [tilespmem:s6+$0xFFFFFFB0];
	[tilespmem:s25+$0xFFFFFEA0] =	vst v11;
	v11 =	vsub.f32 v12, v5  }
0x203: {  	v12 =	vld [tilespmem:s1+$0xFFFFFFB0];
	[tilespmem:s9+$0xFFFFFF20] =	vst v8;
	v7 =	vsub.f32 v7, v6  }
0x204: {  	v8 =	vld [tilespmem:s15+$0xFFFFFFB0];
	[tilespmem:s13+$0x30] =	vst v11;
	v10 =	vsub.f32 v10, v4  }
0x205: {  	v11 =	vld [tilespmem:s6+$0x40];
	[tilespmem:s25+$0xB0] =	vst v7  }
0x206: {  	v7 =	vld [tilespmem:s1+$0x40];
	[tilespmem:s9+$0x130] =	vst v10  }
0x207: {  	v9 =	vsub.f32 v9, v5;
	v10 =	vld [tilespmem:s15+$0x40]  }
0x208: {  	v12 =	vsub.f32 v12, v6  }
0x209: {  	[tilespmem:s13+$0xFFFFFE30] =	vst v9;
	v8 =	vsub.f32 v8, v4  }
0x20a: {  	v9 =	vld [tilespmem:s6+$0xFFFFFFC0];
	[tilespmem:s25+$0xFFFFFEB0] =	vst v12;
	v11 =	vsub.f32 v11, v5  }
0x20b: {  	v12 =	vld [tilespmem:s1+$0xFFFFFFC0];
	[tilespmem:s9+$0xFFFFFF30] =	vst v8;
	v7 =	vsub.f32 v7, v6  }
0x20c: {  	v8 =	vld [tilespmem:s15+$0xFFFFFFC0];
	[tilespmem:s13+$0x40] =	vst v11;
	v10 =	vsub.f32 v10, v4  }
0x20d: {  	v11 =	vld [tilespmem:s6+$0x50];
	[tilespmem:s25+$0xC0] =	vst v7  }
0x20e: {  	v7 =	vld [tilespmem:s1+$0x50];
	[tilespmem:s9+$0x140] =	vst v10  }
0x20f: {  	v9 =	vsub.f32 v9, v5;
	v10 =	vld [tilespmem:s15+$0x50]  }
0x210: {  	v12 =	vsub.f32 v12, v6  }
0x211: {  	[tilespmem:s13+$0xFFFFFE40] =	vst v9;
	v8 =	vsub.f32 v8, v4  }
0x212: {  	v9 =	vld [tilespmem:s6+$0xFFFFFFD0];
	[tilespmem:s25+$0xFFFFFEC0] =	vst v12;
	v11 =	vsub.f32 v11, v5  }
0x213: {  	v12 =	vld [tilespmem:s1+$0xFFFFFFD0];
	[tilespmem:s9+$0xFFFFFF40] =	vst v8;
	v7 =	vsub.f32 v7, v6  }
0x214: {  	v8 =	vld [tilespmem:s15+$0xFFFFFFD0];
	[tilespmem:s13+$0x50] =	vst v11;
	v10 =	vsub.f32 v10, v4  }
0x215: {  	v11 =	vld [tilespmem:s6+$0x60];
	[tilespmem:s25+$0xD0] =	vst v7  }
0x216: {  	v7 =	vld [tilespmem:s1+$0x60];
	[tilespmem:s9+$0x150] =	vst v10  }
0x217: {  	v9 =	vsub.f32 v9, v5;
	v10 =	vld [tilespmem:s15+$0x60]  }
0x218: {  	v12 =	vsub.f32 v12, v6  }
0x219: {  	[tilespmem:s13+$0xFFFFFE50] =	vst v9;
	v8 =	vsub.f32 v8, v4  }
0x21a: {  	v9 =	vld [tilespmem:s6+$0xFFFFFFE0];
	[tilespmem:s25+$0xFFFFFED0] =	vst v12;
	v11 =	vsub.f32 v11, v5  }
0x21b: {  	v12 =	vld [tilespmem:s1+$0xFFFFFFE0];
	[tilespmem:s9+$0xFFFFFF50] =	vst v8;
	v7 =	vsub.f32 v7, v6  }
0x21c: {  	v8 =	vld [tilespmem:s15+$0xFFFFFFE0];
	[tilespmem:s13+$0x60] =	vst v11;
	v10 =	vsub.f32 v10, v4  }
0x21d: {  	v11 =	vld [tilespmem:s6+$0x70];
	[tilespmem:s25+$0xE0] =	vst v7  }
0x21e: {  	v7 =	vld [tilespmem:s1+$0x70];
	[tilespmem:s9+$0x160] =	vst v10  }
0x21f: {  	p0 =	sgt.s32 s28, $0x6;
	v9 =	vsub.f32 v9, v5;
	v10 =	vld [tilespmem:s15+$0x70]  }
.Ltmp18:
0x220: {  	v12 =	vsub.f32 v12, v6;
	(pc) =	sbr.rel @!p0 .LBB2_38-.Ltmp18, $4  }
0x221: {  	[tilespmem:s13+$0xFFFFFE60] =	vst v9;
	v8 =	vsub.f32 v8, v4  }
0x222: {  	v15 =	vld [tilespmem:s6+$0xFFFFFFF0];
	[tilespmem:s25+$0xFFFFFEE0] =	vst v12;
	v9 =	vsub.f32 v11, v5  }
0x223: {  	v13 =	vld [tilespmem:s1+$0xFFFFFFF0];
	[tilespmem:s9+$0xFFFFFF60] =	vst v8  }
0x224: {  	s14 =	sadd.s32 $0x100, s6;
	p4 =	por $0x1, $0x1;
	v14 =	vsub.f32 v7, v6;
	v8 =	vld [tilespmem:s15+$0xFFFFFFF0];
	[tilespmem:s13+$0x70] =	vst v9;
	v7 =	vsub.f32 v10, v4  }
0x225: {  	v9 =	vld [tilespmem:s14+$0x0];
	s1 =	sadd.s32 $0x100, s1  }
0x226: {  	s6 =	sadd.s32 $0x100, s15;
	[tilespmem:s25+$0xF0] =	vst v14;
	v10 =	vld [tilespmem:s1+$0x0]  }
0x227: {  	[tilespmem:s9+$0x170] =	vst v7;
	v11 =	vsub.f32 v15, v5;
	v12 =	vld [tilespmem:s6+$0x0]  }
0x228: {  	v14 =	vld [tilespmem:s16+$0xFFFFFF90];
	v13 =	vsub.f32 v13, v6  }
0x229: {  	v15 =	vld [tilespmem:s14+$0xFFFFFF80];
	[tilespmem:s13+$0xFFFFFE70] =	vst v11;
	v11 =	vsub.f32 v8, v4  }
0x22a: {  	[tilespmem:s25+$0xFFFFFEF0] =	vst v13;
	v9 =	vsub.f32 v9, v5;
	v13 =	vld [tilespmem:s1+$0xFFFFFF80]  }
0x22b: {  	s2 =	smov.u32 s26;
	s26 =	sadd.s32 $0x400, s13;
	[tilespmem:s9+$0xFFFFFF70] =	vst v11;
	v10 =	vsub.f32 v10, v6;
	v11 =	vld [tilespmem:s6+$0xFFFFFF80]  }
0x22c: {  	[tilespmem:s26+$0x0] =	vst v9;
	v9 =	vsub.f32 v12, v4;
	v12 =	vld [tilespmem:s16+$0xFFFFFF10]  }
0x22d: {  	v16 =	vld [tilespmem:s14+$0x10];
	[tilespmem:s13+$0x80] =	vst v10;
	v10 =	vsub.f32 v14, v3  }
0x22e: {  	v14 =	vsub.f32 v15, v5;
	v15 =	vld [tilespmem:s1+$0x10];
	[tilespmem:s25+$0x100] =	vst v9  }
0x22f: {  	v9 =	vsub.f32 v13, v6;
	v13 =	vld [tilespmem:s6+$0x10];
	[tilespmem:s9+$0x180] =	vst v10  }
0x230: {  	[tilespmem:s26+$0xFFFFFE00] =	vst v14;
	v10 =	vsub.f32 v11, v4;
	v11 =	vld [tilespmem:s16+$0xFFFFFFA0]  }
0x231: {  	v14 =	vld [tilespmem:s14+$0xFFFFFF90];
	[tilespmem:s13+$0xFFFFFE80] =	vst v9;
	v9 =	vsub.f32 v12, v3  }
0x232: {  	v12 =	vsub.f32 v16, v5;
	v16 =	vld [tilespmem:s1+$0xFFFFFF90];
	[tilespmem:s25+$0xFFFFFF00] =	vst v10  }
0x233: {  	v10 =	vsub.f32 v15, v6;
	v15 =	vld [tilespmem:s6+$0xFFFFFF90];
	[tilespmem:s9+$0xFFFFFF80] =	vst v9  }
0x234: {  	[tilespmem:s26+$0x10] =	vst v12;
	v9 =	vsub.f32 v13, v4;
	v12 =	vld [tilespmem:s16+$0xFFFFFF20]  }
0x235: {  	v13 =	vld [tilespmem:s14+$0x20];
	[tilespmem:s13+$0x90] =	vst v10;
	v10 =	vsub.f32 v11, v3  }
0x236: {  	v11 =	vsub.f32 v14, v5;
	v14 =	vld [tilespmem:s1+$0x20];
	[tilespmem:s25+$0x110] =	vst v9  }
0x237: {  	v9 =	vsub.f32 v16, v6;
	v16 =	vld [tilespmem:s6+$0x20];
	[tilespmem:s9+$0x190] =	vst v10  }
0x238: {  	[tilespmem:s26+$0xFFFFFE10] =	vst v11;
	v10 =	vsub.f32 v15, v4;
	v11 =	vld [tilespmem:s16+$0xFFFFFFB0]  }
0x239: {  	v15 =	vld [tilespmem:s14+$0xFFFFFFA0];
	[tilespmem:s13+$0xFFFFFE90] =	vst v9;
	v9 =	vsub.f32 v12, v3  }
0x23a: {  	v12 =	vsub.f32 v13, v5;
	v13 =	vld [tilespmem:s1+$0xFFFFFFA0];
	[tilespmem:s25+$0xFFFFFF10] =	vst v10  }
0x23b: {  	v10 =	vsub.f32 v14, v6;
	v14 =	vld [tilespmem:s6+$0xFFFFFFA0];
	[tilespmem:s9+$0xFFFFFF90] =	vst v9  }
0x23c: {  	[tilespmem:s26+$0x20] =	vst v12;
	v9 =	vsub.f32 v16, v4;
	v12 =	vld [tilespmem:s16+$0xFFFFFF30]  }
0x23d: {  	v16 =	vld [tilespmem:s14+$0x30];
	[tilespmem:s13+$0xA0] =	vst v10;
	v10 =	vsub.f32 v11, v3  }
0x23e: {  	v11 =	vsub.f32 v15, v5;
	v15 =	vld [tilespmem:s1+$0x30];
	[tilespmem:s25+$0x120] =	vst v9  }
0x23f: {  	v9 =	vsub.f32 v13, v6;
	v13 =	vld [tilespmem:s6+$0x30];
	[tilespmem:s9+$0x1A0] =	vst v10  }
0x240: {  	[tilespmem:s26+$0xFFFFFE20] =	vst v11;
	v10 =	vsub.f32 v14, v4;
	v11 =	vld [tilespmem:s16+$0xFFFFFFC0]  }
0x241: {  	v14 =	vld [tilespmem:s14+$0xFFFFFFB0];
	[tilespmem:s13+$0xFFFFFEA0] =	vst v9;
	v9 =	vsub.f32 v12, v3  }
0x242: {  	v12 =	vsub.f32 v16, v5;
	v16 =	vld [tilespmem:s1+$0xFFFFFFB0];
	[tilespmem:s25+$0xFFFFFF20] =	vst v10  }
0x243: {  	v10 =	vsub.f32 v15, v6;
	v15 =	vld [tilespmem:s6+$0xFFFFFFB0];
	[tilespmem:s9+$0xFFFFFFA0] =	vst v9  }
0x244: {  	[tilespmem:s26+$0x30] =	vst v12;
	v9 =	vsub.f32 v13, v4;
	v12 =	vld [tilespmem:s16+$0xFFFFFF40]  }
0x245: {  	v13 =	vld [tilespmem:s14+$0x40];
	[tilespmem:s13+$0xB0] =	vst v10;
	v10 =	vsub.f32 v11, v3  }
0x246: {  	v11 =	vsub.f32 v14, v5;
	v14 =	vld [tilespmem:s1+$0x40];
	[tilespmem:s25+$0x130] =	vst v9  }
0x247: {  	v9 =	vsub.f32 v16, v6;
	v16 =	vld [tilespmem:s6+$0x40];
	[tilespmem:s9+$0x1B0] =	vst v10  }
0x248: {  	[tilespmem:s26+$0xFFFFFE30] =	vst v11;
	v10 =	vsub.f32 v15, v4;
	v11 =	vld [tilespmem:s16+$0xFFFFFFD0]  }
0x249: {  	v15 =	vld [tilespmem:s14+$0xFFFFFFC0];
	[tilespmem:s13+$0xFFFFFEB0] =	vst v9;
	v9 =	vsub.f32 v12, v3  }
0x24a: {  	v12 =	vsub.f32 v13, v5;
	v13 =	vld [tilespmem:s1+$0xFFFFFFC0];
	[tilespmem:s25+$0xFFFFFF30] =	vst v10  }
0x24b: {  	v10 =	vsub.f32 v14, v6;
	v14 =	vld [tilespmem:s6+$0xFFFFFFC0];
	[tilespmem:s9+$0xFFFFFFB0] =	vst v9  }
0x24c: {  	[tilespmem:s26+$0x40] =	vst v12;
	v9 =	vsub.f32 v16, v4;
	v12 =	vld [tilespmem:s16+$0xFFFFFF50]  }
0x24d: {  	v16 =	vld [tilespmem:s14+$0x50];
	[tilespmem:s13+$0xC0] =	vst v10;
	v10 =	vsub.f32 v11, v3  }
0x24e: {  	v11 =	vsub.f32 v15, v5;
	v15 =	vld [tilespmem:s1+$0x50];
	[tilespmem:s25+$0x140] =	vst v9  }
0x24f: {  	v9 =	vsub.f32 v13, v6;
	v13 =	vld [tilespmem:s6+$0x50];
	[tilespmem:s9+$0x1C0] =	vst v10  }
0x250: {  	[tilespmem:s26+$0xFFFFFE40] =	vst v11;
	v10 =	vsub.f32 v14, v4;
	v11 =	vld [tilespmem:s16+$0xFFFFFFE0]  }
0x251: {  	v14 =	vld [tilespmem:s14+$0xFFFFFFD0];
	[tilespmem:s13+$0xFFFFFEC0] =	vst v9;
	v9 =	vsub.f32 v12, v3  }
0x252: {  	v12 =	vsub.f32 v16, v5;
	v16 =	vld [tilespmem:s1+$0xFFFFFFD0];
	[tilespmem:s25+$0xFFFFFF40] =	vst v10  }
0x253: {  	v10 =	vsub.f32 v15, v6;
	v15 =	vld [tilespmem:s6+$0xFFFFFFD0];
	[tilespmem:s9+$0xFFFFFFC0] =	vst v9  }
0x254: {  	[tilespmem:s26+$0x50] =	vst v12;
	v9 =	vsub.f32 v13, v4;
	v12 =	vld [tilespmem:s16+$0xFFFFFF60]  }
0x255: {  	v13 =	vld [tilespmem:s14+$0x60];
	[tilespmem:s13+$0xD0] =	vst v10;
	v10 =	vsub.f32 v11, v3  }
0x256: {  	v11 =	vsub.f32 v14, v5;
	v14 =	vld [tilespmem:s1+$0x60];
	[tilespmem:s25+$0x150] =	vst v9  }
0x257: {  	v9 =	vsub.f32 v16, v6;
	v16 =	vld [tilespmem:s6+$0x60];
	[tilespmem:s9+$0x1D0] =	vst v10  }
0x258: {  	[tilespmem:s26+$0xFFFFFE50] =	vst v11;
	v10 =	vsub.f32 v15, v4;
	v11 =	vld [tilespmem:s16+$0xFFFFFFF0]  }
0x259: {  	v15 =	vld [tilespmem:s14+$0xFFFFFFE0];
	[tilespmem:s13+$0xFFFFFED0] =	vst v9;
	v9 =	vsub.f32 v12, v3  }
0x25a: {  	v12 =	vsub.f32 v13, v5;
	v13 =	vld [tilespmem:s1+$0xFFFFFFE0];
	[tilespmem:s25+$0xFFFFFF50] =	vst v10  }
0x25b: {  	v10 =	vsub.f32 v14, v6;
	v14 =	vld [tilespmem:s6+$0xFFFFFFE0];
	[tilespmem:s9+$0xFFFFFFD0] =	vst v9  }
0x25c: {  	[tilespmem:s26+$0x60] =	vst v12;
	v9 =	vsub.f32 v16, v4;
	v12 =	vld [tilespmem:s16+$0xFFFFFF70]  }
0x25d: {  	v16 =	vld [tilespmem:s14+$0x70];
	[tilespmem:s13+$0xE0] =	vst v10;
	v10 =	vsub.f32 v11, v3  }
0x25e: {  	v11 =	vsub.f32 v15, v5;
	v17 =	vld [tilespmem:s1+$0x70];
	[tilespmem:s25+$0x160] =	vst v9  }
0x25f: {  	p0 =	sgt.s32 s28, $0x8;
	v13 =	vsub.f32 v13, v6;
	v18 =	vld [tilespmem:s6+$0x70];
	[tilespmem:s9+$0x1E0] =	vst v10  }
.Ltmp19:
0x260: {  	[tilespmem:s26+$0xFFFFFE60] =	vst v11;
	v10 =	vsub.f32 v14, v4;
	v9 =	vld [tilespmem:s16+$0x0];
	(pc) =	sbr.rel @!p0 .LBB2_40-.Ltmp19, $4  }
0x261: {  	v15 =	vld [tilespmem:s14+$0xFFFFFFF0];
	[tilespmem:s13+$0xFFFFFEE0] =	vst v13;
	v11 =	vsub.f32 v12, v3  }
0x262: {  	s5 =	smov.u32 s30;
	v16 =	vsub.f32 v16, v5;
	v13 =	vld [tilespmem:s1+$0xFFFFFFF0];
	[tilespmem:s25+$0xFFFFFF60] =	vst v10  }
0x263: {  	s8 =	simm.s32 $0x8;
	s30 =	sadd.s32 $0x100, s14;
	p5 =	por $0x1, $0x1;
	v12 =	vld [tilespmem:s6+$0xFFFFFFF0];
	[tilespmem:s9+$0xFFFFFFE0] =	vst v11;
	v14 =	vsub.f32 v17, v6  }
0x264: {  	s19 =	smov.u32 s9;
	s24 =	smov.u32 s16;
	s14 =	smov.u32 s26;
	[tilespmem:s26+$0x70] =	vst v16;
	v11 =	vsub.f32 v18, v4;
	v10 =	vld [tilespmem:s16+$0xFFFFFF80]  }
.LBB2_41:
0x265: {  	v16 =	vld [tilespmem:s30+$0x0];
	[tilespmem:s13+$0xF0] =	vst v14;
	s1 =	sadd.s32 $0x100, s1;
	v9 =	vsub.f32 v9, v3  }
0x266: {  	s6 =	sadd.s32 $0x100, s6;
	v14 =	vsub.f32 v15, v5;
	v15 =	vld [tilespmem:s1+$0x0];
	[tilespmem:s25+$0x170] =	vst v11  }
0x267: {  	s24 =	sadd.s32 $0x100, s24;
	v11 =	vsub.f32 v13, v6;
	v13 =	vld [tilespmem:s6+$0x0];
	[tilespmem:s19+$0x1F0] =	vst v9  }
0x268: {  	s8 =	sadd.s32 $0x2, s8;
	[tilespmem:s26+$0xFFFFFE70] =	vst v14;
	v9 =	vsub.f32 v12, v4;
	v12 =	vld [tilespmem:s24+$0xFFFFFF90]  }
0x269: {  	p0 =	slt.s32 s8, s28;
	v14 =	vld [tilespmem:s30+$0xFFFFFF80];
	[tilespmem:s13+$0xFFFFFEF0] =	vst v11;
	v10 =	vsub.f32 v10, v3  }
0x26a: {  	v11 =	vsub.f32 v16, v5;
	v16 =	vld [tilespmem:s1+$0xFFFFFF80];
	[tilespmem:s25+$0xFFFFFF70] =	vst v9  }
0x26b: {  	s26 =	sadd.s32 $0x400, s26;
	v9 =	vsub.f32 v15, v6;
	v15 =	vld [tilespmem:s6+$0xFFFFFF80];
	[tilespmem:s19+$0xFFFFFFF0] =	vst v10;
	s19 =	smov.u32 s25;
	s25 =	smov.u32 s13  }
0x26c: {  	s13 =	smov.u32 s14;
	s14 =	smov.u32 s26;
	[tilespmem:s26+$0x0] =	vst v11;
	v10 =	vsub.f32 v13, v4;
	v11 =	vld [tilespmem:s24+$0xFFFFFF10]  }
0x26d: {  	v13 =	vld [tilespmem:s30+$0x10];
	[tilespmem:s13+$0x80] =	vst v9;
	v9 =	vsub.f32 v12, v3  }
0x26e: {  	v12 =	vsub.f32 v14, v5;
	v14 =	vld [tilespmem:s1+$0x10];
	[tilespmem:s25+$0x100] =	vst v10  }
0x26f: {  	v10 =	vsub.f32 v16, v6;
	v16 =	vld [tilespmem:s6+$0x10];
	[tilespmem:s19+$0x180] =	vst v9  }
0x270: {  	[tilespmem:s26+$0xFFFFFE00] =	vst v12;
	v9 =	vsub.f32 v15, v4;
	v12 =	vld [tilespmem:s24+$0xFFFFFFA0]  }
0x271: {  	v15 =	vld [tilespmem:s30+$0xFFFFFF90];
	[tilespmem:s13+$0xFFFFFE80] =	vst v10;
	v10 =	vsub.f32 v11, v3  }
0x272: {  	v11 =	vsub.f32 v13, v5;
	v13 =	vld [tilespmem:s1+$0xFFFFFF90];
	[tilespmem:s25+$0xFFFFFF00] =	vst v9  }
0x273: {  	v9 =	vsub.f32 v14, v6;
	v14 =	vld [tilespmem:s6+$0xFFFFFF90];
	[tilespmem:s19+$0xFFFFFF80] =	vst v10  }
0x274: {  	[tilespmem:s26+$0x10] =	vst v11;
	v10 =	vsub.f32 v16, v4;
	v11 =	vld [tilespmem:s24+$0xFFFFFF20]  }
0x275: {  	v16 =	vld [tilespmem:s30+$0x20];
	[tilespmem:s13+$0x90] =	vst v9;
	v9 =	vsub.f32 v12, v3  }
0x276: {  	v12 =	vsub.f32 v15, v5;
	v15 =	vld [tilespmem:s1+$0x20];
	[tilespmem:s25+$0x110] =	vst v10  }
0x277: {  	v10 =	vsub.f32 v13, v6;
	v13 =	vld [tilespmem:s6+$0x20];
	[tilespmem:s19+$0x190] =	vst v9  }
0x278: {  	[tilespmem:s26+$0xFFFFFE10] =	vst v12;
	v9 =	vsub.f32 v14, v4;
	v12 =	vld [tilespmem:s24+$0xFFFFFFB0]  }
0x279: {  	v14 =	vld [tilespmem:s30+$0xFFFFFFA0];
	[tilespmem:s13+$0xFFFFFE90] =	vst v10;
	v10 =	vsub.f32 v11, v3  }
0x27a: {  	v11 =	vsub.f32 v16, v5;
	v16 =	vld [tilespmem:s1+$0xFFFFFFA0];
	[tilespmem:s25+$0xFFFFFF10] =	vst v9  }
0x27b: {  	v9 =	vsub.f32 v15, v6;
	v15 =	vld [tilespmem:s6+$0xFFFFFFA0];
	[tilespmem:s19+$0xFFFFFF90] =	vst v10  }
0x27c: {  	[tilespmem:s26+$0x20] =	vst v11;
	v10 =	vsub.f32 v13, v4;
	v11 =	vld [tilespmem:s24+$0xFFFFFF30]  }
0x27d: {  	v13 =	vld [tilespmem:s30+$0x30];
	[tilespmem:s13+$0xA0] =	vst v9;
	v9 =	vsub.f32 v12, v3  }
0x27e: {  	v12 =	vsub.f32 v14, v5;
	v14 =	vld [tilespmem:s1+$0x30];
	[tilespmem:s25+$0x120] =	vst v10  }
0x27f: {  	v10 =	vsub.f32 v16, v6;
	v16 =	vld [tilespmem:s6+$0x30];
	[tilespmem:s19+$0x1A0] =	vst v9  }
0x280: {  	[tilespmem:s26+$0xFFFFFE20] =	vst v12;
	v9 =	vsub.f32 v15, v4;
	v12 =	vld [tilespmem:s24+$0xFFFFFFC0]  }
0x281: {  	v15 =	vld [tilespmem:s30+$0xFFFFFFB0];
	[tilespmem:s13+$0xFFFFFEA0] =	vst v10;
	v10 =	vsub.f32 v11, v3  }
0x282: {  	v11 =	vsub.f32 v13, v5;
	v13 =	vld [tilespmem:s1+$0xFFFFFFB0];
	[tilespmem:s25+$0xFFFFFF20] =	vst v9  }
0x283: {  	v9 =	vsub.f32 v14, v6;
	v14 =	vld [tilespmem:s6+$0xFFFFFFB0];
	[tilespmem:s19+$0xFFFFFFA0] =	vst v10  }
0x284: {  	[tilespmem:s26+$0x30] =	vst v11;
	v10 =	vsub.f32 v16, v4;
	v11 =	vld [tilespmem:s24+$0xFFFFFF40]  }
0x285: {  	v16 =	vld [tilespmem:s30+$0x40];
	[tilespmem:s13+$0xB0] =	vst v9;
	v9 =	vsub.f32 v12, v3  }
0x286: {  	v12 =	vsub.f32 v15, v5;
	v15 =	vld [tilespmem:s1+$0x40];
	[tilespmem:s25+$0x130] =	vst v10  }
0x287: {  	v10 =	vsub.f32 v13, v6;
	v13 =	vld [tilespmem:s6+$0x40];
	[tilespmem:s19+$0x1B0] =	vst v9  }
0x288: {  	[tilespmem:s26+$0xFFFFFE30] =	vst v12;
	v9 =	vsub.f32 v14, v4;
	v12 =	vld [tilespmem:s24+$0xFFFFFFD0]  }
0x289: {  	v14 =	vld [tilespmem:s30+$0xFFFFFFC0];
	[tilespmem:s13+$0xFFFFFEB0] =	vst v10;
	v10 =	vsub.f32 v11, v3  }
0x28a: {  	v11 =	vsub.f32 v16, v5;
	v16 =	vld [tilespmem:s1+$0xFFFFFFC0];
	[tilespmem:s25+$0xFFFFFF30] =	vst v9  }
0x28b: {  	v9 =	vsub.f32 v15, v6;
	v15 =	vld [tilespmem:s6+$0xFFFFFFC0];
	[tilespmem:s19+$0xFFFFFFB0] =	vst v10  }
0x28c: {  	[tilespmem:s26+$0x40] =	vst v11;
	v10 =	vsub.f32 v13, v4;
	v11 =	vld [tilespmem:s24+$0xFFFFFF50]  }
0x28d: {  	v13 =	vld [tilespmem:s30+$0x50];
	[tilespmem:s13+$0xC0] =	vst v9;
	v9 =	vsub.f32 v12, v3  }
0x28e: {  	v12 =	vsub.f32 v14, v5;
	v14 =	vld [tilespmem:s1+$0x50];
	[tilespmem:s25+$0x140] =	vst v10  }
0x28f: {  	v10 =	vsub.f32 v16, v6;
	v16 =	vld [tilespmem:s6+$0x50];
	[tilespmem:s19+$0x1C0] =	vst v9  }
0x290: {  	[tilespmem:s26+$0xFFFFFE40] =	vst v12;
	v9 =	vsub.f32 v15, v4;
	v12 =	vld [tilespmem:s24+$0xFFFFFFE0]  }
0x291: {  	v15 =	vld [tilespmem:s30+$0xFFFFFFD0];
	[tilespmem:s13+$0xFFFFFEC0] =	vst v10;
	v10 =	vsub.f32 v11, v3  }
0x292: {  	v11 =	vsub.f32 v13, v5;
	v13 =	vld [tilespmem:s1+$0xFFFFFFD0];
	[tilespmem:s25+$0xFFFFFF40] =	vst v9  }
0x293: {  	v9 =	vsub.f32 v14, v6;
	v14 =	vld [tilespmem:s6+$0xFFFFFFD0];
	[tilespmem:s19+$0xFFFFFFC0] =	vst v10  }
0x294: {  	[tilespmem:s26+$0x50] =	vst v11;
	v10 =	vsub.f32 v16, v4;
	v11 =	vld [tilespmem:s24+$0xFFFFFF60]  }
0x295: {  	v16 =	vld [tilespmem:s30+$0x60];
	[tilespmem:s13+$0xD0] =	vst v9;
	v9 =	vsub.f32 v12, v3  }
0x296: {  	v12 =	vsub.f32 v15, v5;
	v15 =	vld [tilespmem:s1+$0x60];
	[tilespmem:s25+$0x150] =	vst v10  }
0x297: {  	v10 =	vsub.f32 v13, v6;
	v13 =	vld [tilespmem:s6+$0x60];
	[tilespmem:s19+$0x1D0] =	vst v9  }
0x298: {  	[tilespmem:s26+$0xFFFFFE50] =	vst v12;
	v9 =	vsub.f32 v14, v4;
	v12 =	vld [tilespmem:s24+$0xFFFFFFF0]  }
0x299: {  	v14 =	vld [tilespmem:s30+$0xFFFFFFE0];
	[tilespmem:s13+$0xFFFFFED0] =	vst v10;
	v10 =	vsub.f32 v11, v3  }
0x29a: {  	v11 =	vsub.f32 v16, v5;
	v16 =	vld [tilespmem:s1+$0xFFFFFFE0];
	[tilespmem:s25+$0xFFFFFF50] =	vst v9  }
0x29b: {  	v9 =	vsub.f32 v15, v6;
	v15 =	vld [tilespmem:s6+$0xFFFFFFE0];
	[tilespmem:s19+$0xFFFFFFD0] =	vst v10  }
0x29c: {  	[tilespmem:s26+$0x60] =	vst v11;
	v10 =	vsub.f32 v13, v4;
	v11 =	vld [tilespmem:s24+$0xFFFFFF70]  }
0x29d: {  	v13 =	vld [tilespmem:s30+$0x70];
	[tilespmem:s13+$0xE0] =	vst v9;
	v9 =	vsub.f32 v12, v3  }
0x29e: {  	v12 =	vsub.f32 v14, v5;
	v14 =	vld [tilespmem:s1+$0x70];
	[tilespmem:s25+$0x160] =	vst v10  }
0x29f: {  	v10 =	vsub.f32 v16, v6;
	v16 =	vld [tilespmem:s6+$0x70];
	[tilespmem:s19+$0x1E0] =	vst v9  }
.Ltmp20:
0x2a0: {  	[tilespmem:s26+$0xFFFFFE60] =	vst v12;
	v12 =	vsub.f32 v15, v4;
	v9 =	vld [tilespmem:s24+$0x0];
	(pc) =	sbr.rel @p0 .LBB2_41-.Ltmp20, $4  }
0x2a1: {  	v15 =	vld [tilespmem:s30+$0xFFFFFFF0];
	[tilespmem:s13+$0xFFFFFEE0] =	vst v10;
	v10 =	vsub.f32 v11, v3  }
0x2a2: {  	v11 =	vsub.f32 v13, v5;
	v13 =	vld [tilespmem:s1+$0xFFFFFFF0];
	[tilespmem:s25+$0xFFFFFF60] =	vst v12  }
0x2a3: {  	v14 =	vsub.f32 v14, v6;
	v12 =	vld [tilespmem:s6+$0xFFFFFFF0];
	[tilespmem:s19+$0xFFFFFFE0] =	vst v10  }
0x2a4: {  	s30 =	sadd.s32 $0x100, s30;
	[tilespmem:s26+$0x70] =	vst v11;
	v11 =	vsub.f32 v16, v4;
	v10 =	vld [tilespmem:s24+$0xFFFFFF80]  }
0x2a5: {  	s4 =	smov.u32 s13;
	s8 =	smov.u32 s25;
	s25 =	smov.u32 s26  }
0x2a6: {  	s13 =	smov.u32 s14;
	s26 =	smov.u32 s2;
	s30 =	smov.u32 s5  }
.LBB2_43:
0x2a7: {  	s1 =	sadd.s32 @p3 $0x100, s1;
	v15 =	vsub.f32 v15, v5  }
0x2a8: {  	s3 =	smov.u32 @p3 s1  }
0x2a9: {  	v16 =	vld [tilespmem:s3+$0x0];
	[tilespmem:s25+$0xFFFFFE70] =	vst v15  }
0x2aa: {  	v15 =	vld [tilespmem:s3+$0xFFFFFF80];
	_ =	sdelay $0x3  }
0x2ab: {  	v16 =	vsub.f32 v16, v6  }
0x2ac: {  	v15 =	vsub.f32 v15, v6  }
0x2ad: {  	[tilespmem:s13+$0x80] =	vst v16  }
0x2ae: {  	v16 =	vld [tilespmem:s3+$0x10];
	[tilespmem:s13+$0xFFFFFE80] =	vst v15  }
0x2af: {  	v15 =	vld [tilespmem:s3+$0xFFFFFF90];
	_ =	sdelay $0x3  }
0x2b0: {  	v16 =	vsub.f32 v16, v6  }
0x2b1: {  	v15 =	vsub.f32 v15, v6  }
0x2b2: {  	[tilespmem:s13+$0x90] =	vst v16  }
0x2b3: {  	v16 =	vld [tilespmem:s3+$0x20];
	[tilespmem:s13+$0xFFFFFE90] =	vst v15  }
0x2b4: {  	v15 =	vld [tilespmem:s3+$0xFFFFFFA0];
	_ =	sdelay $0x3  }
0x2b5: {  	v16 =	vsub.f32 v16, v6  }
0x2b6: {  	v15 =	vsub.f32 v15, v6  }
0x2b7: {  	[tilespmem:s13+$0xA0] =	vst v16  }
0x2b8: {  	v16 =	vld [tilespmem:s3+$0x30];
	[tilespmem:s13+$0xFFFFFEA0] =	vst v15  }
0x2b9: {  	v15 =	vld [tilespmem:s3+$0xFFFFFFB0];
	_ =	sdelay $0x3  }
0x2ba: {  	v16 =	vsub.f32 v16, v6  }
0x2bb: {  	v15 =	vsub.f32 v15, v6  }
0x2bc: {  	[tilespmem:s13+$0xB0] =	vst v16  }
0x2bd: {  	v16 =	vld [tilespmem:s3+$0x40];
	[tilespmem:s13+$0xFFFFFEB0] =	vst v15  }
0x2be: {  	v15 =	vld [tilespmem:s3+$0xFFFFFFC0];
	_ =	sdelay $0x3  }
0x2bf: {  	v16 =	vsub.f32 v16, v6  }
0x2c0: {  	v15 =	vsub.f32 v15, v6  }
0x2c1: {  	[tilespmem:s13+$0xC0] =	vst v16  }
0x2c2: {  	v16 =	vld [tilespmem:s3+$0x50];
	[tilespmem:s13+$0xFFFFFEC0] =	vst v15  }
0x2c3: {  	v15 =	vld [tilespmem:s3+$0xFFFFFFD0];
	_ =	sdelay $0x3  }
0x2c4: {  	v16 =	vsub.f32 v16, v6  }
0x2c5: {  	v15 =	vsub.f32 v15, v6  }
0x2c6: {  	[tilespmem:s13+$0xD0] =	vst v16  }
0x2c7: {  	v16 =	vld [tilespmem:s3+$0x60];
	[tilespmem:s13+$0xFFFFFED0] =	vst v15  }
0x2c8: {  	v15 =	vld [tilespmem:s3+$0xFFFFFFE0];
	_ =	sdelay $0x3  }
0x2c9: {  	v16 =	vsub.f32 v16, v6  }
0x2ca: {  	v15 =	vsub.f32 v15, v6  }
0x2cb: {  	[tilespmem:s13+$0xE0] =	vst v16  }
0x2cc: {  	v16 =	vld [tilespmem:s3+$0x70];
	[tilespmem:s13+$0xFFFFFEE0] =	vst v15  }
0x2cd: {  	v15 =	vld [tilespmem:s3+$0xFFFFFFF0]  }
0x2ce: {  	s2 =	sadd.s32 @p4 $0x100, s6;
	v13 =	vsub.f32 @p3 v13, v6;
	s1 =	smov.u32 s15  }
0x2cf: {  	[tilespmem:s4+$0xF0] =	vst @p3 v14;
	s1 =	smov.u32 @p4 s2  }
0x2d0: {  	[tilespmem:s4+$0xFFFFFEF0] =	vst @p3 v13;
	v14 =	vld @p3 [tilespmem:s1+$0x0]  }
0x2d1: {  	v13 =	vld @p3 [tilespmem:s1+$0xFFFFFF80];
	v16 =	vsub.f32 v16, v6  }
0x2d2: {  	s2 =	sadd.s32 @p3 $0x100, s1;
	v15 =	vsub.f32 v15, v6  }
0x2d3: {  	s15 =	smov.u32 @p3 s2;
	[tilespmem:s13+$0xF0] =	vst v16  }
0x2d4: {  	v16 =	vld [tilespmem:s15+$0x0];
	[tilespmem:s13+$0xFFFFFEF0] =	vst v15  }
0x2d5: {  	v14 =	vsub.f32 @p3 v14, v4;
	v15 =	vld [tilespmem:s15+$0xFFFFFF80]  }
0x2d6: {  	s2 =	smov.u32 @p3 s4;
	v13 =	vsub.f32 @p3 v13, v4  }
0x2d7: {  	[tilespmem:s2+$0x100] =	vst @p3 v14  }
0x2d8: {  	[tilespmem:s2+$0xFFFFFF00] =	vst @p3 v13;
	v14 =	vld @p3 [tilespmem:s1+$0x10]  }
0x2d9: {  	v13 =	vld @p3 [tilespmem:s1+$0xFFFFFF90];
	v16 =	vsub.f32 v16, v4  }
0x2da: {  	v15 =	vsub.f32 v15, v4  }
0x2db: {  	[tilespmem:s13+$0x100] =	vst v16  }
0x2dc: {  	v16 =	vld [tilespmem:s15+$0x10];
	[tilespmem:s13+$0xFFFFFF00] =	vst v15  }
0x2dd: {  	v14 =	vsub.f32 @p3 v14, v4;
	v15 =	vld [tilespmem:s15+$0xFFFFFF90]  }
0x2de: {  	v13 =	vsub.f32 @p3 v13, v4  }
0x2df: {  	[tilespmem:s2+$0x110] =	vst @p3 v14  }
0x2e0: {  	[tilespmem:s2+$0xFFFFFF10] =	vst @p3 v13;
	v14 =	vld @p3 [tilespmem:s1+$0x20]  }
0x2e1: {  	v13 =	vld @p3 [tilespmem:s1+$0xFFFFFFA0];
	v16 =	vsub.f32 v16, v4  }
0x2e2: {  	v15 =	vsub.f32 v15, v4  }
0x2e3: {  	[tilespmem:s13+$0x110] =	vst v16  }
0x2e4: {  	v16 =	vld [tilespmem:s15+$0x20];
	[tilespmem:s13+$0xFFFFFF10] =	vst v15  }
0x2e5: {  	v14 =	vsub.f32 @p3 v14, v4;
	v15 =	vld [tilespmem:s15+$0xFFFFFFA0]  }
0x2e6: {  	v13 =	vsub.f32 @p3 v13, v4  }
0x2e7: {  	[tilespmem:s2+$0x120] =	vst @p3 v14  }
0x2e8: {  	[tilespmem:s2+$0xFFFFFF20] =	vst @p3 v13;
	v14 =	vld @p3 [tilespmem:s1+$0x30]  }
0x2e9: {  	v13 =	vld @p3 [tilespmem:s1+$0xFFFFFFB0];
	v16 =	vsub.f32 v16, v4  }
0x2ea: {  	v15 =	vsub.f32 v15, v4  }
0x2eb: {  	[tilespmem:s13+$0x120] =	vst v16  }
0x2ec: {  	v16 =	vld [tilespmem:s15+$0x30];
	[tilespmem:s13+$0xFFFFFF20] =	vst v15  }
0x2ed: {  	v14 =	vsub.f32 @p3 v14, v4;
	v15 =	vld [tilespmem:s15+$0xFFFFFFB0]  }
0x2ee: {  	v13 =	vsub.f32 @p3 v13, v4  }
0x2ef: {  	[tilespmem:s2+$0x130] =	vst @p3 v14  }
0x2f0: {  	[tilespmem:s2+$0xFFFFFF30] =	vst @p3 v13;
	v14 =	vld @p3 [tilespmem:s1+$0x40]  }
0x2f1: {  	v13 =	vld @p3 [tilespmem:s1+$0xFFFFFFC0];
	v16 =	vsub.f32 v16, v4  }
0x2f2: {  	v15 =	vsub.f32 v15, v4  }
0x2f3: {  	[tilespmem:s13+$0x130] =	vst v16  }
0x2f4: {  	v16 =	vld [tilespmem:s15+$0x40];
	[tilespmem:s13+$0xFFFFFF30] =	vst v15  }
0x2f5: {  	v14 =	vsub.f32 @p3 v14, v4;
	v15 =	vld [tilespmem:s15+$0xFFFFFFC0]  }
0x2f6: {  	v13 =	vsub.f32 @p3 v13, v4  }
0x2f7: {  	[tilespmem:s2+$0x140] =	vst @p3 v14  }
0x2f8: {  	[tilespmem:s2+$0xFFFFFF40] =	vst @p3 v13;
	v14 =	vld @p3 [tilespmem:s1+$0x50]  }
0x2f9: {  	v13 =	vld @p3 [tilespmem:s1+$0xFFFFFFD0];
	v16 =	vsub.f32 v16, v4  }
0x2fa: {  	v15 =	vsub.f32 v15, v4  }
0x2fb: {  	[tilespmem:s13+$0x140] =	vst v16  }
0x2fc: {  	v16 =	vld [tilespmem:s15+$0x50];
	[tilespmem:s13+$0xFFFFFF40] =	vst v15  }
0x2fd: {  	v14 =	vsub.f32 @p3 v14, v4;
	v15 =	vld [tilespmem:s15+$0xFFFFFFD0]  }
0x2fe: {  	v13 =	vsub.f32 @p3 v13, v4  }
0x2ff: {  	[tilespmem:s2+$0x150] =	vst @p3 v14  }
0x300: {  	[tilespmem:s2+$0xFFFFFF50] =	vst @p3 v13;
	v14 =	vld @p3 [tilespmem:s1+$0x60]  }
0x301: {  	v13 =	vld @p3 [tilespmem:s1+$0xFFFFFFE0];
	v16 =	vsub.f32 v16, v4  }
0x302: {  	v15 =	vsub.f32 v15, v4  }
0x303: {  	[tilespmem:s13+$0x150] =	vst v16  }
0x304: {  	v16 =	vld [tilespmem:s15+$0x60];
	[tilespmem:s13+$0xFFFFFF50] =	vst v15  }
0x305: {  	v14 =	vsub.f32 @p3 v14, v4;
	v15 =	vld [tilespmem:s15+$0xFFFFFFE0]  }
0x306: {  	v13 =	vsub.f32 @p3 v13, v4  }
0x307: {  	[tilespmem:s2+$0x160] =	vst @p3 v14  }
0x308: {  	[tilespmem:s2+$0xFFFFFF60] =	vst @p3 v13;
	v14 =	vld @p3 [tilespmem:s1+$0x70]  }
0x309: {  	v13 =	vld @p3 [tilespmem:s1+$0xFFFFFFF0];
	v16 =	vsub.f32 v16, v4  }
0x30a: {  	v15 =	vsub.f32 v15, v4  }
0x30b: {  	[tilespmem:s13+$0x160] =	vst v16  }
0x30c: {  	v16 =	vld [tilespmem:s15+$0x70];
	[tilespmem:s13+$0xFFFFFF60] =	vst v15  }
0x30d: {  	v12 =	vsub.f32 @p4 v12, v4;
	s3 =	sadd.s32 @p5 $0x100, s24;
	s1 =	smov.u32 s16;
	v14 =	vsub.f32 @p3 v14, v4;
	v15 =	vld [tilespmem:s15+$0xFFFFFFF0]  }
0x30e: {  	[tilespmem:s8+$0x170] =	vst @p4 v11;
	s1 =	smov.u32 @p5 s3;
	v8 =	vpsel p3, v13, v8  }
0x30f: {  	[tilespmem:s8+$0xFFFFFF70] =	vst @p4 v12;
	s9 =	smov.u32 @p3 s2;
	s3 =	smov.u32 s16;
	v11 =	vld @p4 [tilespmem:s1+$0xFFFFFF90];
	s2 =	sadd.s32 @p4 $0x100, s1;
	v8 =	vsub.f32 @p3 v8, v4;
	v7 =	vpsel p3, v14, v7  }
0x310: {  	v12 =	vld @p4 [tilespmem:s1+$0xFFFFFF10];
	s3 =	smov.u32 @p4 s2;
	[tilespmem:s9+$0x170] =	vst @p3 v7  }
0x311: {  	[tilespmem:s9+$0xFFFFFF70] =	vst @p3 v8;
	v7 =	vld @p3 [tilespmem:s3+$0xFFFFFF90];
	v8 =	vsub.f32 v16, v4  }
0x312: {  	s2 =	sadd.s32 @p3 $0x100, s3;
	v13 =	vld @p3 [tilespmem:s3+$0xFFFFFF10];
	v61 =	vsub.f32 v15, v4  }
0x313: {  	s16 =	smov.u32 @p3 s2;
	[tilespmem:s13+$0x170] =	vst v8  }
0x314: {  	v8 =	vsub.f32 @p4 v11, v3;
	v62 =	vld [tilespmem:s16+$0xFFFFFF90];
	[tilespmem:s13+$0xFFFFFF70] =	vst v61  }
0x315: {  	v12 =	vsub.f32 @p4 v12, v3;
	v14 =	vld [tilespmem:s16+$0xFFFFFF10]  }
0x316: {  	v7 =	vsub.f32 @p3 v7, v3;
	[tilespmem:s8+$0x180] =	vst @p4 v8  }
0x317: {  	s6 =	smov.u32 @p3 s9;
	[tilespmem:s8+$0xFFFFFF80] =	vst @p4 v12;
	v12 =	vsub.f32 @p3 v13, v3;
	v8 =	vld @p4 [tilespmem:s1+$0xFFFFFFA0]  }
0x318: {  	v13 =	vld @p4 [tilespmem:s1+$0xFFFFFF20];
	[tilespmem:s6+$0x180] =	vst @p3 v7  }
0x319: {  	[tilespmem:s6+$0xFFFFFF80] =	vst @p3 v12;
	v7 =	vld @p3 [tilespmem:s3+$0xFFFFFFA0];
	v11 =	vsub.f32 v62, v3  }
0x31a: {  	v12 =	vld @p3 [tilespmem:s3+$0xFFFFFF20];
	v14 =	vsub.f32 v14, v3  }
0x31b: {  	[tilespmem:s13+$0x180] =	vst v11  }
0x31c: {  	v8 =	vsub.f32 @p4 v8, v3;
	v11 =	vld [tilespmem:s16+$0xFFFFFFA0];
	[tilespmem:s13+$0xFFFFFF80] =	vst v14  }
0x31d: {  	v13 =	vsub.f32 @p4 v13, v3;
	v14 =	vld [tilespmem:s16+$0xFFFFFF20]  }
0x31e: {  	v7 =	vsub.f32 @p3 v7, v3;
	[tilespmem:s8+$0x190] =	vst @p4 v8  }
0x31f: {  	[tilespmem:s8+$0xFFFFFF90] =	vst @p4 v13;
	v12 =	vsub.f32 @p3 v12, v3;
	v8 =	vld @p4 [tilespmem:s1+$0xFFFFFFB0]  }
0x320: {  	v13 =	vld @p4 [tilespmem:s1+$0xFFFFFF30];
	[tilespmem:s6+$0x190] =	vst @p3 v7  }
0x321: {  	[tilespmem:s6+$0xFFFFFF90] =	vst @p3 v12;
	v7 =	vld @p3 [tilespmem:s3+$0xFFFFFFB0];
	v11 =	vsub.f32 v11, v3  }
0x322: {  	v12 =	vld @p3 [tilespmem:s3+$0xFFFFFF30];
	v14 =	vsub.f32 v14, v3  }
0x323: {  	[tilespmem:s13+$0x190] =	vst v11  }
0x324: {  	v8 =	vsub.f32 @p4 v8, v3;
	v11 =	vld [tilespmem:s16+$0xFFFFFFB0];
	[tilespmem:s13+$0xFFFFFF90] =	vst v14  }
0x325: {  	v13 =	vsub.f32 @p4 v13, v3;
	v14 =	vld [tilespmem:s16+$0xFFFFFF30]  }
0x326: {  	v7 =	vsub.f32 @p3 v7, v3;
	[tilespmem:s8+$0x1A0] =	vst @p4 v8  }
0x327: {  	[tilespmem:s8+$0xFFFFFFA0] =	vst @p4 v13;
	v12 =	vsub.f32 @p3 v12, v3;
	v8 =	vld @p4 [tilespmem:s1+$0xFFFFFFC0]  }
0x328: {  	v13 =	vld @p4 [tilespmem:s1+$0xFFFFFF40];
	[tilespmem:s6+$0x1A0] =	vst @p3 v7  }
0x329: {  	[tilespmem:s6+$0xFFFFFFA0] =	vst @p3 v12;
	v7 =	vld @p3 [tilespmem:s3+$0xFFFFFFC0];
	v11 =	vsub.f32 v11, v3  }
0x32a: {  	v12 =	vld @p3 [tilespmem:s3+$0xFFFFFF40];
	v14 =	vsub.f32 v14, v3  }
0x32b: {  	[tilespmem:s13+$0x1A0] =	vst v11  }
0x32c: {  	v8 =	vsub.f32 @p4 v8, v3;
	v11 =	vld [tilespmem:s16+$0xFFFFFFC0];
	[tilespmem:s13+$0xFFFFFFA0] =	vst v14  }
0x32d: {  	v13 =	vsub.f32 @p4 v13, v3;
	v14 =	vld [tilespmem:s16+$0xFFFFFF40]  }
0x32e: {  	v7 =	vsub.f32 @p3 v7, v3;
	[tilespmem:s8+$0x1B0] =	vst @p4 v8  }
0x32f: {  	[tilespmem:s8+$0xFFFFFFB0] =	vst @p4 v13;
	v12 =	vsub.f32 @p3 v12, v3;
	v8 =	vld @p4 [tilespmem:s1+$0xFFFFFFD0]  }
0x330: {  	v13 =	vld @p4 [tilespmem:s1+$0xFFFFFF50];
	[tilespmem:s6+$0x1B0] =	vst @p3 v7  }
0x331: {  	[tilespmem:s6+$0xFFFFFFB0] =	vst @p3 v12;
	v7 =	vld @p3 [tilespmem:s3+$0xFFFFFFD0];
	v11 =	vsub.f32 v11, v3  }
0x332: {  	v12 =	vld @p3 [tilespmem:s3+$0xFFFFFF50];
	v14 =	vsub.f32 v14, v3  }
0x333: {  	[tilespmem:s13+$0x1B0] =	vst v11  }
0x334: {  	v8 =	vsub.f32 @p4 v8, v3;
	v11 =	vld [tilespmem:s16+$0xFFFFFFD0];
	[tilespmem:s13+$0xFFFFFFB0] =	vst v14  }
0x335: {  	v13 =	vsub.f32 @p4 v13, v3;
	v14 =	vld [tilespmem:s16+$0xFFFFFF50]  }
0x336: {  	v7 =	vsub.f32 @p3 v7, v3;
	[tilespmem:s8+$0x1C0] =	vst @p4 v8  }
0x337: {  	[tilespmem:s8+$0xFFFFFFC0] =	vst @p4 v13;
	v12 =	vsub.f32 @p3 v12, v3;
	v8 =	vld @p4 [tilespmem:s1+$0xFFFFFFE0]  }
0x338: {  	v13 =	vld @p4 [tilespmem:s1+$0xFFFFFF60];
	[tilespmem:s6+$0x1C0] =	vst @p3 v7  }
0x339: {  	[tilespmem:s6+$0xFFFFFFC0] =	vst @p3 v12;
	v7 =	vld @p3 [tilespmem:s3+$0xFFFFFFE0];
	v11 =	vsub.f32 v11, v3  }
0x33a: {  	v12 =	vld @p3 [tilespmem:s3+$0xFFFFFF60];
	v14 =	vsub.f32 v14, v3  }
0x33b: {  	[tilespmem:s13+$0x1C0] =	vst v11  }
0x33c: {  	v8 =	vsub.f32 @p4 v8, v3;
	v11 =	vld [tilespmem:s16+$0xFFFFFFE0];
	[tilespmem:s13+$0xFFFFFFC0] =	vst v14  }
0x33d: {  	v13 =	vsub.f32 @p4 v13, v3;
	v14 =	vld [tilespmem:s16+$0xFFFFFF60]  }
0x33e: {  	v7 =	vsub.f32 @p3 v7, v3;
	[tilespmem:s8+$0x1D0] =	vst @p4 v8  }
0x33f: {  	[tilespmem:s8+$0xFFFFFFD0] =	vst @p4 v13;
	v12 =	vsub.f32 @p3 v12, v3;
	v8 =	vld @p4 [tilespmem:s1+$0xFFFFFFF0]  }
0x340: {  	v13 =	vld @p4 [tilespmem:s1+$0xFFFFFF70];
	[tilespmem:s6+$0x1D0] =	vst @p3 v7  }
0x341: {  	[tilespmem:s6+$0xFFFFFFD0] =	vst @p3 v12;
	v7 =	vld @p3 [tilespmem:s3+$0xFFFFFFF0];
	v11 =	vsub.f32 v11, v3  }
0x342: {  	v12 =	vld @p3 [tilespmem:s3+$0xFFFFFF70];
	v14 =	vsub.f32 v14, v3  }
0x343: {  	[tilespmem:s13+$0x1D0] =	vst v11  }
0x344: {  	v8 =	vsub.f32 @p4 v8, v3;
	v11 =	vld [tilespmem:s16+$0xFFFFFFF0];
	[tilespmem:s13+$0xFFFFFFD0] =	vst v14  }
0x345: {  	v13 =	vsub.f32 @p4 v13, v3;
	v14 =	vld [tilespmem:s16+$0xFFFFFF70]  }
0x346: {  	v7 =	vsub.f32 @p3 v7, v3;
	[tilespmem:s8+$0x1E0] =	vst @p4 v8  }
0x347: {  	[tilespmem:s8+$0xFFFFFFE0] =	vst @p4 v13;
	v12 =	vsub.f32 @p3 v12, v3;
	v8 =	vld @p4 [tilespmem:s1+$0x0]  }
0x348: {  	v13 =	vld @p4 [tilespmem:s1+$0xFFFFFF80];
	[tilespmem:s6+$0x1E0] =	vst @p3 v7  }
0x349: {  	[tilespmem:s6+$0xFFFFFFE0] =	vst @p3 v12;
	v7 =	vld @p3 [tilespmem:s3+$0x0];
	v11 =	vsub.f32 v11, v3  }
0x34a: {  	v12 =	vld @p3 [tilespmem:s3+$0xFFFFFF80];
	v14 =	vsub.f32 v14, v3  }
0x34b: {  	v9 =	vsub.f32 @p5 v9, v3;
	[tilespmem:s13+$0x1E0] =	vst v11  }
0x34c: {  	v10 =	vsub.f32 @p5 v10, v3;
	v8 =	vpsel p4, v8, v0;
	v11 =	vld [tilespmem:s16+$0x0];
	[tilespmem:s13+$0xFFFFFFE0] =	vst v14  }
0x34d: {  	[tilespmem:s19+$0x1F0] =	vst @p5 v9;
	v9 =	vpsel p4, v13, v0;
	v8 =	vsub.f32 @p4 v8, v3;
	v63 =	vld [tilespmem:s16+$0xFFFFFF80]  }
0x34e: {  	[tilespmem:s19+$0xFFFFFFF0] =	vst @p5 v10;
	v9 =	vsub.f32 @p4 v9, v3;
	v7 =	vpsel p3, v7, v0;
	s1 =	smov.u32 @p4 s8  }
0x34f: {  	v7 =	vsub.f32 @p3 v7, v3;
	[tilespmem:s1+$0x1F0] =	vst @p4 v8;
	v8 =	vpsel p3, v12, v0  }
0x350: {  	[tilespmem:s1+$0xFFFFFFF0] =	vst @p4 v9;
	s1 =	smov.u32 @p3 s6;
	v8 =	vsub.f32 @p3 v8, v3  }
0x351: {  	[tilespmem:s1+$0x1F0] =	vst @p3 v7;
	v7 =	vsub.f32 v11, v3  }
0x352: {  	[tilespmem:s1+$0xFFFFFFF0] =	vst @p3 v8;
	v8 =	vsub.f32 v63, v3  }
0x353: {  	[tilespmem:s13+$0x1F0] =	vst v7  }
0x354: {  	[tilespmem:s13+$0xFFFFFFF0] =	vst v8  }
.LBB2_30:
0x355: {  	s0 =	ssub.s32 s0, s28  }
0x356: {  	p0 =	slt.s32 s0, $0x1  }
.Ltmp21:
0x357: {  	_ = 	snop;
	(pc) =	sbr.rel @p0 .LBB2_32-.Ltmp21, $4  }
0x358: {  	_ = 	snop  }
0x359: {  	s6 =	ssub.s32 s23, s22  }
0x35a: {  	s1 =	sadd.s32 $0x1000, s23;
	s2 =	sadd.s32 $0x2000, s23;
	s4 =	sadd.s32 $0x3000, s23  }
0x35b: {  	s3 =	ssub.s32 s1, s22;
	s1 =	ssub.s32 s2, s22;
	s0 =	ssub.s32 s4, s22  }
0x35c: {  	s2 =	sshll.u32 s28, $0x7  }
0x35d: {  	s4 =	sadd.s32 s21, s2  }
0x35e: {  	s5 =	sadd.s32 s4, s6  }
0x35f: {  	v7 =	vld [tilespmem:s5+$0x0];
	_ =	sdelay $0x3  }
0x360: {  	s25 =	sadd.s32 s30, s28  }
0x361: {  	s2 =	sshll.u32 s25, $0xB;
	v7 =	vsub.f32 v7, v5  }
0x362: {  	s2 =	sshra.s32 s2, $0x2  }
0x363: {  	[tilespmem:v2+s2+$0x0 ss:$0x1] =	vst.idx.msk $0xffff, v7  }
0x364: {  	v7 =	vld [tilespmem:s5+$0x10];
	_ =	sdelay $0x4  }
0x365: {  	v7 =	vsub.f32 v7, v5;
	_ =	sdelay $0x1  }
0x366: {  	[tilespmem:v2+s2+$0x10 ss:$0x1] =	vst.idx.msk $0xffff, v7  }
0x367: {  	v7 =	vld [tilespmem:s5+$0x20];
	_ =	sdelay $0x4  }
0x368: {  	v7 =	vsub.f32 v7, v5;
	_ =	sdelay $0x1  }
0x369: {  	[tilespmem:v2+s2+$0x20 ss:$0x1] =	vst.idx.msk $0xffff, v7  }
0x36a: {  	v7 =	vld [tilespmem:s5+$0x30];
	_ =	sdelay $0x4  }
0x36b: {  	v7 =	vsub.f32 v7, v5;
	_ =	sdelay $0x1  }
0x36c: {  	[tilespmem:v2+s2+$0x30 ss:$0x1] =	vst.idx.msk $0xffff, v7  }
0x36d: {  	v7 =	vld [tilespmem:s5+$0x40];
	_ =	sdelay $0x4  }
0x36e: {  	v7 =	vsub.f32 v7, v5;
	_ =	sdelay $0x1  }
0x36f: {  	[tilespmem:v2+s2+$0x40 ss:$0x1] =	vst.idx.msk $0xffff, v7  }
0x370: {  	v7 =	vld [tilespmem:s5+$0x50];
	_ =	sdelay $0x4  }
0x371: {  	v7 =	vsub.f32 v7, v5;
	_ =	sdelay $0x1  }
0x372: {  	[tilespmem:v2+s2+$0x50 ss:$0x1] =	vst.idx.msk $0xffff, v7  }
0x373: {  	v7 =	vld [tilespmem:s5+$0x60];
	_ =	sdelay $0x4  }
0x374: {  	v7 =	vsub.f32 v7, v5;
	_ =	sdelay $0x1  }
0x375: {  	[tilespmem:v2+s2+$0x60 ss:$0x1] =	vst.idx.msk $0xffff, v7  }
0x376: {  	v7 =	vld [tilespmem:s5+$0x70];
	_ =	sdelay $0x4  }
0x377: {  	v7 =	vsub.f32 v7, v5;
	_ =	sdelay $0x1  }
0x378: {  	s28 =	sadd.s32 s4, s3;
	[tilespmem:v2+s2+$0x70 ss:$0x1] =	vst.idx.msk $0xffff, v7  }
0x379: {  	v7 =	vld [tilespmem:s28+$0x0];
	_ =	sdelay $0x4  }
0x37a: {  	v7 =	vsub.f32 v7, v6;
	_ =	sdelay $0x1  }
0x37b: {  	[tilespmem:v2+s2+$0x80 ss:$0x1] =	vst.idx.msk $0xffff, v7  }
0x37c: {  	v7 =	vld [tilespmem:s28+$0x10];
	_ =	sdelay $0x4  }
0x37d: {  	v7 =	vsub.f32 v7, v6;
	_ =	sdelay $0x1  }
0x37e: {  	[tilespmem:v2+s2+$0x90 ss:$0x1] =	vst.idx.msk $0xffff, v7  }
0x37f: {  	v7 =	vld [tilespmem:s28+$0x20];
	_ =	sdelay $0x4  }
0x380: {  	v7 =	vsub.f32 v7, v6;
	_ =	sdelay $0x1  }
0x381: {  	[tilespmem:v2+s2+$0xA0 ss:$0x1] =	vst.idx.msk $0xffff, v7  }
0x382: {  	v7 =	vld [tilespmem:s28+$0x30];
	_ =	sdelay $0x4  }
0x383: {  	v7 =	vsub.f32 v7, v6;
	_ =	sdelay $0x1  }
0x384: {  	[tilespmem:v2+s2+$0xB0 ss:$0x1] =	vst.idx.msk $0xffff, v7  }
0x385: {  	v7 =	vld [tilespmem:s28+$0x40];
	_ =	sdelay $0x4  }
0x386: {  	v7 =	vsub.f32 v7, v6;
	_ =	sdelay $0x1  }
0x387: {  	[tilespmem:v2+s2+$0xC0 ss:$0x1] =	vst.idx.msk $0xffff, v7  }
0x388: {  	v7 =	vld [tilespmem:s28+$0x50];
	_ =	sdelay $0x4  }
0x389: {  	v7 =	vsub.f32 v7, v6;
	_ =	sdelay $0x1  }
0x38a: {  	[tilespmem:v2+s2+$0xD0 ss:$0x1] =	vst.idx.msk $0xffff, v7  }
0x38b: {  	v7 =	vld [tilespmem:s28+$0x60];
	_ =	sdelay $0x4  }
0x38c: {  	v7 =	vsub.f32 v7, v6;
	_ =	sdelay $0x1  }
0x38d: {  	[tilespmem:v2+s2+$0xE0 ss:$0x1] =	vst.idx.msk $0xffff, v7  }
0x38e: {  	v7 =	vld [tilespmem:s28+$0x70];
	_ =	sdelay $0x4  }
0x38f: {  	v7 =	vsub.f32 v7, v6;
	_ =	sdelay $0x1  }
0x390: {  	s30 =	sadd.s32 s4, s1;
	[tilespmem:v2+s2+$0xF0 ss:$0x1] =	vst.idx.msk $0xffff, v7  }
0x391: {  	v7 =	vld [tilespmem:s30+$0x0];
	_ =	sdelay $0x4  }
0x392: {  	v7 =	vsub.f32 v7, v4;
	_ =	sdelay $0x1  }
0x393: {  	[tilespmem:v2+s2+$0x100 ss:$0x1] =	vst.idx.msk $0xffff, v7  }
0x394: {  	v7 =	vld [tilespmem:s30+$0x10];
	_ =	sdelay $0x4  }
0x395: {  	v7 =	vsub.f32 v7, v4;
	_ =	sdelay $0x1  }
0x396: {  	[tilespmem:v2+s2+$0x110 ss:$0x1] =	vst.idx.msk $0xffff, v7  }
0x397: {  	v7 =	vld [tilespmem:s30+$0x20];
	_ =	sdelay $0x4  }
0x398: {  	v7 =	vsub.f32 v7, v4;
	_ =	sdelay $0x1  }
0x399: {  	[tilespmem:v2+s2+$0x120 ss:$0x1] =	vst.idx.msk $0xffff, v7  }
0x39a: {  	v7 =	vld [tilespmem:s30+$0x30];
	_ =	sdelay $0x4  }
0x39b: {  	v7 =	vsub.f32 v7, v4;
	_ =	sdelay $0x1  }
0x39c: {  	[tilespmem:v2+s2+$0x130 ss:$0x1] =	vst.idx.msk $0xffff, v7  }
0x39d: {  	v7 =	vld [tilespmem:s30+$0x40];
	_ =	sdelay $0x4  }
0x39e: {  	v7 =	vsub.f32 v7, v4;
	_ =	sdelay $0x1  }
0x39f: {  	[tilespmem:v2+s2+$0x140 ss:$0x1] =	vst.idx.msk $0xffff, v7  }
0x3a0: {  	v7 =	vld [tilespmem:s30+$0x50];
	_ =	sdelay $0x4  }
0x3a1: {  	v7 =	vsub.f32 v7, v4;
	_ =	sdelay $0x1  }
0x3a2: {  	[tilespmem:v2+s2+$0x150 ss:$0x1] =	vst.idx.msk $0xffff, v7  }
0x3a3: {  	v7 =	vld [tilespmem:s30+$0x60];
	_ =	sdelay $0x4  }
0x3a4: {  	v7 =	vsub.f32 v7, v4;
	_ =	sdelay $0x1  }
0x3a5: {  	[tilespmem:v2+s2+$0x160 ss:$0x1] =	vst.idx.msk $0xffff, v7  }
0x3a6: {  	v7 =	vld [tilespmem:s30+$0x70];
	_ =	sdelay $0x4  }
0x3a7: {  	v7 =	vsub.f32 v7, v4;
	_ =	sdelay $0x1  }
0x3a8: {  	s4 =	sadd.s32 s4, s0;
	[tilespmem:v2+s2+$0x170 ss:$0x1] =	vst.idx.msk $0xffff, v7  }
0x3a9: {  	v7 =	vld [tilespmem:s4+$0x0];
	_ =	sdelay $0x4  }
0x3aa: {  	v7 =	vsub.f32 v7, v3;
	_ =	sdelay $0x1  }
0x3ab: {  	[tilespmem:v2+s2+$0x180 ss:$0x1] =	vst.idx.msk $0xffff, v7  }
0x3ac: {  	v7 =	vld [tilespmem:s4+$0x10];
	_ =	sdelay $0x4  }
0x3ad: {  	v7 =	vsub.f32 v7, v3;
	_ =	sdelay $0x1  }
0x3ae: {  	[tilespmem:v2+s2+$0x190 ss:$0x1] =	vst.idx.msk $0xffff, v7  }
0x3af: {  	v7 =	vld [tilespmem:s4+$0x20];
	_ =	sdelay $0x4  }
0x3b0: {  	v7 =	vsub.f32 v7, v3;
	_ =	sdelay $0x1  }
0x3b1: {  	[tilespmem:v2+s2+$0x1A0 ss:$0x1] =	vst.idx.msk $0xffff, v7  }
0x3b2: {  	v7 =	vld [tilespmem:s4+$0x30];
	_ =	sdelay $0x4  }
0x3b3: {  	v7 =	vsub.f32 v7, v3;
	_ =	sdelay $0x1  }
0x3b4: {  	[tilespmem:v2+s2+$0x1B0 ss:$0x1] =	vst.idx.msk $0xffff, v7  }
0x3b5: {  	v7 =	vld [tilespmem:s4+$0x40];
	_ =	sdelay $0x4  }
0x3b6: {  	v7 =	vsub.f32 v7, v3;
	_ =	sdelay $0x1  }
0x3b7: {  	[tilespmem:v2+s2+$0x1C0 ss:$0x1] =	vst.idx.msk $0xffff, v7  }
0x3b8: {  	v7 =	vld [tilespmem:s4+$0x50];
	_ =	sdelay $0x4  }
0x3b9: {  	v7 =	vsub.f32 v7, v3;
	_ =	sdelay $0x1  }
0x3ba: {  	[tilespmem:v2+s2+$0x1D0 ss:$0x1] =	vst.idx.msk $0xffff, v7  }
0x3bb: {  	v7 =	vld [tilespmem:s4+$0x60];
	_ =	sdelay $0x4  }
0x3bc: {  	v7 =	vsub.f32 v7, v3;
	_ =	sdelay $0x1  }
0x3bd: {  	[tilespmem:v2+s2+$0x1E0 ss:$0x1] =	vst.idx.msk $0xffff, v7  }
0x3be: {  	v7 =	vld [tilespmem:s4+$0x70];
	_ =	sdelay $0x4  }
0x3bf: {  	v7 =	vsub.f32 v7, v3;
	_ =	sdelay $0x1  }
0x3c0: {  	[tilespmem:v2+s2+$0x1F0 ss:$0x1] =	vst.idx.msk $0xffff, v7  }
.LBB2_32:
0x3c1: {  	s2 =	sand.u32 $0xFFFFFF80, s18  }
0x3c2: {  	s2 =	sadd.s32 s21, s2  }
0x3c3: {  	s2 =	ssub.s32 s31, s2  }
0x3c4: {  	s2 =	sshra.s32 s2, $0x4  }
0x3c5: {  	p0 =	slt.s32 s2, $0x1  }
.Ltmp22:
0x3c6: {  	_ = 	snop;
	(pc) =	sbr.rel @p0 .LBB2_44-.Ltmp22, $1  }
0x3c7: {  	_ =	sdelay $0x3  }
0x3c8: {  	s4 =	ssub.s32 s12, s29;
	v19 =	vmov s17  }
0x3c9: {  	s5 =	sshll.u32 s4, $0x2  }
0x3ca: {  	s5 =	sand.u32 $0xFFFFFE00, s5  }
0x3cb: {  	s30 =	sld [smem:$0x7FA];
	p1 =	seq.s32 s2, $0x1;
	s22 =	sadd.s32 s26, s5  }
.Ltmp23:
0x3cc: {  	s4 =	sand.u32 $0xFFFFFF80, s4;
	s13 =	sshra.s32 s22, $0x2;
	(pc) =	sbr.rel @p1 .LBB2_34-.Ltmp23, $4  }
0x3cd: {  	s9 =	sadd.s32 s4, s29;
	s29 =	sld [smem:$0x7F8];
	v20 =	vld.idx.msk [tilespmem:v19+s13+$0x0 ss:$0x1], $0xffff  }
0x3ce: {  	p3 =	por $0x0, $0x0  }
0x3cf: {  	p4 =	por $0x0, $0x0;
	p5 =	por $0x0, $0x0;
	p6 =	por $0x0, $0x0  }
0x3d0: {  	v7 =	vmov s20;
	p0 =	por $0x0, $0x0;
	s4 =	sadd.s32 $0xFFFFFFFF, s2;
	v8 =	vmov s30;
	s2 =	sadd.s32 $0x40, s22;
	v9 =	vmov s29  }
0x3d1: {  	_ =	sdelay $0x1  }
0x3d2: {  	p1 =	seq.s32 s4, $0x1  }
.Ltmp24:
0x3d3: {  	s5 =	sand.u32 $0xFFFFFE00, s22;
	s15 =	sshra.s32 s2, $0x2;
	(pc) =	sbr.rel @p1 .LBB2_47-.Ltmp24, $4  }
0x3d4: {  	s8 =	sand.u32 $0x7F, s9;
	v10 =	vsub.f32 v20, v5;
	s5 =	sadd.s32 s5, s10;
	v20 =	vld.idx.msk [tilespmem:v19+s15+$0x0 ss:$0x1], $0xffff  }
0x3d5: {  	s14 =	sadd.s32 s8, s5  }
0x3d6: {  	s4 =	sadd.s32 $0xFFFFFFFF, s4;
	[tilespmem:s14+$0x0] =	vst v10  }
0x3d7: {  	s22 =	sadd.s32 $0x40, s2;
	s9 =	sadd.s32 $0x10, s9;
	p3 =	por $0x1, $0x1;
	v10 =	vld.idx.msk [tilespmem:v9+s13+$0x0 ss:$0x1], $0xffff  }
0x3d8: {  	_ =	sdelay $0x1  }
0x3d9: {  	p1 =	seq.s32 s4, $0x1  }
.Ltmp25:
0x3da: {  	s2 =	sand.u32 $0xFFFFFE00, s2;
	s19 =	sshra.s32 s22, $0x2;
	(pc) =	sbr.rel @p1 .LBB2_49-.Ltmp25, $4  }
0x3db: {  	s5 =	sand.u32 $0x7F, s9;
	v11 =	vsub.f32 v20, v5;
	s2 =	sadd.s32 s2, s10;
	v20 =	vld.idx.msk [tilespmem:v19+s19+$0x0 ss:$0x1], $0xffff  }
0x3dc: {  	s16 =	sadd.s32 s5, s2  }
0x3dd: {  	s4 =	sadd.s32 $0xFFFFFFFF, s4;
	[tilespmem:s16+$0x0] =	vst v11  }
0x3de: {  	s9 =	sadd.s32 $0x10, s9;
	p4 =	por $0x1, $0x1;
	s2 =	sadd.s32 $0x40, s22;
	v15 =	vld.idx.msk [tilespmem:v9+s15+$0x0 ss:$0x1], $0xffff;
	v12 =	vsub.f32 v10, v6  }
0x3df: {  	_ =	sdelay $0x1  }
0x3e0: {  	p1 =	seq.s32 s4, $0x1  }
.Ltmp26:
0x3e1: {  	s5 =	sand.u32 $0xFFFFFE00, s22;
	s30 =	sshra.s32 s2, $0x2;
	(pc) =	sbr.rel @p1 .LBB2_51-.Ltmp26, $4  }
0x3e2: {  	s8 =	sand.u32 $0x7F, s9;
	v10 =	vsub.f32 v20, v5;
	s5 =	sadd.s32 s5, s10;
	v20 =	vld.idx.msk [tilespmem:v19+s30+$0x0 ss:$0x1], $0xffff  }
0x3e3: {  	[tilespmem:s14+$0x80] =	vst v12;
	s21 =	sadd.s32 s8, s5  }
0x3e4: {  	s4 =	sadd.s32 $0xFFFFFFFF, s4;
	v11 =	vld.idx.msk [tilespmem:v8+s13+$0x0 ss:$0x1], $0xffff;
	[tilespmem:s21+$0x0] =	vst v10  }
0x3e5: {  	s22 =	sadd.s32 $0x40, s2;
	s9 =	sadd.s32 $0x10, s9;
	p5 =	por $0x1, $0x1;
	v10 =	vld.idx.msk [tilespmem:v9+s19+$0x0 ss:$0x1], $0xffff;
	v12 =	vsub.f32 v15, v6  }
0x3e6: {  	_ =	sdelay $0x1  }
0x3e7: {  	s2 =	sand.u32 $0xFFFFFE00, s2;
	s5 =	sshra.s32 s22, $0x2;
	p1 =	seq.s32 s4, $0x1  }
.Ltmp27:
0x3e8: {  	s8 =	sand.u32 $0x7F, s9;
	v13 =	vsub.f32 v20, v5;
	s2 =	sadd.s32 s2, s10;
	(pc) =	sbr.rel @p1 .LBB2_53-.Ltmp27, $4  }
0x3e9: {  	[tilespmem:s16+$0x80] =	vst v12;
	v20 =	vld.idx.msk [tilespmem:v19+s5+$0x0 ss:$0x1], $0xffff;
	s23 =	sadd.s32 s8, s2;
	v12 =	vsub.f32 v11, v4  }
0x3ea: {  	v16 =	vld.idx.msk [tilespmem:v8+s15+$0x0 ss:$0x1], $0xffff;
	[tilespmem:s23+$0x0] =	vst v13  }
0x3eb: {  	s4 =	sadd.s32 $0xFFFFFFFF, s4;
	v18 =	vld.idx.msk [tilespmem:v9+s30+$0x0 ss:$0x1], $0xffff;
	[tilespmem:s14+$0x100] =	vst v12  }
0x3ec: {  	s17 =	sadd.s32 $0x40, s22;
	s9 =	sadd.s32 $0x10, s9;
	p6 =	por $0x1, $0x1;
	v17 =	vsub.f32 v10, v6;
	v15 =	vld.idx.msk [tilespmem:v7+s13+$0x0 ss:$0x1], $0xffff  }
0x3ed: {  	_ =	sdelay $0x1  }
0x3ee: {  	s2 =	sand.u32 $0xFFFFFE00, s22;
	s8 =	sshra.s32 s17, $0x2;
	p1 =	seq.s32 s4, $0x1  }
.Ltmp28:
0x3ef: {  	s12 =	sand.u32 $0x7F, s9;
	v10 =	vsub.f32 v20, v5;
	s2 =	sadd.s32 s2, s10;
	(pc) =	sbr.rel @p1 .LBB2_55-.Ltmp28, $4  }
0x3f0: {  	[tilespmem:s21+$0x80] =	vst v17;
	v20 =	vld.idx.msk [tilespmem:v19+s8+$0x0 ss:$0x1], $0xffff;
	s2 =	sadd.s32 s12, s2;
	v12 =	vsub.f32 v16, v4  }
0x3f1: {  	s4 =	sadd.s32 $0xFFFFFFFF, s4;
	s9 =	sadd.s32 $0x10, s9;
	v14 =	vld.idx.msk [tilespmem:v8+s19+$0x0 ss:$0x1], $0xffff;
	[tilespmem:s2+$0x0] =	vst v10  }
0x3f2: {  	p0 =	por $0x1, $0x1;
	s24 =	smov.u32 s14;
	s25 =	smov.u32 s16;
	v10 =	vld.idx.msk [tilespmem:v9+s5+$0x0 ss:$0x1], $0xffff;
	[tilespmem:s16+$0x100] =	vst v12  }
0x3f3: {  	s29 =	smov.u32 s21;
	s28 =	smov.u32 s19;
	s12 =	sadd.s32 $0x40, s17;
	v12 =	vsub.f32 v18, v6;
	v13 =	vsub.f32 v15, v3;
	v18 =	vld.idx.msk [tilespmem:v7+s15+$0x0 ss:$0x1], $0xffff  }
.LBB2_56:
0x3f4: {  	s18 =	sand.u32 $0x7F, s9  }
0x3f5: {  	s17 =	sand.u32 $0xFFFFFE00, s17;
	s22 =	smov.u32 s30;
	s30 =	smov.u32 s5  }
0x3f6: {  	[tilespmem:s23+$0x80] =	vst v12;
	s5 =	smov.u32 s8;
	s8 =	sshra.s32 s12, $0x2;
	p1 =	seq.s32 s4, $0x1  }
.Ltmp29:
0x3f7: {  	s4 =	sadd.s32 $0xFFFFFFFF, s4;
	v12 =	vsub.f32 v20, v5;
	v20 =	vld.idx.msk [tilespmem:v19+s8+$0x0 ss:$0x1], $0xffff;
	s17 =	sadd.s32 s17, s10;
	[tilespmem:s24+$0x180] =	vst v13;
	(pc) =	sbr.rel @!p1 .LBB2_56-.Ltmp29, $4  }
0x3f8: {  	v13 =	vsub.f32 v14, v4;
	s24 =	smov.u32 s25;
	s25 =	smov.u32 s29;
	s17 =	sadd.s32 s18, s17;
	v14 =	vld.idx.msk [tilespmem:v8+s22+$0x0 ss:$0x1], $0xffff  }
0x3f9: {  	s29 =	smov.u32 s23;
	s23 =	smov.u32 s2;
	[tilespmem:s17+$0x0] =	vst v12;
	s2 =	smov.u32 s17  }
0x3fa: {  	v12 =	vsub.f32 v10, v6;
	s17 =	smov.u32 s12;
	v10 =	vld.idx.msk [tilespmem:v9+s5+$0x0 ss:$0x1], $0xffff;
	[tilespmem:s25+$0x100] =	vst v13  }
0x3fb: {  	s9 =	sadd.s32 $0x10, s9;
	s12 =	sadd.s32 $0x40, s12;
	v13 =	vsub.f32 v18, v3;
	v18 =	vld.idx.msk [tilespmem:v7+s28+$0x0 ss:$0x1], $0xffff;
	s28 =	smov.u32 s22  }
.Ltmp30:
0x3fc: {  	(pc) =	sbr.rel .LBB2_58-.Ltmp30, $4  }
0x3fd: {  	_ = 	snop  }
0x3fe: {  	s26 =	smov.u32 s23  }
0x3ff: {  	s12 =	smov.u32 s30;
	s22 =	smov.u32 s17;
	s4 =	smov.u32 s5  }
0x400: {  	s30 =	smov.u32 s8;
	s23 =	smov.u32 s2;
	s17 =	rddreg [dreg:$0x1f]  }
.LBB2_13:
.Ltmp31:
0x401: {  	(pc) =	sbr.rel .LBB2_26-.Ltmp31, $2  }
0x402: {  	_ =	sdelay $0x2  }
0x403: {  	s3 =	smov.u32 s8;
	s6 =	smov.u32 s1;
	s14 =	smov.u32 s2  }
.LBB2_29:
.Ltmp32:
0x404: {  	(pc) =	sbr.rel .LBB2_43-.Ltmp32, $3  }
0x405: {  	_ =	sdelay $0x1  }
0x406: {  	s25 =	smov.u32 s9;
	s13 =	smov.u32 s9  }
0x407: {  	s1 =	smov.u32 s3;
	s6 =	smov.u32 s15;
	s24 =	smov.u32 s16  }
.LBB2_15:
.Ltmp33:
0x408: {  	(pc) =	sbr.rel .LBB2_26-.Ltmp33, $2  }
0x409: {  	_ =	sdelay $0x2  }
0x40a: {  	s2 =	smov.u32 s8;
	s3 =	smov.u32 s13;
	s28 =	smov.u32 s9  }
.LBB2_36:
.Ltmp34:
0x40b: {  	(pc) =	sbr.rel .LBB2_43-.Ltmp34, $3  }
0x40c: {  	_ =	sdelay $0x1  }
0x40d: {  	s4 =	smov.u32 s9;
	s1 =	smov.u32 s3  }
0x40e: {  	s6 =	smov.u32 s15;
	s24 =	smov.u32 s16;
	s13 =	smov.u32 s25  }
.LBB2_47:
.Ltmp35:
0x40f: {  	(pc) =	sbr.rel .LBB2_58-.Ltmp35, $3  }
0x410: {  	_ =	sdelay $0x1  }
0x411: {  	s4 =	smov.u32 s13  }
0x412: {  	s30 =	smov.u32 s15;
	s23 =	smov.u32 s14;
	s22 =	smov.u32 s2  }
.LBB2_17:
.Ltmp36:
0x413: {  	_ = 	snop;
	(pc) =	sbr.rel .LBB2_26-.Ltmp36, $3  }
0x414: {  	_ =	sdelay $0x1  }
0x415: {  	s17 =	smov.u32 s9;
	s5 =	smov.u32 s8;
	s2 =	smov.u32 s13  }
0x416: {  	s3 =	smov.u32 s16;
	s28 =	smov.u32 s15;
	s14 =	smov.u32 s4;
	v11 =	vmov v15  }
.LBB2_38:
.Ltmp37:
0x417: {  	_ = 	snop;
	(pc) =	sbr.rel .LBB2_43-.Ltmp37, $3  }
0x418: {  	_ =	sdelay $0x1  }
0x419: {  	s4 =	smov.u32 s25;
	s8 =	smov.u32 s9  }
0x41a: {  	s6 =	smov.u32 s15;
	s24 =	smov.u32 s16;
	s25 =	smov.u32 s13;
	v11 =	vmov v7;
	v12 =	vmov v8  }
.LBB2_49:
.Ltmp38:
0x41b: {  	_ = 	snop;
	(pc) =	sbr.rel .LBB2_58-.Ltmp38, $3  }
0x41c: {  	_ =	sdelay $0x1  }
0x41d: {  	s26 =	smov.u32 s14;
	s12 =	smov.u32 s13  }
0x41e: {  	s4 =	smov.u32 s15;
	s30 =	smov.u32 s19;
	s23 =	smov.u32 s16;
	v10 =	vmov v15  }
.LBB2_19:
.Ltmp39:
0x41f: {  	(pc) =	sbr.rel .LBB2_26-.Ltmp39, $3  }
0x420: {  	_ =	sdelay $0x1  }
0x421: {  	s17 =	smov.u32 s15;
	s5 =	smov.u32 s13;
	s2 =	smov.u32 s16  }
0x422: {  	s28 =	smov.u32 s19;
	s30 =	smov.u32 s9;
	s29 =	smov.u32 s8;
	v17 =	vmov v12  }
.LBB2_40:
.Ltmp40:
0x423: {  	(pc) =	sbr.rel .LBB2_43-.Ltmp40, $4  }
0x424: {  	_ = 	snop  }
0x425: {  	s4 =	smov.u32 s13;
	s8 =	smov.u32 s25  }
0x426: {  	s19 =	smov.u32 s9;
	s24 =	smov.u32 s16;
	s25 =	smov.u32 s26  }
0x427: {  	s13 =	smov.u32 s26;
	s26 =	smov.u32 s2;
	s30 =	smov.u32 s5  }
.LBB2_51:
.Ltmp41:
0x428: {  	(pc) =	sbr.rel .LBB2_58-.Ltmp41, $4  }
0x429: {  	_ = 	snop  }
0x42a: {  	s26 =	smov.u32 s16  }
0x42b: {  	s12 =	smov.u32 s15;
	s4 =	smov.u32 s19;
	s23 =	smov.u32 s21  }
0x42c: {  	s22 =	smov.u32 s2;
	s29 =	smov.u32 s14;
	s28 =	smov.u32 s13;
	v14 =	vmov v11  }
.LBB2_21:
.Ltmp42:
0x42d: {  	_ = 	snop;
	(pc) =	sbr.rel .LBB2_26-.Ltmp42, $4  }
0x42e: {  	_ = 	snop  }
0x42f: {  	s2 =	smov.u32 s3;
	s14 =	smov.u32 s5  }
0x430: {  	s17 =	smov.u32 s19;
	s5 =	smov.u32 s16;
	s3 =	smov.u32 s4  }
0x431: {  	s26 =	smov.u32 s9;
	s30 =	smov.u32 s15;
	s29 =	smov.u32 s13;
	v13 =	vmovc v18;
	v17 =	vmov v16;
	v11 =	vmov v20;
	v20 =	vmov v15  }
.LBB2_53:
.Ltmp43:
0x432: {  	_ = 	snop;
	(pc) =	sbr.rel .LBB2_58-.Ltmp43, $4  }
0x433: {  	_ = 	snop  }
0x434: {  	s4 =	smov.u32 s30;
	s26 =	smov.u32 s21  }
0x435: {  	s12 =	smov.u32 s19;
	s30 =	smov.u32 s5;
	s25 =	smov.u32 s14  }
0x436: {  	s29 =	smov.u32 s16;
	s28 =	smov.u32 s15;
	s17 =	rddreg [dreg:$0x1f];
	v12 =	vmovc v17;
	v14 =	vmov v16;
	v10 =	vmov v18;
	v18 =	vmov v15  }
.LBB2_23:
.Ltmp44:
0x437: {  	(pc) =	sbr.rel .LBB2_26-.Ltmp44, $4  }
0x438: {  	_ = 	snop  }
0x439: {  	s17 =	smov.u32 s28;
	s5 =	smov.u32 s3;
	s2 =	smov.u32 s4  }
0x43a: {  	s3 =	smov.u32 s12;
	s25 =	smov.u32 s9;
	s26 =	smov.u32 s15  }
0x43b: {  	s30 =	smov.u32 s19;
	s28 =	smov.u32 s24;
	s29 =	smov.u32 s16  }
.LBB2_55:
.Ltmp45:
0x43c: {  	(pc) =	sbr.rel .LBB2_58-.Ltmp45, $4  }
0x43d: {  	s26 =	smov.u32 s23;
	s12 =	smov.u32 s30  }
0x43e: {  	s22 =	smov.u32 s17;
	s4 =	smov.u32 s5;
	s30 =	smov.u32 s8  }
0x43f: {  	s24 =	smov.u32 s14;
	s25 =	smov.u32 s16;
	s29 =	smov.u32 s21  }
0x440: {  	s23 =	smov.u32 s2;
	s28 =	smov.u32 s19;
	s17 =	rddreg [dreg:$0x1f]  }
.LBB2_45:
0x441: {  	s0 =	sld [smem:$0x7F5]  }
0x442: {  	s4 =	rddreg [dreg:$0x11]  }
0x443: {  	s5 =	rddreg [dreg:$0x12]  }
.Ltmp46:
0x444: {  	s6 =	rddreg [dreg:$0x13];
	(pc) =	sbr.rel .LBB2_4-.Ltmp46, $4  }
0x445: {  	s9 =	rddreg [dreg:$0x18]  }
0x446: {  	s10 =	rddreg [dreg:$0x19]  }
0x447: {  	s11 =	rddreg [dreg:$0x1a]  }
0x448: {  	s8 =	simm.s32 $0x0;
	s1 =	rddreg [dreg:$0x1e];
	p2 =	seq.s32 s0, $0x1  }
.LBB2_5:
0x449: {  	s0 =	simm.s32 $0x1  }
0x44a: {  	_ =	swait.ge [sflag:s0], $0x8000  }
0x44b: {  	s1 =	sld [smem:$0x7FD];
	_ =	sdelay $0x2  }
0x44c: {  	p0 =	seq.s32 s1, $0x1  }
.Ltmp47:
0x44d: {  	_ = 	snop;
	(pc) =	sbr.rel @p0 .LBB2_104-.Ltmp47, $3  }
0x44e: {  	_ =	sdelay $0x1  }
0x44f: {  	[sflag:s0] =	ssyncset.done $0x0  }
0x450: {  	[sflag:s0] =	ssyncadd.s32 $0xFFFF8000  }
.Ltmp48:
0x451: {  	(pc) =	sbr.rel .LBB2_7-.Ltmp48, $4  }
0x452: {  	s8 =	simm.s32 $0xF90  }
0x453: {  	s5 =	simm.s32 $0xFFFFFE48;
	s10 =	simm.s32 $0x0;
	s6 =	simm.s32 $0x6F  }
0x454: {  	s7 =	simm.s32 $0x6E;
	s1 =	simm.s32 $0x40C9;
	s2 =	simm.s32 $0x7FE027  }
0x455: {  	s3 =	simm.s32 $0x7FDFB8;
	s4 =	simm.s32 $0x2FD9;
	s0 =	simm.s32 $0x7FDFB8  }
.LBB2_79:
0x456: {  	s7 =	smov.u32 s9  }
.LBB2_101:
0x457: {  	_ = 	snop  }
0x458: {  	s0 =	sand.u32 $0x7F, s12;
	v15 =	vsub.f32 v15, v3;
	s5 =	sand.u32 $0xFFFFFE00, s20  }
0x459: {  	s5 =	sor.u32 s0, s5  }
0x45a: {  	[tilespmem:s5+$0x4080] =	vst v15  }
0x45b: {  	v6 =	vsub.f32 @p2 v6, v4;
	v15 =	vld.idx.msk [tilespmem:v5+s7+$0xFFFFF000 ss:$0x1], $0xffff  }
0x45c: {  	s6 =	smov.u32 @p2 s23;
	s0 =	smov.u32 @p2 s31  }
0x45d: {  	[tilespmem:s26+$0x4100] =	vst @p3 v8;
	s8 =	smov.u32 @p3 s30;
	s19 =	smov.u32 @p2 s6;
	s18 =	smov.u32 @p2 s0;
	v6 =	vpsel p2, v6, v14  }
0x45e: {  	v8 =	vld.idx.msk @p3 [tilespmem:v5+s8+$0x0 ss:$0x1], $0xffff;
	s0 =	smov.u32 @p2 s18;
	[tilespmem:s19+$0x4100] =	vst @p2 v6  }
0x45f: {  	v6 =	vld.idx.msk @p2 [tilespmem:v5+s0+$0x0 ss:$0x1], $0xffff  }
0x460: {  	v61 =	vsub.f32 v15, v4;
	_ =	sdelay $0x1  }
0x461: {  	[tilespmem:s5+$0x4100] =	vst v61  }
0x462: {  	v10 =	vsub.f32 @p4 v10, v2;
	s6 =	smov.u32 @p3 s26;
	v8 =	vpsel p3, v8, v12;
	v62 =	vld.idx.msk [tilespmem:v5+s7+$0x0 ss:$0x1], $0xffff  }
0x463: {  	s10 =	smov.u32 @p4 s29;
	s17 =	smov.u32 @p3 s6;
	s6 =	smov.u32 @p2 s19;
	v8 =	vsub.f32 @p3 v8, v2;
	v6 =	vpsel p2, v6, v7  }
0x464: {  	s12 =	smov.u32 s15;
	[tilespmem:s10+$0x4180] =	vst @p4 v10;
	s15 =	smov.u32 @p2 s6;
	v6 =	vsub.f32 @p2 v6, v2  }
0x465: {  	s16 =	smov.u32 @p3 s8;
	s6 =	smov.u32 @p2 s15;
	[tilespmem:s17+$0x4180] =	vst @p3 v8;
	v7 =	vld.idx.msk @p4 [tilespmem:v5+s28+$0x1000 ss:$0x1], $0xffff  }
0x466: {  	s9 =	smov.u32 @p2 s0;
	v8 =	vld.idx.msk @p3 [tilespmem:v5+s16+$0x1000 ss:$0x1], $0xffff;
	[tilespmem:s6+$0x4180] =	vst @p2 v6  }
0x467: {  	v6 =	vld.idx.msk @p2 [tilespmem:v5+s9+$0x1000 ss:$0x1], $0xffff;
	v63 =	vsub.f32 v62, v2;
	_ =	sdelay $0x1  }
0x468: {  	[tilespmem:s5+$0x4180] =	vst v63  }
0x469: {  	v10 =	vsub.f32 @p5 v13, v1;
	v7 =	vpsel p4, v7, v11;
	v5 =	vld.idx.msk [tilespmem:v5+s7+$0x1000 ss:$0x1], $0xffff  }
0x46a: {  	s12 =	smov.u32 @p4 s10;
	s0 =	smov.u32 @p5 s25;
	v8 =	vpsel p3, v8, v0;
	v7 =	vsub.f32 @p4 v7, v1  }
0x46b: {  	[tilespmem:s24+$0x4200] =	vst @p0 v9;
	s8 =	smov.u32 @p3 s17;
	v9 =	vpsel p5, v10, v0;
	s0 =	smov.u32 @p5 s0;
	v8 =	vsub.f32 @p3 v8, v1;
	s7 =	smov.u32 @p4 s12;
	v6 =	vpsel p2, v6, v0  }
0x46c: {  	[tilespmem:s0+$0x4200] =	vst @p5 v9;
	v7 =	vpsel p4, v7, v0;
	s0 =	smov.u32 @p4 s7;
	s7 =	smov.u32 @p3 s8;
	v6 =	vsub.f32 @p2 v6, v1  }
0x46d: {  	s6 =	smov.u32 @p2 s6;
	[tilespmem:s0+$0x4200] =	vst @p4 v7;
	v7 =	vpsel p3, v8, v0;
	s0 =	smov.u32 @p3 s7  }
0x46e: {  	[tilespmem:s0+$0x4200] =	vst @p3 v7;
	s0 =	smov.u32 @p2 s6;
	v6 =	vpsel p2, v6, v0;
	v5 =	vsub.f32 v5, v1  }
0x46f: {  	[tilespmem:s0+$0x4200] =	vst @p2 v6  }
0x470: {  	[tilespmem:s5+$0x4200] =	vst v5  }
0x471: {  	s18 =	simm.s32 $0x4080;
	s10 =	sld [smem:$0x7EF]  }
.LBB2_102:
0x472: {  	s0 =	sld [smem:$0x7EE];
	_ =	sdelay $0x2  }
0x473: {  	v5 =	vadd.s32 s11, v0;
	s5 =	sadd.s32 s11, s22;
	s0 =	ssub.s32 s0, s11  }
0x474: {  	v7 =	vld [tilespmem:s5+$0x0];
	v8 =	vshll.u32 v5, $0x2;
	v6 =	vmov s0  }
0x475: {  	v5 =	vand.u32 $0x7F, v5;
	v62 =	vand.u32 $0xFFFFFE00, v8;
	vm0 =	vgt.s32 v6, v0  }
0x476: {  	v5 =	vor.u32 v5, v62;
	_ =	sdelay $0x2  }
0x477: {  	v3 =	vsub.f32 v7, v3;
	_ =	sdelay $0x1  }
0x478: {  	s26 =	sadd.s32 s11, s21;
	[tilespmem:v5+s18+$0x0] =	vst.idx.msk vm0, v3  }
0x479: {  	v3 =	vld [tilespmem:s26+$0x0];
	_ =	sdelay $0x1  }
0x47a: {  	v6 =	vor.u32 $0x80, v5;
	_ =	sdelay $0x2  }
0x47b: {  	v3 =	vsub.f32 v3, v4;
	_ =	sdelay $0x1  }
0x47c: {  	s28 =	sadd.s32 s11, s14;
	[tilespmem:v6+s18+$0x0] =	vst.idx.msk vm0, v3  }
0x47d: {  	v3 =	vld [tilespmem:s28+$0x0];
	_ =	sdelay $0x1  }
0x47e: {  	v63 =	vor.u32 $0x100, v5;
	_ =	sdelay $0x2  }
0x47f: {  	v2 =	vsub.f32 v3, v2;
	_ =	sdelay $0x1  }
0x480: {  	s29 =	sadd.s32 s11, s13;
	[tilespmem:v63+s18+$0x0] =	vst.idx.msk vm0, v2  }
0x481: {  	s30 =	sld [smem:$0x7E9];
	v2 =	vld [tilespmem:s29+$0x0]  }
0x482: {  	s7 =	sld [smem:$0x7EA]  }
0x483: {  	s8 =	sld [smem:$0x7EB];
	v3 =	vor.u32 $0x180, v5  }
.Ltmp49:
0x484: {  	_ = 	snop;
	(pc) =	sbr.rel @!p1 .LBB2_103-.Ltmp49, $4  }
0x485: {  	s31 =	sadd.s32 $0x4, s30;
	s5 =	sshra.s32 s30, $0x2;
	s6 =	sadd.s32 $0xFFFFFFFF, s7  }
0x486: {  	s3 =	sadd.s32 s7, s3;
	s7 =	sadd.s32 $0xFFFFFFFF, s8;
	s2 =	sadd.s32 s8, s2;
	v1 =	vsub.f32 v2, v1  }
0x487: {  	s8 =	sld [smem:$0x7ED];
	s10 =	sadd.s32 s5, s10;
	s1 =	sadd.s32 s5, s1  }
0x488: {  	s4 =	sadd.s32 s5, s4;
	s5 =	smov.u32 s31;
	s0 =	sld [smem:$0x7EC];
	[tilespmem:v3+s18+$0x0] =	vst.idx.msk vm0, v1  }
.LBB2_7:
0x489: {  	_ = 	snop  }
0x48a: {  	[smem:$0x7EA] =	sst s6  }
0x48b: {  	[smem:$0x7EB] =	sst s7;
	s22 =	smov.u32 s8;
	s24 =	ssub.s32 s0, s8  }
0x48c: {  	p0 =	sgt.s32 s0, $0x7FE000;
	s7 =	smov.u32 s0;
	s8 =	sadd.s32 $0xFFF, s24  }
0x48d: {  	s7 =	simm.s32 @!p0 $0x7FE000;
	p1 =	slt.s32 s8, $0x7FF800;
	[smem:$0x7EC] =	sst s8  }
0x48e: {  	s9 =	sadd.s32 $0xFF80200F, s7;
	s8 =	simm.s32 @!p1 $0x7FF800  }
0x48f: {  	s23 =	smov.u32 s0;
	s11 =	sadd.s32 $0xFF802000, s8;
	s8 =	sand.u32 $0xFFFFFFF0, s9  }
0x490: {  	s25 =	sadd.s32 $0x1, s22;
	p0 =	slt.s32 s8, s11;
	s9 =	smov.u32 s11  }
0x491: {  	s6 =	ssub.s32 s7, s23;
	s13 =	sadd.s32 $0xFF802000, s7;
	s9 =	smov.u32 @p0 s8  }
0x492: {  	v3 =	vld.msk [tilespmem:s22+$0x0 ss:$0x0], $0xffff;
	s14 =	sadd.s32 s25, s6;
	v1 =	vadd.s32 s13, v0;
	s26 =	ssub.s32 s9, s13  }
0x493: {  	v2 =	vld [tilespmem:s14+$0x0];
	v5 =	vshll.u32 v1, $0x2;
	v4 =	vmov s26  }
0x494: {  	v1 =	vand.u32 $0x7F, v1;
	vm0 =	vgt.s32 v4, v0;
	v4 =	vand.u32 $0xFFFFFE00, v5  }
0x495: {  	v5 =	vor.u32 v1, v4;
	_ =	sdelay $0x2  }
0x496: {  	v6 =	vsub.f32 v2, v3;
	v2 =	vld.msk [tilespmem:s22+$0x2000 ss:$0x0], $0xffff  }
0x497: {  	v4 =	vld.msk [tilespmem:s22+$0x1000 ss:$0x0], $0xffff  }
0x498: {  	v1 =	vld.msk [tilespmem:s22+$0x3000 ss:$0x0], $0xffff;
	[tilespmem:v5+s18+$0x0] =	vst.idx.msk vm0, v6  }
0x499: {  	v6 =	vld [tilespmem:s14+$0x1000];
	_ =	sdelay $0x1  }
0x49a: {  	v7 =	vor.u32 $0x80, v5;
	_ =	sdelay $0x2  }
0x49b: {  	v6 =	vsub.f32 v6, v4;
	_ =	sdelay $0x1  }
0x49c: {  	[tilespmem:v7+s18+$0x0] =	vst.idx.msk vm0, v6  }
0x49d: {  	v6 =	vld [tilespmem:s14+$0x2000];
	_ =	sdelay $0x1  }
0x49e: {  	v7 =	vor.u32 $0x100, v5  }
0x49f: {  	s28 =	ssub.s32 s11, s9  }
0x4a0: {  	[smem:$0x7E9] =	sst s5;
	s29 =	sadd.s32 $0x7F, s9;
	s5 =	sand.u32 $0xFFFFFFF0, s28  }
0x4a1: {  	[smem:$0x7EE] =	sst s11;
	s11 =	sadd.s32 s9, s5;
	s5 =	sand.u32 $0xFFFFFF80, s29;
	v6 =	vsub.f32 v6, v2  }
0x4a2: {  	p2 =	slt.s32 s5, s11;
	s12 =	smov.u32 s11  }
0x4a3: {  	s6 =	smov.u32 s3;
	p0 =	sgt.s32 s3, $0x7FE000;
	s12 =	smov.u32 @p2 s5;
	[tilespmem:v7+s18+$0x0] =	vst.idx.msk vm0, v6  }
0x4a4: {  	s6 =	simm.s32 @!p0 $0x7FE000;
	s31 =	ssub.s32 s12, s9;
	v6 =	vld [tilespmem:s14+$0x3000]  }
0x4a5: {  	s30 =	sadd.s32 $0xFF80200F, s6;
	s6 =	sshra.s32 s31, $0x4  }
0x4a6: {  	p2 =	slt.s32 s6, $0x1;
	v5 =	vor.u32 $0x180, v5  }
.Ltmp50:
0x4a7: {  	s7 =	smov.u32 s2;
	p0 =	slt.s32 s2, $0x7FF800;
	(pc) =	sbr.rel @p2 .LBB2_72-.Ltmp50, $4  }
0x4a8: {  	s7 =	simm.s32 @!p0 $0x7FF800  }
0x4a9: {  	s16 =	sadd.s32 $0xFF802000, s7;
	s5 =	sand.u32 $0xFFFFFFF0, s30;
	v6 =	vsub.f32 v6, v1  }
0x4aa: {  	[smem:$0x7EF] =	sst s10;
	s15 =	smov.u32 s16;
	p0 =	slt.s32 s5, s16  }
0x4ab: {  	[smem:$0x7ED] =	sst s25;
	s15 =	smov.u32 @p0 s5;
	[tilespmem:v5+s18+$0x0] =	vst.idx.msk vm0, v6  }
0x4ac: {  	v5 =	vmov s10;
	p6 =	seq.s32 s6, $0x1  }
.Ltmp51:
0x4ad: {  	_ = 	snop;
	(pc) =	sbr.rel @p6 .LBB2_9-.Ltmp51, $4  }
0x4ae: {  	_ = 	snop  }
0x4af: {  	s5 =	sshll.u32 s15, $0x2;
	s6 =	sadd.s32 $0xFFFFFFFF, s6;
	p2 =	por $0x0, $0x0  }
0x4b0: {  	p3 =	por $0x0, $0x0;
	p4 =	por $0x0, $0x0;
	s17 =	sshra.s32 s5, $0x2  }
0x4b1: {  	p5 =	por $0x0, $0x0;
	p0 =	por $0x0, $0x0;
	s20 =	sadd.s32 $0x40, s5;
	v6 =	vld.idx.msk [tilespmem:v5+s17+$0xFD9 ss:$0x1], $0xffff  }
0x4b2: {  	_ =	sdelay $0x1  }
0x4b3: {  	p6 =	seq.s32 s6, $0x1  }
.Ltmp52:
0x4b4: {  	_ = 	snop;
	(pc) =	sbr.rel @p6 .LBB2_60-.Ltmp52, $4  }
0x4b5: {  	s7 =	sand.u32 $0x7F, s15;
	s5 =	sand.u32 $0xFFFFFE00, s5;
	v7 =	vsub.f32 v6, v3  }
0x4b6: {  	s19 =	sshra.s32 s20, $0x2;
	s18 =	sor.u32 s7, s5  }
0x4b7: {  	s6 =	sadd.s32 $0xFFFFFFFF, s6;
	v6 =	vld.idx.msk [tilespmem:v5+s19+$0xFD9 ss:$0x1], $0xffff;
	[tilespmem:s18+$0x4080] =	vst v7  }
0x4b8: {  	s9 =	sadd.s32 $0x10, s15;
	p2 =	por $0x1, $0x1;
	s5 =	sadd.s32 $0x40, s20;
	v7 =	vld.idx.msk [tilespmem:v5+s17+$0x1FD9 ss:$0x1], $0xffff  }
0x4b9: {  	_ = 	snop  }
0x4ba: {  	p6 =	seq.s32 s6, $0x1  }
.Ltmp53:
0x4bb: {  	_ = 	snop;
	(pc) =	sbr.rel @p6 .LBB2_62-.Ltmp53, $4  }
0x4bc: {  	s7 =	sand.u32 $0x7F, s9;
	s8 =	sand.u32 $0xFFFFFE00, s20;
	v8 =	vsub.f32 v6, v3  }
0x4bd: {  	s22 =	sshra.s32 s5, $0x2;
	s21 =	sor.u32 s7, s8  }
0x4be: {  	s6 =	sadd.s32 $0xFFFFFFFF, s6;
	v6 =	vld.idx.msk [tilespmem:v5+s22+$0xFD9 ss:$0x1], $0xffff;
	[tilespmem:s21+$0x4080] =	vst v8  }
0x4bf: {  	s20 =	sadd.s32 $0x40, s5;
	s9 =	sadd.s32 $0x10, s9;
	p3 =	por $0x1, $0x1;
	v9 =	vsub.f32 v7, v4;
	v11 =	vld.idx.msk [tilespmem:v5+s19+$0x1FD9 ss:$0x1], $0xffff  }
0x4c0: {  	_ = 	snop  }
0x4c1: {  	p6 =	seq.s32 s6, $0x1  }
.Ltmp54:
0x4c2: {  	_ = 	snop;
	(pc) =	sbr.rel @p6 .LBB2_64-.Ltmp54, $4  }
0x4c3: {  	s7 =	sand.u32 $0x7F, s9;
	s5 =	sand.u32 $0xFFFFFE00, s5;
	[tilespmem:s18+$0x4100] =	vst v9;
	v7 =	vsub.f32 v6, v3  }
0x4c4: {  	s31 =	sshra.s32 s20, $0x2;
	s23 =	sor.u32 s7, s5;
	v8 =	vld.idx.msk [tilespmem:v5+s17+$0x2FD9 ss:$0x1], $0xffff  }
0x4c5: {  	s6 =	sadd.s32 $0xFFFFFFFF, s6;
	v6 =	vld.idx.msk [tilespmem:v5+s31+$0xFD9 ss:$0x1], $0xffff;
	[tilespmem:s23+$0x4080] =	vst v7  }
0x4c6: {  	s24 =	sadd.s32 $0x40, s20;
	s9 =	sadd.s32 $0x10, s9;
	p4 =	por $0x1, $0x1;
	v9 =	vsub.f32 v11, v4;
	v7 =	vld.idx.msk [tilespmem:v5+s22+$0x1FD9 ss:$0x1], $0xffff  }
0x4c7: {  	_ =	sdelay $0x1  }
0x4c8: {  	p6 =	seq.s32 s6, $0x1  }
.Ltmp55:
0x4c9: {  	[tilespmem:s21+$0x4100] =	vst v9;
	v9 =	vsub.f32 v8, v2;
	(pc) =	sbr.rel @p6 .LBB2_66-.Ltmp55, $4  }
0x4ca: {  	s5 =	sshra.s32 s24, $0x2;
	s7 =	sand.u32 $0x7F, s9;
	s8 =	sand.u32 $0xFFFFFE00, s20;
	v13 =	vld.idx.msk [tilespmem:v5+s19+$0x2FD9 ss:$0x1], $0xffff;
	v10 =	vsub.f32 v6, v3  }
0x4cb: {  	s28 =	sor.u32 s7, s8;
	v6 =	vld.idx.msk [tilespmem:v5+s5+$0xFD9 ss:$0x1], $0xffff;
	[tilespmem:s18+$0x4180] =	vst v9  }
0x4cc: {  	s6 =	sadd.s32 $0xFFFFFFFF, s6;
	[tilespmem:s28+$0x4080] =	vst v10;
	v11 =	vld.idx.msk [tilespmem:v5+s17+$0x3FD9 ss:$0x1], $0xffff  }
0x4cd: {  	s20 =	sadd.s32 $0x40, s24;
	s9 =	sadd.s32 $0x10, s9;
	p5 =	por $0x1, $0x1;
	v14 =	vsub.f32 v7, v4;
	v15 =	vld.idx.msk [tilespmem:v5+s31+$0x1FD9 ss:$0x1], $0xffff  }
0x4ce: {  	_ =	sdelay $0x1  }
0x4cf: {  	p6 =	seq.s32 s6, $0x1  }
.Ltmp56:
0x4d0: {  	s7 =	sshra.s32 s20, $0x2;
	v9 =	vsub.f32 v13, v2;
	(pc) =	sbr.rel @p6 .LBB2_68-.Ltmp56, $4  }
0x4d1: {  	s8 =	sand.u32 $0x7F, s9;
	s10 =	sand.u32 $0xFFFFFE00, s24;
	[tilespmem:s23+$0x4100] =	vst v14;
	v7 =	vsub.f32 v6, v3;
	v6 =	vld.idx.msk [tilespmem:v5+s7+$0xFD9 ss:$0x1], $0xffff  }
0x4d2: {  	s6 =	sadd.s32 $0xFFFFFFFF, s6;
	s9 =	sadd.s32 $0x10, s9;
	s24 =	sor.u32 s8, s10;
	v12 =	vld.idx.msk [tilespmem:v5+s22+$0x2FD9 ss:$0x1], $0xffff;
	[tilespmem:s21+$0x4180] =	vst v9  }
0x4d3: {  	p0 =	por $0x1, $0x1;
	s25 =	smov.u32 s18;
	s26 =	smov.u32 s21;
	[tilespmem:s24+$0x4080] =	vst v7;
	v9 =	vsub.f32 v15, v4;
	v15 =	vld.idx.msk [tilespmem:v5+s19+$0x3FD9 ss:$0x1], $0xffff  }
0x4d4: {  	s30 =	smov.u32 s23;
	s29 =	smov.u32 s22;
	s8 =	sadd.s32 $0x40, s20;
	v10 =	vsub.f32 v11, v1;
	v7 =	vld.idx.msk [tilespmem:v5+s5+$0x1FD9 ss:$0x1], $0xffff  }
.LBB2_69:
0x4d5: {  	s10 =	sand.u32 $0x7F, s9;
	s0 =	smov.u32 s31;
	s31 =	smov.u32 s5  }
0x4d6: {  	[tilespmem:s28+$0x4100] =	vst v9;
	s5 =	smov.u32 s7;
	s7 =	sshra.s32 s8, $0x2;
	p6 =	seq.s32 s6, $0x1  }
.Ltmp57:
0x4d7: {  	s6 =	sadd.s32 $0xFFFFFFFF, s6;
	v9 =	vsub.f32 v6, v3;
	s20 =	sand.u32 $0xFFFFFE00, s20;
	v6 =	vld.idx.msk [tilespmem:v5+s7+$0xFD9 ss:$0x1], $0xffff;
	[tilespmem:s25+$0x4200] =	vst v10;
	(pc) =	sbr.rel @!p6 .LBB2_69-.Ltmp57, $4  }
0x4d8: {  	s10 =	sor.u32 s10, s20;
	v10 =	vsub.f32 v12, v2;
	s25 =	smov.u32 s26;
	s26 =	smov.u32 s30;
	v12 =	vld.idx.msk [tilespmem:v5+s0+$0x2FD9 ss:$0x1], $0xffff  }
0x4d9: {  	s30 =	smov.u32 s28;
	s28 =	smov.u32 s24;
	s24 =	smov.u32 s10;
	[tilespmem:s10+$0x4080] =	vst v9  }
0x4da: {  	s20 =	smov.u32 s8;
	v9 =	vsub.f32 v7, v4;
	v7 =	vld.idx.msk [tilespmem:v5+s5+$0x1FD9 ss:$0x1], $0xffff;
	[tilespmem:s26+$0x4180] =	vst v10  }
0x4db: {  	s9 =	sadd.s32 $0x10, s9;
	s8 =	sadd.s32 $0x40, s8;
	v10 =	vsub.f32 v15, v1;
	v15 =	vld.idx.msk [tilespmem:v5+s29+$0x3FD9 ss:$0x1], $0xffff;
	s29 =	smov.u32 s0  }
0x4dc: {  	s10 =	smov.u32 s28;
	s8 =	smov.u32 s31  }
0x4dd: {  	s6 =	smov.u32 s5;
	s31 =	smov.u32 s7;
	s28 =	smov.u32 s24  }
.LBB2_71:
0x4de: {  	_ = 	snop  }
0x4df: {  	s0 =	sand.u32 $0x7F, s9;
	v6 =	vsub.f32 v6, v3;
	s5 =	sand.u32 $0xFFFFFE00, s20  }
0x4e0: {  	s5 =	sor.u32 s0, s5  }
0x4e1: {  	[tilespmem:s5+$0x4080] =	vst v6  }
0x4e2: {  	v7 =	vsub.f32 @p2 v7, v4;
	v6 =	vld.idx.msk [tilespmem:v5+s31+$0x1FD9 ss:$0x1], $0xffff  }
0x4e3: {  	s0 =	smov.u32 @p2 s6;
	s6 =	smov.u32 @p2 s28  }
0x4e4: {  	[tilespmem:s10+$0x4100] =	vst @p3 v9;
	s7 =	smov.u32 @p3 s8;
	s23 =	smov.u32 @p2 s6;
	s22 =	smov.u32 @p2 s0;
	v7 =	vpsel p2, v7, v14  }
0x4e5: {  	v9 =	vld.idx.msk @p3 [tilespmem:v5+s7+$0x2FD9 ss:$0x1], $0xffff;
	s0 =	smov.u32 @p2 s22;
	[tilespmem:s23+$0x4100] =	vst @p2 v7  }
0x4e6: {  	v7 =	vld.idx.msk @p2 [tilespmem:v5+s0+$0x2FD9 ss:$0x1], $0xffff  }
0x4e7: {  	v6 =	vsub.f32 v6, v4;
	_ =	sdelay $0x1  }
0x4e8: {  	[tilespmem:s5+$0x4100] =	vst v6  }
0x4e9: {  	s6 =	smov.u32 @p3 s10;
	v9 =	vpsel p3, v9, v13;
	v6 =	vsub.f32 @p4 v12, v2;
	v62 =	vld.idx.msk [tilespmem:v5+s31+$0x2FD9 ss:$0x1], $0xffff  }
0x4ea: {  	s8 =	smov.u32 @p4 s30;
	s21 =	smov.u32 @p3 s6;
	s6 =	smov.u32 @p2 s23;
	v9 =	vsub.f32 @p3 v9, v2;
	v7 =	vpsel p2, v7, v8  }
0x4eb: {  	s9 =	smov.u32 s18;
	s10 =	smov.u32 @p3 s21;
	s18 =	smov.u32 @p2 s6;
	[tilespmem:s8+$0x4180] =	vst @p4 v6;
	v6 =	vsub.f32 @p2 v7, v2  }
0x4ec: {  	s19 =	smov.u32 @p3 s7;
	s6 =	smov.u32 @p2 s18;
	[tilespmem:s10+$0x4180] =	vst @p3 v9;
	v7 =	vld.idx.msk @p4 [tilespmem:v5+s29+$0x3FD9 ss:$0x1], $0xffff  }
0x4ed: {  	s17 =	smov.u32 @p2 s0;
	v8 =	vld.idx.msk @p3 [tilespmem:v5+s19+$0x3FD9 ss:$0x1], $0xffff;
	[tilespmem:s6+$0x4180] =	vst @p2 v6  }
0x4ee: {  	v6 =	vld.idx.msk @p2 [tilespmem:v5+s17+$0x3FD9 ss:$0x1], $0xffff;
	v63 =	vsub.f32 v62, v2;
	_ =	sdelay $0x1  }
0x4ef: {  	[tilespmem:s5+$0x4180] =	vst v63  }
0x4f0: {  	v9 =	vsub.f32 @p5 v15, v1;
	v7 =	vpsel p4, v7, v11;
	v5 =	vld.idx.msk [tilespmem:v5+s31+$0x3FD9 ss:$0x1], $0xffff  }
0x4f1: {  	s9 =	smov.u32 @p4 s8;
	s0 =	smov.u32 @p5 s26;
	v8 =	vpsel p3, v8, v0;
	v7 =	vsub.f32 @p4 v7, v1  }
0x4f2: {  	[tilespmem:s25+$0x4200] =	vst @p0 v10;
	s7 =	smov.u32 @p4 s9;
	s0 =	smov.u32 @p5 s0;
	v9 =	vpsel p5, v9, v0;
	s8 =	smov.u32 @p3 s10;
	v8 =	vsub.f32 @p3 v8, v1;
	v6 =	vpsel p2, v6, v0  }
0x4f3: {  	[tilespmem:s0+$0x4200] =	vst @p5 v9;
	s0 =	smov.u32 @p4 s7;
	s7 =	smov.u32 @p3 s8;
	v7 =	vpsel p4, v7, v0;
	v6 =	vsub.f32 @p2 v6, v1  }
0x4f4: {  	s6 =	smov.u32 @p2 s6;
	[tilespmem:s0+$0x4200] =	vst @p4 v7;
	v7 =	vpsel p3, v8, v0;
	s0 =	smov.u32 @p3 s7  }
0x4f5: {  	[tilespmem:s0+$0x4200] =	vst @p3 v7;
	v6 =	vpsel p2, v6, v0;
	s0 =	smov.u32 @p2 s6;
	v5 =	vsub.f32 v5, v1  }
0x4f6: {  	[tilespmem:s0+$0x4200] =	vst @p2 v6  }
0x4f7: {  	[tilespmem:s5+$0x4200] =	vst v5  }
0x4f8: {  	s18 =	simm.s32 $0x4080;
	s10 =	sld [smem:$0x7EF]  }
.LBB2_72:
0x4f9: {  	s17 =	ssub.s32 s11, s12  }
0x4fa: {  	s5 =	ssub.s32 s16, s15;
	s21 =	sshra.s32 s17, $0x7  }
0x4fb: {  	s6 =	sadd.s32 $0x7F, s15;
	s5 =	sand.u32 $0xFFFFFFF0, s5;
	s7 =	sshrl.u32 s21, $0x1F  }
0x4fc: {  	s6 =	sand.u32 $0xFFFFFF80, s6;
	s16 =	sadd.s32 s5, s15;
	s31 =	sadd.s32 s7, s21  }
0x4fd: {  	p0 =	slt.s32 s6, s16;
	s15 =	smov.u32 s16;
	s19 =	sand.u32 $0xFFFFFFFE, s31  }
0x4fe: {  	s15 =	smov.u32 @p0 s6;
	p0 =	sgt.s32 s19, $0x0  }
.Ltmp58:
0x4ff: {  	_ = 	snop;
	(pc) =	sbr.rel @!p0 .LBB2_75-.Ltmp58, $2  }
0x500: {  	_ =	sdelay $0x2  }
0x501: {  	s20 =	sshra.s32 s12, $0x7;
	s8 =	sshll.u32 s15, $0x2  }
0x502: {  	s5 =	sshra.s32 s8, $0x2  }
0x503: {  	s22 =	sadd.s32 s5, s1  }
0x504: {  	v5 =	vld [tilespmem:s22+$0xFFFFCF90];
	_ =	sdelay $0x3  }
0x505: {  	s0 =	sshll.u32 s20, $0xB  }
0x506: {  	s0 =	sshra.s32 s0, $0x2;
	v5 =	vsub.f32 v5, v3  }
0x507: {  	s24 =	sadd.s32 $0x4280, s0  }
0x508: {  	v6 =	vld [tilespmem:s22+$0xFFFFCF10];
	[tilespmem:s24+$0x0] =	vst v5  }
0x509: {  	v5 =	vld [tilespmem:s22+$0xFFFFCFA0];
	_ =	sdelay $0x3  }
0x50a: {  	v6 =	vsub.f32 v6, v3  }
0x50b: {  	v5 =	vsub.f32 v5, v3  }
0x50c: {  	[tilespmem:s24+$0xFFFFFE00] =	vst v6  }
0x50d: {  	v6 =	vld [tilespmem:s22+$0xFFFFCF20];
	[tilespmem:s24+$0x10] =	vst v5  }
0x50e: {  	v5 =	vld [tilespmem:s22+$0xFFFFCFB0];
	_ =	sdelay $0x3  }
0x50f: {  	v6 =	vsub.f32 v6, v3  }
0x510: {  	v5 =	vsub.f32 v5, v3  }
0x511: {  	[tilespmem:s24+$0xFFFFFE10] =	vst v6  }
0x512: {  	v6 =	vld [tilespmem:s22+$0xFFFFCF30];
	[tilespmem:s24+$0x20] =	vst v5  }
0x513: {  	v5 =	vld [tilespmem:s22+$0xFFFFCFC0];
	_ =	sdelay $0x3  }
0x514: {  	v6 =	vsub.f32 v6, v3  }
0x515: {  	v5 =	vsub.f32 v5, v3  }
0x516: {  	[tilespmem:s24+$0xFFFFFE20] =	vst v6  }
0x517: {  	v6 =	vld [tilespmem:s22+$0xFFFFCF40];
	[tilespmem:s24+$0x30] =	vst v5  }
0x518: {  	v5 =	vld [tilespmem:s22+$0xFFFFCFD0];
	_ =	sdelay $0x3  }
0x519: {  	v6 =	vsub.f32 v6, v3  }
0x51a: {  	v5 =	vsub.f32 v5, v3  }
0x51b: {  	[tilespmem:s24+$0xFFFFFE30] =	vst v6  }
0x51c: {  	v6 =	vld [tilespmem:s22+$0xFFFFCF50];
	[tilespmem:s24+$0x40] =	vst v5  }
0x51d: {  	v5 =	vld [tilespmem:s22+$0xFFFFCFE0];
	_ =	sdelay $0x3  }
0x51e: {  	v6 =	vsub.f32 v6, v3  }
0x51f: {  	v5 =	vsub.f32 v5, v3  }
0x520: {  	[tilespmem:s24+$0xFFFFFE40] =	vst v6  }
0x521: {  	v6 =	vld [tilespmem:s22+$0xFFFFCF60];
	[tilespmem:s24+$0x50] =	vst v5  }
0x522: {  	v5 =	vld [tilespmem:s22+$0xFFFFCFF0];
	_ =	sdelay $0x3  }
0x523: {  	v6 =	vsub.f32 v6, v3  }
0x524: {  	v5 =	vsub.f32 v5, v3  }
0x525: {  	[tilespmem:s24+$0xFFFFFE50] =	vst v6  }
0x526: {  	v6 =	vld [tilespmem:s22+$0xFFFFCF70];
	[tilespmem:s24+$0x60] =	vst v5  }
0x527: {  	v5 =	vld [tilespmem:s22+$0xFFFFD000];
	_ =	sdelay $0x1  }
0x528: {  	p0 =	sgt.s32 s19, $0x2  }
.Ltmp59:
0x529: {  	_ = 	snop;
	(pc) =	sbr.rel @!p0 .LBB2_74-.Ltmp59, $4  }
0x52a: {  	v6 =	vsub.f32 v6, v3  }
0x52b: {  	v5 =	vsub.f32 v5, v3  }
0x52c: {  	p2 =	por $0x0, $0x0;
	[tilespmem:s24+$0xFFFFFE60] =	vst v6  }
0x52d: {  	p3 =	por $0x0, $0x0;
	p4 =	por $0x0, $0x0;
	s23 =	sadd.s32 $0x100, s22;
	v12 =	vld [tilespmem:s22+$0xFFFFCF80];
	[tilespmem:s24+$0x70] =	vst v5  }
0x52e: {  	v5 =	vld [tilespmem:s23+$0xFFFFCF90];
	_ =	sdelay $0x1  }
0x52f: {  	v6 =	vld [tilespmem:s22+$0xFFFFDF90];
	_ =	sdelay $0x1  }
0x530: {  	v7 =	vsub.f32 v12, v3  }
0x531: {  	v5 =	vsub.f32 v5, v3  }
0x532: {  	s29 =	sadd.s32 $0x400, s24;
	[tilespmem:s24+$0xFFFFFE70] =	vst v7;
	v7 =	vld [tilespmem:s23+$0xFFFFCF10]  }
0x533: {  	v6 =	vsub.f32 v6, v4;
	v8 =	vld [tilespmem:s22+$0xFFFFDF10];
	[tilespmem:s29+$0x0] =	vst v5  }
0x534: {  	v5 =	vld [tilespmem:s23+$0xFFFFCFA0]  }
0x535: {  	[tilespmem:s24+$0x80] =	vst v6  }
0x536: {  	v6 =	vld [tilespmem:s22+$0xFFFFDFA0]  }
0x537: {  	v7 =	vsub.f32 v7, v3  }
0x538: {  	v8 =	vsub.f32 v8, v4  }
0x539: {  	[tilespmem:s29+$0xFFFFFE00] =	vst v7;
	v5 =	vsub.f32 v5, v3  }
0x53a: {  	v7 =	vld [tilespmem:s23+$0xFFFFCF20];
	[tilespmem:s24+$0xFFFFFE80] =	vst v8  }
0x53b: {  	v6 =	vsub.f32 v6, v4;
	v8 =	vld [tilespmem:s22+$0xFFFFDF20];
	[tilespmem:s29+$0x10] =	vst v5  }
0x53c: {  	v5 =	vld [tilespmem:s23+$0xFFFFCFB0]  }
0x53d: {  	[tilespmem:s24+$0x90] =	vst v6  }
0x53e: {  	v6 =	vld [tilespmem:s22+$0xFFFFDFB0]  }
0x53f: {  	v7 =	vsub.f32 v7, v3  }
0x540: {  	v8 =	vsub.f32 v8, v4  }
0x541: {  	[tilespmem:s29+$0xFFFFFE10] =	vst v7;
	v5 =	vsub.f32 v5, v3  }
0x542: {  	v7 =	vld [tilespmem:s23+$0xFFFFCF30];
	[tilespmem:s24+$0xFFFFFE90] =	vst v8  }
0x543: {  	v6 =	vsub.f32 v6, v4;
	v8 =	vld [tilespmem:s22+$0xFFFFDF30];
	[tilespmem:s29+$0x20] =	vst v5  }
0x544: {  	v5 =	vld [tilespmem:s23+$0xFFFFCFC0]  }
0x545: {  	[tilespmem:s24+$0xA0] =	vst v6  }
0x546: {  	v6 =	vld [tilespmem:s22+$0xFFFFDFC0]  }
0x547: {  	v7 =	vsub.f32 v7, v3  }
0x548: {  	v8 =	vsub.f32 v8, v4  }
0x549: {  	[tilespmem:s29+$0xFFFFFE20] =	vst v7;
	v5 =	vsub.f32 v5, v3  }
0x54a: {  	v7 =	vld [tilespmem:s23+$0xFFFFCF40];
	[tilespmem:s24+$0xFFFFFEA0] =	vst v8  }
0x54b: {  	v6 =	vsub.f32 v6, v4;
	v8 =	vld [tilespmem:s22+$0xFFFFDF40];
	[tilespmem:s29+$0x30] =	vst v5  }
0x54c: {  	v5 =	vld [tilespmem:s23+$0xFFFFCFD0]  }
0x54d: {  	[tilespmem:s24+$0xB0] =	vst v6  }
0x54e: {  	v6 =	vld [tilespmem:s22+$0xFFFFDFD0]  }
0x54f: {  	v7 =	vsub.f32 v7, v3  }
0x550: {  	v8 =	vsub.f32 v8, v4  }
0x551: {  	[tilespmem:s29+$0xFFFFFE30] =	vst v7;
	v5 =	vsub.f32 v5, v3  }
0x552: {  	v7 =	vld [tilespmem:s23+$0xFFFFCF50];
	[tilespmem:s24+$0xFFFFFEB0] =	vst v8  }
0x553: {  	v6 =	vsub.f32 v6, v4;
	v8 =	vld [tilespmem:s22+$0xFFFFDF50];
	[tilespmem:s29+$0x40] =	vst v5  }
0x554: {  	v5 =	vld [tilespmem:s23+$0xFFFFCFE0]  }
0x555: {  	[tilespmem:s24+$0xC0] =	vst v6  }
0x556: {  	v6 =	vld [tilespmem:s22+$0xFFFFDFE0]  }
0x557: {  	v7 =	vsub.f32 v7, v3  }
0x558: {  	v8 =	vsub.f32 v8, v4  }
0x559: {  	[tilespmem:s29+$0xFFFFFE40] =	vst v7;
	v5 =	vsub.f32 v5, v3  }
0x55a: {  	v7 =	vld [tilespmem:s23+$0xFFFFCF60];
	[tilespmem:s24+$0xFFFFFEC0] =	vst v8  }
0x55b: {  	v6 =	vsub.f32 v6, v4;
	v8 =	vld [tilespmem:s22+$0xFFFFDF60];
	[tilespmem:s29+$0x50] =	vst v5  }
0x55c: {  	v5 =	vld [tilespmem:s23+$0xFFFFCFF0]  }
0x55d: {  	[tilespmem:s24+$0xD0] =	vst v6  }
0x55e: {  	v6 =	vld [tilespmem:s22+$0xFFFFDFF0]  }
0x55f: {  	v7 =	vsub.f32 v7, v3  }
0x560: {  	v8 =	vsub.f32 v8, v4  }
0x561: {  	[tilespmem:s29+$0xFFFFFE50] =	vst v7;
	v5 =	vsub.f32 v5, v3  }
0x562: {  	v7 =	vld [tilespmem:s23+$0xFFFFCF70];
	[tilespmem:s24+$0xFFFFFED0] =	vst v8  }
0x563: {  	v6 =	vsub.f32 v6, v4;
	v8 =	vld [tilespmem:s22+$0xFFFFDF70];
	[tilespmem:s29+$0x60] =	vst v5  }
0x564: {  	v5 =	vld [tilespmem:s23+$0xFFFFD000]  }
0x565: {  	[tilespmem:s24+$0xE0] =	vst v6  }
0x566: {  	p0 =	sgt.s32 s19, $0x4;
	v6 =	vld [tilespmem:s22+$0xFFFFE000]  }
.Ltmp60:
0x567: {  	v7 =	vsub.f32 v7, v3;
	(pc) =	sbr.rel @!p0 .LBB2_81-.Ltmp60, $4  }
0x568: {  	v8 =	vsub.f32 v8, v4  }
0x569: {  	[tilespmem:s29+$0xFFFFFE60] =	vst v7;
	v5 =	vsub.f32 v5, v3  }
0x56a: {  	v12 =	vld [tilespmem:s23+$0xFFFFCF80];
	[tilespmem:s24+$0xFFFFFEE0] =	vst v8  }
0x56b: {  	s28 =	sadd.s32 $0x100, s23;
	p2 =	por $0x1, $0x1;
	v13 =	vsub.f32 v6, v4;
	v11 =	vld [tilespmem:s22+$0xFFFFDF80];
	[tilespmem:s29+$0x70] =	vst v5  }
0x56c: {  	v5 =	vld [tilespmem:s28+$0xFFFFCF90]  }
0x56d: {  	v6 =	vld [tilespmem:s23+$0xFFFFDF90];
	[tilespmem:s24+$0xF0] =	vst v13  }
0x56e: {  	v7 =	vld [tilespmem:s22+$0xFFFFEF90]  }
0x56f: {  	v8 =	vsub.f32 v12, v3  }
0x570: {  	v9 =	vsub.f32 v11, v4  }
0x571: {  	[tilespmem:s29+$0xFFFFFE70] =	vst v8;
	v8 =	vld [tilespmem:s28+$0xFFFFCF10];
	v5 =	vsub.f32 v5, v3  }
0x572: {  	s25 =	sadd.s32 $0x400, s29;
	v6 =	vsub.f32 v6, v4;
	[tilespmem:s24+$0xFFFFFEF0] =	vst v9;
	v9 =	vld [tilespmem:s23+$0xFFFFDF10]  }
0x573: {  	v10 =	vld [tilespmem:s22+$0xFFFFEF10];
	[tilespmem:s25+$0x0] =	vst v5;
	v5 =	vsub.f32 v7, v2  }
0x574: {  	[tilespmem:s29+$0x80] =	vst v6;
	v7 =	vld [tilespmem:s28+$0xFFFFCFA0]  }
0x575: {  	v6 =	vld [tilespmem:s23+$0xFFFFDFA0];
	[tilespmem:s24+$0x100] =	vst v5  }
0x576: {  	v5 =	vsub.f32 v8, v3;
	v8 =	vld [tilespmem:s22+$0xFFFFEFA0]  }
0x577: {  	v9 =	vsub.f32 v9, v4  }
0x578: {  	[tilespmem:s25+$0xFFFFFE00] =	vst v5;
	v5 =	vsub.f32 v10, v2  }
0x579: {  	v10 =	vld [tilespmem:s28+$0xFFFFCF20];
	[tilespmem:s29+$0xFFFFFE80] =	vst v9;
	v7 =	vsub.f32 v7, v3  }
0x57a: {  	v9 =	vld [tilespmem:s23+$0xFFFFDF20];
	[tilespmem:s24+$0xFFFFFF00] =	vst v5;
	v5 =	vsub.f32 v6, v4  }
0x57b: {  	v6 =	vld [tilespmem:s22+$0xFFFFEF20];
	[tilespmem:s25+$0x10] =	vst v7;
	v7 =	vsub.f32 v8, v2  }
0x57c: {  	v8 =	vld [tilespmem:s28+$0xFFFFCFB0];
	[tilespmem:s29+$0x90] =	vst v5  }
0x57d: {  	v5 =	vld [tilespmem:s23+$0xFFFFDFB0];
	[tilespmem:s24+$0x110] =	vst v7  }
0x57e: {  	v7 =	vsub.f32 v10, v3;
	v10 =	vld [tilespmem:s22+$0xFFFFEFB0]  }
0x57f: {  	v9 =	vsub.f32 v9, v4  }
0x580: {  	[tilespmem:s25+$0xFFFFFE10] =	vst v7;
	v6 =	vsub.f32 v6, v2  }
0x581: {  	v7 =	vld [tilespmem:s28+$0xFFFFCF30];
	[tilespmem:s29+$0xFFFFFE90] =	vst v9;
	v8 =	vsub.f32 v8, v3  }
0x582: {  	v9 =	vld [tilespmem:s23+$0xFFFFDF30];
	[tilespmem:s24+$0xFFFFFF10] =	vst v6;
	v5 =	vsub.f32 v5, v4  }
0x583: {  	v6 =	vld [tilespmem:s22+$0xFFFFEF30];
	[tilespmem:s25+$0x20] =	vst v8;
	v8 =	vsub.f32 v10, v2  }
0x584: {  	v10 =	vld [tilespmem:s28+$0xFFFFCFC0];
	[tilespmem:s29+$0xA0] =	vst v5  }
0x585: {  	v5 =	vld [tilespmem:s23+$0xFFFFDFC0];
	[tilespmem:s24+$0x120] =	vst v8  }
0x586: {  	v7 =	vsub.f32 v7, v3;
	v8 =	vld [tilespmem:s22+$0xFFFFEFC0]  }
0x587: {  	v9 =	vsub.f32 v9, v4  }
0x588: {  	[tilespmem:s25+$0xFFFFFE20] =	vst v7;
	v6 =	vsub.f32 v6, v2  }
0x589: {  	v7 =	vld [tilespmem:s28+$0xFFFFCF40];
	[tilespmem:s29+$0xFFFFFEA0] =	vst v9;
	v9 =	vsub.f32 v10, v3  }
0x58a: {  	v10 =	vld [tilespmem:s23+$0xFFFFDF40];
	[tilespmem:s24+$0xFFFFFF20] =	vst v6;
	v5 =	vsub.f32 v5, v4  }
0x58b: {  	v6 =	vld [tilespmem:s22+$0xFFFFEF40];
	[tilespmem:s25+$0x30] =	vst v9;
	v8 =	vsub.f32 v8, v2  }
0x58c: {  	v9 =	vld [tilespmem:s28+$0xFFFFCFD0];
	[tilespmem:s29+$0xB0] =	vst v5  }
0x58d: {  	v5 =	vld [tilespmem:s23+$0xFFFFDFD0];
	[tilespmem:s24+$0x130] =	vst v8  }
0x58e: {  	v7 =	vsub.f32 v7, v3;
	v8 =	vld [tilespmem:s22+$0xFFFFEFD0]  }
0x58f: {  	v10 =	vsub.f32 v10, v4  }
0x590: {  	[tilespmem:s25+$0xFFFFFE30] =	vst v7;
	v6 =	vsub.f32 v6, v2  }
0x591: {  	v7 =	vld [tilespmem:s28+$0xFFFFCF50];
	[tilespmem:s29+$0xFFFFFEB0] =	vst v10;
	v9 =	vsub.f32 v9, v3  }
0x592: {  	v10 =	vld [tilespmem:s23+$0xFFFFDF50];
	[tilespmem:s24+$0xFFFFFF30] =	vst v6;
	v5 =	vsub.f32 v5, v4  }
0x593: {  	v6 =	vld [tilespmem:s22+$0xFFFFEF50];
	[tilespmem:s25+$0x40] =	vst v9;
	v8 =	vsub.f32 v8, v2  }
0x594: {  	v9 =	vld [tilespmem:s28+$0xFFFFCFE0];
	[tilespmem:s29+$0xC0] =	vst v5  }
0x595: {  	v5 =	vld [tilespmem:s23+$0xFFFFDFE0];
	[tilespmem:s24+$0x140] =	vst v8  }
0x596: {  	v7 =	vsub.f32 v7, v3;
	v8 =	vld [tilespmem:s22+$0xFFFFEFE0]  }
0x597: {  	v10 =	vsub.f32 v10, v4  }
0x598: {  	[tilespmem:s25+$0xFFFFFE40] =	vst v7;
	v6 =	vsub.f32 v6, v2  }
0x599: {  	v7 =	vld [tilespmem:s28+$0xFFFFCF60];
	[tilespmem:s29+$0xFFFFFEC0] =	vst v10;
	v9 =	vsub.f32 v9, v3  }
0x59a: {  	v10 =	vld [tilespmem:s23+$0xFFFFDF60];
	[tilespmem:s24+$0xFFFFFF40] =	vst v6;
	v5 =	vsub.f32 v5, v4  }
0x59b: {  	v6 =	vld [tilespmem:s22+$0xFFFFEF60];
	[tilespmem:s25+$0x50] =	vst v9;
	v8 =	vsub.f32 v8, v2  }
0x59c: {  	v9 =	vld [tilespmem:s28+$0xFFFFCFF0];
	[tilespmem:s29+$0xD0] =	vst v5  }
0x59d: {  	v5 =	vld [tilespmem:s23+$0xFFFFDFF0];
	[tilespmem:s24+$0x150] =	vst v8  }
0x59e: {  	v7 =	vsub.f32 v7, v3;
	v8 =	vld [tilespmem:s22+$0xFFFFEFF0]  }
0x59f: {  	v10 =	vsub.f32 v10, v4  }
0x5a0: {  	[tilespmem:s25+$0xFFFFFE50] =	vst v7;
	v6 =	vsub.f32 v6, v2  }
0x5a1: {  	v7 =	vld [tilespmem:s28+$0xFFFFCF70];
	[tilespmem:s29+$0xFFFFFED0] =	vst v10;
	v9 =	vsub.f32 v9, v3  }
0x5a2: {  	v10 =	vld [tilespmem:s23+$0xFFFFDF70];
	[tilespmem:s24+$0xFFFFFF50] =	vst v6;
	v5 =	vsub.f32 v5, v4  }
0x5a3: {  	v6 =	vld [tilespmem:s22+$0xFFFFEF70];
	[tilespmem:s25+$0x60] =	vst v9;
	v8 =	vsub.f32 v8, v2  }
0x5a4: {  	v9 =	vld [tilespmem:s28+$0xFFFFD000];
	[tilespmem:s29+$0xE0] =	vst v5  }
0x5a5: {  	v5 =	vld [tilespmem:s23+$0xFFFFE000];
	[tilespmem:s24+$0x160] =	vst v8  }
0x5a6: {  	p0 =	sgt.s32 s19, $0x6;
	v7 =	vsub.f32 v7, v3;
	v8 =	vld [tilespmem:s22+$0xFFFFF000]  }
.Ltmp61:
0x5a7: {  	v10 =	vsub.f32 v10, v4;
	(pc) =	sbr.rel @!p0 .LBB2_83-.Ltmp61, $4  }
0x5a8: {  	[tilespmem:s25+$0xFFFFFE60] =	vst v7;
	v6 =	vsub.f32 v6, v2  }
0x5a9: {  	v12 =	vld [tilespmem:s28+$0xFFFFCF80];
	[tilespmem:s29+$0xFFFFFEE0] =	vst v10;
	v7 =	vsub.f32 v9, v3  }
0x5aa: {  	v11 =	vld [tilespmem:s23+$0xFFFFDF80];
	[tilespmem:s24+$0xFFFFFF60] =	vst v6  }
0x5ab: {  	s26 =	sadd.s32 $0x100, s28;
	p3 =	por $0x1, $0x1;
	v13 =	vsub.f32 v5, v4;
	v6 =	vld [tilespmem:s22+$0xFFFFEF80];
	[tilespmem:s25+$0x70] =	vst v7;
	v5 =	vsub.f32 v8, v2  }
0x5ac: {  	v7 =	vld [tilespmem:s26+$0xFFFFCF90]  }
0x5ad: {  	v8 =	vld [tilespmem:s28+$0xFFFFDF90];
	[tilespmem:s29+$0xF0] =	vst v13  }
0x5ae: {  	[tilespmem:s24+$0x170] =	vst v5;
	v9 =	vsub.f32 v12, v3;
	v10 =	vld [tilespmem:s23+$0xFFFFEF90]  }
0x5af: {  	v12 =	vld [tilespmem:s22+$0xFFFFFF90];
	v11 =	vsub.f32 v11, v4  }
0x5b0: {  	v13 =	vld [tilespmem:s26+$0xFFFFCF10];
	[tilespmem:s25+$0xFFFFFE70] =	vst v9;
	v9 =	vsub.f32 v6, v2  }
0x5b1: {  	[tilespmem:s29+$0xFFFFFEF0] =	vst v11;
	v7 =	vsub.f32 v7, v3;
	v11 =	vld [tilespmem:s28+$0xFFFFDF10]  }
0x5b2: {  	s31 =	sadd.s32 $0x400, s25;
	v8 =	vsub.f32 v8, v4;
	[tilespmem:s24+$0xFFFFFF70] =	vst v9;
	v9 =	vld [tilespmem:s23+$0xFFFFEF10]  }
0x5b3: {  	[tilespmem:s31+$0x0] =	vst v7;
	v7 =	vsub.f32 v10, v2;
	v10 =	vld [tilespmem:s22+$0xFFFFFF10]  }
0x5b4: {  	[tilespmem:s25+$0x80] =	vst v8;
	v8 =	vsub.f32 v12, v1;
	v14 =	vld [tilespmem:s26+$0xFFFFCFA0]  }
0x5b5: {  	v12 =	vsub.f32 v13, v3;
	v13 =	vld [tilespmem:s28+$0xFFFFDFA0];
	[tilespmem:s29+$0x100] =	vst v7  }
0x5b6: {  	[tilespmem:s24+$0x180] =	vst v8;
	v7 =	vsub.f32 v11, v4;
	v11 =	vld [tilespmem:s23+$0xFFFFEFA0]  }
0x5b7: {  	[tilespmem:s31+$0xFFFFFE00] =	vst v12;
	v8 =	vsub.f32 v9, v2;
	v9 =	vld [tilespmem:s22+$0xFFFFFFA0]  }
0x5b8: {  	v12 =	vld [tilespmem:s26+$0xFFFFCF20];
	[tilespmem:s25+$0xFFFFFE80] =	vst v7;
	v7 =	vsub.f32 v10, v1  }
0x5b9: {  	v10 =	vsub.f32 v14, v3;
	v14 =	vld [tilespmem:s28+$0xFFFFDF20];
	[tilespmem:s29+$0xFFFFFF00] =	vst v8  }
0x5ba: {  	v8 =	vsub.f32 v13, v4;
	v13 =	vld [tilespmem:s23+$0xFFFFEF20];
	[tilespmem:s24+$0xFFFFFF80] =	vst v7  }
0x5bb: {  	[tilespmem:s31+$0x10] =	vst v10;
	v7 =	vsub.f32 v11, v2;
	v10 =	vld [tilespmem:s22+$0xFFFFFF20]  }
0x5bc: {  	[tilespmem:s25+$0x90] =	vst v8;
	v11 =	vld [tilespmem:s26+$0xFFFFCFB0];
	v8 =	vsub.f32 v9, v1  }
0x5bd: {  	v9 =	vsub.f32 v12, v3;
	v12 =	vld [tilespmem:s28+$0xFFFFDFB0];
	[tilespmem:s29+$0x110] =	vst v7  }
0x5be: {  	v7 =	vsub.f32 v14, v4;
	v14 =	vld [tilespmem:s23+$0xFFFFEFB0];
	[tilespmem:s24+$0x190] =	vst v8  }
0x5bf: {  	[tilespmem:s31+$0xFFFFFE10] =	vst v9;
	v8 =	vsub.f32 v13, v2;
	v9 =	vld [tilespmem:s22+$0xFFFFFFB0]  }
0x5c0: {  	v13 =	vld [tilespmem:s26+$0xFFFFCF30];
	[tilespmem:s25+$0xFFFFFE90] =	vst v7;
	v7 =	vsub.f32 v10, v1  }
0x5c1: {  	v10 =	vsub.f32 v11, v3;
	v11 =	vld [tilespmem:s28+$0xFFFFDF30];
	[tilespmem:s29+$0xFFFFFF10] =	vst v8  }
0x5c2: {  	v8 =	vsub.f32 v12, v4;
	v12 =	vld [tilespmem:s23+$0xFFFFEF30];
	[tilespmem:s24+$0xFFFFFF90] =	vst v7  }
0x5c3: {  	[tilespmem:s31+$0x20] =	vst v10;
	v7 =	vsub.f32 v14, v2;
	v10 =	vld [tilespmem:s22+$0xFFFFFF30]  }
0x5c4: {  	[tilespmem:s25+$0xA0] =	vst v8;
	v14 =	vld [tilespmem:s26+$0xFFFFCFC0];
	v8 =	vsub.f32 v9, v1  }
0x5c5: {  	v9 =	vsub.f32 v13, v3;
	v13 =	vld [tilespmem:s28+$0xFFFFDFC0];
	[tilespmem:s29+$0x120] =	vst v7  }
0x5c6: {  	v7 =	vsub.f32 v11, v4;
	v11 =	vld [tilespmem:s23+$0xFFFFEFC0];
	[tilespmem:s24+$0x1A0] =	vst v8  }
0x5c7: {  	[tilespmem:s31+$0xFFFFFE20] =	vst v9;
	v8 =	vsub.f32 v12, v2;
	v9 =	vld [tilespmem:s22+$0xFFFFFFC0]  }
0x5c8: {  	v12 =	vld [tilespmem:s26+$0xFFFFCF40];
	[tilespmem:s25+$0xFFFFFEA0] =	vst v7;
	v7 =	vsub.f32 v10, v1  }
0x5c9: {  	v10 =	vsub.f32 v14, v3;
	v14 =	vld [tilespmem:s28+$0xFFFFDF40];
	[tilespmem:s29+$0xFFFFFF20] =	vst v8  }
0x5ca: {  	v8 =	vsub.f32 v13, v4;
	v13 =	vld [tilespmem:s23+$0xFFFFEF40];
	[tilespmem:s24+$0xFFFFFFA0] =	vst v7  }
0x5cb: {  	[tilespmem:s31+$0x30] =	vst v10;
	v7 =	vsub.f32 v11, v2;
	v10 =	vld [tilespmem:s22+$0xFFFFFF40]  }
0x5cc: {  	[tilespmem:s25+$0xB0] =	vst v8;
	v11 =	vld [tilespmem:s26+$0xFFFFCFD0];
	v8 =	vsub.f32 v9, v1  }
0x5cd: {  	v9 =	vsub.f32 v12, v3;
	v12 =	vld [tilespmem:s28+$0xFFFFDFD0];
	[tilespmem:s29+$0x130] =	vst v7  }
0x5ce: {  	v7 =	vsub.f32 v14, v4;
	v14 =	vld [tilespmem:s23+$0xFFFFEFD0];
	[tilespmem:s24+$0x1B0] =	vst v8  }
0x5cf: {  	[tilespmem:s31+$0xFFFFFE30] =	vst v9;
	v8 =	vsub.f32 v13, v2;
	v9 =	vld [tilespmem:s22+$0xFFFFFFD0]  }
0x5d0: {  	v13 =	vld [tilespmem:s26+$0xFFFFCF50];
	[tilespmem:s25+$0xFFFFFEB0] =	vst v7;
	v7 =	vsub.f32 v10, v1  }
0x5d1: {  	v10 =	vsub.f32 v11, v3;
	v11 =	vld [tilespmem:s28+$0xFFFFDF50];
	[tilespmem:s29+$0xFFFFFF30] =	vst v8  }
0x5d2: {  	v8 =	vsub.f32 v12, v4;
	v12 =	vld [tilespmem:s23+$0xFFFFEF50];
	[tilespmem:s24+$0xFFFFFFB0] =	vst v7  }
0x5d3: {  	[tilespmem:s31+$0x40] =	vst v10;
	v7 =	vsub.f32 v14, v2;
	v10 =	vld [tilespmem:s22+$0xFFFFFF50]  }
0x5d4: {  	[tilespmem:s25+$0xC0] =	vst v8;
	v14 =	vld [tilespmem:s26+$0xFFFFCFE0];
	v8 =	vsub.f32 v9, v1  }
0x5d5: {  	v9 =	vsub.f32 v13, v3;
	v13 =	vld [tilespmem:s28+$0xFFFFDFE0];
	[tilespmem:s29+$0x140] =	vst v7  }
0x5d6: {  	v7 =	vsub.f32 v11, v4;
	v11 =	vld [tilespmem:s23+$0xFFFFEFE0];
	[tilespmem:s24+$0x1C0] =	vst v8  }
0x5d7: {  	[tilespmem:s31+$0xFFFFFE40] =	vst v9;
	v8 =	vsub.f32 v12, v2;
	v9 =	vld [tilespmem:s22+$0xFFFFFFE0]  }
0x5d8: {  	v12 =	vld [tilespmem:s26+$0xFFFFCF60];
	[tilespmem:s25+$0xFFFFFEC0] =	vst v7;
	v7 =	vsub.f32 v10, v1  }
0x5d9: {  	v10 =	vsub.f32 v14, v3;
	v14 =	vld [tilespmem:s28+$0xFFFFDF60];
	[tilespmem:s29+$0xFFFFFF40] =	vst v8  }
0x5da: {  	v8 =	vsub.f32 v13, v4;
	v13 =	vld [tilespmem:s23+$0xFFFFEF60];
	[tilespmem:s24+$0xFFFFFFC0] =	vst v7  }
0x5db: {  	[tilespmem:s31+$0x50] =	vst v10;
	v7 =	vsub.f32 v11, v2;
	v10 =	vld [tilespmem:s22+$0xFFFFFF60]  }
0x5dc: {  	[tilespmem:s25+$0xD0] =	vst v8;
	v11 =	vld [tilespmem:s26+$0xFFFFCFF0];
	v8 =	vsub.f32 v9, v1  }
0x5dd: {  	v9 =	vsub.f32 v12, v3;
	v12 =	vld [tilespmem:s28+$0xFFFFDFF0];
	[tilespmem:s29+$0x150] =	vst v7  }
0x5de: {  	v7 =	vsub.f32 v14, v4;
	v14 =	vld [tilespmem:s23+$0xFFFFEFF0];
	[tilespmem:s24+$0x1D0] =	vst v8  }
0x5df: {  	[tilespmem:s31+$0xFFFFFE50] =	vst v9;
	v8 =	vsub.f32 v13, v2;
	v9 =	vld [tilespmem:s22+$0xFFFFFFF0]  }
0x5e0: {  	v13 =	vld [tilespmem:s26+$0xFFFFCF70];
	[tilespmem:s25+$0xFFFFFED0] =	vst v7;
	v7 =	vsub.f32 v10, v1  }
0x5e1: {  	v10 =	vsub.f32 v11, v3;
	v11 =	vld [tilespmem:s28+$0xFFFFDF70];
	[tilespmem:s29+$0xFFFFFF50] =	vst v8  }
0x5e2: {  	v8 =	vsub.f32 v12, v4;
	v12 =	vld [tilespmem:s23+$0xFFFFEF70];
	[tilespmem:s24+$0xFFFFFFD0] =	vst v7  }
0x5e3: {  	[tilespmem:s31+$0x60] =	vst v10;
	v7 =	vsub.f32 v14, v2;
	v10 =	vld [tilespmem:s22+$0xFFFFFF70]  }
0x5e4: {  	[tilespmem:s25+$0xE0] =	vst v8;
	v14 =	vld [tilespmem:s26+$0xFFFFD000];
	v8 =	vsub.f32 v9, v1  }
0x5e5: {  	v9 =	vsub.f32 v13, v3;
	v13 =	vld [tilespmem:s28+$0xFFFFE000];
	[tilespmem:s29+$0x160] =	vst v7  }
0x5e6: {  	p0 =	sgt.s32 s19, $0x8;
	v11 =	vsub.f32 v11, v4;
	v15 =	vld [tilespmem:s23+$0xFFFFF000];
	[tilespmem:s24+$0x1E0] =	vst v8  }
.Ltmp62:
0x5e7: {  	[tilespmem:s31+$0xFFFFFE60] =	vst v9;
	v8 =	vsub.f32 v12, v2;
	v7 =	vld [tilespmem:s22+$0x0];
	(pc) =	sbr.rel @!p0 .LBB2_85-.Ltmp62, $4  }
0x5e8: {  	v12 =	vld [tilespmem:s26+$0xFFFFCF80];
	[tilespmem:s25+$0xFFFFFEE0] =	vst v11;
	v10 =	vsub.f32 v10, v1  }
0x5e9: {  	v14 =	vsub.f32 v14, v3;
	v11 =	vld [tilespmem:s28+$0xFFFFDF80];
	[tilespmem:s29+$0xFFFFFF60] =	vst v8  }
0x5ea: {  	s0 =	smov.u32 s20;
	s9 =	simm.s32 $0x8;
	s18 =	sadd.s32 $0x100, s26;
	v13 =	vsub.f32 v13, v4;
	v9 =	vld [tilespmem:s23+$0xFFFFEF80];
	[tilespmem:s24+$0xFFFFFFE0] =	vst v10  }
0x5eb: {  	p4 =	por $0x1, $0x1;
	s30 =	smov.u32 s24;
	s7 =	smov.u32 s31;
	[tilespmem:s31+$0x70] =	vst v14;
	v10 =	vsub.f32 v15, v2;
	v8 =	vld [tilespmem:s22+$0xFFFFFF80]  }
.LBB2_86:
0x5ec: {  	v14 =	vld [tilespmem:s18+$0xFFFFCF90];
	[tilespmem:s25+$0xF0] =	vst v13;
	v7 =	vsub.f32 v7, v1;
	s20 =	smov.u32 s26;
	s26 =	smov.u32 s18  }
0x5ed: {  	v12 =	vsub.f32 v12, v3;
	v13 =	vld [tilespmem:s20+$0xFFFFDF90];
	[tilespmem:s29+$0x170] =	vst v10  }
0x5ee: {  	v10 =	vsub.f32 v11, v4;
	v11 =	vld [tilespmem:s28+$0xFFFFEF90];
	[tilespmem:s30+$0x1F0] =	vst v7  }
0x5ef: {  	s9 =	sadd.s32 $0x2, s9;
	[tilespmem:s31+$0xFFFFFE70] =	vst v12;
	v7 =	vsub.f32 v9, v2;
	v9 =	vld [tilespmem:s23+$0xFFFFFF90]  }
0x5f0: {  	p0 =	slt.s32 s9, s19;
	v12 =	vld [tilespmem:s18+$0xFFFFCF10];
	[tilespmem:s25+$0xFFFFFEF0] =	vst v10;
	v8 =	vsub.f32 v8, v1  }
0x5f1: {  	v10 =	vsub.f32 v14, v3;
	v14 =	vld [tilespmem:s20+$0xFFFFDF10];
	[tilespmem:s29+$0xFFFFFF70] =	vst v7  }
0x5f2: {  	s31 =	sadd.s32 $0x400, s31;
	v7 =	vsub.f32 v13, v4;
	v13 =	vld [tilespmem:s28+$0xFFFFEF10];
	[tilespmem:s30+$0xFFFFFFF0] =	vst v8;
	s30 =	smov.u32 s29;
	s29 =	smov.u32 s25  }
0x5f3: {  	s25 =	smov.u32 s7;
	s7 =	smov.u32 s31;
	[tilespmem:s31+$0x0] =	vst v10;
	v8 =	vsub.f32 v11, v2;
	v10 =	vld [tilespmem:s23+$0xFFFFFF10]  }
0x5f4: {  	v11 =	vld [tilespmem:s18+$0xFFFFCFA0];
	[tilespmem:s25+$0x80] =	vst v7;
	v7 =	vsub.f32 v9, v1  }
0x5f5: {  	v9 =	vsub.f32 v12, v3;
	v12 =	vld [tilespmem:s20+$0xFFFFDFA0];
	[tilespmem:s29+$0x100] =	vst v8  }
0x5f6: {  	v8 =	vsub.f32 v14, v4;
	v14 =	vld [tilespmem:s28+$0xFFFFEFA0];
	[tilespmem:s30+$0x180] =	vst v7  }
0x5f7: {  	[tilespmem:s31+$0xFFFFFE00] =	vst v9;
	v7 =	vsub.f32 v13, v2;
	v9 =	vld [tilespmem:s23+$0xFFFFFFA0]  }
0x5f8: {  	v13 =	vld [tilespmem:s18+$0xFFFFCF20];
	[tilespmem:s25+$0xFFFFFE80] =	vst v8;
	v8 =	vsub.f32 v10, v1  }
0x5f9: {  	v10 =	vsub.f32 v11, v3;
	v11 =	vld [tilespmem:s20+$0xFFFFDF20];
	[tilespmem:s29+$0xFFFFFF00] =	vst v7  }
0x5fa: {  	v7 =	vsub.f32 v12, v4;
	v12 =	vld [tilespmem:s28+$0xFFFFEF20];
	[tilespmem:s30+$0xFFFFFF80] =	vst v8  }
0x5fb: {  	[tilespmem:s31+$0x10] =	vst v10;
	v8 =	vsub.f32 v14, v2;
	v10 =	vld [tilespmem:s23+$0xFFFFFF20]  }
0x5fc: {  	v14 =	vld [tilespmem:s18+$0xFFFFCFB0];
	[tilespmem:s25+$0x90] =	vst v7;
	v7 =	vsub.f32 v9, v1  }
0x5fd: {  	v9 =	vsub.f32 v13, v3;
	v13 =	vld [tilespmem:s20+$0xFFFFDFB0];
	[tilespmem:s29+$0x110] =	vst v8  }
0x5fe: {  	v8 =	vsub.f32 v11, v4;
	v11 =	vld [tilespmem:s28+$0xFFFFEFB0];
	[tilespmem:s30+$0x190] =	vst v7  }
0x5ff: {  	[tilespmem:s31+$0xFFFFFE10] =	vst v9;
	v7 =	vsub.f32 v12, v2;
	v9 =	vld [tilespmem:s23+$0xFFFFFFB0]  }
0x600: {  	v12 =	vld [tilespmem:s18+$0xFFFFCF30];
	[tilespmem:s25+$0xFFFFFE90] =	vst v8;
	v8 =	vsub.f32 v10, v1  }
0x601: {  	v10 =	vsub.f32 v14, v3;
	v14 =	vld [tilespmem:s20+$0xFFFFDF30];
	[tilespmem:s29+$0xFFFFFF10] =	vst v7  }
0x602: {  	v7 =	vsub.f32 v13, v4;
	v13 =	vld [tilespmem:s28+$0xFFFFEF30];
	[tilespmem:s30+$0xFFFFFF90] =	vst v8  }
0x603: {  	[tilespmem:s31+$0x20] =	vst v10;
	v8 =	vsub.f32 v11, v2;
	v10 =	vld [tilespmem:s23+$0xFFFFFF30]  }
0x604: {  	v11 =	vld [tilespmem:s18+$0xFFFFCFC0];
	[tilespmem:s25+$0xA0] =	vst v7;
	v7 =	vsub.f32 v9, v1  }
0x605: {  	v9 =	vsub.f32 v12, v3;
	v12 =	vld [tilespmem:s20+$0xFFFFDFC0];
	[tilespmem:s29+$0x120] =	vst v8  }
0x606: {  	v8 =	vsub.f32 v14, v4;
	v14 =	vld [tilespmem:s28+$0xFFFFEFC0];
	[tilespmem:s30+$0x1A0] =	vst v7  }
0x607: {  	[tilespmem:s31+$0xFFFFFE20] =	vst v9;
	v7 =	vsub.f32 v13, v2;
	v9 =	vld [tilespmem:s23+$0xFFFFFFC0]  }
0x608: {  	v13 =	vld [tilespmem:s18+$0xFFFFCF40];
	[tilespmem:s25+$0xFFFFFEA0] =	vst v8;
	v8 =	vsub.f32 v10, v1  }
0x609: {  	v10 =	vsub.f32 v11, v3;
	v11 =	vld [tilespmem:s20+$0xFFFFDF40];
	[tilespmem:s29+$0xFFFFFF20] =	vst v7  }
0x60a: {  	v7 =	vsub.f32 v12, v4;
	v12 =	vld [tilespmem:s28+$0xFFFFEF40];
	[tilespmem:s30+$0xFFFFFFA0] =	vst v8  }
0x60b: {  	[tilespmem:s31+$0x30] =	vst v10;
	v8 =	vsub.f32 v14, v2;
	v10 =	vld [tilespmem:s23+$0xFFFFFF40]  }
0x60c: {  	v14 =	vld [tilespmem:s18+$0xFFFFCFD0];
	[tilespmem:s25+$0xB0] =	vst v7;
	v7 =	vsub.f32 v9, v1  }
0x60d: {  	v9 =	vsub.f32 v13, v3;
	v13 =	vld [tilespmem:s20+$0xFFFFDFD0];
	[tilespmem:s29+$0x130] =	vst v8  }
0x60e: {  	v8 =	vsub.f32 v11, v4;
	v11 =	vld [tilespmem:s28+$0xFFFFEFD0];
	[tilespmem:s30+$0x1B0] =	vst v7  }
0x60f: {  	[tilespmem:s31+$0xFFFFFE30] =	vst v9;
	v7 =	vsub.f32 v12, v2;
	v9 =	vld [tilespmem:s23+$0xFFFFFFD0]  }
0x610: {  	v12 =	vld [tilespmem:s18+$0xFFFFCF50];
	[tilespmem:s25+$0xFFFFFEB0] =	vst v8;
	v8 =	vsub.f32 v10, v1  }
0x611: {  	v10 =	vsub.f32 v14, v3;
	v14 =	vld [tilespmem:s20+$0xFFFFDF50];
	[tilespmem:s29+$0xFFFFFF30] =	vst v7  }
0x612: {  	v7 =	vsub.f32 v13, v4;
	v13 =	vld [tilespmem:s28+$0xFFFFEF50];
	[tilespmem:s30+$0xFFFFFFB0] =	vst v8  }
0x613: {  	[tilespmem:s31+$0x40] =	vst v10;
	v8 =	vsub.f32 v11, v2;
	v10 =	vld [tilespmem:s23+$0xFFFFFF50]  }
0x614: {  	v11 =	vld [tilespmem:s18+$0xFFFFCFE0];
	[tilespmem:s25+$0xC0] =	vst v7;
	v7 =	vsub.f32 v9, v1  }
0x615: {  	v9 =	vsub.f32 v12, v3;
	v12 =	vld [tilespmem:s20+$0xFFFFDFE0];
	[tilespmem:s29+$0x140] =	vst v8  }
0x616: {  	v8 =	vsub.f32 v14, v4;
	v14 =	vld [tilespmem:s28+$0xFFFFEFE0];
	[tilespmem:s30+$0x1C0] =	vst v7  }
0x617: {  	[tilespmem:s31+$0xFFFFFE40] =	vst v9;
	v7 =	vsub.f32 v13, v2;
	v9 =	vld [tilespmem:s23+$0xFFFFFFE0]  }
0x618: {  	v13 =	vld [tilespmem:s18+$0xFFFFCF60];
	[tilespmem:s25+$0xFFFFFEC0] =	vst v8;
	v8 =	vsub.f32 v10, v1  }
0x619: {  	v10 =	vsub.f32 v11, v3;
	v11 =	vld [tilespmem:s20+$0xFFFFDF60];
	[tilespmem:s29+$0xFFFFFF40] =	vst v7  }
0x61a: {  	v7 =	vsub.f32 v12, v4;
	v12 =	vld [tilespmem:s28+$0xFFFFEF60];
	[tilespmem:s30+$0xFFFFFFC0] =	vst v8  }
0x61b: {  	[tilespmem:s31+$0x50] =	vst v10;
	v8 =	vsub.f32 v14, v2;
	v10 =	vld [tilespmem:s23+$0xFFFFFF60]  }
0x61c: {  	v14 =	vld [tilespmem:s18+$0xFFFFCFF0];
	[tilespmem:s25+$0xD0] =	vst v7;
	v7 =	vsub.f32 v9, v1  }
0x61d: {  	v9 =	vsub.f32 v13, v3;
	v13 =	vld [tilespmem:s20+$0xFFFFDFF0];
	[tilespmem:s29+$0x150] =	vst v8  }
0x61e: {  	v8 =	vsub.f32 v11, v4;
	v11 =	vld [tilespmem:s28+$0xFFFFEFF0];
	[tilespmem:s30+$0x1D0] =	vst v7  }
0x61f: {  	[tilespmem:s31+$0xFFFFFE50] =	vst v9;
	v7 =	vsub.f32 v12, v2;
	v9 =	vld [tilespmem:s23+$0xFFFFFFF0]  }
0x620: {  	v12 =	vld [tilespmem:s18+$0xFFFFCF70];
	[tilespmem:s25+$0xFFFFFED0] =	vst v8;
	v8 =	vsub.f32 v10, v1  }
0x621: {  	v10 =	vsub.f32 v14, v3;
	v14 =	vld [tilespmem:s20+$0xFFFFDF70];
	[tilespmem:s29+$0xFFFFFF50] =	vst v7  }
0x622: {  	v7 =	vsub.f32 v13, v4;
	v13 =	vld [tilespmem:s28+$0xFFFFEF70];
	[tilespmem:s30+$0xFFFFFFD0] =	vst v8  }
0x623: {  	[tilespmem:s31+$0x60] =	vst v10;
	v8 =	vsub.f32 v11, v2;
	v10 =	vld [tilespmem:s23+$0xFFFFFF70]  }
0x624: {  	v11 =	vld [tilespmem:s18+$0xFFFFD000];
	[tilespmem:s25+$0xE0] =	vst v7;
	v7 =	vsub.f32 v9, v1  }
0x625: {  	v9 =	vsub.f32 v12, v3;
	v15 =	vld [tilespmem:s20+$0xFFFFE000];
	[tilespmem:s29+$0x160] =	vst v8  }
0x626: {  	v8 =	vsub.f32 v14, v4;
	v14 =	vld [tilespmem:s28+$0xFFFFF000];
	[tilespmem:s30+$0x1E0] =	vst v7  }
.Ltmp63:
0x627: {  	[tilespmem:s31+$0xFFFFFE60] =	vst v9;
	v9 =	vsub.f32 v13, v2;
	v7 =	vld [tilespmem:s23+$0x0];
	(pc) =	sbr.rel @p0 .LBB2_86-.Ltmp63, $4  }
0x628: {  	v12 =	vld [tilespmem:s18+$0xFFFFCF80];
	[tilespmem:s25+$0xFFFFFEE0] =	vst v8;
	v8 =	vsub.f32 v10, v1  }
0x629: {  	v10 =	vsub.f32 v11, v3;
	v11 =	vld [tilespmem:s20+$0xFFFFDF80];
	[tilespmem:s29+$0xFFFFFF60] =	vst v9  }
0x62a: {  	v13 =	vsub.f32 v15, v4;
	v9 =	vld [tilespmem:s28+$0xFFFFEF80];
	[tilespmem:s30+$0xFFFFFFE0] =	vst v8  }
0x62b: {  	s18 =	sadd.s32 $0x100, s18;
	[tilespmem:s31+$0x70] =	vst v10;
	v10 =	vsub.f32 v14, v2;
	v8 =	vld [tilespmem:s23+$0xFFFFFF80];
	s23 =	smov.u32 s28;
	s28 =	smov.u32 s20  }
0x62c: {  	s5 =	smov.u32 s25;
	s9 =	smov.u32 s29  }
0x62d: {  	s29 =	smov.u32 s31;
	s25 =	smov.u32 s7;
	s20 =	smov.u32 s0  }
.LBB2_88:
0x62e: {  	v12 =	vsub.f32 v12, v3;
	_ =	sdelay $0x1  }
0x62f: {  	v14 =	vld [tilespmem:s26+$0xFFFFDF90];
	[tilespmem:s29+$0xFFFFFE70] =	vst v12  }
0x630: {  	v12 =	vld [tilespmem:s26+$0xFFFFDF10];
	_ =	sdelay $0x3  }
0x631: {  	v14 =	vsub.f32 v14, v4  }
0x632: {  	v12 =	vsub.f32 v12, v4  }
0x633: {  	[tilespmem:s25+$0x80] =	vst v14  }
0x634: {  	v14 =	vld [tilespmem:s26+$0xFFFFDFA0];
	[tilespmem:s25+$0xFFFFFE80] =	vst v12  }
0x635: {  	v12 =	vld [tilespmem:s26+$0xFFFFDF20];
	_ =	sdelay $0x3  }
0x636: {  	v14 =	vsub.f32 v14, v4  }
0x637: {  	v12 =	vsub.f32 v12, v4  }
0x638: {  	[tilespmem:s25+$0x90] =	vst v14  }
0x639: {  	v14 =	vld [tilespmem:s26+$0xFFFFDFB0];
	[tilespmem:s25+$0xFFFFFE90] =	vst v12  }
0x63a: {  	v12 =	vld [tilespmem:s26+$0xFFFFDF30];
	_ =	sdelay $0x3  }
0x63b: {  	v14 =	vsub.f32 v14, v4  }
0x63c: {  	v12 =	vsub.f32 v12, v4  }
0x63d: {  	[tilespmem:s25+$0xA0] =	vst v14  }
0x63e: {  	v14 =	vld [tilespmem:s26+$0xFFFFDFC0];
	[tilespmem:s25+$0xFFFFFEA0] =	vst v12  }
0x63f: {  	v12 =	vld [tilespmem:s26+$0xFFFFDF40];
	_ =	sdelay $0x3  }
0x640: {  	v14 =	vsub.f32 v14, v4  }
0x641: {  	v12 =	vsub.f32 v12, v4  }
0x642: {  	[tilespmem:s25+$0xB0] =	vst v14  }
0x643: {  	v14 =	vld [tilespmem:s26+$0xFFFFDFD0];
	[tilespmem:s25+$0xFFFFFEB0] =	vst v12  }
0x644: {  	v12 =	vld [tilespmem:s26+$0xFFFFDF50];
	_ =	sdelay $0x3  }
0x645: {  	v14 =	vsub.f32 v14, v4  }
0x646: {  	v12 =	vsub.f32 v12, v4  }
0x647: {  	[tilespmem:s25+$0xC0] =	vst v14  }
0x648: {  	v14 =	vld [tilespmem:s26+$0xFFFFDFE0];
	[tilespmem:s25+$0xFFFFFEC0] =	vst v12  }
0x649: {  	v12 =	vld [tilespmem:s26+$0xFFFFDF60];
	_ =	sdelay $0x3  }
0x64a: {  	v14 =	vsub.f32 v14, v4  }
0x64b: {  	v12 =	vsub.f32 v12, v4  }
0x64c: {  	[tilespmem:s25+$0xD0] =	vst v14  }
0x64d: {  	v14 =	vld [tilespmem:s26+$0xFFFFDFF0];
	[tilespmem:s25+$0xFFFFFED0] =	vst v12  }
0x64e: {  	v12 =	vld [tilespmem:s26+$0xFFFFDF70];
	_ =	sdelay $0x3  }
0x64f: {  	v14 =	vsub.f32 v14, v4  }
0x650: {  	v12 =	vsub.f32 v12, v4  }
0x651: {  	[tilespmem:s25+$0xE0] =	vst v14  }
0x652: {  	v14 =	vld [tilespmem:s26+$0xFFFFE000];
	[tilespmem:s25+$0xFFFFFEE0] =	vst v12  }
0x653: {  	v12 =	vld [tilespmem:s26+$0xFFFFDF80]  }
0x654: {  	v11 =	vsub.f32 @p2 v11, v4  }
0x655: {  	[tilespmem:s5+$0xF0] =	vst @p2 v13  }
0x656: {  	v13 =	vld @p2 [tilespmem:s28+$0xFFFFEF90];
	[tilespmem:s5+$0xFFFFFEF0] =	vst @p2 v11  }
0x657: {  	v11 =	vld @p2 [tilespmem:s28+$0xFFFFEF10];
	v14 =	vsub.f32 v14, v4  }
0x658: {  	v12 =	vsub.f32 v12, v4  }
0x659: {  	[tilespmem:s25+$0xF0] =	vst v14  }
0x65a: {  	v14 =	vld [tilespmem:s26+$0xFFFFEF90];
	[tilespmem:s25+$0xFFFFFEF0] =	vst v12  }
0x65b: {  	v12 =	vsub.f32 @p2 v13, v2;
	v59 =	vld [tilespmem:s26+$0xFFFFEF10]  }
0x65c: {  	v11 =	vsub.f32 @p2 v11, v2  }
0x65d: {  	[tilespmem:s5+$0x100] =	vst @p2 v12  }
0x65e: {  	[tilespmem:s5+$0xFFFFFF00] =	vst @p2 v11;
	v12 =	vld @p2 [tilespmem:s28+$0xFFFFEFA0]  }
0x65f: {  	v11 =	vld @p2 [tilespmem:s28+$0xFFFFEF20];
	v14 =	vsub.f32 v14, v2  }
0x660: {  	v13 =	vsub.f32 v59, v2  }
0x661: {  	[tilespmem:s25+$0x100] =	vst v14  }
0x662: {  	v14 =	vld [tilespmem:s26+$0xFFFFEFA0];
	[tilespmem:s25+$0xFFFFFF00] =	vst v13  }
0x663: {  	v12 =	vsub.f32 @p2 v12, v2;
	v13 =	vld [tilespmem:s26+$0xFFFFEF20]  }
0x664: {  	v11 =	vsub.f32 @p2 v11, v2  }
0x665: {  	[tilespmem:s5+$0x110] =	vst @p2 v12  }
0x666: {  	[tilespmem:s5+$0xFFFFFF10] =	vst @p2 v11;
	v12 =	vld @p2 [tilespmem:s28+$0xFFFFEFB0]  }
0x667: {  	v11 =	vld @p2 [tilespmem:s28+$0xFFFFEF30];
	v14 =	vsub.f32 v14, v2  }
0x668: {  	v13 =	vsub.f32 v13, v2  }
0x669: {  	[tilespmem:s25+$0x110] =	vst v14  }
0x66a: {  	v14 =	vld [tilespmem:s26+$0xFFFFEFB0];
	[tilespmem:s25+$0xFFFFFF10] =	vst v13  }
0x66b: {  	v12 =	vsub.f32 @p2 v12, v2;
	v13 =	vld [tilespmem:s26+$0xFFFFEF30]  }
0x66c: {  	v11 =	vsub.f32 @p2 v11, v2  }
0x66d: {  	[tilespmem:s5+$0x120] =	vst @p2 v12  }
0x66e: {  	[tilespmem:s5+$0xFFFFFF20] =	vst @p2 v11;
	v12 =	vld @p2 [tilespmem:s28+$0xFFFFEFC0]  }
0x66f: {  	v11 =	vld @p2 [tilespmem:s28+$0xFFFFEF40];
	v14 =	vsub.f32 v14, v2  }
0x670: {  	v13 =	vsub.f32 v13, v2  }
0x671: {  	[tilespmem:s25+$0x120] =	vst v14  }
0x672: {  	v14 =	vld [tilespmem:s26+$0xFFFFEFC0];
	[tilespmem:s25+$0xFFFFFF20] =	vst v13  }
0x673: {  	v12 =	vsub.f32 @p2 v12, v2;
	v13 =	vld [tilespmem:s26+$0xFFFFEF40]  }
0x674: {  	v11 =	vsub.f32 @p2 v11, v2  }
0x675: {  	[tilespmem:s5+$0x130] =	vst @p2 v12  }
0x676: {  	[tilespmem:s5+$0xFFFFFF30] =	vst @p2 v11;
	v12 =	vld @p2 [tilespmem:s28+$0xFFFFEFD0]  }
0x677: {  	v11 =	vld @p2 [tilespmem:s28+$0xFFFFEF50];
	v14 =	vsub.f32 v14, v2  }
0x678: {  	v13 =	vsub.f32 v13, v2  }
0x679: {  	[tilespmem:s25+$0x130] =	vst v14  }
0x67a: {  	v14 =	vld [tilespmem:s26+$0xFFFFEFD0];
	[tilespmem:s25+$0xFFFFFF30] =	vst v13  }
0x67b: {  	v12 =	vsub.f32 @p2 v12, v2;
	v13 =	vld [tilespmem:s26+$0xFFFFEF50]  }
0x67c: {  	v11 =	vsub.f32 @p2 v11, v2  }
0x67d: {  	[tilespmem:s5+$0x140] =	vst @p2 v12  }
0x67e: {  	[tilespmem:s5+$0xFFFFFF40] =	vst @p2 v11;
	v12 =	vld @p2 [tilespmem:s28+$0xFFFFEFE0]  }
0x67f: {  	v11 =	vld @p2 [tilespmem:s28+$0xFFFFEF60];
	v14 =	vsub.f32 v14, v2  }
0x680: {  	v13 =	vsub.f32 v13, v2  }
0x681: {  	[tilespmem:s25+$0x140] =	vst v14  }
0x682: {  	v14 =	vld [tilespmem:s26+$0xFFFFEFE0];
	[tilespmem:s25+$0xFFFFFF40] =	vst v13  }
0x683: {  	v12 =	vsub.f32 @p2 v12, v2;
	v13 =	vld [tilespmem:s26+$0xFFFFEF60]  }
0x684: {  	v11 =	vsub.f32 @p2 v11, v2  }
0x685: {  	[tilespmem:s5+$0x150] =	vst @p2 v12  }
0x686: {  	[tilespmem:s5+$0xFFFFFF50] =	vst @p2 v11;
	v12 =	vld @p2 [tilespmem:s28+$0xFFFFEFF0]  }
0x687: {  	v11 =	vld @p2 [tilespmem:s28+$0xFFFFEF70];
	v14 =	vsub.f32 v14, v2  }
0x688: {  	v13 =	vsub.f32 v13, v2  }
0x689: {  	[tilespmem:s25+$0x150] =	vst v14  }
0x68a: {  	v14 =	vld [tilespmem:s26+$0xFFFFEFF0];
	[tilespmem:s25+$0xFFFFFF50] =	vst v13  }
0x68b: {  	v12 =	vsub.f32 @p2 v12, v2;
	v13 =	vld [tilespmem:s26+$0xFFFFEF70]  }
0x68c: {  	v11 =	vsub.f32 @p2 v11, v2  }
0x68d: {  	[tilespmem:s5+$0x160] =	vst @p2 v12  }
0x68e: {  	[tilespmem:s5+$0xFFFFFF60] =	vst @p2 v11;
	v12 =	vld @p2 [tilespmem:s28+$0xFFFFF000]  }
0x68f: {  	v11 =	vld @p2 [tilespmem:s28+$0xFFFFEF80];
	v14 =	vsub.f32 v14, v2  }
0x690: {  	v13 =	vsub.f32 v13, v2  }
0x691: {  	[tilespmem:s25+$0x160] =	vst v14  }
0x692: {  	v14 =	vld [tilespmem:s26+$0xFFFFF000];
	[tilespmem:s25+$0xFFFFFF60] =	vst v13  }
0x693: {  	v9 =	vsub.f32 @p3 v9, v2;
	v12 =	vsub.f32 @p2 v12, v2;
	v13 =	vld [tilespmem:s26+$0xFFFFEF80]  }
0x694: {  	[tilespmem:s9+$0x170] =	vst @p3 v10;
	v6 =	vpsel p2, v11, v6  }
0x695: {  	s0 =	smov.u32 @p2 s28;
	s24 =	smov.u32 @p2 s5;
	v10 =	vld @p3 [tilespmem:s23+$0xFFFFFF90];
	[tilespmem:s9+$0xFFFFFF70] =	vst @p3 v9;
	v6 =	vsub.f32 @p2 v6, v2;
	v5 =	vpsel p2, v12, v5  }
0x696: {  	s22 =	smov.u32 @p2 s0;
	v9 =	vld @p3 [tilespmem:s23+$0xFFFFFF10];
	[tilespmem:s24+$0x170] =	vst @p2 v5  }
0x697: {  	[tilespmem:s24+$0xFFFFFF70] =	vst @p2 v6;
	v6 =	vsub.f32 v14, v2;
	v5 =	vld @p2 [tilespmem:s22+$0xFFFFFF90]  }
0x698: {  	v11 =	vld @p2 [tilespmem:s22+$0xFFFFFF10];
	v60 =	vsub.f32 v13, v2  }
0x699: {  	[tilespmem:s25+$0x170] =	vst v6  }
0x69a: {  	v6 =	vsub.f32 @p3 v10, v1;
	v61 =	vld [tilespmem:s26+$0xFFFFFF90];
	[tilespmem:s25+$0xFFFFFF70] =	vst v60  }
0x69b: {  	v9 =	vsub.f32 @p3 v9, v1;
	v12 =	vld [tilespmem:s26+$0xFFFFFF10]  }
0x69c: {  	[tilespmem:s9+$0x180] =	vst @p3 v6;
	v5 =	vsub.f32 @p2 v5, v1  }
0x69d: {  	s7 =	smov.u32 @p2 s24;
	[tilespmem:s9+$0xFFFFFF80] =	vst @p3 v9;
	v9 =	vsub.f32 @p2 v11, v1;
	v6 =	vld @p3 [tilespmem:s23+$0xFFFFFFA0]  }
0x69e: {  	v11 =	vld @p3 [tilespmem:s23+$0xFFFFFF20];
	[tilespmem:s7+$0x180] =	vst @p2 v5  }
0x69f: {  	[tilespmem:s7+$0xFFFFFF80] =	vst @p2 v9;
	v62 =	vsub.f32 v61, v1;
	v5 =	vld @p2 [tilespmem:s22+$0xFFFFFFA0]  }
0x6a0: {  	v10 =	vld @p2 [tilespmem:s22+$0xFFFFFF20];
	v12 =	vsub.f32 v12, v1  }
0x6a1: {  	[tilespmem:s25+$0x180] =	vst v62  }
0x6a2: {  	v6 =	vsub.f32 @p3 v6, v1;
	v9 =	vld [tilespmem:s26+$0xFFFFFFA0];
	[tilespmem:s25+$0xFFFFFF80] =	vst v12  }
0x6a3: {  	v11 =	vsub.f32 @p3 v11, v1;
	v12 =	vld [tilespmem:s26+$0xFFFFFF20]  }
0x6a4: {  	[tilespmem:s9+$0x190] =	vst @p3 v6;
	v5 =	vsub.f32 @p2 v5, v1  }
0x6a5: {  	[tilespmem:s9+$0xFFFFFF90] =	vst @p3 v11;
	v10 =	vsub.f32 @p2 v10, v1;
	v6 =	vld @p3 [tilespmem:s23+$0xFFFFFFB0]  }
0x6a6: {  	v11 =	vld @p3 [tilespmem:s23+$0xFFFFFF30];
	[tilespmem:s7+$0x190] =	vst @p2 v5  }
0x6a7: {  	[tilespmem:s7+$0xFFFFFF90] =	vst @p2 v10;
	v9 =	vsub.f32 v9, v1;
	v5 =	vld @p2 [tilespmem:s22+$0xFFFFFFB0]  }
0x6a8: {  	v10 =	vld @p2 [tilespmem:s22+$0xFFFFFF30];
	v12 =	vsub.f32 v12, v1  }
0x6a9: {  	[tilespmem:s25+$0x190] =	vst v9  }
0x6aa: {  	v6 =	vsub.f32 @p3 v6, v1;
	v9 =	vld [tilespmem:s26+$0xFFFFFFB0];
	[tilespmem:s25+$0xFFFFFF90] =	vst v12  }
0x6ab: {  	v11 =	vsub.f32 @p3 v11, v1;
	v12 =	vld [tilespmem:s26+$0xFFFFFF30]  }
0x6ac: {  	[tilespmem:s9+$0x1A0] =	vst @p3 v6;
	v5 =	vsub.f32 @p2 v5, v1  }
0x6ad: {  	[tilespmem:s9+$0xFFFFFFA0] =	vst @p3 v11;
	v10 =	vsub.f32 @p2 v10, v1;
	v6 =	vld @p3 [tilespmem:s23+$0xFFFFFFC0]  }
0x6ae: {  	v11 =	vld @p3 [tilespmem:s23+$0xFFFFFF40];
	[tilespmem:s7+$0x1A0] =	vst @p2 v5  }
0x6af: {  	[tilespmem:s7+$0xFFFFFFA0] =	vst @p2 v10;
	v9 =	vsub.f32 v9, v1;
	v5 =	vld @p2 [tilespmem:s22+$0xFFFFFFC0]  }
0x6b0: {  	v10 =	vld @p2 [tilespmem:s22+$0xFFFFFF40];
	v12 =	vsub.f32 v12, v1  }
0x6b1: {  	[tilespmem:s25+$0x1A0] =	vst v9  }
0x6b2: {  	v6 =	vsub.f32 @p3 v6, v1;
	v9 =	vld [tilespmem:s26+$0xFFFFFFC0];
	[tilespmem:s25+$0xFFFFFFA0] =	vst v12  }
0x6b3: {  	v11 =	vsub.f32 @p3 v11, v1;
	v12 =	vld [tilespmem:s26+$0xFFFFFF40]  }
0x6b4: {  	[tilespmem:s9+$0x1B0] =	vst @p3 v6;
	v5 =	vsub.f32 @p2 v5, v1  }
0x6b5: {  	[tilespmem:s9+$0xFFFFFFB0] =	vst @p3 v11;
	v10 =	vsub.f32 @p2 v10, v1;
	v6 =	vld @p3 [tilespmem:s23+$0xFFFFFFD0]  }
0x6b6: {  	v11 =	vld @p3 [tilespmem:s23+$0xFFFFFF50];
	[tilespmem:s7+$0x1B0] =	vst @p2 v5  }
0x6b7: {  	[tilespmem:s7+$0xFFFFFFB0] =	vst @p2 v10;
	v9 =	vsub.f32 v9, v1;
	v5 =	vld @p2 [tilespmem:s22+$0xFFFFFFD0]  }
0x6b8: {  	v10 =	vld @p2 [tilespmem:s22+$0xFFFFFF50];
	v12 =	vsub.f32 v12, v1  }
0x6b9: {  	[tilespmem:s25+$0x1B0] =	vst v9  }
0x6ba: {  	v6 =	vsub.f32 @p3 v6, v1;
	v9 =	vld [tilespmem:s26+$0xFFFFFFD0];
	[tilespmem:s25+$0xFFFFFFB0] =	vst v12  }
0x6bb: {  	v11 =	vsub.f32 @p3 v11, v1;
	v12 =	vld [tilespmem:s26+$0xFFFFFF50]  }
0x6bc: {  	[tilespmem:s9+$0x1C0] =	vst @p3 v6;
	v5 =	vsub.f32 @p2 v5, v1  }
0x6bd: {  	[tilespmem:s9+$0xFFFFFFC0] =	vst @p3 v11;
	v10 =	vsub.f32 @p2 v10, v1;
	v6 =	vld @p3 [tilespmem:s23+$0xFFFFFFE0]  }
0x6be: {  	v11 =	vld @p3 [tilespmem:s23+$0xFFFFFF60];
	[tilespmem:s7+$0x1C0] =	vst @p2 v5  }
0x6bf: {  	[tilespmem:s7+$0xFFFFFFC0] =	vst @p2 v10;
	v9 =	vsub.f32 v9, v1;
	v5 =	vld @p2 [tilespmem:s22+$0xFFFFFFE0]  }
0x6c0: {  	v10 =	vld @p2 [tilespmem:s22+$0xFFFFFF60];
	v12 =	vsub.f32 v12, v1  }
0x6c1: {  	[tilespmem:s25+$0x1C0] =	vst v9  }
0x6c2: {  	v6 =	vsub.f32 @p3 v6, v1;
	v9 =	vld [tilespmem:s26+$0xFFFFFFE0];
	[tilespmem:s25+$0xFFFFFFC0] =	vst v12  }
0x6c3: {  	v11 =	vsub.f32 @p3 v11, v1;
	v12 =	vld [tilespmem:s26+$0xFFFFFF60]  }
0x6c4: {  	[tilespmem:s9+$0x1D0] =	vst @p3 v6;
	v5 =	vsub.f32 @p2 v5, v1  }
0x6c5: {  	[tilespmem:s9+$0xFFFFFFD0] =	vst @p3 v11;
	v10 =	vsub.f32 @p2 v10, v1;
	v6 =	vld @p3 [tilespmem:s23+$0xFFFFFFF0]  }
0x6c6: {  	v11 =	vld @p3 [tilespmem:s23+$0xFFFFFF70];
	[tilespmem:s7+$0x1D0] =	vst @p2 v5  }
0x6c7: {  	[tilespmem:s7+$0xFFFFFFD0] =	vst @p2 v10;
	v9 =	vsub.f32 v9, v1;
	v5 =	vld @p2 [tilespmem:s22+$0xFFFFFFF0]  }
0x6c8: {  	v10 =	vld @p2 [tilespmem:s22+$0xFFFFFF70];
	v12 =	vsub.f32 v12, v1  }
0x6c9: {  	[tilespmem:s25+$0x1D0] =	vst v9  }
0x6ca: {  	v6 =	vsub.f32 @p3 v6, v1;
	v9 =	vld [tilespmem:s26+$0xFFFFFFF0];
	[tilespmem:s25+$0xFFFFFFD0] =	vst v12  }
0x6cb: {  	v11 =	vsub.f32 @p3 v11, v1;
	v12 =	vld [tilespmem:s26+$0xFFFFFF70]  }
0x6cc: {  	[tilespmem:s9+$0x1E0] =	vst @p3 v6;
	v5 =	vsub.f32 @p2 v5, v1  }
0x6cd: {  	[tilespmem:s9+$0xFFFFFFE0] =	vst @p3 v11;
	v10 =	vsub.f32 @p2 v10, v1;
	v6 =	vld @p3 [tilespmem:s23+$0x0]  }
0x6ce: {  	v11 =	vld @p3 [tilespmem:s23+$0xFFFFFF80];
	[tilespmem:s7+$0x1E0] =	vst @p2 v5  }
0x6cf: {  	[tilespmem:s7+$0xFFFFFFE0] =	vst @p2 v10;
	v9 =	vsub.f32 v9, v1;
	v5 =	vld @p2 [tilespmem:s22+$0x0]  }
0x6d0: {  	v10 =	vld @p2 [tilespmem:s22+$0xFFFFFF80];
	v12 =	vsub.f32 v12, v1  }
0x6d1: {  	v7 =	vsub.f32 @p4 v7, v1;
	[tilespmem:s25+$0x1E0] =	vst v9  }
0x6d2: {  	v8 =	vsub.f32 @p4 v8, v1;
	v6 =	vpsel p3, v6, v0;
	v9 =	vld [tilespmem:s26+$0x0];
	[tilespmem:s25+$0xFFFFFFE0] =	vst v12  }
0x6d3: {  	[tilespmem:s30+$0x1F0] =	vst @p4 v7;
	v7 =	vpsel p3, v11, v0;
	v6 =	vsub.f32 @p3 v6, v1;
	v63 =	vld [tilespmem:s26+$0xFFFFFF80]  }
0x6d4: {  	s0 =	smov.u32 @p3 s9;
	[tilespmem:s30+$0xFFFFFFF0] =	vst @p4 v8;
	v7 =	vsub.f32 @p3 v7, v1;
	v5 =	vpsel p2, v5, v0  }
0x6d5: {  	[tilespmem:s0+$0x1F0] =	vst @p3 v6;
	v6 =	vpsel p2, v10, v0;
	v5 =	vsub.f32 @p2 v5, v1  }
0x6d6: {  	[tilespmem:s0+$0xFFFFFFF0] =	vst @p3 v7;
	s0 =	smov.u32 @p2 s7;
	v6 =	vsub.f32 @p2 v6, v1  }
0x6d7: {  	[tilespmem:s0+$0x1F0] =	vst @p2 v5;
	v5 =	vsub.f32 v9, v1  }
0x6d8: {  	[tilespmem:s0+$0xFFFFFFF0] =	vst @p2 v6;
	v6 =	vsub.f32 v63, v1  }
0x6d9: {  	[tilespmem:s25+$0x1F0] =	vst v5  }
0x6da: {  	s18 =	simm.s32 $0x4080;
	[tilespmem:s25+$0xFFFFFFF0] =	vst v6  }
.LBB2_75:
0x6db: {  	s5 =	ssub.s32 s21, s19  }
0x6dc: {  	p0 =	slt.s32 s5, $0x1  }
.Ltmp64:
0x6dd: {  	_ = 	snop;
	(pc) =	sbr.rel @p0 .LBB2_77-.Ltmp64, $4  }
0x6de: {  	_ = 	snop  }
0x6df: {  	s22 =	ssub.s32 s14, s13  }
0x6e0: {  	s0 =	sadd.s32 $0x1000, s14;
	s6 =	sadd.s32 $0x2000, s14;
	s7 =	sadd.s32 $0x3000, s14  }
0x6e1: {  	s21 =	ssub.s32 s0, s13;
	s14 =	ssub.s32 s6, s13;
	s13 =	ssub.s32 s7, s13  }
0x6e2: {  	s0 =	sshll.u32 s19, $0x7  }
0x6e3: {  	s6 =	sadd.s32 s12, s0  }
0x6e4: {  	s0 =	sadd.s32 s6, s22  }
0x6e5: {  	v5 =	vld [tilespmem:s0+$0x0];
	_ =	sdelay $0x3  }
0x6e6: {  	s5 =	sadd.s32 s20, s19  }
0x6e7: {  	s5 =	sshll.u32 s5, $0xB;
	v5 =	vsub.f32 v5, v3  }
0x6e8: {  	s5 =	sshra.s32 s5, $0x2  }
0x6e9: {  	[tilespmem:s5+$0x4080] =	vst v5  }
0x6ea: {  	v5 =	vld [tilespmem:s0+$0x10];
	_ =	sdelay $0x4  }
0x6eb: {  	v5 =	vsub.f32 v5, v3;
	_ =	sdelay $0x1  }
0x6ec: {  	[tilespmem:s5+$0x4090] =	vst v5  }
0x6ed: {  	v5 =	vld [tilespmem:s0+$0x20];
	_ =	sdelay $0x4  }
0x6ee: {  	v5 =	vsub.f32 v5, v3;
	_ =	sdelay $0x1  }
0x6ef: {  	[tilespmem:s5+$0x40A0] =	vst v5  }
0x6f0: {  	v5 =	vld [tilespmem:s0+$0x30];
	_ =	sdelay $0x4  }
0x6f1: {  	v5 =	vsub.f32 v5, v3;
	_ =	sdelay $0x1  }
0x6f2: {  	[tilespmem:s5+$0x40B0] =	vst v5  }
0x6f3: {  	v5 =	vld [tilespmem:s0+$0x40];
	_ =	sdelay $0x4  }
0x6f4: {  	v5 =	vsub.f32 v5, v3;
	_ =	sdelay $0x1  }
0x6f5: {  	[tilespmem:s5+$0x40C0] =	vst v5  }
0x6f6: {  	v5 =	vld [tilespmem:s0+$0x50];
	_ =	sdelay $0x4  }
0x6f7: {  	v5 =	vsub.f32 v5, v3;
	_ =	sdelay $0x1  }
0x6f8: {  	[tilespmem:s5+$0x40D0] =	vst v5  }
0x6f9: {  	v5 =	vld [tilespmem:s0+$0x60];
	_ =	sdelay $0x4  }
0x6fa: {  	v5 =	vsub.f32 v5, v3;
	_ =	sdelay $0x1  }
0x6fb: {  	[tilespmem:s5+$0x40E0] =	vst v5  }
0x6fc: {  	v5 =	vld [tilespmem:s0+$0x70];
	_ =	sdelay $0x4  }
0x6fd: {  	v5 =	vsub.f32 v5, v3;
	_ =	sdelay $0x1  }
0x6fe: {  	s29 =	sadd.s32 s6, s21;
	[tilespmem:s5+$0x40F0] =	vst v5  }
0x6ff: {  	v5 =	vld [tilespmem:s29+$0x0];
	_ =	sdelay $0x4  }
0x700: {  	v5 =	vsub.f32 v5, v4;
	_ =	sdelay $0x1  }
0x701: {  	[tilespmem:s5+$0x4100] =	vst v5  }
0x702: {  	v5 =	vld [tilespmem:s29+$0x10];
	_ =	sdelay $0x4  }
0x703: {  	v5 =	vsub.f32 v5, v4;
	_ =	sdelay $0x1  }
0x704: {  	[tilespmem:s5+$0x4110] =	vst v5  }
0x705: {  	v5 =	vld [tilespmem:s29+$0x20];
	_ =	sdelay $0x4  }
0x706: {  	v5 =	vsub.f32 v5, v4;
	_ =	sdelay $0x1  }
0x707: {  	[tilespmem:s5+$0x4120] =	vst v5  }
0x708: {  	v5 =	vld [tilespmem:s29+$0x30];
	_ =	sdelay $0x4  }
0x709: {  	v5 =	vsub.f32 v5, v4;
	_ =	sdelay $0x1  }
0x70a: {  	[tilespmem:s5+$0x4130] =	vst v5  }
0x70b: {  	v5 =	vld [tilespmem:s29+$0x40];
	_ =	sdelay $0x4  }
0x70c: {  	v5 =	vsub.f32 v5, v4;
	_ =	sdelay $0x1  }
0x70d: {  	[tilespmem:s5+$0x4140] =	vst v5  }
0x70e: {  	v5 =	vld [tilespmem:s29+$0x50];
	_ =	sdelay $0x4  }
0x70f: {  	v5 =	vsub.f32 v5, v4;
	_ =	sdelay $0x1  }
0x710: {  	[tilespmem:s5+$0x4150] =	vst v5  }
0x711: {  	v5 =	vld [tilespmem:s29+$0x60];
	_ =	sdelay $0x4  }
0x712: {  	v5 =	vsub.f32 v5, v4;
	_ =	sdelay $0x1  }
0x713: {  	[tilespmem:s5+$0x4160] =	vst v5  }
0x714: {  	v5 =	vld [tilespmem:s29+$0x70];
	_ =	sdelay $0x4  }
0x715: {  	v5 =	vsub.f32 v5, v4;
	_ =	sdelay $0x1  }
0x716: {  	s30 =	sadd.s32 s6, s14;
	[tilespmem:s5+$0x4170] =	vst v5  }
0x717: {  	v5 =	vld [tilespmem:s30+$0x0];
	_ =	sdelay $0x4  }
0x718: {  	v5 =	vsub.f32 v5, v2;
	_ =	sdelay $0x1  }
0x719: {  	[tilespmem:s5+$0x4180] =	vst v5  }
0x71a: {  	v5 =	vld [tilespmem:s30+$0x10];
	_ =	sdelay $0x4  }
0x71b: {  	v5 =	vsub.f32 v5, v2;
	_ =	sdelay $0x1  }
0x71c: {  	[tilespmem:s5+$0x4190] =	vst v5  }
0x71d: {  	v5 =	vld [tilespmem:s30+$0x20];
	_ =	sdelay $0x4  }
0x71e: {  	v5 =	vsub.f32 v5, v2;
	_ =	sdelay $0x1  }
0x71f: {  	[tilespmem:s5+$0x41A0] =	vst v5  }
0x720: {  	v5 =	vld [tilespmem:s30+$0x30];
	_ =	sdelay $0x4  }
0x721: {  	v5 =	vsub.f32 v5, v2;
	_ =	sdelay $0x1  }
0x722: {  	[tilespmem:s5+$0x41B0] =	vst v5  }
0x723: {  	v5 =	vld [tilespmem:s30+$0x40];
	_ =	sdelay $0x4  }
0x724: {  	v5 =	vsub.f32 v5, v2;
	_ =	sdelay $0x1  }
0x725: {  	[tilespmem:s5+$0x41C0] =	vst v5  }
0x726: {  	v5 =	vld [tilespmem:s30+$0x50];
	_ =	sdelay $0x4  }
0x727: {  	v5 =	vsub.f32 v5, v2;
	_ =	sdelay $0x1  }
0x728: {  	[tilespmem:s5+$0x41D0] =	vst v5  }
0x729: {  	v5 =	vld [tilespmem:s30+$0x60];
	_ =	sdelay $0x4  }
0x72a: {  	v5 =	vsub.f32 v5, v2;
	_ =	sdelay $0x1  }
0x72b: {  	[tilespmem:s5+$0x41E0] =	vst v5  }
0x72c: {  	v5 =	vld [tilespmem:s30+$0x70];
	_ =	sdelay $0x4  }
0x72d: {  	v5 =	vsub.f32 v5, v2;
	_ =	sdelay $0x1  }
0x72e: {  	s31 =	sadd.s32 s6, s13;
	[tilespmem:s5+$0x41F0] =	vst v5  }
0x72f: {  	v5 =	vld [tilespmem:s31+$0x0];
	_ =	sdelay $0x4  }
0x730: {  	v5 =	vsub.f32 v5, v1;
	_ =	sdelay $0x1  }
0x731: {  	[tilespmem:s5+$0x4200] =	vst v5  }
0x732: {  	v5 =	vld [tilespmem:s31+$0x10];
	_ =	sdelay $0x4  }
0x733: {  	v5 =	vsub.f32 v5, v1;
	_ =	sdelay $0x1  }
0x734: {  	[tilespmem:s5+$0x4210] =	vst v5  }
0x735: {  	v5 =	vld [tilespmem:s31+$0x20];
	_ =	sdelay $0x4  }
0x736: {  	v5 =	vsub.f32 v5, v1;
	_ =	sdelay $0x1  }
0x737: {  	[tilespmem:s5+$0x4220] =	vst v5  }
0x738: {  	v5 =	vld [tilespmem:s31+$0x30];
	_ =	sdelay $0x4  }
0x739: {  	v5 =	vsub.f32 v5, v1;
	_ =	sdelay $0x1  }
0x73a: {  	[tilespmem:s5+$0x4230] =	vst v5  }
0x73b: {  	v5 =	vld [tilespmem:s31+$0x40];
	_ =	sdelay $0x4  }
0x73c: {  	v5 =	vsub.f32 v5, v1;
	_ =	sdelay $0x1  }
0x73d: {  	[tilespmem:s5+$0x4240] =	vst v5  }
0x73e: {  	v5 =	vld [tilespmem:s31+$0x50];
	_ =	sdelay $0x4  }
0x73f: {  	v5 =	vsub.f32 v5, v1;
	_ =	sdelay $0x1  }
0x740: {  	[tilespmem:s5+$0x4250] =	vst v5  }
0x741: {  	v5 =	vld [tilespmem:s31+$0x60];
	_ =	sdelay $0x4  }
0x742: {  	v5 =	vsub.f32 v5, v1;
	_ =	sdelay $0x1  }
0x743: {  	[tilespmem:s5+$0x4260] =	vst v5  }
0x744: {  	v5 =	vld [tilespmem:s31+$0x70];
	_ =	sdelay $0x4  }
0x745: {  	v5 =	vsub.f32 v5, v1;
	_ =	sdelay $0x1  }
0x746: {  	[tilespmem:s5+$0x4270] =	vst v5  }
.LBB2_77:
0x747: {  	s0 =	sand.u32 $0xFFFFFF80, s17  }
0x748: {  	s0 =	sadd.s32 s12, s0  }
0x749: {  	s0 =	ssub.s32 s11, s0  }
0x74a: {  	s5 =	sshra.s32 s0, $0x4  }
0x74b: {  	p0 =	slt.s32 s5, $0x1  }
.Ltmp65:
0x74c: {  	_ = 	snop;
	(pc) =	sbr.rel @p0 .LBB2_102-.Ltmp65, $1  }
0x74d: {  	_ =	sdelay $0x3  }
0x74e: {  	s0 =	ssub.s32 s16, s15;
	v5 =	vmov s4  }
0x74f: {  	s6 =	sshll.u32 s0, $0x2  }
0x750: {  	s6 =	sand.u32 $0xFFFFFE00, s6  }
0x751: {  	p6 =	seq.s32 s5, $0x1;
	s20 =	sadd.s32 s8, s6  }
.Ltmp66:
0x752: {  	s9 =	sshra.s32 s20, $0x2;
	(pc) =	sbr.rel @p6 .LBB2_79-.Ltmp66, $4  }
0x753: {  	v15 =	vld.idx.msk [tilespmem:v5+s9+$0xFFFFE000 ss:$0x1], $0xffff  }
0x754: {  	p2 =	por $0x0, $0x0;
	p3 =	por $0x0, $0x0;
	p4 =	por $0x0, $0x0  }
0x755: {  	p5 =	por $0x0, $0x0;
	p0 =	por $0x0, $0x0;
	s0 =	sand.u32 $0xFFFFFF80, s0  }
0x756: {  	s12 =	sadd.s32 s0, s15;
	s6 =	sadd.s32 $0xFFFFFFFF, s5;
	s5 =	sadd.s32 $0x40, s20  }
0x757: {  	_ =	sdelay $0x1  }
0x758: {  	p6 =	seq.s32 s6, $0x1  }
.Ltmp67:
0x759: {  	s16 =	sshra.s32 s5, $0x2;
	(pc) =	sbr.rel @p6 .LBB2_90-.Ltmp67, $4  }
0x75a: {  	s0 =	sand.u32 $0x7F, s12;
	s7 =	sand.u32 $0xFFFFFE00, s20;
	v6 =	vsub.f32 v15, v3;
	v15 =	vld.idx.msk [tilespmem:v5+s16+$0xFFFFE000 ss:$0x1], $0xffff  }
0x75b: {  	s15 =	sor.u32 s0, s7  }
0x75c: {  	s6 =	sadd.s32 $0xFFFFFFFF, s6;
	[tilespmem:s15+$0x4080] =	vst v6  }
0x75d: {  	s20 =	sadd.s32 $0x40, s5;
	s12 =	sadd.s32 $0x10, s12;
	p2 =	por $0x1, $0x1;
	v6 =	vld.idx.msk [tilespmem:v5+s9+$0xFFFFF000 ss:$0x1], $0xffff  }
0x75e: {  	_ =	sdelay $0x1  }
0x75f: {  	p6 =	seq.s32 s6, $0x1  }
.Ltmp68:
0x760: {  	s18 =	sshra.s32 s20, $0x2;
	(pc) =	sbr.rel @p6 .LBB2_92-.Ltmp68, $4  }
0x761: {  	s0 =	sand.u32 $0x7F, s12;
	s5 =	sand.u32 $0xFFFFFE00, s5;
	v7 =	vsub.f32 v15, v3;
	v15 =	vld.idx.msk [tilespmem:v5+s18+$0xFFFFE000 ss:$0x1], $0xffff  }
0x762: {  	s17 =	sor.u32 s0, s5  }
0x763: {  	s12 =	sadd.s32 $0x10, s12;
	[tilespmem:s17+$0x4080] =	vst v7  }
0x764: {  	p3 =	por $0x1, $0x1;
	s5 =	sadd.s32 $0xFFFFFFFF, s6;
	s6 =	sadd.s32 $0x40, s20;
	v11 =	vld.idx.msk [tilespmem:v5+s16+$0xFFFFF000 ss:$0x1], $0xffff;
	v8 =	vsub.f32 v6, v4  }
0x765: {  	_ =	sdelay $0x1  }
0x766: {  	p6 =	seq.s32 s5, $0x1  }
.Ltmp69:
0x767: {  	s7 =	sshra.s32 s6, $0x2;
	(pc) =	sbr.rel @p6 .LBB2_94-.Ltmp69, $4  }
0x768: {  	s0 =	sand.u32 $0x7F, s12;
	s8 =	sand.u32 $0xFFFFFE00, s20;
	v6 =	vsub.f32 v15, v3;
	v15 =	vld.idx.msk [tilespmem:v5+s7+$0xFFFFE000 ss:$0x1], $0xffff  }
0x769: {  	[tilespmem:s15+$0x4100] =	vst v8;
	s19 =	sor.u32 s0, s8  }
0x76a: {  	s20 =	sadd.s32 $0x40, s6;
	v7 =	vld.idx.msk [tilespmem:v5+s9+$0x0 ss:$0x1], $0xffff;
	[tilespmem:s19+$0x4080] =	vst v6  }
0x76b: {  	s12 =	sadd.s32 $0x10, s12;
	p4 =	por $0x1, $0x1;
	s8 =	sadd.s32 $0xFFFFFFFF, s5;
	v6 =	vld.idx.msk [tilespmem:v5+s18+$0xFFFFF000 ss:$0x1], $0xffff;
	v8 =	vsub.f32 v11, v4  }
0x76c: {  	_ =	sdelay $0x1  }
0x76d: {  	s5 =	sshra.s32 s20, $0x2;
	p6 =	seq.s32 s8, $0x1  }
.Ltmp70:
0x76e: {  	s0 =	sand.u32 $0x7F, s12;
	s6 =	sand.u32 $0xFFFFFE00, s6;
	v9 =	vsub.f32 v15, v3;
	(pc) =	sbr.rel @p6 .LBB2_96-.Ltmp70, $4  }
0x76f: {  	[tilespmem:s17+$0x4100] =	vst v8;
	v15 =	vld.idx.msk [tilespmem:v5+s5+$0xFFFFE000 ss:$0x1], $0xffff;
	s23 =	sor.u32 s0, s6;
	v8 =	vsub.f32 v7, v2  }
0x770: {  	v12 =	vld.idx.msk [tilespmem:v5+s16+$0x0 ss:$0x1], $0xffff;
	[tilespmem:s23+$0x4080] =	vst v9  }
0x771: {  	s24 =	sadd.s32 $0xFFFFFFFF, s8;
	v13 =	vld.idx.msk [tilespmem:v5+s7+$0xFFFFF000 ss:$0x1], $0xffff;
	[tilespmem:s15+$0x4180] =	vst v8  }
0x772: {  	s10 =	sadd.s32 $0x40, s20;
	s12 =	sadd.s32 $0x10, s12;
	p5 =	por $0x1, $0x1;
	v14 =	vsub.f32 v6, v4;
	v11 =	vld.idx.msk [tilespmem:v5+s9+$0x1000 ss:$0x1], $0xffff  }
0x773: {  	_ =	sdelay $0x1  }
0x774: {  	s8 =	sshra.s32 s10, $0x2;
	p6 =	seq.s32 s24, $0x1  }
.Ltmp71:
0x775: {  	s0 =	sand.u32 $0x7F, s12;
	s6 =	sand.u32 $0xFFFFFE00, s20;
	v6 =	vsub.f32 v15, v3;
	(pc) =	sbr.rel @p6 .LBB2_98-.Ltmp71, $4  }
0x776: {  	[tilespmem:s19+$0x4100] =	vst v14;
	v15 =	vld.idx.msk [tilespmem:v5+s8+$0xFFFFE000 ss:$0x1], $0xffff;
	s6 =	sor.u32 s0, s6;
	v8 =	vsub.f32 v12, v2  }
0x777: {  	s20 =	sadd.s32 $0xFFFFFFFF, s24;
	s26 =	sadd.s32 $0x40, s10;
	v10 =	vld.idx.msk [tilespmem:v5+s18+$0x0 ss:$0x1], $0xffff;
	[tilespmem:s6+$0x4080] =	vst v6  }
0x778: {  	s12 =	sadd.s32 $0x10, s12;
	p0 =	por $0x1, $0x1;
	s24 =	smov.u32 s15;
	v6 =	vld.idx.msk [tilespmem:v5+s5+$0xFFFFF000 ss:$0x1], $0xffff;
	[tilespmem:s17+$0x4180] =	vst v8  }
0x779: {  	s25 =	smov.u32 s17;
	s29 =	smov.u32 s19;
	s28 =	smov.u32 s18;
	v8 =	vsub.f32 v13, v4;
	v9 =	vsub.f32 v11, v1;
	v13 =	vld.idx.msk [tilespmem:v5+s16+$0x1000 ss:$0x1], $0xffff  }
.LBB2_99:
0x77a: {  	s0 =	sand.u32 $0x7F, s12;
	s30 =	smov.u32 s7;
	s7 =	smov.u32 s5  }
0x77b: {  	[tilespmem:s23+$0x4100] =	vst v8;
	s5 =	smov.u32 s8;
	s8 =	sshra.s32 s26, $0x2;
	p6 =	seq.s32 s20, $0x1  }
.Ltmp72:
0x77c: {  	s20 =	sadd.s32 $0xFFFFFFFF, s20;
	v8 =	vsub.f32 v15, v3;
	s10 =	sand.u32 $0xFFFFFE00, s10;
	v15 =	vld.idx.msk [tilespmem:v5+s8+$0xFFFFE000 ss:$0x1], $0xffff;
	[tilespmem:s24+$0x4200] =	vst v9;
	(pc) =	sbr.rel @!p6 .LBB2_99-.Ltmp72, $4  }
0x77d: {  	s0 =	sor.u32 s0, s10;
	v9 =	vsub.f32 v10, v2;
	s24 =	smov.u32 s25;
	s25 =	smov.u32 s29;
	v10 =	vld.idx.msk [tilespmem:v5+s30+$0x0 ss:$0x1], $0xffff  }
0x77e: {  	s29 =	smov.u32 s23;
	s23 =	smov.u32 s6;
	s6 =	smov.u32 s0;
	[tilespmem:s0+$0x4080] =	vst v8  }
0x77f: {  	s10 =	smov.u32 s26;
	v8 =	vsub.f32 v6, v4;
	v6 =	vld.idx.msk [tilespmem:v5+s5+$0xFFFFF000 ss:$0x1], $0xffff;
	[tilespmem:s25+$0x4180] =	vst v9  }
0x780: {  	s12 =	sadd.s32 $0x10, s12;
	s26 =	sadd.s32 $0x40, s26;
	v9 =	vsub.f32 v13, v1;
	v13 =	vld.idx.msk [tilespmem:v5+s28+$0x1000 ss:$0x1], $0xffff;
	s28 =	smov.u32 s30  }
.Ltmp73:
0x781: {  	(pc) =	sbr.rel .LBB2_101-.Ltmp73, $3  }
0x782: {  	_ =	sdelay $0x1  }
0x783: {  	s26 =	smov.u32 s23;
	s30 =	smov.u32 s7;
	s31 =	smov.u32 s5  }
0x784: {  	s7 =	smov.u32 s8;
	s20 =	smov.u32 s10;
	s23 =	smov.u32 s6  }
.LBB2_9:
.Ltmp74:
0x785: {  	(pc) =	sbr.rel .LBB2_71-.Ltmp74, $2  }
0x786: {  	_ =	sdelay $0x2  }
0x787: {  	s31 =	smov.u32 s17;
	s9 =	smov.u32 s15;
	s20 =	smov.u32 s5  }
.LBB2_74:
.Ltmp75:
0x788: {  	(pc) =	sbr.rel .LBB2_88-.Ltmp75, $2  }
0x789: {  	_ =	sdelay $0x2  }
0x78a: {  	s26 =	smov.u32 s22;
	s29 =	smov.u32 s24;
	s25 =	smov.u32 s24  }
.LBB2_60:
.Ltmp76:
0x78b: {  	(pc) =	sbr.rel .LBB2_71-.Ltmp76, $2  }
0x78c: {  	_ =	sdelay $0x2  }
0x78d: {  	s6 =	smov.u32 s17;
	s31 =	smov.u32 s19;
	s28 =	smov.u32 s18  }
.LBB2_81:
.Ltmp77:
0x78e: {  	(pc) =	sbr.rel .LBB2_88-.Ltmp77, $3  }
0x78f: {  	_ =	sdelay $0x1  }
0x790: {  	s5 =	smov.u32 s24  }
0x791: {  	s26 =	smov.u32 s23;
	s28 =	smov.u32 s22;
	s25 =	smov.u32 s29  }
.LBB2_90:
.Ltmp78:
0x792: {  	(pc) =	sbr.rel .LBB2_101-.Ltmp78, $3  }
0x793: {  	_ =	sdelay $0x1  }
0x794: {  	s31 =	smov.u32 s9  }
0x795: {  	s7 =	smov.u32 s16;
	s23 =	smov.u32 s15;
	s20 =	smov.u32 s5  }
.LBB2_62:
.Ltmp79:
0x796: {  	_ = 	snop;
	(pc) =	sbr.rel .LBB2_71-.Ltmp79, $3  }
0x797: {  	_ =	sdelay $0x1  }
0x798: {  	s10 =	smov.u32 s18;
	s8 =	smov.u32 s17;
	s6 =	smov.u32 s19  }
0x799: {  	s31 =	smov.u32 s22;
	s28 =	smov.u32 s21;
	s20 =	smov.u32 s5;
	v7 =	vmov v11  }
.LBB2_83:
.Ltmp80:
0x79a: {  	_ = 	snop;
	(pc) =	sbr.rel .LBB2_88-.Ltmp80, $3  }
0x79b: {  	_ =	sdelay $0x1  }
0x79c: {  	s26 =	smov.u32 s28;
	s5 =	smov.u32 s29;
	s28 =	smov.u32 s23  }
0x79d: {  	s9 =	smov.u32 s24;
	s29 =	smov.u32 s25;
	s23 =	smov.u32 s22;
	v10 =	vmov v5;
	v9 =	vmov v6  }
.LBB2_92:
.Ltmp81:
0x79e: {  	_ = 	snop;
	(pc) =	sbr.rel .LBB2_101-.Ltmp81, $3  }
0x79f: {  	_ =	sdelay $0x1  }
0x7a0: {  	s26 =	smov.u32 s15;
	s30 =	smov.u32 s9  }
0x7a1: {  	s31 =	smov.u32 s16;
	s7 =	smov.u32 s18;
	s23 =	smov.u32 s17;
	v6 =	vmov v11  }
.LBB2_64:
.Ltmp82:
0x7a2: {  	(pc) =	sbr.rel .LBB2_71-.Ltmp82, $3  }
0x7a3: {  	_ =	sdelay $0x1  }
0x7a4: {  	s10 =	smov.u32 s21;
	s8 =	smov.u32 s19;
	s6 =	smov.u32 s22  }
0x7a5: {  	s28 =	smov.u32 s23;
	s30 =	smov.u32 s18;
	s29 =	smov.u32 s17;
	v12 =	vmov v8  }
.LBB2_85:
.Ltmp83:
0x7a6: {  	(pc) =	sbr.rel .LBB2_88-.Ltmp83, $3  }
0x7a7: {  	_ =	sdelay $0x1  }
0x7a8: {  	s5 =	smov.u32 s25;
	s9 =	smov.u32 s29;
	s30 =	smov.u32 s24  }
0x7a9: {  	s29 =	smov.u32 s31;
	s25 =	smov.u32 s31;
	s20 =	smov.u32 s0  }
.LBB2_94:
.Ltmp84:
0x7aa: {  	(pc) =	sbr.rel .LBB2_101-.Ltmp84, $4  }
0x7ab: {  	_ = 	snop  }
0x7ac: {  	s26 =	smov.u32 s17  }
0x7ad: {  	s30 =	smov.u32 s16;
	s31 =	smov.u32 s18;
	s23 =	smov.u32 s19  }
0x7ae: {  	s20 =	smov.u32 s6;
	s29 =	smov.u32 s15;
	s28 =	smov.u32 s9;
	v10 =	vmov v7  }
.LBB2_66:
.Ltmp85:
0x7af: {  	_ = 	snop;
	(pc) =	sbr.rel .LBB2_71-.Ltmp85, $4  }
0x7b0: {  	_ = 	snop  }
0x7b1: {  	s6 =	smov.u32 s31;
	s10 =	smov.u32 s23  }
0x7b2: {  	s8 =	smov.u32 s22;
	s31 =	smov.u32 s5;
	s20 =	smov.u32 s24  }
0x7b3: {  	s26 =	smov.u32 s18;
	s30 =	smov.u32 s21;
	s29 =	smov.u32 s19;
	v9 =	vmovc v14;
	v12 =	vmov v13;
	v7 =	vmov v15;
	v15 =	vmov v11  }
.LBB2_96:
.Ltmp86:
0x7b4: {  	_ = 	snop;
	(pc) =	sbr.rel .LBB2_101-.Ltmp86, $4  }
0x7b5: {  	_ = 	snop  }
0x7b6: {  	s31 =	smov.u32 s7  }
0x7b7: {  	s26 =	smov.u32 s19;
	s30 =	smov.u32 s18;
	s7 =	smov.u32 s5  }
0x7b8: {  	s25 =	smov.u32 s15;
	s29 =	smov.u32 s17;
	s28 =	smov.u32 s16;
	v8 =	vmovc v14;
	v10 =	vmov v12;
	v6 =	vmov v13;
	v13 =	vmov v11  }
.LBB2_68:
.Ltmp87:
0x7b9: {  	(pc) =	sbr.rel .LBB2_71-.Ltmp87, $4  }
0x7ba: {  	_ = 	snop  }
0x7bb: {  	s10 =	smov.u32 s28;
	s8 =	smov.u32 s31;
	s6 =	smov.u32 s5  }
0x7bc: {  	s31 =	smov.u32 s7;
	s25 =	smov.u32 s18;
	s26 =	smov.u32 s21  }
0x7bd: {  	s30 =	smov.u32 s23;
	s28 =	smov.u32 s24;
	s29 =	smov.u32 s22  }
.LBB2_98:
.Ltmp88:
0x7be: {  	(pc) =	sbr.rel .LBB2_101-.Ltmp88, $4  }
0x7bf: {  	s26 =	smov.u32 s23  }
0x7c0: {  	s30 =	smov.u32 s7;
	s31 =	smov.u32 s5;
	s7 =	smov.u32 s8  }
0x7c1: {  	s20 =	smov.u32 s10;
	s24 =	smov.u32 s15;
	s25 =	smov.u32 s17  }
0x7c2: {  	s29 =	smov.u32 s19;
	s23 =	smov.u32 s6;
	s28 =	smov.u32 s18  }
.LBB2_103:
0x7c3: {  	s8 =	simm.s32 $0x0;
	s0 =	rddreg [dreg:$0x6];
	s31 =	simm.s32 $0x1  }
0x7c4: {  	[hbm4b:s0+s8] =	stream.linear.scatter [tilespmem:s18], [sflag:$0x1], $0x6000, $0x38;
	[tilespmem:$0x14080] =	vst v63  }
0x7c5: {  	_ =	swait.ge [sflag:s31], $0x8000  }
.Ltmp89:
0x7c6: {  	[sflag:s31] =	ssyncset.done $0x0;
	(pc) =	sbr.rel .LBB2_105-.Ltmp89, $4  }
0x7c7: {  	[sflag:s31] =	ssyncadd.s32 $0xFFFF8000  }
0x7c8: {  	_ =	swait.ge [sflag:s31], $0x6000  }
0x7c9: {  	[sflag:s31] =	ssyncset.done $0x0  }
0x7ca: {  	s1 =	rddreg [dreg:$0x10];
	[sflag:s31] =	ssyncadd.s32 $0xFFFFA000  }
.LBB2_106:
0x7cb: {  	_ =	sfence.sel $0x180000  }
0x7cc: {  	[bflag:$0x0] =	sbarrier.arrive $0xFFFF  }
0x7cd: {  	_ =	strace $0x90000047  }
0x7ce: {  	s0 =	stileid.u32;
	[bflag:$0x2] =	sbarrier.arrive $0xFFFF  }
0x7cf: {  	p0 =	sne.s32 s0, $0x0;
	s0 =	rddreg [dreg:$0x2]  }
0x7d0: {  	s0 =	sadd.s32 @!p0 $0x100000, s0  }
0x7d1: {  	[sflag:s0] =	ssyncadd.tile.s32 @!p0 $0x1;
	_ =	shalt  }
.Lfunc_end2:
_tile_overlayer_lowered:
.L_overlay_start_2:
0x7d2: {  	(tag) =	ssettag $0x2  }
0x7d3: {  	s0 =	rddreg [dreg:$0x0];
	s2 =	stileid.u32  }
0x7d4: {  	s1 =	rddreg [dreg:$0x1];
	p0 =	sne.s32 s2, $0x0  }
0x7d5: {  	s3 =	rddreg [dreg:$0x2];
	[bflag:$0x3] =	sbarrier.arrive $0xFFFF;
	s2 =	simm.s32 @!p0 $0x1C02  }
0x7d6: {  	[timem:s3], [sflag:s2] =	dma.local @!p0 [hbm:s0], s1  }
0x7d7: {  	s0 =	simm.s32 @!p0 $0x2  }
0x7d8: {  	_ =	swait.ge @!p0 [sflag:s0], s1  }
0x7d9: {  	s1 =	ssub.s32 @!p0 $0x0, s1;
	[sflag:s0] =	ssyncset.done @!p0 $0x0  }
0x7da: {  	[sflag:s0] =	ssyncadd.s32 @!p0 s1  }
0x7db: {  	[bflag:$0x3] =	sbarrier.arrive $0xFFFF  }
0x7dc: {  	_ =	shalt  }

</sc_bundles>
